<compile_context>
chip_gen: v7x
topology: tpu7x:2x2x1
jax: 0.10.2.dev20260603
libtpu: 0.0.44.dev20260713+nightly
codegen_flags: <defaults>
</compile_context>

<pallas_src>
import dataclasses
import functools

import jax
import jax.numpy as jnp
from jax import lax
from jax.experimental import pallas as pl
from jax.experimental.pallas import tpu as pltpu
from jax.experimental.pallas import tpu_sc as plsc

FP = jnp.float32
CHUNK = 80
NC = 2
NS = 16
NW = NC * NS


def _sc_mesh():
    return plsc.VectorSubcoreMesh(core_axis_name="c", subcore_axis_name="s")


def _sc_params():
    cp = pltpu.CompilerParams()
    if "needs_layout_passes" in pltpu.CompilerParams.__dataclass_fields__:
        cp = dataclasses.replace(cp, needs_layout_passes=False)
    return cp


def _seg_accum_gather(x, src, dst, nch, zrow):
    n, d = x.shape

    @functools.partial(
        pl.kernel,
        out_type=(jax.ShapeDtypeStruct((NC, n, d), FP),
                  jax.ShapeDtypeStruct((NW, n), FP)),
        mesh=_sc_mesh(),
        scratch_types=[
            pltpu.VMEM((CHUNK,), jnp.int32),
            pltpu.VMEM((CHUNK,), jnp.int32),
            pltpu.VMEM((CHUNK,), jnp.int32),
            pltpu.VMEM((CHUNK,), jnp.int32),
            pltpu.VMEM((CHUNK, 128), FP),
            pltpu.VMEM((CHUNK, 128), FP),
            pltpu.VMEM((n,), FP),
            pltpu.VMEM_SHARED((n, 128), FP),
            pltpu.SemaphoreType.DMA,
            pltpu.SemaphoreType.DMA,
            pltpu.SemaphoreType.DMA,
            pltpu.SemaphoreType.DMA,
            pltpu.SemaphoreType.DMA,
            pltpu.SemaphoreType.DMA,
            pltpu.SemaphoreType.DMA,
            pltpu.SemaphoreType.DMA,
        ],
        compiler_params=_sc_params(),
    )
    def k(x_hbm, src_hbm, dst_hbm, zrow_hbm, out_hbm, deg_hbm,
          idx_sa, idx_sb, idx_da, idx_db, buf_a, buf_b, deg, acc,
          gs_a, gs_b, ss_a, ss_b, ixs_a, ixs_b, ixd_a, ixd_b):
        cid = lax.axis_index("c")
        sid = lax.axis_index("s")
        wid = cid * NS + sid
        nzero = n // CHUNK

        @pl.loop(0, nzero)
        def _(j):
            @pl.when(lax.rem(j, NS) == sid)
            def _():
                pltpu.sync_copy(zrow_hbm, acc.at[pl.ds(j * CHUNK, CHUNK)])

        @pl.loop(0, n // 16)
        def _(j):
            deg[pl.ds(j * 16, 16)] = jnp.zeros((16,), FP)

        plsc.subcore_barrier()
        ones16 = jnp.ones((16,), FP)
        base0 = wid * (nch * CHUNK)

        def eslc(j):
            return pl.ds(base0 + j * CHUNK, CHUNK)

        pltpu.sync_copy(src_hbm.at[eslc(0)], idx_sa)
        pltpu.sync_copy(dst_hbm.at[eslc(0)], idx_da)
        pltpu.sync_copy(src_hbm.at[eslc(1)], idx_sb)
        pltpu.sync_copy(dst_hbm.at[eslc(1)], idx_db)
        pltpu.async_copy(x_hbm.at[idx_sa], buf_a, gs_a)
        pltpu.async_copy(x_hbm.at[idx_sb], buf_b, gs_b)

        def chunk(j, idx_s, idx_d, buf, gsem, ssem, ixs, ixd, last):
            pltpu.make_async_copy(x_hbm.at[idx_s], buf, gsem).wait()

            @pl.when(j + 2 <= last)
            def _():
                pltpu.async_copy(src_hbm.at[eslc(j + 2)], idx_s, ixs)

            @pl.when(j >= 2)
            def _():
                pltpu.make_async_copy(dst_hbm.at[eslc(j)], idx_d, ixd).wait()

            pltpu.async_copy(buf, acc.at[idx_d], ssem, add=True)
            for kk in range(CHUNK // 16):
                plsc.addupdate_scatter(deg, [idx_d[pl.ds(kk * 16, 16)]],
                                       ones16)
            pltpu.make_async_copy(buf, acc.at[idx_d], ssem).wait()

            @pl.when(j + 2 <= last)
            def _():
                pltpu.async_copy(dst_hbm.at[eslc(j + 2)], idx_d, ixd)
                pltpu.make_async_copy(src_hbm.at[eslc(j + 2)], idx_s,
                                      ixs).wait()
                pltpu.async_copy(x_hbm.at[idx_s], buf, gsem)

        @pl.loop(0, nch // 2)
        def _(jj):
            chunk(2 * jj, idx_sa, idx_da, buf_a, gs_a, ss_a, ixs_a, ixd_a,
                  nch - 1)
            chunk(2 * jj + 1, idx_sb, idx_db, buf_b, gs_b, ss_b, ixs_b,
                  ixd_b, nch - 1)

        if nch % 2 == 1:
            chunk(nch - 1, idx_sa, idx_da, buf_a, gs_a, ss_a, ixs_a, ixd_a,
                  nch - 1)

        plsc.subcore_barrier()

        @pl.loop(0, nzero)
        def _(j):
            @pl.when(lax.rem(j, NS) == sid)
            def _():
                pltpu.sync_copy(acc.at[pl.ds(j * CHUNK, CHUNK)],
                                out_hbm.at[cid, pl.ds(j * CHUNK, CHUNK)])

        pltpu.sync_copy(deg, deg_hbm.at[wid])

    return k(x, src, dst, zrow)


def _att_gather(g, src, dst, nch):
    e = src.shape[0]
    d = g.shape[1]
    per_tile = e // NW

    @functools.partial(
        pl.kernel,
        out_type=(jax.ShapeDtypeStruct((e, d), FP),
                  jax.ShapeDtypeStruct((e, d), FP)),
        mesh=_sc_mesh(),
        scratch_types=(
            [pltpu.VMEM((per_tile,), jnp.int32)] * 2
            + [pltpu.VMEM((CHUNK, 128), FP)] * 8
            + [pltpu.SemaphoreType.DMA] * 16
        ),
    )
    def k(g_hbm, src_hbm, dst_hbm, hs_hbm, hd_hbm, idx_s2, idx_d2, *rest):
        bufs_s = rest[0:4]
        bufs_d = rest[4:8]
        gs = rest[8:12]
        gd = rest[12:16]
        ws = rest[16:20]
        wd = rest[20:24]
        cid = lax.axis_index("c")
        sid = lax.axis_index("s")
        wid = cid * NS + sid
        base0 = wid * per_tile
        pltpu.sync_copy(src_hbm.at[pl.ds(base0, per_tile)], idx_s2)
        pltpu.sync_copy(dst_hbm.at[pl.ds(base0, per_tile)], idx_d2)

        def islc(j):
            return pl.ds(j * CHUNK, CHUNK)

        depth = 4
        for q in range(depth):
            pltpu.async_copy(g_hbm.at[idx_s2.at[islc(q)]], bufs_s[q], gs[q])
            pltpu.async_copy(g_hbm.at[idx_d2.at[islc(q)]], bufs_d[q], gd[q])

        def chunk(j, q, last):
            b = base0 + j * CHUNK
            pltpu.make_async_copy(g_hbm.at[idx_s2.at[islc(j)]], bufs_s[q],
                                  gs[q]).wait()
            pltpu.make_async_copy(g_hbm.at[idx_d2.at[islc(j)]], bufs_d[q],
                                  gd[q]).wait()
            pltpu.async_copy(bufs_s[q], hs_hbm.at[pl.ds(b, CHUNK)], ws[q])
            pltpu.async_copy(bufs_d[q], hd_hbm.at[pl.ds(b, CHUNK)], wd[q])
            pltpu.make_async_copy(bufs_s[q], hs_hbm.at[pl.ds(b, CHUNK)],
                                  ws[q]).wait()
            pltpu.make_async_copy(bufs_d[q], hd_hbm.at[pl.ds(b, CHUNK)],
                                  wd[q]).wait()

            @pl.when(j + depth <= last)
            def _():
                pltpu.async_copy(g_hbm.at[idx_s2.at[islc(j + depth)]],
                                 bufs_s[q], gs[q])
                pltpu.async_copy(g_hbm.at[idx_d2.at[islc(j + depth)]],
                                 bufs_d[q], gd[q])

        @pl.loop(0, nch // depth)
        def _(jj):
            for q in range(depth):
                chunk(depth * jj + q, q, nch - 1)

        for t in range(nch % depth):
            chunk(depth * (nch // depth) + t, t, nch - 1)

    return k(g, src, dst)


def _att_scatter(w, pvec, dst, nch, zrow, n):
    e, d = w.shape
    per_tile = e // NW

    @functools.partial(
        pl.kernel,
        out_type=(jax.ShapeDtypeStruct((NC, n, d), FP),
                  jax.ShapeDtypeStruct((NW, n), FP)),
        mesh=_sc_mesh(),
        scratch_types=[
            pltpu.VMEM((CHUNK,), jnp.int32),
            pltpu.VMEM((CHUNK,), jnp.int32),
            pltpu.VMEM((CHUNK,), FP),
            pltpu.VMEM((CHUNK,), FP),
            pltpu.VMEM((CHUNK, 128), FP),
            pltpu.VMEM((CHUNK, 128), FP),
            pltpu.VMEM((n,), FP),
            pltpu.VMEM_SHARED((n, 128), FP),
            pltpu.SemaphoreType.DMA,
            pltpu.SemaphoreType.DMA,
            pltpu.SemaphoreType.DMA,
            pltpu.SemaphoreType.DMA,
            pltpu.SemaphoreType.DMA,
            pltpu.SemaphoreType.DMA,
            pltpu.SemaphoreType.DMA,
            pltpu.SemaphoreType.DMA,
        ],
        compiler_params=_sc_params(),
    )
    def k(w_hbm, p_hbm, dst_hbm, zrow_hbm, out_hbm, den_hbm,
          idx_da, idx_db, p_a, p_b, buf_a, buf_b, den, acc,
          gs_a, gs_b, ss_a, ss_b, ixd_a, ixd_b, ixp_a, ixp_b):
        cid = lax.axis_index("c")
        sid = lax.axis_index("s")
        wid = cid * NS + sid
        nzero = n // CHUNK

        @pl.loop(0, nzero)
        def _(j):
            @pl.when(lax.rem(j, NS) == sid)
            def _():
                pltpu.sync_copy(zrow_hbm, acc.at[pl.ds(j * CHUNK, CHUNK)])

        @pl.loop(0, n // 16)
        def _(j):
            den[pl.ds(j * 16, 16)] = jnp.zeros((16,), FP)

        plsc.subcore_barrier()
        base0 = wid * per_tile

        def eslc(j):
            return pl.ds(base0 + j * CHUNK, CHUNK)

        pltpu.sync_copy(dst_hbm.at[eslc(0)], idx_da)
        pltpu.sync_copy(p_hbm.at[eslc(0)], p_a)
        pltpu.sync_copy(dst_hbm.at[eslc(1)], idx_db)
        pltpu.sync_copy(p_hbm.at[eslc(1)], p_b)
        pltpu.async_copy(w_hbm.at[pl.ds(base0, CHUNK)], buf_a, gs_a)
        pltpu.async_copy(w_hbm.at[pl.ds(base0 + CHUNK, CHUNK)], buf_b, gs_b)

        def chunk(j, idx_d, p_v, buf, gsem, ssem, ixd, ixp, last):
            pltpu.make_async_copy(
                w_hbm.at[pl.ds(base0 + j * CHUNK, CHUNK)], buf, gsem).wait()

            @pl.when(j >= 2)
            def _():
                pltpu.make_async_copy(dst_hbm.at[eslc(j)], idx_d, ixd).wait()
                pltpu.make_async_copy(p_hbm.at[eslc(j)], p_v, ixp).wait()

            pltpu.async_copy(buf, acc.at[idx_d], ssem, add=True)
            for kk in range(CHUNK // 16):
                plsc.addupdate_scatter(den, [idx_d[pl.ds(kk * 16, 16)]],
                                       p_v[pl.ds(kk * 16, 16)])
            pltpu.make_async_copy(buf, acc.at[idx_d], ssem).wait()

            @pl.when(j + 2 <= last)
            def _():
                pltpu.async_copy(dst_hbm.at[eslc(j + 2)], idx_d, ixd)
                pltpu.async_copy(p_hbm.at[eslc(j + 2)], p_v, ixp)
                pltpu.async_copy(
                    w_hbm.at[pl.ds(base0 + (j + 2) * CHUNK, CHUNK)],
                    buf, gsem)

        @pl.loop(0, nch // 2)
        def _(jj):
            chunk(2 * jj, idx_da, p_a, buf_a, gs_a, ss_a, ixd_a, ixp_a,
                  nch - 1)
            chunk(2 * jj + 1, idx_db, p_b, buf_b, gs_b, ss_b, ixd_b, ixp_b,
                  nch - 1)

        if nch % 2 == 1:
            chunk(nch - 1, idx_da, p_a, buf_a, gs_a, ss_a, ixd_a, ixp_a,
                  nch - 1)

        plsc.subcore_barrier()

        @pl.loop(0, nzero)
        def _(j):
            @pl.when(lax.rem(j, NS) == sid)
            def _():
                pltpu.sync_copy(acc.at[pl.ds(j * CHUNK, CHUNK)],
                                out_hbm.at[cid, pl.ds(j * CHUNK, CHUNK)])

        pltpu.sync_copy(den, den_hbm.at[wid])

    return k(w, pvec, dst, zrow)


def _dense1(x, agg0, agg1, degs, w1l, w1r, b1):
    n, d = x.shape
    h = w1l.shape[1]
    rb = 2000
    nb = n // rb

    def body(x_ref, a0_ref, a1_ref, dg_ref, wl_ref, wr_ref, b1_ref,
             h1_ref, st_ref, acc):
        i = pl.program_id(0)
        deg = jnp.maximum(dg_ref[...], 1.0)
        agg = (a0_ref[...] + a1_ref[...]) / deg
        h1 = (jnp.dot(x_ref[...], wl_ref[...], preferred_element_type=FP)
              + jnp.dot(agg, wr_ref[...], preferred_element_type=FP)
              + b1_ref[...])
        h1_ref[...] = h1

        @pl.when(i == 0)
        def _():
            acc[...] = jnp.zeros_like(acc)

        acc[0:1, :] += jnp.sum(h1, axis=0, keepdims=True)
        acc[1:2, :] += jnp.sum(h1 * h1, axis=0, keepdims=True)

        @pl.when(i == nb - 1)
        def _():
            st_ref[...] = acc[...]

    return pl.pallas_call(
        body,
        grid=(nb,),
        in_specs=[
            pl.BlockSpec((rb, d), lambda i: (i, 0)),
            pl.BlockSpec((rb, h), lambda i: (i, 0)),
            pl.BlockSpec((rb, h), lambda i: (i, 0)),
            pl.BlockSpec((rb, 1), lambda i: (i, 0)),
            pl.BlockSpec((d, h), lambda i: (0, 0)),
            pl.BlockSpec((d, h), lambda i: (0, 0)),
            pl.BlockSpec((1, h), lambda i: (0, 0)),
        ],
        out_specs=[
            pl.BlockSpec((rb, h), lambda i: (i, 0)),
            pl.BlockSpec((2, h), lambda i: (0, 0)),
        ],
        out_shape=[
            jax.ShapeDtypeStruct((n, h), FP),
            jax.ShapeDtypeStruct((2, h), FP),
        ],
        scratch_shapes=[pltpu.VMEM((2, h), FP)],
    )(x, agg0, agg1, degs, w1l, w1r, b1)


def _dense2(h1, stats, gamma, beta, alpha, w3, a_l, a_r, n):
    h = h1.shape[1]
    rb = 2000
    nb = n // rb

    def body(h1_ref, st_ref, gm_ref, bt_ref, al_ref, w3_ref, vl_ref, vr_ref,
             g_ref, m_ref, mx):
        i = pl.program_id(0)
        mean = st_ref[0:1, :] / n
        msq = st_ref[1:2, :] / n
        alpha_v = al_ref[...]
        var = msq - (2.0 * alpha_v - alpha_v * alpha_v) * mean * mean
        xc = h1_ref[...] - alpha_v * mean
        x1 = jax.nn.relu(gm_ref[...] * xc / jnp.sqrt(var + 1e-5) + bt_ref[...])
        hh = jnp.dot(x1, w3_ref[...], preferred_element_type=FP)
        al_s = jnp.sum(hh * vl_ref[...], axis=1, keepdims=True)
        ar_s = jnp.sum(hh * vr_ref[...], axis=1, keepdims=True)
        g_ref[...] = hh

        @pl.when(i == 0)
        def _():
            mx[0] = -jnp.inf
            mx[1] = -jnp.inf

        mx[0] = jnp.maximum(mx[0], jnp.max(al_s))
        mx[1] = jnp.maximum(mx[1], jnp.max(ar_s))

        @pl.when(i == nb - 1)
        def _():
            m_ref[...] = jnp.full((8, 128), jnp.maximum(mx[0] + mx[1], 0.0),
                                  FP)

    return pl.pallas_call(
        body,
        grid=(nb,),
        in_specs=[
            pl.BlockSpec((rb, h), lambda i: (i, 0)),
            pl.BlockSpec((2, h), lambda i: (0, 0)),
            pl.BlockSpec((1, h), lambda i: (0, 0)),
            pl.BlockSpec((1, h), lambda i: (0, 0)),
            pl.BlockSpec((1, h), lambda i: (0, 0)),
            pl.BlockSpec((h, h), lambda i: (0, 0)),
            pl.BlockSpec((1, h), lambda i: (0, 0)),
            pl.BlockSpec((1, h), lambda i: (0, 0)),
        ],
        out_specs=[
            pl.BlockSpec((rb, h), lambda i: (i, 0)),
            pl.BlockSpec((8, 128), lambda i: (0, 0)),
        ],
        out_shape=[
            jax.ShapeDtypeStruct((n, h), FP),
            jax.ShapeDtypeStruct((8, 128), FP),
        ],
        scratch_shapes=[pltpu.SMEM((2,), FP)],
    )(h1, stats, gamma, beta, alpha, w3, a_l, a_r)


def _edge_dense(hs, hd, a_l, a_r, mfull):
    e, d = hs.shape
    rb = 3200
    nb = e // rb

    def body(hs_ref, hd_ref, vl_ref, vr_ref, m_ref, w_ref, p_ref, ls_ref,
             acc):
        i = pl.program_id(0)
        mv = m_ref[0, 0]
        hs_v = hs_ref[...]
        hd_v = hd_ref[...]
        prod = hs_v * hd_v
        dot_c = jnp.sum(prod, axis=1, keepdims=True)
        z_c = (jnp.sum(hs_v * vl_ref[...], axis=1, keepdims=True)
               + jnp.sum(hd_v * vr_ref[...], axis=1, keepdims=True))
        e_c = jnp.where(z_c >= 0, z_c, 0.2 * z_c) * jax.nn.sigmoid(dot_c)
        p_c = jnp.exp(e_c - mv)
        w_ref[...] = p_c * hs_v
        ones_feat = jnp.ones((1, d), FP)
        dot_r = lax.dot_general(ones_feat, prod, (((1,), (1,)), ((), ())),
                                preferred_element_type=FP)
        z_r = (lax.dot_general(vl_ref[...], hs_v, (((1,), (1,)), ((), ())),
                               preferred_element_type=FP)
               + lax.dot_general(vr_ref[...], hd_v, (((1,), (1,)), ((), ())),
                                 preferred_element_type=FP))
        e_r = jnp.where(z_r >= 0, z_r, 0.2 * z_r) * jax.nn.sigmoid(dot_r)
        p_ref[...] = jnp.exp(e_r - mv).reshape(1, 1, rb)
        sp = jnp.sum(jnp.maximum(-dot_c, 0.0)
                     + jnp.log1p(jnp.exp(-jnp.abs(dot_c))))

        @pl.when(i == 0)
        def _():
            acc[0] = 0.0

        acc[0] += sp

        @pl.when(i == nb - 1)
        def _():
            ls_ref[...] = jnp.full((8, 128), acc[0], FP)

    return pl.pallas_call(
        body,
        grid=(nb,),
        in_specs=[
            pl.BlockSpec((rb, d), lambda i: (i, 0)),
            pl.BlockSpec((rb, d), lambda i: (i, 0)),
            pl.BlockSpec((1, d), lambda i: (0, 0)),
            pl.BlockSpec((1, d), lambda i: (0, 0)),
            pl.BlockSpec((8, 128), lambda i: (0, 0)),
        ],
        out_specs=[
            pl.BlockSpec((rb, d), lambda i: (i, 0)),
            pl.BlockSpec((1, 1, rb), lambda i: (i, 0, 0)),
            pl.BlockSpec((8, 128), lambda i: (0, 0)),
        ],
        out_shape=[
            jax.ShapeDtypeStruct((e, d), FP),
            jax.ShapeDtypeStruct((nb, 1, rb), FP),
            jax.ShapeDtypeStruct((8, 128), FP),
        ],
        scratch_shapes=[pltpu.SMEM((1,), FP)],
    )(hs, hd, a_l, a_r, mfull)


def _finalize(acc0, acc1, acc2, acc3, dens, b3):
    n = acc0.shape[0]
    rb = 2000
    nb = n // rb

    def body(a0_ref, a1_ref, a2_ref, a3_ref, dn_ref, b3_ref, out_ref):
        i = pl.program_id(0)

        @pl.when(i < nb)
        def _():
            a = (a0_ref[...] + a1_ref[...]) + (a2_ref[...] + a3_ref[...])
            out_ref[...] = a / (dn_ref[...] + 1e-16) + b3_ref[...]

        @pl.when(i >= nb)
        def _():
            out_ref[...] = jnp.broadcast_to(b3_ref[...], (rb, 128))

    clamp = lambda i: (jnp.minimum(i, nb - 1), 0)
    return pl.pallas_call(
        body,
        grid=(2 * nb,),
        in_specs=[
            pl.BlockSpec((rb, 128), clamp),
            pl.BlockSpec((rb, 128), clamp),
            pl.BlockSpec((rb, 128), clamp),
            pl.BlockSpec((rb, 128), clamp),
            pl.BlockSpec((rb, 1), clamp),
            pl.BlockSpec((1, 128), lambda i: (0, 0)),
        ],
        out_specs=pl.BlockSpec((rb, 128), lambda i: (i, 0)),
        out_shape=jax.ShapeDtypeStruct((2 * n, 128), FP),
    )(acc0, acc1, acc2, acc3, dens, b3)


def kernel(x, edge_index, W1l, W1r, b1, gamma, beta, alpha_gn,
           W2l, W2r, b2, W3, a_l, a_r, b3):
    n, d = x.shape
    e = edge_index.shape[1]
    nch = e // (NW * CHUNK)
    src = edge_index[0]
    dst = edge_index[1]
    zrow = jnp.zeros((CHUNK, d), FP)

    aggs, degs = _seg_accum_gather(x, src, dst, nch, zrow)
    deg_col = jnp.sum(degs, axis=0).reshape(n, 1)
    h1, stats = _dense1(x, aggs[0], aggs[1], deg_col, W1l, W1r,
                        b1.reshape(1, -1))
    g, mfull = _dense2(h1, stats, gamma.reshape(1, -1), beta.reshape(1, -1),
                       alpha_gn.reshape(1, -1), W3, a_l.reshape(1, -1),
                       a_r.reshape(1, -1), n)
    es = 166400
    al_row = a_l.reshape(1, -1)
    ar_row = a_r.reshape(1, -1)
    src1, dst1, src2, dst2 = src[:es], dst[:es], src[es:], dst[es:]
    nch1 = es // (NW * CHUNK)
    nch2 = (e - es) // (NW * CHUNK)

    hs1, hd1 = _att_gather(g, src1, dst1, nch1)
    w1, p1, ls1 = _edge_dense(hs1, hd1, al_row, ar_row, mfull)
    hs2, hd2 = _att_gather(g, src2, dst2, nch2)
    w2, p2, ls2 = _edge_dense(hs2, hd2, al_row, ar_row, mfull)
    acc_a, dens_a = _att_scatter(w1, p1.reshape(-1), dst1, nch1, zrow, n)
    acc_b, dens_b = _att_scatter(w2, p2.reshape(-1), dst2, nch2, zrow, n)
    den_col = (jnp.sum(dens_a, axis=0)
               + jnp.sum(dens_b, axis=0)).reshape(n, 1)
    out = _finalize(acc_a[0], acc_a[1], acc_b[0], acc_b[1], den_col,
                    b3.reshape(1, -1))
    ss_loss = (ls1[0, 0] + ls2[0, 0]) / jnp.float32(e)
    return out, ss_loss

# --- scband reference (transcript-rebuilt; emitter-appended) ---
"""Pipeline reference for scband-context-aware-deep-graph-encoder-20976620273701 (READ-ONLY COPY).

The authoritative reference and input builder live on the scoring server;
editing this copy changes nothing except your own understanding.
"""

import jax, jax.numpy as jnp
import numpy as np

N = 10000
E = 320000
D = 128
H = 128
O = 128


def setup_inputs(seed: int = 0):
    key = jax.random.key(seed)
    ks = jax.random.split(key, 16)
    s = 1.0 / np.sqrt(D)
    inp = {
        'x': jax.random.normal(ks[0], (N, D), dtype=jnp.float32),
        'edge_index': jax.random.randint(ks[1], (2, E), 0, N, dtype=jnp.int32),
        'W1l': jax.random.normal(ks[2], (D, H), dtype=jnp.float32) * s,
        'W1r': jax.random.normal(ks[3], (D, H), dtype=jnp.float32) * s,
        'b1': jnp.zeros((H,), dtype=jnp.float32),
        'gamma': jnp.ones((H,), dtype=jnp.float32),
        'beta': jnp.zeros((H,), dtype=jnp.float32),
        'alpha_gn': jnp.ones((H,), dtype=jnp.float32),
        'W2l': jax.random.normal(ks[4], (D, H), dtype=jnp.float32) * s,
        'W2r': jax.random.normal(ks[5], (D, H), dtype=jnp.float32) * s,
        'b2': jnp.zeros((H,), dtype=jnp.float32),
        'W3': jax.random.normal(ks[6], (H, O), dtype=jnp.float32) * (1.0 / np.sqrt(H)),
        'a_l': jax.random.normal(ks[7], (O,), dtype=jnp.float32) * (1.0 / np.sqrt(O)),
        'a_r': jax.random.normal(ks[8], (O,), dtype=jnp.float32) * (1.0 / np.sqrt(O)),
        'b3': jnp.zeros((O,), dtype=jnp.float32),
    }
    return inp


def _graphnorm(x, gamma, beta, alpha):
    mean = jnp.mean(x, axis=0, keepdims=True)
    xc = x - alpha * mean
    var = jnp.mean(xc * xc, axis=0, keepdims=True)
    return gamma * xc / jnp.sqrt(var + 1e-5) + beta


def _segment_softmax(logits, seg, num):
    m = jax.ops.segment_max(logits, seg, num_segments=num)
    m = jnp.where(jnp.isfinite(m), m, 0.0)
    e = jnp.exp(logits - m[seg])
    denom = jax.ops.segment_sum(e, seg, num_segments=num)
    return e / (denom[seg] + 1e-16)


def reference(x, edge_index, W1l, W1r, b1, gamma, beta, alpha_gn, W2l, W2r, b2, W3, a_l, a_r, b3):
    src = edge_index[0]
    dst = edge_index[1]
    # conv1: SAGE-style mean aggregation (LocalContextProcessor)
    msg = x[src]
    agg = jax.ops.segment_sum(msg, dst, num_segments=N)
    deg = jax.ops.segment_sum(jnp.ones((E,), dtype=jnp.float32), dst, num_segments=N)
    agg = agg / jnp.clip(deg, 1.0, None)[:, None]
    h1 = x @ W1l + agg @ W1r + b1
    x1 = jax.nn.relu(_graphnorm(h1, gamma, beta, alpha_gn))
    # conv2: GraphConv-style sum aggregation (MolecularContextProcessor)
    agg2 = jax.ops.segment_sum(x[src], dst, num_segments=N)
    h2 = x @ W2l + agg2 @ W2r + b2
    x2 = jax.nn.relu(_graphnorm(h2, gamma, beta, alpha_gn))
    # concat along node dim (as in the torch module)
    xc = jnp.concatenate([x1, x2], axis=0)  # [2N, H]
    # conv3: SuperGAT (MX attention) with self-supervised attention loss
    h = xc @ W3  # [2N, O]
    hs = h[src]
    hd = h[dst]
    dotlog = jnp.sum(hs * hd, axis=-1)
    e = jax.nn.leaky_relu(hs @ a_l + hd @ a_r, negative_slope=0.2) * jax.nn.sigmoid(dotlog)
    att = _segment_softmax(e, dst, 2 * N)
    out = jax.ops.segment_sum(att[:, None] * hs, dst, num_segments=2 * N) + b3
    ss_loss = -jnp.mean(jax.nn.log_sigmoid(dotlog))
    return out, ss_loss

if __name__ == "__main__":
    import jax
    _d = setup_inputs()
    print(jax.jit(kernel)(*tuple(_d.values())))

</pallas_src>

<mosaic_0001>
#map = affine_map<(d0, d1) -> (0, 0)>
#map1 = affine_map<(d0, d1) -> (0)>
#map2 = affine_map<(d0, d1) -> (0, 0, 0)>
module attributes {stable_mosaic.version = 14 : i64} {
  func.func @k(%arg0: i32, %arg1: i32, %arg2: memref<153600x128xf32, #tpu.memory_space<hbm>>, %arg3: memref<153600xf32, #tpu.memory_space<hbm>>, %arg4: memref<153600xi32, #tpu.memory_space<hbm>>, %arg5: memref<80x128xf32, #tpu.memory_space<hbm>>, %arg6: memref<2x10000x128xf32, #tpu.memory_space<hbm>>, %arg7: memref<32x10000xf32, #tpu.memory_space<hbm>>, %arg8: memref<80xi32, #tpu.memory_space<vmem>>, %arg9: memref<80xi32, #tpu.memory_space<vmem>>, %arg10: memref<80xf32, #tpu.memory_space<vmem>>, %arg11: memref<80xf32, #tpu.memory_space<vmem>>, %arg12: memref<80x128xf32, #tpu.memory_space<vmem>>, %arg13: memref<80x128xf32, #tpu.memory_space<vmem>>, %arg14: memref<10000xf32, #tpu.memory_space<vmem>>, %arg15: memref<10000x128xf32, #tpu.memory_space<vmem_shared>>, %arg16: memref<!tpu.dma_semaphore, #tpu.memory_space<semaphore_mem>>, %arg17: memref<!tpu.dma_semaphore, #tpu.memory_space<semaphore_mem>>, %arg18: memref<!tpu.dma_semaphore, #tpu.memory_space<semaphore_mem>>, %arg19: memref<!tpu.dma_semaphore, #tpu.memory_space<semaphore_mem>>, %arg20: memref<!tpu.dma_semaphore, #tpu.memory_space<semaphore_mem>>, %arg21: memref<!tpu.dma_semaphore, #tpu.memory_space<semaphore_mem>>, %arg22: memref<!tpu.dma_semaphore, #tpu.memory_space<semaphore_mem>>, %arg23: memref<!tpu.dma_semaphore, #tpu.memory_space<semaphore_mem>>) attributes {dimension_semantics = [#tpu.dimension_semantics<core_parallel>, #tpu.dimension_semantics<subcore_parallel>], iteration_bounds = array<i64: 2, 16>, scalar_prefetch = 0 : i64, scratch_operands = 16 : i64, tpu.core_type = #tpu.core_type<sc_vector_subcore>, window_params = [{transform_indices = #map}, {transform_indices = #map1}, {transform_indices = #map1}, {transform_indices = #map}, {transform_indices = #map2}, {transform_indices = #map}]} {
    %mul3A = arith.constant 16 : i32
    %mul3A_0 = arith.muli %arg0, %mul3A : i32
    %add3A = arith.addi %mul3A_0, %arg1 : i32
    %scan3A = arith.constant 0 : i32
    %scan3A_1 = arith.constant 125 : i32
    %scan3A_2 = arith.addi %scan3A, %scan3A_1 : i32
    %scan3A_3 = arith.constant 1 : i32
    scf.for %scan3A_40 = %scan3A to %scan3A_2 step %scan3A_3  : i32 {
      %mul3A_41 = arith.constant 1 : i32
      %mul3A_42 = arith.muli %scan3A_40, %mul3A_41 : i32
      %add3A_43 = arith.constant 0 : i32
      %add3A_44 = arith.addi %add3A_43, %mul3A_42 : i32
      %rem3A = arith.constant 16 : i32
      %rem3A_45 = arith.remsi %add3A_44, %rem3A : i32
      %eq3A = arith.cmpi eq, %rem3A_45, %arg1 : i32
      %convert_element_type3A = arith.extui %eq3A : i1 to i32
      %cond3A = arith.constant 0 : i32
      %cond3A_46 = arith.cmpi ne, %convert_element_type3A, %cond3A : i32
      scf.if %cond3A_46 {
        %mul3A_47 = arith.constant 80 : i32
        %mul3A_48 = arith.muli %add3A_44, %mul3A_47 : i32
        "tpu.region"() ({
          %run_scoped3A = tpu.sem_alloc : memref<!tpu.dma_semaphore, #tpu.memory_space<semaphore_mem>>
          %dma_start3A_49 = arith.constant 0 : i32
          %dma_start3A_50 = tpu.memref_slice %arg15[%mul3A_48, %dma_start3A_49] : memref<10000x128xf32, #tpu.memory_space<vmem_shared>> -> memref<80x128xf32, #tpu.memory_space<vmem_shared>>
          tpu.enqueue_dma source(%arg5 : memref<80x128xf32, #tpu.memory_space<hbm>>) target(%dma_start3A_50 : memref<80x128xf32, #tpu.memory_space<vmem_shared>>) target_semaphore(%run_scoped3A : memref<!tpu.dma_semaphore, #tpu.memory_space<semaphore_mem>>)
          %dma_wait3A = arith.constant 0 : i32
          %dma_wait3A_51 = tpu.memref_slice %arg15[%mul3A_48, %dma_wait3A] : memref<10000x128xf32, #tpu.memory_space<vmem_shared>> -> memref<80x128xf32, #tpu.memory_space<vmem_shared>>
          tpu.wait_dma2 semaphore(%run_scoped3A : memref<!tpu.dma_semaphore, #tpu.memory_space<semaphore_mem>>) src(%arg5 : memref<80x128xf32, #tpu.memory_space<hbm>>) dst(%dma_wait3A_51 : memref<80x128xf32, #tpu.memory_space<vmem_shared>>)
          tpu.yield
        }) : () -> ()
      } else {
      }
    }
    %scan3A_4 = arith.constant 125 : i32
    %scan3A_5 = arith.constant 0 : i32
    %scan3A_6 = arith.constant 625 : i32
    %scan3A_7 = arith.addi %scan3A_5, %scan3A_6 : i32
    %scan3A_8 = arith.constant 1 : i32
    scf.for %scan3A_40 = %scan3A_5 to %scan3A_7 step %scan3A_8  : i32 {
      %mul3A_41 = arith.constant 1 : i32
      %mul3A_42 = arith.muli %scan3A_40, %mul3A_41 : i32
      %add3A_43 = arith.constant 0 : i32
      %add3A_44 = arith.addi %add3A_43, %mul3A_42 : i32
      %broadcast_in_dim3A = arith.constant 0.000000e+00 : f32
      %broadcast_in_dim3A_45 = vector.broadcast %broadcast_in_dim3A : f32 to vector<16xf32>
      %mul3A_46 = arith.constant 16 : i32
      %mul3A_47 = arith.muli %add3A_44, %mul3A_46 : i32
      %swap3A = arith.index_cast %mul3A_47 : i32 to index
      %swap3A_48 = tpu.vector_load %arg14[%swap3A] {strides = array<i32>} : memref<10000xf32, #tpu.memory_space<vmem>>, vector<16xf32>,
      tpu.vector_store %arg14[%swap3A], %broadcast_in_dim3A_45 {strides = array<i32>} : memref<10000xf32, #tpu.memory_space<vmem>>, vector<16xf32>,
    }
    %scan3A_9 = arith.constant 625 : i32
    %barrier3A = arith.constant 0 : index
    tpu.barrier barrier_id(%barrier3A)
    %mul3A_10 = arith.constant 4800 : i32
    %mul3A_11 = arith.muli %add3A, %mul3A_10 : i32
    %add3A_12 = arith.constant 0 : i32
    %add3A_13 = arith.addi %mul3A_11, %add3A_12 : i32
    "tpu.region"() ({
      %run_scoped3A = tpu.sem_alloc : memref<!tpu.dma_semaphore, #tpu.memory_space<semaphore_mem>>
      %dma_start3A_40 = tpu.memref_slice %arg4[%add3A_13] : memref<153600xi32, #tpu.memory_space<hbm>> -> memref<80xi32, #tpu.memory_space<hbm>>
      %dma_start3A_41 = tpu.memref_slice %arg4[%add3A_13] : memref<153600xi32, #tpu.memory_space<hbm>> -> memref<80xi32, #tpu.memory_space<hbm>>
      tpu.enqueue_dma source(%dma_start3A_41 : memref<80xi32, #tpu.memory_space<hbm>>) target(%arg8 : memref<80xi32, #tpu.memory_space<vmem>>) target_semaphore(%run_scoped3A : memref<!tpu.dma_semaphore, #tpu.memory_space<semaphore_mem>>)
      %dma_wait3A = tpu.memref_slice %arg4[%add3A_13] : memref<153600xi32, #tpu.memory_space<hbm>> -> memref<80xi32, #tpu.memory_space<hbm>>
      %dma_wait3A_42 = tpu.memref_slice %arg4[%add3A_13] : memref<153600xi32, #tpu.memory_space<hbm>> -> memref<80xi32, #tpu.memory_space<hbm>>
      tpu.wait_dma2 semaphore(%run_scoped3A : memref<!tpu.dma_semaphore, #tpu.memory_space<semaphore_mem>>) src(%dma_wait3A_42 : memref<80xi32, #tpu.memory_space<hbm>>) dst(%arg8 : memref<80xi32, #tpu.memory_space<vmem>>)
      tpu.yield
    }) : () -> ()
    %add3A_14 = arith.constant 0 : i32
    %add3A_15 = arith.addi %mul3A_11, %add3A_14 : i32
    "tpu.region"() ({
      %run_scoped3A = tpu.sem_alloc : memref<!tpu.dma_semaphore, #tpu.memory_space<semaphore_mem>>
      %dma_start3A_40 = tpu.memref_slice %arg3[%add3A_15] : memref<153600xf32, #tpu.memory_space<hbm>> -> memref<80xf32, #tpu.memory_space<hbm>>
      %dma_start3A_41 = tpu.memref_slice %arg3[%add3A_15] : memref<153600xf32, #tpu.memory_space<hbm>> -> memref<80xf32, #tpu.memory_space<hbm>>
      tpu.enqueue_dma source(%dma_start3A_41 : memref<80xf32, #tpu.memory_space<hbm>>) target(%arg10 : memref<80xf32, #tpu.memory_space<vmem>>) target_semaphore(%run_scoped3A : memref<!tpu.dma_semaphore, #tpu.memory_space<semaphore_mem>>)
      %dma_wait3A = tpu.memref_slice %arg3[%add3A_15] : memref<153600xf32, #tpu.memory_space<hbm>> -> memref<80xf32, #tpu.memory_space<hbm>>
      %dma_wait3A_42 = tpu.memref_slice %arg3[%add3A_15] : memref<153600xf32, #tpu.memory_space<hbm>> -> memref<80xf32, #tpu.memory_space<hbm>>
      tpu.wait_dma2 semaphore(%run_scoped3A : memref<!tpu.dma_semaphore, #tpu.memory_space<semaphore_mem>>) src(%dma_wait3A_42 : memref<80xf32, #tpu.memory_space<hbm>>) dst(%arg10 : memref<80xf32, #tpu.memory_space<vmem>>)
      tpu.yield
    }) : () -> ()
    %add3A_16 = arith.constant 80 : i32
    %add3A_17 = arith.addi %mul3A_11, %add3A_16 : i32
    "tpu.region"() ({
      %run_scoped3A = tpu.sem_alloc : memref<!tpu.dma_semaphore, #tpu.memory_space<semaphore_mem>>
      %dma_start3A_40 = tpu.memref_slice %arg4[%add3A_17] : memref<153600xi32, #tpu.memory_space<hbm>> -> memref<80xi32, #tpu.memory_space<hbm>>
      %dma_start3A_41 = tpu.memref_slice %arg4[%add3A_17] : memref<153600xi32, #tpu.memory_space<hbm>> -> memref<80xi32, #tpu.memory_space<hbm>>
      tpu.enqueue_dma source(%dma_start3A_41 : memref<80xi32, #tpu.memory_space<hbm>>) target(%arg9 : memref<80xi32, #tpu.memory_space<vmem>>) target_semaphore(%run_scoped3A : memref<!tpu.dma_semaphore, #tpu.memory_space<semaphore_mem>>)
      %dma_wait3A = tpu.memref_slice %arg4[%add3A_17] : memref<153600xi32, #tpu.memory_space<hbm>> -> memref<80xi32, #tpu.memory_space<hbm>>
      %dma_wait3A_42 = tpu.memref_slice %arg4[%add3A_17] : memref<153600xi32, #tpu.memory_space<hbm>> -> memref<80xi32, #tpu.memory_space<hbm>>
      tpu.wait_dma2 semaphore(%run_scoped3A : memref<!tpu.dma_semaphore, #tpu.memory_space<semaphore_mem>>) src(%dma_wait3A_42 : memref<80xi32, #tpu.memory_space<hbm>>) dst(%arg9 : memref<80xi32, #tpu.memory_space<vmem>>)
      tpu.yield
    }) : () -> ()
    %add3A_18 = arith.constant 80 : i32
    %add3A_19 = arith.addi %mul3A_11, %add3A_18 : i32
    "tpu.region"() ({
      %run_scoped3A = tpu.sem_alloc : memref<!tpu.dma_semaphore, #tpu.memory_space<semaphore_mem>>
      %dma_start3A_40 = tpu.memref_slice %arg3[%add3A_19] : memref<153600xf32, #tpu.memory_space<hbm>> -> memref<80xf32, #tpu.memory_space<hbm>>
      %dma_start3A_41 = tpu.memref_slice %arg3[%add3A_19] : memref<153600xf32, #tpu.memory_space<hbm>> -> memref<80xf32, #tpu.memory_space<hbm>>
      tpu.enqueue_dma source(%dma_start3A_41 : memref<80xf32, #tpu.memory_space<hbm>>) target(%arg11 : memref<80xf32, #tpu.memory_space<vmem>>) target_semaphore(%run_scoped3A : memref<!tpu.dma_semaphore, #tpu.memory_space<semaphore_mem>>)
      %dma_wait3A = tpu.memref_slice %arg3[%add3A_19] : memref<153600xf32, #tpu.memory_space<hbm>> -> memref<80xf32, #tpu.memory_space<hbm>>
      %dma_wait3A_42 = tpu.memref_slice %arg3[%add3A_19] : memref<153600xf32, #tpu.memory_space<hbm>> -> memref<80xf32, #tpu.memory_space<hbm>>
      tpu.wait_dma2 semaphore(%run_scoped3A : memref<!tpu.dma_semaphore, #tpu.memory_space<semaphore_mem>>) src(%dma_wait3A_42 : memref<80xf32, #tpu.memory_space<hbm>>) dst(%arg11 : memref<80xf32, #tpu.memory_space<vmem>>)
      tpu.yield
    }) : () -> ()
    %dma_start3A = arith.constant 0 : i32
    %dma_start3A_20 = tpu.memref_slice %arg2[%mul3A_11, %dma_start3A] : memref<153600x128xf32, #tpu.memory_space<hbm>> -> memref<80x128xf32, #tpu.memory_space<hbm>>
    %dma_start3A_21 = arith.constant 0 : i32
    %dma_start3A_22 = tpu.memref_slice %arg2[%mul3A_11, %dma_start3A_21] : memref<153600x128xf32, #tpu.memory_space<hbm>> -> memref<80x128xf32, #tpu.memory_space<hbm>>
    tpu.enqueue_dma source(%dma_start3A_22 : memref<80x128xf32, #tpu.memory_space<hbm>>) target(%arg12 : memref<80x128xf32, #tpu.memory_space<vmem>>) target_semaphore(%arg16 : memref<!tpu.dma_semaphore, #tpu.memory_space<semaphore_mem>>)
    %add3A_23 = arith.constant 80 : i32
    %add3A_24 = arith.addi %mul3A_11, %add3A_23 : i32
    %dma_start3A_25 = arith.constant 0 : i32
    %dma_start3A_26 = tpu.memref_slice %arg2[%add3A_24, %dma_start3A_25] : memref<153600x128xf32, #tpu.memory_space<hbm>> -> memref<80x128xf32, #tpu.memory_space<hbm>>
    %dma_start3A_27 = arith.constant 0 : i32
    %dma_start3A_28 = tpu.memref_slice %arg2[%add3A_24, %dma_start3A_27] : memref<153600x128xf32, #tpu.memory_space<hbm>> -> memref<80x128xf32, #tpu.memory_space<hbm>>
    tpu.enqueue_dma source(%dma_start3A_28 : memref<80x128xf32, #tpu.memory_space<hbm>>) target(%arg13 : memref<80x128xf32, #tpu.memory_space<vmem>>) target_semaphore(%arg17 : memref<!tpu.dma_semaphore, #tpu.memory_space<semaphore_mem>>)
    %scan3A_29 = arith.constant 0 : i32
    %scan3A_30 = arith.constant 30 : i32
    %scan3A_31 = arith.addi %scan3A_29, %scan3A_30 : i32
    %scan3A_32 = arith.constant 1 : i32
    scf.for %scan3A_40 = %scan3A_29 to %scan3A_31 step %scan3A_32  : i32 {
      %mul3A_41 = arith.constant 1 : i32
      %mul3A_42 = arith.muli %scan3A_40, %mul3A_41 : i32
      %add3A_43 = arith.constant 0 : i32
      %add3A_44 = arith.addi %add3A_43, %mul3A_42 : i32
      %mul3A_45 = arith.constant 2 : i32
      %mul3A_46 = arith.muli %mul3A_45, %add3A_44 : i32
      %mul3A_47 = arith.constant 80 : i32
      %mul3A_48 = arith.muli %mul3A_46, %mul3A_47 : i32
      %add3A_49 = arith.addi %mul3A_11, %mul3A_48 : i32
      %dma_wait3A = arith.constant 0 : i32
      %dma_wait3A_50 = tpu.memref_slice %arg2[%add3A_49, %dma_wait3A] : memref<153600x128xf32, #tpu.memory_space<hbm>> -> memref<80x128xf32, #tpu.memory_space<hbm>>
      %dma_wait3A_51 = arith.constant 0 : i32
      %dma_wait3A_52 = tpu.memref_slice %arg2[%add3A_49, %dma_wait3A_51] : memref<153600x128xf32, #tpu.memory_space<hbm>> -> memref<80x128xf32, #tpu.memory_space<hbm>>
      tpu.wait_dma2 semaphore(%arg16 : memref<!tpu.dma_semaphore, #tpu.memory_space<semaphore_mem>>) src(%dma_wait3A_52 : memref<80x128xf32, #tpu.memory_space<hbm>>) dst(%arg12 : memref<80x128xf32, #tpu.memory_space<vmem>>)
      %ge3A = arith.constant 2 : i32
      %ge3A_53 = arith.cmpi sge, %mul3A_46, %ge3A : i32
      %convert_element_type3A = arith.extui %ge3A_53 : i1 to i32
      %cond3A = arith.constant 0 : i32
      %cond3A_54 = arith.cmpi ne, %convert_element_type3A, %cond3A : i32
      scf.if %cond3A_54 {
        %mul3A_135 = arith.constant 80 : i32
        %mul3A_136 = arith.muli %mul3A_46, %mul3A_135 : i32
        %add3A_137 = arith.addi %mul3A_11, %mul3A_136 : i32
        %dma_wait3A_138 = tpu.memref_slice %arg4[%add3A_137] : memref<153600xi32, #tpu.memory_space<hbm>> -> memref<80xi32, #tpu.memory_space<hbm>>
        %dma_wait3A_139 = tpu.memref_slice %arg4[%add3A_137] : memref<153600xi32, #tpu.memory_space<hbm>> -> memref<80xi32, #tpu.memory_space<hbm>>
        tpu.wait_dma2 semaphore(%arg20 : memref<!tpu.dma_semaphore, #tpu.memory_space<semaphore_mem>>) src(%dma_wait3A_139 : memref<80xi32, #tpu.memory_space<hbm>>) dst(%arg8 : memref<80xi32, #tpu.memory_space<vmem>>)
        %mul3A_140 = arith.constant 80 : i32
        %mul3A_141 = arith.muli %mul3A_46, %mul3A_140 : i32
        %add3A_142 = arith.addi %mul3A_11, %mul3A_141 : i32
        %dma_wait3A_143 = tpu.memref_slice %arg3[%add3A_142] : memref<153600xf32, #tpu.memory_space<hbm>> -> memref<80xf32, #tpu.memory_space<hbm>>
        %dma_wait3A_144 = tpu.memref_slice %arg3[%add3A_142] : memref<153600xf32, #tpu.memory_space<hbm>> -> memref<80xf32, #tpu.memory_space<hbm>>
        tpu.wait_dma2 semaphore(%arg22 : memref<!tpu.dma_semaphore, #tpu.memory_space<semaphore_mem>>) src(%dma_wait3A_144 : memref<80xf32, #tpu.memory_space<hbm>>) dst(%arg10 : memref<80xf32, #tpu.memory_space<vmem>>)
      } else {
      }
      %dma_start3A_55 = arith.constant 0 : i32
      %dma_start3A_56 = arith.constant 0 : i32
      %dma_start3A_57 = tpu.memref_slice %arg15[%dma_start3A_55, %dma_start3A_56] : memref<10000x128xf32, #tpu.memory_space<vmem_shared>> -> memref<10000x128xf32, #tpu.memory_space<vmem_shared>>
      tpu.enqueue_indirect_dma source(%arg12 : memref<80x128xf32, #tpu.memory_space<vmem>>) target(%dma_start3A_57 : memref<10000x128xf32, #tpu.memory_space<vmem_shared>>) offsets(%arg8 : memref<80xi32, #tpu.memory_space<vmem>>) semaphore(%arg18 : memref<!tpu.dma_semaphore, #tpu.memory_space<semaphore_mem>>) {add = true}
      %get3A = arith.constant 0 : index
      %get3A_58 = tpu.vector_load %arg8[%get3A] {strides = array<i32>} : memref<80xi32, #tpu.memory_space<vmem>>, vector<16xi32>,
      %get3A_59 = arith.constant 0 : index
      %get3A_60 = tpu.vector_load %arg10[%get3A_59] {strides = array<i32>} : memref<80xf32, #tpu.memory_space<vmem>>, vector<16xf32>,
      tpu.vector_store_idx %arg14[%get3A_58], %get3A_60 {add = true} : memref<10000xf32, #tpu.memory_space<vmem>>[vector<16xi32>], vector<16xf32>,
      %get3A_61 = arith.constant 16 : index
      %get3A_62 = tpu.vector_load %arg8[%get3A_61] {strides = array<i32>} : memref<80xi32, #tpu.memory_space<vmem>>, vector<16xi32>,
      %get3A_63 = arith.constant 16 : index
      %get3A_64 = tpu.vector_load %arg10[%get3A_63] {strides = array<i32>} : memref<80xf32, #tpu.memory_space<vmem>>, vector<16xf32>,
      tpu.vector_store_idx %arg14[%get3A_62], %get3A_64 {add = true} : memref<10000xf32, #tpu.memory_space<vmem>>[vector<16xi32>], vector<16xf32>,
      %get3A_65 = arith.constant 32 : index
      %get3A_66 = tpu.vector_load %arg8[%get3A_65] {strides = array<i32>} : memref<80xi32, #tpu.memory_space<vmem>>, vector<16xi32>,
      %get3A_67 = arith.constant 32 : index
      %get3A_68 = tpu.vector_load %arg10[%get3A_67] {strides = array<i32>} : memref<80xf32, #tpu.memory_space<vmem>>, vector<16xf32>,
      tpu.vector_store_idx %arg14[%get3A_66], %get3A_68 {add = true} : memref<10000xf32, #tpu.memory_space<vmem>>[vector<16xi32>], vector<16xf32>,
      %get3A_69 = arith.constant 48 : index
      %get3A_70 = tpu.vector_load %arg8[%get3A_69] {strides = array<i32>} : memref<80xi32, #tpu.memory_space<vmem>>, vector<16xi32>,
      %get3A_71 = arith.constant 48 : index
      %get3A_72 = tpu.vector_load %arg10[%get3A_71] {strides = array<i32>} : memref<80xf32, #tpu.memory_space<vmem>>, vector<16xf32>,
      tpu.vector_store_idx %arg14[%get3A_70], %get3A_72 {add = true} : memref<10000xf32, #tpu.memory_space<vmem>>[vector<16xi32>], vector<16xf32>,
      %get3A_73 = arith.constant 64 : index
      %get3A_74 = tpu.vector_load %arg8[%get3A_73] {strides = array<i32>} : memref<80xi32, #tpu.memory_space<vmem>>, vector<16xi32>,
      %get3A_75 = arith.constant 64 : index
      %get3A_76 = tpu.vector_load %arg10[%get3A_75] {strides = array<i32>} : memref<80xf32, #tpu.memory_space<vmem>>, vector<16xf32>,
      tpu.vector_store_idx %arg14[%get3A_74], %get3A_76 {add = true} : memref<10000xf32, #tpu.memory_space<vmem>>[vector<16xi32>], vector<16xf32>,
      %dma_wait3A_77 = arith.constant 0 : i32
      %dma_wait3A_78 = arith.constant 0 : i32
      %dma_wait3A_79 = tpu.memref_slice %arg15[%dma_wait3A_77, %dma_wait3A_78] : memref<10000x128xf32, #tpu.memory_space<vmem_shared>> -> memref<10000x128xf32, #tpu.memory_space<vmem_shared>>
      tpu.wait_indirect_dma semaphore(%arg18 : memref<!tpu.dma_semaphore, #tpu.memory_space<semaphore_mem>>) src(%arg12 : memref<80x128xf32, #tpu.memory_space<vmem>>) dst(%dma_wait3A_79 : memref<10000x128xf32, #tpu.memory_space<vmem_shared>>)
      %add3A_80 = arith.constant 2 : i32
      %add3A_81 = arith.addi %mul3A_46, %add3A_80 : i32
      %le3A = arith.constant 59 : i32
      %le3A_82 = arith.cmpi sle, %add3A_81, %le3A : i32
      %convert_element_type3A_83 = arith.extui %le3A_82 : i1 to i32
      %cond3A_84 = arith.constant 0 : i32
      %cond3A_85 = arith.cmpi ne, %convert_element_type3A_83, %cond3A_84 : i32
      scf.if %cond3A_85 {
        %add3A_135 = arith.constant 2 : i32
        %add3A_136 = arith.addi %mul3A_46, %add3A_135 : i32
        %mul3A_137 = arith.constant 80 : i32
        %mul3A_138 = arith.muli %add3A_136, %mul3A_137 : i32
        %add3A_139 = arith.addi %mul3A_11, %mul3A_138 : i32
        %dma_start3A_140 = tpu.memref_slice %arg4[%add3A_139] : memref<153600xi32, #tpu.memory_space<hbm>> -> memref<80xi32, #tpu.memory_space<hbm>>
        %dma_start3A_141 = tpu.memref_slice %arg4[%add3A_139] : memref<153600xi32, #tpu.memory_space<hbm>> -> memref<80xi32, #tpu.memory_space<hbm>>
        tpu.enqueue_dma source(%dma_start3A_141 : memref<80xi32, #tpu.memory_space<hbm>>) target(%arg8 : memref<80xi32, #tpu.memory_space<vmem>>) target_semaphore(%arg20 : memref<!tpu.dma_semaphore, #tpu.memory_space<semaphore_mem>>)
        %add3A_142 = arith.constant 2 : i32
        %add3A_143 = arith.addi %mul3A_46, %add3A_142 : i32
        %mul3A_144 = arith.constant 80 : i32
        %mul3A_145 = arith.muli %add3A_143, %mul3A_144 : i32
        %add3A_146 = arith.addi %mul3A_11, %mul3A_145 : i32
        %dma_start3A_147 = tpu.memref_slice %arg3[%add3A_146] : memref<153600xf32, #tpu.memory_space<hbm>> -> memref<80xf32, #tpu.memory_space<hbm>>
        %dma_start3A_148 = tpu.memref_slice %arg3[%add3A_146] : memref<153600xf32, #tpu.memory_space<hbm>> -> memref<80xf32, #tpu.memory_space<hbm>>
        tpu.enqueue_dma source(%dma_start3A_148 : memref<80xf32, #tpu.memory_space<hbm>>) target(%arg10 : memref<80xf32, #tpu.memory_space<vmem>>) target_semaphore(%arg22 : memref<!tpu.dma_semaphore, #tpu.memory_space<semaphore_mem>>)
        %add3A_149 = arith.constant 2 : i32
        %add3A_150 = arith.addi %mul3A_46, %add3A_149 : i32
        %mul3A_151 = arith.constant 80 : i32
        %mul3A_152 = arith.muli %add3A_150, %mul3A_151 : i32
        %add3A_153 = arith.addi %mul3A_11, %mul3A_152 : i32
        %dma_start3A_154 = arith.constant 0 : i32
        %dma_start3A_155 = tpu.memref_slice %arg2[%add3A_153, %dma_start3A_154] : memref<153600x128xf32, #tpu.memory_space<hbm>> -> memref<80x128xf32, #tpu.memory_space<hbm>>
        %dma_start3A_156 = arith.constant 0 : i32
        %dma_start3A_157 = tpu.memref_slice %arg2[%add3A_153, %dma_start3A_156] : memref<153600x128xf32, #tpu.memory_space<hbm>> -> memref<80x128xf32, #tpu.memory_space<hbm>>
        tpu.enqueue_dma source(%dma_start3A_157 : memref<80x128xf32, #tpu.memory_space<hbm>>) target(%arg12 : memref<80x128xf32, #tpu.memory_space<vmem>>) target_semaphore(%arg16 : memref<!tpu.dma_semaphore, #tpu.memory_space<semaphore_mem>>)
      } else {
      }
      %mul3A_86 = arith.constant 2 : i32
      %mul3A_87 = arith.muli %mul3A_86, %add3A_44 : i32
      %add3A_88 = arith.constant 1 : i32
      %add3A_89 = arith.addi %mul3A_87, %add3A_88 : i32
      %mul3A_90 = arith.constant 80 : i32
      %mul3A_91 = arith.muli %add3A_89, %mul3A_90 : i32
      %add3A_92 = arith.addi %mul3A_11, %mul3A_91 : i32
      %dma_wait3A_93 = arith.constant 0 : i32
      %dma_wait3A_94 = tpu.memref_slice %arg2[%add3A_92, %dma_wait3A_93] : memref<153600x128xf32, #tpu.memory_space<hbm>> -> memref<80x128xf32, #tpu.memory_space<hbm>>
      %dma_wait3A_95 = arith.constant 0 : i32
      %dma_wait3A_96 = tpu.memref_slice %arg2[%add3A_92, %dma_wait3A_95] : memref<153600x128xf32, #tpu.memory_space<hbm>> -> memref<80x128xf32, #tpu.memory_space<hbm>>
      tpu.wait_dma2 semaphore(%arg17 : memref<!tpu.dma_semaphore, #tpu.memory_space<semaphore_mem>>) src(%dma_wait3A_96 : memref<80x128xf32, #tpu.memory_space<hbm>>) dst(%arg13 : memref<80x128xf32, #tpu.memory_space<vmem>>)
      %ge3A_97 = arith.constant 2 : i32
      %ge3A_98 = arith.cmpi sge, %add3A_89, %ge3A_97 : i32
      %convert_element_type3A_99 = arith.extui %ge3A_98 : i1 to i32
      %cond3A_100 = arith.constant 0 : i32
      %cond3A_101 = arith.cmpi ne, %convert_element_type3A_99, %cond3A_100 : i32
      scf.if %cond3A_101 {
        %mul3A_135 = arith.constant 80 : i32
        %mul3A_136 = arith.muli %add3A_89, %mul3A_135 : i32
        %add3A_137 = arith.addi %mul3A_11, %mul3A_136 : i32
        %dma_wait3A_138 = tpu.memref_slice %arg4[%add3A_137] : memref<153600xi32, #tpu.memory_space<hbm>> -> memref<80xi32, #tpu.memory_space<hbm>>
        %dma_wait3A_139 = tpu.memref_slice %arg4[%add3A_137] : memref<153600xi32, #tpu.memory_space<hbm>> -> memref<80xi32, #tpu.memory_space<hbm>>
        tpu.wait_dma2 semaphore(%arg21 : memref<!tpu.dma_semaphore, #tpu.memory_space<semaphore_mem>>) src(%dma_wait3A_139 : memref<80xi32, #tpu.memory_space<hbm>>) dst(%arg9 : memref<80xi32, #tpu.memory_space<vmem>>)
        %mul3A_140 = arith.constant 80 : i32
        %mul3A_141 = arith.muli %add3A_89, %mul3A_140 : i32
        %add3A_142 = arith.addi %mul3A_11, %mul3A_141 : i32
        %dma_wait3A_143 = tpu.memref_slice %arg3[%add3A_142] : memref<153600xf32, #tpu.memory_space<hbm>> -> memref<80xf32, #tpu.memory_space<hbm>>
        %dma_wait3A_144 = tpu.memref_slice %arg3[%add3A_142] : memref<153600xf32, #tpu.memory_space<hbm>> -> memref<80xf32, #tpu.memory_space<hbm>>
        tpu.wait_dma2 semaphore(%arg23 : memref<!tpu.dma_semaphore, #tpu.memory_space<semaphore_mem>>) src(%dma_wait3A_144 : memref<80xf32, #tpu.memory_space<hbm>>) dst(%arg11 : memref<80xf32, #tpu.memory_space<vmem>>)
      } else {
      }
      %dma_start3A_102 = arith.constant 0 : i32
      %dma_start3A_103 = arith.constant 0 : i32
      %dma_start3A_104 = tpu.memref_slice %arg15[%dma_start3A_102, %dma_start3A_103] : memref<10000x128xf32, #tpu.memory_space<vmem_shared>> -> memref<10000x128xf32, #tpu.memory_space<vmem_shared>>
      tpu.enqueue_indirect_dma source(%arg13 : memref<80x128xf32, #tpu.memory_space<vmem>>) target(%dma_start3A_104 : memref<10000x128xf32, #tpu.memory_space<vmem_shared>>) offsets(%arg9 : memref<80xi32, #tpu.memory_space<vmem>>) semaphore(%arg19 : memref<!tpu.dma_semaphore, #tpu.memory_space<semaphore_mem>>) {add = true}
      %get3A_105 = arith.constant 0 : index
      %get3A_106 = tpu.vector_load %arg9[%get3A_105] {strides = array<i32>} : memref<80xi32, #tpu.memory_space<vmem>>, vector<16xi32>,
      %get3A_107 = arith.constant 0 : index
      %get3A_108 = tpu.vector_load %arg11[%get3A_107] {strides = array<i32>} : memref<80xf32, #tpu.memory_space<vmem>>, vector<16xf32>,
      tpu.vector_store_idx %arg14[%get3A_106], %get3A_108 {add = true} : memref<10000xf32, #tpu.memory_space<vmem>>[vector<16xi32>], vector<16xf32>,
      %get3A_109 = arith.constant 16 : index
      %get3A_110 = tpu.vector_load %arg9[%get3A_109] {strides = array<i32>} : memref<80xi32, #tpu.memory_space<vmem>>, vector<16xi32>,
      %get3A_111 = arith.constant 16 : index
      %get3A_112 = tpu.vector_load %arg11[%get3A_111] {strides = array<i32>} : memref<80xf32, #tpu.memory_space<vmem>>, vector<16xf32>,
      tpu.vector_store_idx %arg14[%get3A_110], %get3A_112 {add = true} : memref<10000xf32, #tpu.memory_space<vmem>>[vector<16xi32>], vector<16xf32>,
      %get3A_113 = arith.constant 32 : index
      %get3A_114 = tpu.vector_load %arg9[%get3A_113] {strides = array<i32>} : memref<80xi32, #tpu.memory_space<vmem>>, vector<16xi32>,
      %get3A_115 = arith.constant 32 : index
      %get3A_116 = tpu.vector_load %arg11[%get3A_115] {strides = array<i32>} : memref<80xf32, #tpu.memory_space<vmem>>, vector<16xf32>,
      tpu.vector_store_idx %arg14[%get3A_114], %get3A_116 {add = true} : memref<10000xf32, #tpu.memory_space<vmem>>[vector<16xi32>], vector<16xf32>,
      %get3A_117 = arith.constant 48 : index
      %get3A_118 = tpu.vector_load %arg9[%get3A_117] {strides = array<i32>} : memref<80xi32, #tpu.memory_space<vmem>>, vector<16xi32>,
      %get3A_119 = arith.constant 48 : index
      %get3A_120 = tpu.vector_load %arg11[%get3A_119] {strides = array<i32>} : memref<80xf32, #tpu.memory_space<vmem>>, vector<16xf32>,
      tpu.vector_store_idx %arg14[%get3A_118], %get3A_120 {add = true} : memref<10000xf32, #tpu.memory_space<vmem>>[vector<16xi32>], vector<16xf32>,
      %get3A_121 = arith.constant 64 : index
      %get3A_122 = tpu.vector_load %arg9[%get3A_121] {strides = array<i32>} : memref<80xi32, #tpu.memory_space<vmem>>, vector<16xi32>,
      %get3A_123 = arith.constant 64 : index
      %get3A_124 = tpu.vector_load %arg11[%get3A_123] {strides = array<i32>} : memref<80xf32, #tpu.memory_space<vmem>>, vector<16xf32>,
      tpu.vector_store_idx %arg14[%get3A_122], %get3A_124 {add = true} : memref<10000xf32, #tpu.memory_space<vmem>>[vector<16xi32>], vector<16xf32>,
      %dma_wait3A_125 = arith.constant 0 : i32
      %dma_wait3A_126 = arith.constant 0 : i32
      %dma_wait3A_127 = tpu.memref_slice %arg15[%dma_wait3A_125, %dma_wait3A_126] : memref<10000x128xf32, #tpu.memory_space<vmem_shared>> -> memref<10000x128xf32, #tpu.memory_space<vmem_shared>>
      tpu.wait_indirect_dma semaphore(%arg19 : memref<!tpu.dma_semaphore, #tpu.memory_space<semaphore_mem>>) src(%arg13 : memref<80x128xf32, #tpu.memory_space<vmem>>) dst(%dma_wait3A_127 : memref<10000x128xf32, #tpu.memory_space<vmem_shared>>)
      %add3A_128 = arith.constant 2 : i32
      %add3A_129 = arith.addi %add3A_89, %add3A_128 : i32
      %le3A_130 = arith.constant 59 : i32
      %le3A_131 = arith.cmpi sle, %add3A_129, %le3A_130 : i32
      %convert_element_type3A_132 = arith.extui %le3A_131 : i1 to i32
      %cond3A_133 = arith.constant 0 : i32
      %cond3A_134 = arith.cmpi ne, %convert_element_type3A_132, %cond3A_133 : i32
      scf.if %cond3A_134 {
        %add3A_135 = arith.constant 2 : i32
        %add3A_136 = arith.addi %add3A_89, %add3A_135 : i32
        %mul3A_137 = arith.constant 80 : i32
        %mul3A_138 = arith.muli %add3A_136, %mul3A_137 : i32
        %add3A_139 = arith.addi %mul3A_11, %mul3A_138 : i32
        %dma_start3A_140 = tpu.memref_slice %arg4[%add3A_139] : memref<153600xi32, #tpu.memory_space<hbm>> -> memref<80xi32, #tpu.memory_space<hbm>>
        %dma_start3A_141 = tpu.memref_slice %arg4[%add3A_139] : memref<153600xi32, #tpu.memory_space<hbm>> -> memref<80xi32, #tpu.memory_space<hbm>>
        tpu.enqueue_dma source(%dma_start3A_141 : memref<80xi32, #tpu.memory_space<hbm>>) target(%arg9 : memref<80xi32, #tpu.memory_space<vmem>>) target_semaphore(%arg21 : memref<!tpu.dma_semaphore, #tpu.memory_space<semaphore_mem>>)
        %add3A_142 = arith.constant 2 : i32
        %add3A_143 = arith.addi %add3A_89, %add3A_142 : i32
        %mul3A_144 = arith.constant 80 : i32
        %mul3A_145 = arith.muli %add3A_143, %mul3A_144 : i32
        %add3A_146 = arith.addi %mul3A_11, %mul3A_145 : i32
        %dma_start3A_147 = tpu.memref_slice %arg3[%add3A_146] : memref<153600xf32, #tpu.memory_space<hbm>> -> memref<80xf32, #tpu.memory_space<hbm>>
        %dma_start3A_148 = tpu.memref_slice %arg3[%add3A_146] : memref<153600xf32, #tpu.memory_space<hbm>> -> memref<80xf32, #tpu.memory_space<hbm>>
        tpu.enqueue_dma source(%dma_start3A_148 : memref<80xf32, #tpu.memory_space<hbm>>) target(%arg11 : memref<80xf32, #tpu.memory_space<vmem>>) target_semaphore(%arg23 : memref<!tpu.dma_semaphore, #tpu.memory_space<semaphore_mem>>)
        %add3A_149 = arith.constant 2 : i32
        %add3A_150 = arith.addi %add3A_89, %add3A_149 : i32
        %mul3A_151 = arith.constant 80 : i32
        %mul3A_152 = arith.muli %add3A_150, %mul3A_151 : i32
        %add3A_153 = arith.addi %mul3A_11, %mul3A_152 : i32
        %dma_start3A_154 = arith.constant 0 : i32
        %dma_start3A_155 = tpu.memref_slice %arg2[%add3A_153, %dma_start3A_154] : memref<153600x128xf32, #tpu.memory_space<hbm>> -> memref<80x128xf32, #tpu.memory_space<hbm>>
        %dma_start3A_156 = arith.constant 0 : i32
        %dma_start3A_157 = tpu.memref_slice %arg2[%add3A_153, %dma_start3A_156] : memref<153600x128xf32, #tpu.memory_space<hbm>> -> memref<80x128xf32, #tpu.memory_space<hbm>>
        tpu.enqueue_dma source(%dma_start3A_157 : memref<80x128xf32, #tpu.memory_space<hbm>>) target(%arg13 : memref<80x128xf32, #tpu.memory_space<vmem>>) target_semaphore(%arg17 : memref<!tpu.dma_semaphore, #tpu.memory_space<semaphore_mem>>)
      } else {
      }
    }
    %scan3A_33 = arith.constant 30 : i32
    %barrier3A_34 = arith.constant 0 : index
    tpu.barrier barrier_id(%barrier3A_34)
    %scan3A_35 = arith.constant 0 : i32
    %scan3A_36 = arith.constant 125 : i32
    %scan3A_37 = arith.addi %scan3A_35, %scan3A_36 : i32
    %scan3A_38 = arith.constant 1 : i32
    scf.for %scan3A_40 = %scan3A_35 to %scan3A_37 step %scan3A_38  : i32 {
      %mul3A_41 = arith.constant 1 : i32
      %mul3A_42 = arith.muli %scan3A_40, %mul3A_41 : i32
      %add3A_43 = arith.constant 0 : i32
      %add3A_44 = arith.addi %add3A_43, %mul3A_42 : i32
      %rem3A = arith.constant 16 : i32
      %rem3A_45 = arith.remsi %add3A_44, %rem3A : i32
      %eq3A = arith.cmpi eq, %rem3A_45, %arg1 : i32
      %convert_element_type3A = arith.extui %eq3A : i1 to i32
      %cond3A = arith.constant 0 : i32
      %cond3A_46 = arith.cmpi ne, %convert_element_type3A, %cond3A : i32
      scf.if %cond3A_46 {
        %mul3A_47 = arith.constant 80 : i32
        %mul3A_48 = arith.muli %add3A_44, %mul3A_47 : i32
        %mul3A_49 = arith.constant 80 : i32
        %mul3A_50 = arith.muli %add3A_44, %mul3A_49 : i32
        "tpu.region"() ({
          %run_scoped3A = tpu.sem_alloc : memref<!tpu.dma_semaphore, #tpu.memory_space<semaphore_mem>>
          %dma_start3A_51 = arith.constant 0 : i32
          %dma_start3A_52 = tpu.memref_slice %arg6[%arg0, %mul3A_50, %dma_start3A_51] : memref<2x10000x128xf32, #tpu.memory_space<hbm>> -> memref<1x80x128xf32, #tpu.memory_space<hbm>>
          %dma_start3A_53 = tpu.memref_squeeze %dma_start3A_52 : memref<1x80x128xf32, #tpu.memory_space<hbm>> -> memref<80x128xf32, #tpu.memory_space<hbm>>
          %dma_start3A_54 = arith.constant 0 : i32
          %dma_start3A_55 = tpu.memref_slice %arg15[%mul3A_48, %dma_start3A_54] : memref<10000x128xf32, #tpu.memory_space<vmem_shared>> -> memref<80x128xf32, #tpu.memory_space<vmem_shared>>
          tpu.enqueue_dma source(%dma_start3A_55 : memref<80x128xf32, #tpu.memory_space<vmem_shared>>) target(%dma_start3A_53 : memref<80x128xf32, #tpu.memory_space<hbm>>) target_semaphore(%run_scoped3A : memref<!tpu.dma_semaphore, #tpu.memory_space<semaphore_mem>>)
          %dma_wait3A = arith.constant 0 : i32
          %dma_wait3A_56 = tpu.memref_slice %arg6[%arg0, %mul3A_50, %dma_wait3A] : memref<2x10000x128xf32, #tpu.memory_space<hbm>> -> memref<1x80x128xf32, #tpu.memory_space<hbm>>
          %dma_wait3A_57 = tpu.memref_squeeze %dma_wait3A_56 : memref<1x80x128xf32, #tpu.memory_space<hbm>> -> memref<80x128xf32, #tpu.memory_space<hbm>>
          %dma_wait3A_58 = arith.constant 0 : i32
          %dma_wait3A_59 = tpu.memref_slice %arg15[%mul3A_48, %dma_wait3A_58] : memref<10000x128xf32, #tpu.memory_space<vmem_shared>> -> memref<80x128xf32, #tpu.memory_space<vmem_shared>>
          tpu.wait_dma2 semaphore(%run_scoped3A : memref<!tpu.dma_semaphore, #tpu.memory_space<semaphore_mem>>) src(%dma_wait3A_59 : memref<80x128xf32, #tpu.memory_space<vmem_shared>>) dst(%dma_wait3A_57 : memref<80x128xf32, #tpu.memory_space<hbm>>)
          tpu.yield
        }) : () -> ()
      } else {
      }
    }
    %scan3A_39 = arith.constant 125 : i32
    "tpu.region"() ({
      %run_scoped3A = tpu.sem_alloc : memref<!tpu.dma_semaphore, #tpu.memory_space<semaphore_mem>>
      %dma_start3A_40 = arith.constant 0 : i32
      %dma_start3A_41 = tpu.memref_slice %arg7[%add3A, %dma_start3A_40] : memref<32x10000xf32, #tpu.memory_space<hbm>> -> memref<1x10000xf32, #tpu.memory_space<hbm>>
      %dma_start3A_42 = tpu.memref_squeeze %dma_start3A_41 : memref<1x10000xf32, #tpu.memory_space<hbm>> -> memref<10000xf32, #tpu.memory_space<hbm>>
      %dma_start3A_43 = arith.constant 0 : i32
      %dma_start3A_44 = tpu.memref_slice %arg7[%add3A, %dma_start3A_43] : memref<32x10000xf32, #tpu.memory_space<hbm>> -> memref<1x10000xf32, #tpu.memory_space<hbm>>
      %dma_start3A_45 = tpu.memref_squeeze %dma_start3A_44 : memref<1x10000xf32, #tpu.memory_space<hbm>> -> memref<10000xf32, #tpu.memory_space<hbm>>
      tpu.enqueue_dma source(%arg14 : memref<10000xf32, #tpu.memory_space<vmem>>) target(%dma_start3A_45 : memref<10000xf32, #tpu.memory_space<hbm>>) target_semaphore(%run_scoped3A : memref<!tpu.dma_semaphore, #tpu.memory_space<semaphore_mem>>)
      %dma_wait3A = arith.constant 0 : i32
      %dma_wait3A_46 = tpu.memref_slice %arg7[%add3A, %dma_wait3A] : memref<32x10000xf32, #tpu.memory_space<hbm>> -> memref<1x10000xf32, #tpu.memory_space<hbm>>
      %dma_wait3A_47 = tpu.memref_squeeze %dma_wait3A_46 : memref<1x10000xf32, #tpu.memory_space<hbm>> -> memref<10000xf32, #tpu.memory_space<hbm>>
      %dma_wait3A_48 = arith.constant 0 : i32
      %dma_wait3A_49 = tpu.memref_slice %arg7[%add3A, %dma_wait3A_48] : memref<32x10000xf32, #tpu.memory_space<hbm>> -> memref<1x10000xf32, #tpu.memory_space<hbm>>
      %dma_wait3A_50 = tpu.memref_squeeze %dma_wait3A_49 : memref<1x10000xf32, #tpu.memory_space<hbm>> -> memref<10000xf32, #tpu.memory_space<hbm>>
      tpu.wait_dma2 semaphore(%run_scoped3A : memref<!tpu.dma_semaphore, #tpu.memory_space<semaphore_mem>>) src(%arg14 : memref<10000xf32, #tpu.memory_space<vmem>>) dst(%dma_wait3A_50 : memref<10000xf32, #tpu.memory_space<hbm>>)
      tpu.yield
    }) : () -> ()
    return
  }
}

#map = affine_map<(d0, d1) -> (0, 0)>
#map1 = affine_map<(d0, d1) -> (0)>
#map2 = affine_map<(d0, d1) -> (0, 0, 0)>
module attributes {stable_mosaic.version = 14 : i64} {
  func.func @k(%arg0: i32, %arg1: i32, %arg2: memref<10000x128xf32, #tpu.memory_space<hbm>>, %arg3: memref<320000xi32, #tpu.memory_space<hbm>>, %arg4: memref<320000xi32, #tpu.memory_space<hbm>>, %arg5: memref<80x128xf32, #tpu.memory_space<hbm>>, %arg6: memref<2x10000x128xf32, #tpu.memory_space<hbm>>, %arg7: memref<32x10000xf32, #tpu.memory_space<hbm>>, %arg8: memref<80xi32, #tpu.memory_space<vmem>>, %arg9: memref<80xi32, #tpu.memory_space<vmem>>, %arg10: memref<80xi32, #tpu.memory_space<vmem>>, %arg11: memref<80xi32, #tpu.memory_space<vmem>>, %arg12: memref<80x128xf32, #tpu.memory_space<vmem>>, %arg13: memref<80x128xf32, #tpu.memory_space<vmem>>, %arg14: memref<10000xf32, #tpu.memory_space<vmem>>, %arg15: memref<10000x128xf32, #tpu.memory_space<vmem_shared>>, %arg16: memref<!tpu.dma_semaphore, #tpu.memory_space<semaphore_mem>>, %arg17: memref<!tpu.dma_semaphore, #tpu.memory_space<semaphore_mem>>, %arg18: memref<!tpu.dma_semaphore, #tpu.memory_space<semaphore_mem>>, %arg19: memref<!tpu.dma_semaphore, #tpu.memory_space<semaphore_mem>>, %arg20: memref<!tpu.dma_semaphore, #tpu.memory_space<semaphore_mem>>, %arg21: memref<!tpu.dma_semaphore, #tpu.memory_space<semaphore_mem>>, %arg22: memref<!tpu.dma_semaphore, #tpu.memory_space<semaphore_mem>>, %arg23: memref<!tpu.dma_semaphore, #tpu.memory_space<semaphore_mem>>) attributes {dimension_semantics = [#tpu.dimension_semantics<core_parallel>, #tpu.dimension_semantics<subcore_parallel>], iteration_bounds = array<i64: 2, 16>, scalar_prefetch = 0 : i64, scratch_operands = 16 : i64, tpu.core_type = #tpu.core_type<sc_vector_subcore>, window_params = [{transform_indices = #map}, {transform_indices = #map1}, {transform_indices = #map1}, {transform_indices = #map}, {transform_indices = #map2}, {transform_indices = #map}]} {
    %mul3A = arith.constant 16 : i32
    %mul3A_0 = arith.muli %arg0, %mul3A : i32
    %add3A = arith.addi %mul3A_0, %arg1 : i32
    %scan3A = arith.constant 0 : i32
    %scan3A_1 = arith.constant 125 : i32
    %scan3A_2 = arith.addi %scan3A, %scan3A_1 : i32
    %scan3A_3 = arith.constant 1 : i32
    scf.for %scan3A_58 = %scan3A to %scan3A_2 step %scan3A_3  : i32 {
      %mul3A_59 = arith.constant 1 : i32
      %mul3A_60 = arith.muli %scan3A_58, %mul3A_59 : i32
      %add3A_61 = arith.constant 0 : i32
      %add3A_62 = arith.addi %add3A_61, %mul3A_60 : i32
      %rem3A = arith.constant 16 : i32
      %rem3A_63 = arith.remsi %add3A_62, %rem3A : i32
      %eq3A = arith.cmpi eq, %rem3A_63, %arg1 : i32
      %convert_element_type3A = arith.extui %eq3A : i1 to i32
      %cond3A = arith.constant 0 : i32
      %cond3A_64 = arith.cmpi ne, %convert_element_type3A, %cond3A : i32
      scf.if %cond3A_64 {
        %mul3A_65 = arith.constant 80 : i32
        %mul3A_66 = arith.muli %add3A_62, %mul3A_65 : i32
        "tpu.region"() ({
          %run_scoped3A = tpu.sem_alloc : memref<!tpu.dma_semaphore, #tpu.memory_space<semaphore_mem>>
          %dma_start3A_67 = arith.constant 0 : i32
          %dma_start3A_68 = tpu.memref_slice %arg15[%mul3A_66, %dma_start3A_67] : memref<10000x128xf32, #tpu.memory_space<vmem_shared>> -> memref<80x128xf32, #tpu.memory_space<vmem_shared>>
          tpu.enqueue_dma source(%arg5 : memref<80x128xf32, #tpu.memory_space<hbm>>) target(%dma_start3A_68 : memref<80x128xf32, #tpu.memory_space<vmem_shared>>) target_semaphore(%run_scoped3A : memref<!tpu.dma_semaphore, #tpu.memory_space<semaphore_mem>>)
          %dma_wait3A_69 = arith.constant 0 : i32
          %dma_wait3A_70 = tpu.memref_slice %arg15[%mul3A_66, %dma_wait3A_69] : memref<10000x128xf32, #tpu.memory_space<vmem_shared>> -> memref<80x128xf32, #tpu.memory_space<vmem_shared>>
          tpu.wait_dma2 semaphore(%run_scoped3A : memref<!tpu.dma_semaphore, #tpu.memory_space<semaphore_mem>>) src(%arg5 : memref<80x128xf32, #tpu.memory_space<hbm>>) dst(%dma_wait3A_70 : memref<80x128xf32, #tpu.memory_space<vmem_shared>>)
          tpu.yield
        }) : () -> ()
      } else {
      }
    }
    %scan3A_4 = arith.constant 125 : i32
    %scan3A_5 = arith.constant 0 : i32
    %scan3A_6 = arith.constant 625 : i32
    %scan3A_7 = arith.addi %scan3A_5, %scan3A_6 : i32
    %scan3A_8 = arith.constant 1 : i32
    scf.for %scan3A_58 = %scan3A_5 to %scan3A_7 step %scan3A_8  : i32 {
      %mul3A_59 = arith.constant 1 : i32
      %mul3A_60 = arith.muli %scan3A_58, %mul3A_59 : i32
      %add3A_61 = arith.constant 0 : i32
      %add3A_62 = arith.addi %add3A_61, %mul3A_60 : i32
      %broadcast_in_dim3A_63 = arith.constant 0.000000e+00 : f32
      %broadcast_in_dim3A_64 = vector.broadcast %broadcast_in_dim3A_63 : f32 to vector<16xf32>
      %mul3A_65 = arith.constant 16 : i32
      %mul3A_66 = arith.muli %add3A_62, %mul3A_65 : i32
      %swap3A = arith.index_cast %mul3A_66 : i32 to index
      %swap3A_67 = tpu.vector_load %arg14[%swap3A] {strides = array<i32>} : memref<10000xf32, #tpu.memory_space<vmem>>, vector<16xf32>,
      tpu.vector_store %arg14[%swap3A], %broadcast_in_dim3A_64 {strides = array<i32>} : memref<10000xf32, #tpu.memory_space<vmem>>, vector<16xf32>,
    }
    %scan3A_9 = arith.constant 625 : i32
    %barrier3A = arith.constant 0 : index
    tpu.barrier barrier_id(%barrier3A)
    %broadcast_in_dim3A = arith.constant 1.000000e+00 : f32
    %broadcast_in_dim3A_10 = vector.broadcast %broadcast_in_dim3A : f32 to vector<16xf32>
    %mul3A_11 = arith.constant 10000 : i32
    %mul3A_12 = arith.muli %add3A, %mul3A_11 : i32
    %add3A_13 = arith.constant 0 : i32
    %add3A_14 = arith.addi %mul3A_12, %add3A_13 : i32
    "tpu.region"() ({
      %run_scoped3A = tpu.sem_alloc : memref<!tpu.dma_semaphore, #tpu.memory_space<semaphore_mem>>
      %dma_start3A_58 = tpu.memref_slice %arg3[%add3A_14] : memref<320000xi32, #tpu.memory_space<hbm>> -> memref<80xi32, #tpu.memory_space<hbm>>
      %dma_start3A_59 = tpu.memref_slice %arg3[%add3A_14] : memref<320000xi32, #tpu.memory_space<hbm>> -> memref<80xi32, #tpu.memory_space<hbm>>
      tpu.enqueue_dma source(%dma_start3A_59 : memref<80xi32, #tpu.memory_space<hbm>>) target(%arg8 : memref<80xi32, #tpu.memory_space<vmem>>) target_semaphore(%run_scoped3A : memref<!tpu.dma_semaphore, #tpu.memory_space<semaphore_mem>>)
      %dma_wait3A_60 = tpu.memref_slice %arg3[%add3A_14] : memref<320000xi32, #tpu.memory_space<hbm>> -> memref<80xi32, #tpu.memory_space<hbm>>
      %dma_wait3A_61 = tpu.memref_slice %arg3[%add3A_14] : memref<320000xi32, #tpu.memory_space<hbm>> -> memref<80xi32, #tpu.memory_space<hbm>>
      tpu.wait_dma2 semaphore(%run_scoped3A : memref<!tpu.dma_semaphore, #tpu.memory_space<semaphore_mem>>) src(%dma_wait3A_61 : memref<80xi32, #tpu.memory_space<hbm>>) dst(%arg8 : memref<80xi32, #tpu.memory_space<vmem>>)
      tpu.yield
    }) : () -> ()
    %add3A_15 = arith.constant 0 : i32
    %add3A_16 = arith.addi %mul3A_12, %add3A_15 : i32
    "tpu.region"() ({
      %run_scoped3A = tpu.sem_alloc : memref<!tpu.dma_semaphore, #tpu.memory_space<semaphore_mem>>
      %dma_start3A_58 = tpu.memref_slice %arg4[%add3A_16] : memref<320000xi32, #tpu.memory_space<hbm>> -> memref<80xi32, #tpu.memory_space<hbm>>
      %dma_start3A_59 = tpu.memref_slice %arg4[%add3A_16] : memref<320000xi32, #tpu.memory_space<hbm>> -> memref<80xi32, #tpu.memory_space<hbm>>
      tpu.enqueue_dma source(%dma_start3A_59 : memref<80xi32, #tpu.memory_space<hbm>>) target(%arg10 : memref<80xi32, #tpu.memory_space<vmem>>) target_semaphore(%run_scoped3A : memref<!tpu.dma_semaphore, #tpu.memory_space<semaphore_mem>>)
      %dma_wait3A_60 = tpu.memref_slice %arg4[%add3A_16] : memref<320000xi32, #tpu.memory_space<hbm>> -> memref<80xi32, #tpu.memory_space<hbm>>
      %dma_wait3A_61 = tpu.memref_slice %arg4[%add3A_16] : memref<320000xi32, #tpu.memory_space<hbm>> -> memref<80xi32, #tpu.memory_space<hbm>>
      tpu.wait_dma2 semaphore(%run_scoped3A : memref<!tpu.dma_semaphore, #tpu.memory_space<semaphore_mem>>) src(%dma_wait3A_61 : memref<80xi32, #tpu.memory_space<hbm>>) dst(%arg10 : memref<80xi32, #tpu.memory_space<vmem>>)
      tpu.yield
    }) : () -> ()
    %add3A_17 = arith.constant 80 : i32
    %add3A_18 = arith.addi %mul3A_12, %add3A_17 : i32
    "tpu.region"() ({
      %run_scoped3A = tpu.sem_alloc : memref<!tpu.dma_semaphore, #tpu.memory_space<semaphore_mem>>
      %dma_start3A_58 = tpu.memref_slice %arg3[%add3A_18] : memref<320000xi32, #tpu.memory_space<hbm>> -> memref<80xi32, #tpu.memory_space<hbm>>
      %dma_start3A_59 = tpu.memref_slice %arg3[%add3A_18] : memref<320000xi32, #tpu.memory_space<hbm>> -> memref<80xi32, #tpu.memory_space<hbm>>
      tpu.enqueue_dma source(%dma_start3A_59 : memref<80xi32, #tpu.memory_space<hbm>>) target(%arg9 : memref<80xi32, #tpu.memory_space<vmem>>) target_semaphore(%run_scoped3A : memref<!tpu.dma_semaphore, #tpu.memory_space<semaphore_mem>>)
      %dma_wait3A_60 = tpu.memref_slice %arg3[%add3A_18] : memref<320000xi32, #tpu.memory_space<hbm>> -> memref<80xi32, #tpu.memory_space<hbm>>
      %dma_wait3A_61 = tpu.memref_slice %arg3[%add3A_18] : memref<320000xi32, #tpu.memory_space<hbm>> -> memref<80xi32, #tpu.memory_space<hbm>>
      tpu.wait_dma2 semaphore(%run_scoped3A : memref<!tpu.dma_semaphore, #tpu.memory_space<semaphore_mem>>) src(%dma_wait3A_61 : memref<80xi32, #tpu.memory_space<hbm>>) dst(%arg9 : memref<80xi32, #tpu.memory_space<vmem>>)
      tpu.yield
    }) : () -> ()
    %add3A_19 = arith.constant 80 : i32
    %add3A_20 = arith.addi %mul3A_12, %add3A_19 : i32
    "tpu.region"() ({
      %run_scoped3A = tpu.sem_alloc : memref<!tpu.dma_semaphore, #tpu.memory_space<semaphore_mem>>
      %dma_start3A_58 = tpu.memref_slice %arg4[%add3A_20] : memref<320000xi32, #tpu.memory_space<hbm>> -> memref<80xi32, #tpu.memory_space<hbm>>
      %dma_start3A_59 = tpu.memref_slice %arg4[%add3A_20] : memref<320000xi32, #tpu.memory_space<hbm>> -> memref<80xi32, #tpu.memory_space<hbm>>
      tpu.enqueue_dma source(%dma_start3A_59 : memref<80xi32, #tpu.memory_space<hbm>>) target(%arg11 : memref<80xi32, #tpu.memory_space<vmem>>) target_semaphore(%run_scoped3A : memref<!tpu.dma_semaphore, #tpu.memory_space<semaphore_mem>>)
      %dma_wait3A_60 = tpu.memref_slice %arg4[%add3A_20] : memref<320000xi32, #tpu.memory_space<hbm>> -> memref<80xi32, #tpu.memory_space<hbm>>
      %dma_wait3A_61 = tpu.memref_slice %arg4[%add3A_20] : memref<320000xi32, #tpu.memory_space<hbm>> -> memref<80xi32, #tpu.memory_space<hbm>>
      tpu.wait_dma2 semaphore(%run_scoped3A : memref<!tpu.dma_semaphore, #tpu.memory_space<semaphore_mem>>) src(%dma_wait3A_61 : memref<80xi32, #tpu.memory_space<hbm>>) dst(%arg11 : memref<80xi32, #tpu.memory_space<vmem>>)
      tpu.yield
    }) : () -> ()
    %dma_start3A = arith.constant 0 : i32
    %dma_start3A_21 = arith.constant 0 : i32
    %dma_start3A_22 = tpu.memref_slice %arg2[%dma_start3A, %dma_start3A_21] : memref<10000x128xf32, #tpu.memory_space<hbm>> -> memref<10000x128xf32, #tpu.memory_space<hbm>>
    tpu.enqueue_indirect_dma source(%dma_start3A_22 : memref<10000x128xf32, #tpu.memory_space<hbm>>) target(%arg12 : memref<80x128xf32, #tpu.memory_space<vmem>>) offsets(%arg8 : memref<80xi32, #tpu.memory_space<vmem>>) semaphore(%arg16 : memref<!tpu.dma_semaphore, #tpu.memory_space<semaphore_mem>>)
    %dma_start3A_23 = arith.constant 0 : i32
    %dma_start3A_24 = arith.constant 0 : i32
    %dma_start3A_25 = tpu.memref_slice %arg2[%dma_start3A_23, %dma_start3A_24] : memref<10000x128xf32, #tpu.memory_space<hbm>> -> memref<10000x128xf32, #tpu.memory_space<hbm>>
    tpu.enqueue_indirect_dma source(%dma_start3A_25 : memref<10000x128xf32, #tpu.memory_space<hbm>>) target(%arg13 : memref<80x128xf32, #tpu.memory_space<vmem>>) offsets(%arg9 : memref<80xi32, #tpu.memory_space<vmem>>) semaphore(%arg17 : memref<!tpu.dma_semaphore, #tpu.memory_space<semaphore_mem>>)
    %scan3A_26 = arith.constant 0 : i32
    %scan3A_27 = arith.constant 62 : i32
    %scan3A_28 = arith.addi %scan3A_26, %scan3A_27 : i32
    %scan3A_29 = arith.constant 1 : i32
    scf.for %scan3A_58 = %scan3A_26 to %scan3A_28 step %scan3A_29  : i32 {
      %mul3A_59 = arith.constant 1 : i32
      %mul3A_60 = arith.muli %scan3A_58, %mul3A_59 : i32
      %add3A_61 = arith.constant 0 : i32
      %add3A_62 = arith.addi %add3A_61, %mul3A_60 : i32
      %mul3A_63 = arith.constant 2 : i32
      %mul3A_64 = arith.muli %mul3A_63, %add3A_62 : i32
      %dma_wait3A_65 = arith.constant 0 : i32
      %dma_wait3A_66 = arith.constant 0 : i32
      %dma_wait3A_67 = tpu.memref_slice %arg2[%dma_wait3A_65, %dma_wait3A_66] : memref<10000x128xf32, #tpu.memory_space<hbm>> -> memref<10000x128xf32, #tpu.memory_space<hbm>>
      tpu.wait_indirect_dma semaphore(%arg16 : memref<!tpu.dma_semaphore, #tpu.memory_space<semaphore_mem>>) src(%dma_wait3A_67 : memref<10000x128xf32, #tpu.memory_space<hbm>>) dst(%arg12 : memref<80x128xf32, #tpu.memory_space<vmem>>)
      %add3A_68 = arith.constant 2 : i32
      %add3A_69 = arith.addi %mul3A_64, %add3A_68 : i32
      %le3A = arith.constant 124 : i32
      %le3A_70 = arith.cmpi sle, %add3A_69, %le3A : i32
      %convert_element_type3A = arith.extui %le3A_70 : i1 to i32
      %cond3A = arith.constant 0 : i32
      %cond3A_71 = arith.cmpi ne, %convert_element_type3A, %cond3A : i32
      scf.if %cond3A_71 {
        %add3A_141 = arith.constant 2 : i32
        %add3A_142 = arith.addi %mul3A_64, %add3A_141 : i32
        %mul3A_143 = arith.constant 80 : i32
        %mul3A_144 = arith.muli %add3A_142, %mul3A_143 : i32
        %add3A_145 = arith.addi %mul3A_12, %mul3A_144 : i32
        %dma_start3A_146 = tpu.memref_slice %arg3[%add3A_145] : memref<320000xi32, #tpu.memory_space<hbm>> -> memref<80xi32, #tpu.memory_space<hbm>>
        %dma_start3A_147 = tpu.memref_slice %arg3[%add3A_145] : memref<320000xi32, #tpu.memory_space<hbm>> -> memref<80xi32, #tpu.memory_space<hbm>>
        tpu.enqueue_dma source(%dma_start3A_147 : memref<80xi32, #tpu.memory_space<hbm>>) target(%arg8 : memref<80xi32, #tpu.memory_space<vmem>>) target_semaphore(%arg20 : memref<!tpu.dma_semaphore, #tpu.memory_space<semaphore_mem>>)
      } else {
      }
      %ge3A = arith.constant 2 : i32
      %ge3A_72 = arith.cmpi sge, %mul3A_64, %ge3A : i32
      %convert_element_type3A_73 = arith.extui %ge3A_72 : i1 to i32
      %cond3A_74 = arith.constant 0 : i32
      %cond3A_75 = arith.cmpi ne, %convert_element_type3A_73, %cond3A_74 : i32
      scf.if %cond3A_75 {
        %mul3A_141 = arith.constant 80 : i32
        %mul3A_142 = arith.muli %mul3A_64, %mul3A_141 : i32
        %add3A_143 = arith.addi %mul3A_12, %mul3A_142 : i32
        %dma_wait3A_144 = tpu.memref_slice %arg4[%add3A_143] : memref<320000xi32, #tpu.memory_space<hbm>> -> memref<80xi32, #tpu.memory_space<hbm>>
        %dma_wait3A_145 = tpu.memref_slice %arg4[%add3A_143] : memref<320000xi32, #tpu.memory_space<hbm>> -> memref<80xi32, #tpu.memory_space<hbm>>
        tpu.wait_dma2 semaphore(%arg22 : memref<!tpu.dma_semaphore, #tpu.memory_space<semaphore_mem>>) src(%dma_wait3A_145 : memref<80xi32, #tpu.memory_space<hbm>>) dst(%arg10 : memref<80xi32, #tpu.memory_space<vmem>>)
      } else {
      }
      %dma_start3A_76 = arith.constant 0 : i32
      %dma_start3A_77 = arith.constant 0 : i32
      %dma_start3A_78 = tpu.memref_slice %arg15[%dma_start3A_76, %dma_start3A_77] : memref<10000x128xf32, #tpu.memory_space<vmem_shared>> -> memref<10000x128xf32, #tpu.memory_space<vmem_shared>>
      tpu.enqueue_indirect_dma source(%arg12 : memref<80x128xf32, #tpu.memory_space<vmem>>) target(%dma_start3A_78 : memref<10000x128xf32, #tpu.memory_space<vmem_shared>>) offsets(%arg10 : memref<80xi32, #tpu.memory_space<vmem>>) semaphore(%arg18 : memref<!tpu.dma_semaphore, #tpu.memory_space<semaphore_mem>>) {add = true}
      %get3A_79 = arith.constant 0 : index
      %get3A_80 = tpu.vector_load %arg10[%get3A_79] {strides = array<i32>} : memref<80xi32, #tpu.memory_space<vmem>>, vector<16xi32>,
      tpu.vector_store_idx %arg14[%get3A_80], %broadcast_in_dim3A_10 {add = true} : memref<10000xf32, #tpu.memory_space<vmem>>[vector<16xi32>], vector<16xf32>,
      %get3A_81 = arith.constant 16 : index
      %get3A_82 = tpu.vector_load %arg10[%get3A_81] {strides = array<i32>} : memref<80xi32, #tpu.memory_space<vmem>>, vector<16xi32>,
      tpu.vector_store_idx %arg14[%get3A_82], %broadcast_in_dim3A_10 {add = true} : memref<10000xf32, #tpu.memory_space<vmem>>[vector<16xi32>], vector<16xf32>,
      %get3A_83 = arith.constant 32 : index
      %get3A_84 = tpu.vector_load %arg10[%get3A_83] {strides = array<i32>} : memref<80xi32, #tpu.memory_space<vmem>>, vector<16xi32>,
      tpu.vector_store_idx %arg14[%get3A_84], %broadcast_in_dim3A_10 {add = true} : memref<10000xf32, #tpu.memory_space<vmem>>[vector<16xi32>], vector<16xf32>,
      %get3A_85 = arith.constant 48 : index
      %get3A_86 = tpu.vector_load %arg10[%get3A_85] {strides = array<i32>} : memref<80xi32, #tpu.memory_space<vmem>>, vector<16xi32>,
      tpu.vector_store_idx %arg14[%get3A_86], %broadcast_in_dim3A_10 {add = true} : memref<10000xf32, #tpu.memory_space<vmem>>[vector<16xi32>], vector<16xf32>,
      %get3A_87 = arith.constant 64 : index
      %get3A_88 = tpu.vector_load %arg10[%get3A_87] {strides = array<i32>} : memref<80xi32, #tpu.memory_space<vmem>>, vector<16xi32>,
      tpu.vector_store_idx %arg14[%get3A_88], %broadcast_in_dim3A_10 {add = true} : memref<10000xf32, #tpu.memory_space<vmem>>[vector<16xi32>], vector<16xf32>,
      %dma_wait3A_89 = arith.constant 0 : i32
      %dma_wait3A_90 = arith.constant 0 : i32
      %dma_wait3A_91 = tpu.memref_slice %arg15[%dma_wait3A_89, %dma_wait3A_90] : memref<10000x128xf32, #tpu.memory_space<vmem_shared>> -> memref<10000x128xf32, #tpu.memory_space<vmem_shared>>
      tpu.wait_indirect_dma semaphore(%arg18 : memref<!tpu.dma_semaphore, #tpu.memory_space<semaphore_mem>>) src(%arg12 : memref<80x128xf32, #tpu.memory_space<vmem>>) dst(%dma_wait3A_91 : memref<10000x128xf32, #tpu.memory_space<vmem_shared>>)
      %add3A_92 = arith.constant 2 : i32
      %add3A_93 = arith.addi %mul3A_64, %add3A_92 : i32
      %le3A_94 = arith.constant 124 : i32
      %le3A_95 = arith.cmpi sle, %add3A_93, %le3A_94 : i32
      %convert_element_type3A_96 = arith.extui %le3A_95 : i1 to i32
      %cond3A_97 = arith.constant 0 : i32
      %cond3A_98 = arith.cmpi ne, %convert_element_type3A_96, %cond3A_97 : i32
      scf.if %cond3A_98 {
        %add3A_141 = arith.constant 2 : i32
        %add3A_142 = arith.addi %mul3A_64, %add3A_141 : i32
        %mul3A_143 = arith.constant 80 : i32
        %mul3A_144 = arith.muli %add3A_142, %mul3A_143 : i32
        %add3A_145 = arith.addi %mul3A_12, %mul3A_144 : i32
        %dma_start3A_146 = tpu.memref_slice %arg4[%add3A_145] : memref<320000xi32, #tpu.memory_space<hbm>> -> memref<80xi32, #tpu.memory_space<hbm>>
        %dma_start3A_147 = tpu.memref_slice %arg4[%add3A_145] : memref<320000xi32, #tpu.memory_space<hbm>> -> memref<80xi32, #tpu.memory_space<hbm>>
        tpu.enqueue_dma source(%dma_start3A_147 : memref<80xi32, #tpu.memory_space<hbm>>) target(%arg10 : memref<80xi32, #tpu.memory_space<vmem>>) target_semaphore(%arg22 : memref<!tpu.dma_semaphore, #tpu.memory_space<semaphore_mem>>)
        %add3A_148 = arith.constant 2 : i32
        %add3A_149 = arith.addi %mul3A_64, %add3A_148 : i32
        %mul3A_150 = arith.constant 80 : i32
        %mul3A_151 = arith.muli %add3A_149, %mul3A_150 : i32
        %add3A_152 = arith.addi %mul3A_12, %mul3A_151 : i32
        %dma_wait3A_153 = tpu.memref_slice %arg3[%add3A_152] : memref<320000xi32, #tpu.memory_space<hbm>> -> memref<80xi32, #tpu.memory_space<hbm>>
        %dma_wait3A_154 = tpu.memref_slice %arg3[%add3A_152] : memref<320000xi32, #tpu.memory_space<hbm>> -> memref<80xi32, #tpu.memory_space<hbm>>
        tpu.wait_dma2 semaphore(%arg20 : memref<!tpu.dma_semaphore, #tpu.memory_space<semaphore_mem>>) src(%dma_wait3A_154 : memref<80xi32, #tpu.memory_space<hbm>>) dst(%arg8 : memref<80xi32, #tpu.memory_space<vmem>>)
        %dma_start3A_155 = arith.constant 0 : i32
        %dma_start3A_156 = arith.constant 0 : i32
        %dma_start3A_157 = tpu.memref_slice %arg2[%dma_start3A_155, %dma_start3A_156] : memref<10000x128xf32, #tpu.memory_space<hbm>> -> memref<10000x128xf32, #tpu.memory_space<hbm>>
        tpu.enqueue_indirect_dma source(%dma_start3A_157 : memref<10000x128xf32, #tpu.memory_space<hbm>>) target(%arg12 : memref<80x128xf32, #tpu.memory_space<vmem>>) offsets(%arg8 : memref<80xi32, #tpu.memory_space<vmem>>) semaphore(%arg16 : memref<!tpu.dma_semaphore, #tpu.memory_space<semaphore_mem>>)
      } else {
      }
      %mul3A_99 = arith.constant 2 : i32
      %mul3A_100 = arith.muli %mul3A_99, %add3A_62 : i32
      %add3A_101 = arith.constant 1 : i32
      %add3A_102 = arith.addi %mul3A_100, %add3A_101 : i32
      %dma_wait3A_103 = arith.constant 0 : i32
      %dma_wait3A_104 = arith.constant 0 : i32
      %dma_wait3A_105 = tpu.memref_slice %arg2[%dma_wait3A_103, %dma_wait3A_104] : memref<10000x128xf32, #tpu.memory_space<hbm>> -> memref<10000x128xf32, #tpu.memory_space<hbm>>
      tpu.wait_indirect_dma semaphore(%arg17 : memref<!tpu.dma_semaphore, #tpu.memory_space<semaphore_mem>>) src(%dma_wait3A_105 : memref<10000x128xf32, #tpu.memory_space<hbm>>) dst(%arg13 : memref<80x128xf32, #tpu.memory_space<vmem>>)
      %add3A_106 = arith.constant 2 : i32
      %add3A_107 = arith.addi %add3A_102, %add3A_106 : i32
      %le3A_108 = arith.constant 124 : i32
      %le3A_109 = arith.cmpi sle, %add3A_107, %le3A_108 : i32
      %convert_element_type3A_110 = arith.extui %le3A_109 : i1 to i32
      %cond3A_111 = arith.constant 0 : i32
      %cond3A_112 = arith.cmpi ne, %convert_element_type3A_110, %cond3A_111 : i32
      scf.if %cond3A_112 {
        %add3A_141 = arith.constant 2 : i32
        %add3A_142 = arith.addi %add3A_102, %add3A_141 : i32
        %mul3A_143 = arith.constant 80 : i32
        %mul3A_144 = arith.muli %add3A_142, %mul3A_143 : i32
        %add3A_145 = arith.addi %mul3A_12, %mul3A_144 : i32
        %dma_start3A_146 = tpu.memref_slice %arg3[%add3A_145] : memref<320000xi32, #tpu.memory_space<hbm>> -> memref<80xi32, #tpu.memory_space<hbm>>
        %dma_start3A_147 = tpu.memref_slice %arg3[%add3A_145] : memref<320000xi32, #tpu.memory_space<hbm>> -> memref<80xi32, #tpu.memory_space<hbm>>
        tpu.enqueue_dma source(%dma_start3A_147 : memref<80xi32, #tpu.memory_space<hbm>>) target(%arg9 : memref<80xi32, #tpu.memory_space<vmem>>) target_semaphore(%arg21 : memref<!tpu.dma_semaphore, #tpu.memory_space<semaphore_mem>>)
      } else {
      }
      %ge3A_113 = arith.constant 2 : i32
      %ge3A_114 = arith.cmpi sge, %add3A_102, %ge3A_113 : i32
      %convert_element_type3A_115 = arith.extui %ge3A_114 : i1 to i32
      %cond3A_116 = arith.constant 0 : i32
      %cond3A_117 = arith.cmpi ne, %convert_element_type3A_115, %cond3A_116 : i32
      scf.if %cond3A_117 {
        %mul3A_141 = arith.constant 80 : i32
        %mul3A_142 = arith.muli %add3A_102, %mul3A_141 : i32
        %add3A_143 = arith.addi %mul3A_12, %mul3A_142 : i32
        %dma_wait3A_144 = tpu.memref_slice %arg4[%add3A_143] : memref<320000xi32, #tpu.memory_space<hbm>> -> memref<80xi32, #tpu.memory_space<hbm>>
        %dma_wait3A_145 = tpu.memref_slice %arg4[%add3A_143] : memref<320000xi32, #tpu.memory_space<hbm>> -> memref<80xi32, #tpu.memory_space<hbm>>
        tpu.wait_dma2 semaphore(%arg23 : memref<!tpu.dma_semaphore, #tpu.memory_space<semaphore_mem>>) src(%dma_wait3A_145 : memref<80xi32, #tpu.memory_space<hbm>>) dst(%arg11 : memref<80xi32, #tpu.memory_space<vmem>>)
      } else {
      }
      %dma_start3A_118 = arith.constant 0 : i32
      %dma_start3A_119 = arith.constant 0 : i32
      %dma_start3A_120 = tpu.memref_slice %arg15[%dma_start3A_118, %dma_start3A_119] : memref<10000x128xf32, #tpu.memory_space<vmem_shared>> -> memref<10000x128xf32, #tpu.memory_space<vmem_shared>>
      tpu.enqueue_indirect_dma source(%arg13 : memref<80x128xf32, #tpu.memory_space<vmem>>) target(%dma_start3A_120 : memref<10000x128xf32, #tpu.memory_space<vmem_shared>>) offsets(%arg11 : memref<80xi32, #tpu.memory_space<vmem>>) semaphore(%arg19 : memref<!tpu.dma_semaphore, #tpu.memory_space<semaphore_mem>>) {add = true}
      %get3A_121 = arith.constant 0 : index
      %get3A_122 = tpu.vector_load %arg11[%get3A_121] {strides = array<i32>} : memref<80xi32, #tpu.memory_space<vmem>>, vector<16xi32>,
      tpu.vector_store_idx %arg14[%get3A_122], %broadcast_in_dim3A_10 {add = true} : memref<10000xf32, #tpu.memory_space<vmem>>[vector<16xi32>], vector<16xf32>,
      %get3A_123 = arith.constant 16 : index
      %get3A_124 = tpu.vector_load %arg11[%get3A_123] {strides = array<i32>} : memref<80xi32, #tpu.memory_space<vmem>>, vector<16xi32>,
      tpu.vector_store_idx %arg14[%get3A_124], %broadcast_in_dim3A_10 {add = true} : memref<10000xf32, #tpu.memory_space<vmem>>[vector<16xi32>], vector<16xf32>,
      %get3A_125 = arith.constant 32 : index
      %get3A_126 = tpu.vector_load %arg11[%get3A_125] {strides = array<i32>} : memref<80xi32, #tpu.memory_space<vmem>>, vector<16xi32>,
      tpu.vector_store_idx %arg14[%get3A_126], %broadcast_in_dim3A_10 {add = true} : memref<10000xf32, #tpu.memory_space<vmem>>[vector<16xi32>], vector<16xf32>,
      %get3A_127 = arith.constant 48 : index
      %get3A_128 = tpu.vector_load %arg11[%get3A_127] {strides = array<i32>} : memref<80xi32, #tpu.memory_space<vmem>>, vector<16xi32>,
      tpu.vector_store_idx %arg14[%get3A_128], %broadcast_in_dim3A_10 {add = true} : memref<10000xf32, #tpu.memory_space<vmem>>[vector<16xi32>], vector<16xf32>,
      %get3A_129 = arith.constant 64 : index
      %get3A_130 = tpu.vector_load %arg11[%get3A_129] {strides = array<i32>} : memref<80xi32, #tpu.memory_space<vmem>>, vector<16xi32>,
      tpu.vector_store_idx %arg14[%get3A_130], %broadcast_in_dim3A_10 {add = true} : memref<10000xf32, #tpu.memory_space<vmem>>[vector<16xi32>], vector<16xf32>,
      %dma_wait3A_131 = arith.constant 0 : i32
      %dma_wait3A_132 = arith.constant 0 : i32
      %dma_wait3A_133 = tpu.memref_slice %arg15[%dma_wait3A_131, %dma_wait3A_132] : memref<10000x128xf32, #tpu.memory_space<vmem_shared>> -> memref<10000x128xf32, #tpu.memory_space<vmem_shared>>
      tpu.wait_indirect_dma semaphore(%arg19 : memref<!tpu.dma_semaphore, #tpu.memory_space<semaphore_mem>>) src(%arg13 : memref<80x128xf32, #tpu.memory_space<vmem>>) dst(%dma_wait3A_133 : memref<10000x128xf32, #tpu.memory_space<vmem_shared>>)
      %add3A_134 = arith.constant 2 : i32
      %add3A_135 = arith.addi %add3A_102, %add3A_134 : i32
      %le3A_136 = arith.constant 124 : i32
      %le3A_137 = arith.cmpi sle, %add3A_135, %le3A_136 : i32
      %convert_element_type3A_138 = arith.extui %le3A_137 : i1 to i32
      %cond3A_139 = arith.constant 0 : i32
      %cond3A_140 = arith.cmpi ne, %convert_element_type3A_138, %cond3A_139 : i32
      scf.if %cond3A_140 {
        %add3A_141 = arith.constant 2 : i32
        %add3A_142 = arith.addi %add3A_102, %add3A_141 : i32
        %mul3A_143 = arith.constant 80 : i32
        %mul3A_144 = arith.muli %add3A_142, %mul3A_143 : i32
        %add3A_145 = arith.addi %mul3A_12, %mul3A_144 : i32
        %dma_start3A_146 = tpu.memref_slice %arg4[%add3A_145] : memref<320000xi32, #tpu.memory_space<hbm>> -> memref<80xi32, #tpu.memory_space<hbm>>
        %dma_start3A_147 = tpu.memref_slice %arg4[%add3A_145] : memref<320000xi32, #tpu.memory_space<hbm>> -> memref<80xi32, #tpu.memory_space<hbm>>
        tpu.enqueue_dma source(%dma_start3A_147 : memref<80xi32, #tpu.memory_space<hbm>>) target(%arg11 : memref<80xi32, #tpu.memory_space<vmem>>) target_semaphore(%arg23 : memref<!tpu.dma_semaphore, #tpu.memory_space<semaphore_mem>>)
        %add3A_148 = arith.constant 2 : i32
        %add3A_149 = arith.addi %add3A_102, %add3A_148 : i32
        %mul3A_150 = arith.constant 80 : i32
        %mul3A_151 = arith.muli %add3A_149, %mul3A_150 : i32
        %add3A_152 = arith.addi %mul3A_12, %mul3A_151 : i32
        %dma_wait3A_153 = tpu.memref_slice %arg3[%add3A_152] : memref<320000xi32, #tpu.memory_space<hbm>> -> memref<80xi32, #tpu.memory_space<hbm>>
        %dma_wait3A_154 = tpu.memref_slice %arg3[%add3A_152] : memref<320000xi32, #tpu.memory_space<hbm>> -> memref<80xi32, #tpu.memory_space<hbm>>
        tpu.wait_dma2 semaphore(%arg21 : memref<!tpu.dma_semaphore, #tpu.memory_space<semaphore_mem>>) src(%dma_wait3A_154 : memref<80xi32, #tpu.memory_space<hbm>>) dst(%arg9 : memref<80xi32, #tpu.memory_space<vmem>>)
        %dma_start3A_155 = arith.constant 0 : i32
        %dma_start3A_156 = arith.constant 0 : i32
        %dma_start3A_157 = tpu.memref_slice %arg2[%dma_start3A_155, %dma_start3A_156] : memref<10000x128xf32, #tpu.memory_space<hbm>> -> memref<10000x128xf32, #tpu.memory_space<hbm>>
        tpu.enqueue_indirect_dma source(%dma_start3A_157 : memref<10000x128xf32, #tpu.memory_space<hbm>>) target(%arg13 : memref<80x128xf32, #tpu.memory_space<vmem>>) offsets(%arg9 : memref<80xi32, #tpu.memory_space<vmem>>) semaphore(%arg17 : memref<!tpu.dma_semaphore, #tpu.memory_space<semaphore_mem>>)
      } else {
      }
    }
    %scan3A_30 = arith.constant 62 : i32
    %dma_wait3A = arith.constant 0 : i32
    %dma_wait3A_31 = arith.constant 0 : i32
    %dma_wait3A_32 = tpu.memref_slice %arg2[%dma_wait3A, %dma_wait3A_31] : memref<10000x128xf32, #tpu.memory_space<hbm>> -> memref<10000x128xf32, #tpu.memory_space<hbm>>
    tpu.wait_indirect_dma semaphore(%arg16 : memref<!tpu.dma_semaphore, #tpu.memory_space<semaphore_mem>>) src(%dma_wait3A_32 : memref<10000x128xf32, #tpu.memory_space<hbm>>) dst(%arg12 : memref<80x128xf32, #tpu.memory_space<vmem>>)
    %add3A_33 = arith.constant 9920 : i32
    %add3A_34 = arith.addi %mul3A_12, %add3A_33 : i32
    %dma_wait3A_35 = tpu.memref_slice %arg4[%add3A_34] : memref<320000xi32, #tpu.memory_space<hbm>> -> memref<80xi32, #tpu.memory_space<hbm>>
    %dma_wait3A_36 = tpu.memref_slice %arg4[%add3A_34] : memref<320000xi32, #tpu.memory_space<hbm>> -> memref<80xi32, #tpu.memory_space<hbm>>
    tpu.wait_dma2 semaphore(%arg22 : memref<!tpu.dma_semaphore, #tpu.memory_space<semaphore_mem>>) src(%dma_wait3A_36 : memref<80xi32, #tpu.memory_space<hbm>>) dst(%arg10 : memref<80xi32, #tpu.memory_space<vmem>>)
    %dma_start3A_37 = arith.constant 0 : i32
    %dma_start3A_38 = arith.constant 0 : i32
    %dma_start3A_39 = tpu.memref_slice %arg15[%dma_start3A_37, %dma_start3A_38] : memref<10000x128xf32, #tpu.memory_space<vmem_shared>> -> memref<10000x128xf32, #tpu.memory_space<vmem_shared>>
    tpu.enqueue_indirect_dma source(%arg12 : memref<80x128xf32, #tpu.memory_space<vmem>>) target(%dma_start3A_39 : memref<10000x128xf32, #tpu.memory_space<vmem_shared>>) offsets(%arg10 : memref<80xi32, #tpu.memory_space<vmem>>) semaphore(%arg18 : memref<!tpu.dma_semaphore, #tpu.memory_space<semaphore_mem>>) {add = true}
    %get3A = arith.constant 0 : index
    %get3A_40 = tpu.vector_load %arg10[%get3A] {strides = array<i32>} : memref<80xi32, #tpu.memory_space<vmem>>, vector<16xi32>,
    tpu.vector_store_idx %arg14[%get3A_40], %broadcast_in_dim3A_10 {add = true} : memref<10000xf32, #tpu.memory_space<vmem>>[vector<16xi32>], vector<16xf32>,
    %get3A_41 = arith.constant 16 : index
    %get3A_42 = tpu.vector_load %arg10[%get3A_41] {strides = array<i32>} : memref<80xi32, #tpu.memory_space<vmem>>, vector<16xi32>,
    tpu.vector_store_idx %arg14[%get3A_42], %broadcast_in_dim3A_10 {add = true} : memref<10000xf32, #tpu.memory_space<vmem>>[vector<16xi32>], vector<16xf32>,
    %get3A_43 = arith.constant 32 : index
    %get3A_44 = tpu.vector_load %arg10[%get3A_43] {strides = array<i32>} : memref<80xi32, #tpu.memory_space<vmem>>, vector<16xi32>,
    tpu.vector_store_idx %arg14[%get3A_44], %broadcast_in_dim3A_10 {add = true} : memref<10000xf32, #tpu.memory_space<vmem>>[vector<16xi32>], vector<16xf32>,
    %get3A_45 = arith.constant 48 : index
    %get3A_46 = tpu.vector_load %arg10[%get3A_45] {strides = array<i32>} : memref<80xi32, #tpu.memory_space<vmem>>, vector<16xi32>,
    tpu.vector_store_idx %arg14[%get3A_46], %broadcast_in_dim3A_10 {add = true} : memref<10000xf32, #tpu.memory_space<vmem>>[vector<16xi32>], vector<16xf32>,
    %get3A_47 = arith.constant 64 : index
    %get3A_48 = tpu.vector_load %arg10[%get3A_47] {strides = array<i32>} : memref<80xi32, #tpu.memory_space<vmem>>, vector<16xi32>,
    tpu.vector_store_idx %arg14[%get3A_48], %broadcast_in_dim3A_10 {add = true} : memref<10000xf32, #tpu.memory_space<vmem>>[vector<16xi32>], vector<16xf32>,
    %dma_wait3A_49 = arith.constant 0 : i32
    %dma_wait3A_50 = arith.constant 0 : i32
    %dma_wait3A_51 = tpu.memref_slice %arg15[%dma_wait3A_49, %dma_wait3A_50] : memref<10000x128xf32, #tpu.memory_space<vmem_shared>> -> memref<10000x128xf32, #tpu.memory_space<vmem_shared>>
    tpu.wait_indirect_dma semaphore(%arg18 : memref<!tpu.dma_semaphore, #tpu.memory_space<semaphore_mem>>) src(%arg12 : memref<80x128xf32, #tpu.memory_space<vmem>>) dst(%dma_wait3A_51 : memref<10000x128xf32, #tpu.memory_space<vmem_shared>>)
    %barrier3A_52 = arith.constant 0 : index
    tpu.barrier barrier_id(%barrier3A_52)
    %scan3A_53 = arith.constant 0 : i32
    %scan3A_54 = arith.constant 125 : i32
    %scan3A_55 = arith.addi %scan3A_53, %scan3A_54 : i32
    %scan3A_56 = arith.constant 1 : i32
    scf.for %scan3A_58 = %scan3A_53 to %scan3A_55 step %scan3A_56  : i32 {
      %mul3A_59 = arith.constant 1 : i32
      %mul3A_60 = arith.muli %scan3A_58, %mul3A_59 : i32
      %add3A_61 = arith.constant 0 : i32
      %add3A_62 = arith.addi %add3A_61, %mul3A_60 : i32
      %rem3A = arith.constant 16 : i32
      %rem3A_63 = arith.remsi %add3A_62, %rem3A : i32
      %eq3A = arith.cmpi eq, %rem3A_63, %arg1 : i32
      %convert_element_type3A = arith.extui %eq3A : i1 to i32
      %cond3A = arith.constant 0 : i32
      %cond3A_64 = arith.cmpi ne, %convert_element_type3A, %cond3A : i32
      scf.if %cond3A_64 {
        %mul3A_65 = arith.constant 80 : i32
        %mul3A_66 = arith.muli %add3A_62, %mul3A_65 : i32
        %mul3A_67 = arith.constant 80 : i32
        %mul3A_68 = arith.muli %add3A_62, %mul3A_67 : i32
        "tpu.region"() ({
          %run_scoped3A = tpu.sem_alloc : memref<!tpu.dma_semaphore, #tpu.memory_space<semaphore_mem>>
          %dma_start3A_69 = arith.constant 0 : i32
          %dma_start3A_70 = tpu.memref_slice %arg6[%arg0, %mul3A_68, %dma_start3A_69] : memref<2x10000x128xf32, #tpu.memory_space<hbm>> -> memref<1x80x128xf32, #tpu.memory_space<hbm>>
          %dma_start3A_71 = tpu.memref_squeeze %dma_start3A_70 : memref<1x80x128xf32, #tpu.memory_space<hbm>> -> memref<80x128xf32, #tpu.memory_space<hbm>>
          %dma_start3A_72 = arith.constant 0 : i32
          %dma_start3A_73 = tpu.memref_slice %arg15[%mul3A_66, %dma_start3A_72] : memref<10000x128xf32, #tpu.memory_space<vmem_shared>> -> memref<80x128xf32, #tpu.memory_space<vmem_shared>>
          tpu.enqueue_dma source(%dma_start3A_73 : memref<80x128xf32, #tpu.memory_space<vmem_shared>>) target(%dma_start3A_71 : memref<80x128xf32, #tpu.memory_space<hbm>>) target_semaphore(%run_scoped3A : memref<!tpu.dma_semaphore, #tpu.memory_space<semaphore_mem>>)
          %dma_wait3A_74 = arith.constant 0 : i32
          %dma_wait3A_75 = tpu.memref_slice %arg6[%arg0, %mul3A_68, %dma_wait3A_74] : memref<2x10000x128xf32, #tpu.memory_space<hbm>> -> memref<1x80x128xf32, #tpu.memory_space<hbm>>
          %dma_wait3A_76 = tpu.memref_squeeze %dma_wait3A_75 : memref<1x80x128xf32, #tpu.memory_space<hbm>> -> memref<80x128xf32, #tpu.memory_space<hbm>>
          %dma_wait3A_77 = arith.constant 0 : i32
          %dma_wait3A_78 = tpu.memref_slice %arg15[%mul3A_66, %dma_wait3A_77] : memref<10000x128xf32, #tpu.memory_space<vmem_shared>> -> memref<80x128xf32, #tpu.memory_space<vmem_shared>>
          tpu.wait_dma2 semaphore(%run_scoped3A : memref<!tpu.dma_semaphore, #tpu.memory_space<semaphore_mem>>) src(%dma_wait3A_78 : memref<80x128xf32, #tpu.memory_space<vmem_shared>>) dst(%dma_wait3A_76 : memref<80x128xf32, #tpu.memory_space<hbm>>)
          tpu.yield
        }) : () -> ()
      } else {
      }
    }
    %scan3A_57 = arith.constant 125 : i32
    "tpu.region"() ({
      %run_scoped3A = tpu.sem_alloc : memref<!tpu.dma_semaphore, #tpu.memory_space<semaphore_mem>>
      %dma_start3A_58 = arith.constant 0 : i32
      %dma_start3A_59 = tpu.memref_slice %arg7[%add3A, %dma_start3A_58] : memref<32x10000xf32, #tpu.memory_space<hbm>> -> memref<1x10000xf32, #tpu.memory_space<hbm>>
      %dma_start3A_60 = tpu.memref_squeeze %dma_start3A_59 : memref<1x10000xf32, #tpu.memory_space<hbm>> -> memref<10000xf32, #tpu.memory_space<hbm>>
      %dma_start3A_61 = arith.constant 0 : i32
      %dma_start3A_62 = tpu.memref_slice %arg7[%add3A, %dma_start3A_61] : memref<32x10000xf32, #tpu.memory_space<hbm>> -> memref<1x10000xf32, #tpu.memory_space<hbm>>
      %dma_start3A_63 = tpu.memref_squeeze %dma_start3A_62 : memref<1x10000xf32, #tpu.memory_space<hbm>> -> memref<10000xf32, #tpu.memory_space<hbm>>
      tpu.enqueue_dma source(%arg14 : memref<10000xf32, #tpu.memory_space<vmem>>) target(%dma_start3A_63 : memref<10000xf32, #tpu.memory_space<hbm>>) target_semaphore(%run_scoped3A : memref<!tpu.dma_semaphore, #tpu.memory_space<semaphore_mem>>)
      %dma_wait3A_64 = arith.constant 0 : i32
      %dma_wait3A_65 = tpu.memref_slice %arg7[%add3A, %dma_wait3A_64] : memref<32x10000xf32, #tpu.memory_space<hbm>> -> memref<1x10000xf32, #tpu.memory_space<hbm>>
      %dma_wait3A_66 = tpu.memref_squeeze %dma_wait3A_65 : memref<1x10000xf32, #tpu.memory_space<hbm>> -> memref<10000xf32, #tpu.memory_space<hbm>>
      %dma_wait3A_67 = arith.constant 0 : i32
      %dma_wait3A_68 = tpu.memref_slice %arg7[%add3A, %dma_wait3A_67] : memref<32x10000xf32, #tpu.memory_space<hbm>> -> memref<1x10000xf32, #tpu.memory_space<hbm>>
      %dma_wait3A_69 = tpu.memref_squeeze %dma_wait3A_68 : memref<1x10000xf32, #tpu.memory_space<hbm>> -> memref<10000xf32, #tpu.memory_space<hbm>>
      tpu.wait_dma2 semaphore(%run_scoped3A : memref<!tpu.dma_semaphore, #tpu.memory_space<semaphore_mem>>) src(%arg14 : memref<10000xf32, #tpu.memory_space<vmem>>) dst(%dma_wait3A_69 : memref<10000xf32, #tpu.memory_space<hbm>>)
      tpu.yield
    }) : () -> ()
    return
  }
}

#map = affine_map<(d0, d1) -> (0, 0)>
#map1 = affine_map<(d0, d1) -> (0)>
module attributes {stable_mosaic.version = 14 : i64} {
  func.func @k(%arg0: i32, %arg1: i32, %arg2: memref<10000x128xf32, #tpu.memory_space<hbm>>, %arg3: memref<166400xi32, #tpu.memory_space<hbm>>, %arg4: memref<166400xi32, #tpu.memory_space<hbm>>, %arg5: memref<166400x128xf32, #tpu.memory_space<hbm>>, %arg6: memref<166400x128xf32, #tpu.memory_space<hbm>>, %arg7: memref<5200xi32, #tpu.memory_space<vmem>>, %arg8: memref<5200xi32, #tpu.memory_space<vmem>>, %arg9: memref<80x128xf32, #tpu.memory_space<vmem>>, %arg10: memref<80x128xf32, #tpu.memory_space<vmem>>, %arg11: memref<80x128xf32, #tpu.memory_space<vmem>>, %arg12: memref<80x128xf32, #tpu.memory_space<vmem>>, %arg13: memref<80x128xf32, #tpu.memory_space<vmem>>, %arg14: memref<80x128xf32, #tpu.memory_space<vmem>>, %arg15: memref<80x128xf32, #tpu.memory_space<vmem>>, %arg16: memref<80x128xf32, #tpu.memory_space<vmem>>, %arg17: memref<!tpu.dma_semaphore, #tpu.memory_space<semaphore_mem>>, %arg18: memref<!tpu.dma_semaphore, #tpu.memory_space<semaphore_mem>>, %arg19: memref<!tpu.dma_semaphore, #tpu.memory_space<semaphore_mem>>, %arg20: memref<!tpu.dma_semaphore, #tpu.memory_space<semaphore_mem>>, %arg21: memref<!tpu.dma_semaphore, #tpu.memory_space<semaphore_mem>>, %arg22: memref<!tpu.dma_semaphore, #tpu.memory_space<semaphore_mem>>, %arg23: memref<!tpu.dma_semaphore, #tpu.memory_space<semaphore_mem>>, %arg24: memref<!tpu.dma_semaphore, #tpu.memory_space<semaphore_mem>>, %arg25: memref<!tpu.dma_semaphore, #tpu.memory_space<semaphore_mem>>, %arg26: memref<!tpu.dma_semaphore, #tpu.memory_space<semaphore_mem>>, %arg27: memref<!tpu.dma_semaphore, #tpu.memory_space<semaphore_mem>>, %arg28: memref<!tpu.dma_semaphore, #tpu.memory_space<semaphore_mem>>, %arg29: memref<!tpu.dma_semaphore, #tpu.memory_space<semaphore_mem>>, %arg30: memref<!tpu.dma_semaphore, #tpu.memory_space<semaphore_mem>>, %arg31: memref<!tpu.dma_semaphore, #tpu.memory_space<semaphore_mem>>, %arg32: memref<!tpu.dma_semaphore, #tpu.memory_space<semaphore_mem>>) attributes {dimension_semantics = [#tpu.dimension_semantics<core_parallel>, #tpu.dimension_semantics<subcore_parallel>], iteration_bounds = array<i64: 2, 16>, scalar_prefetch = 0 : i64, scratch_operands = 26 : i64, tpu.core_type = #tpu.core_type<sc_vector_subcore>, window_params = [{transform_indices = #map}, {transform_indices = #map1}, {transform_indices = #map1}, {transform_indices = #map}, {transform_indices = #map}]} {
    %mul3A = arith.constant 16 : i32
    %mul3A_0 = arith.muli %arg0, %mul3A : i32
    %add3A = arith.addi %mul3A_0, %arg1 : i32
    %mul3A_1 = arith.constant 5200 : i32
    %mul3A_2 = arith.muli %add3A, %mul3A_1 : i32
    "tpu.region"() ({
      %run_scoped3A = tpu.sem_alloc : memref<!tpu.dma_semaphore, #tpu.memory_space<semaphore_mem>>
      %dma_start3A_73 = tpu.memref_slice %arg3[%mul3A_2] : memref<166400xi32, #tpu.memory_space<hbm>> -> memref<5200xi32, #tpu.memory_space<hbm>>
      %dma_start3A_74 = tpu.memref_slice %arg3[%mul3A_2] : memref<166400xi32, #tpu.memory_space<hbm>> -> memref<5200xi32, #tpu.memory_space<hbm>>
      tpu.enqueue_dma source(%dma_start3A_74 : memref<5200xi32, #tpu.memory_space<hbm>>) target(%arg7 : memref<5200xi32, #tpu.memory_space<vmem>>) target_semaphore(%run_scoped3A : memref<!tpu.dma_semaphore, #tpu.memory_space<semaphore_mem>>)
      %dma_wait3A_75 = tpu.memref_slice %arg3[%mul3A_2] : memref<166400xi32, #tpu.memory_space<hbm>> -> memref<5200xi32, #tpu.memory_space<hbm>>
      %dma_wait3A_76 = tpu.memref_slice %arg3[%mul3A_2] : memref<166400xi32, #tpu.memory_space<hbm>> -> memref<5200xi32, #tpu.memory_space<hbm>>
      tpu.wait_dma2 semaphore(%run_scoped3A : memref<!tpu.dma_semaphore, #tpu.memory_space<semaphore_mem>>) src(%dma_wait3A_76 : memref<5200xi32, #tpu.memory_space<hbm>>) dst(%arg7 : memref<5200xi32, #tpu.memory_space<vmem>>)
      tpu.yield
    }) : () -> ()
    "tpu.region"() ({
      %run_scoped3A = tpu.sem_alloc : memref<!tpu.dma_semaphore, #tpu.memory_space<semaphore_mem>>
      %dma_start3A_73 = tpu.memref_slice %arg4[%mul3A_2] : memref<166400xi32, #tpu.memory_space<hbm>> -> memref<5200xi32, #tpu.memory_space<hbm>>
      %dma_start3A_74 = tpu.memref_slice %arg4[%mul3A_2] : memref<166400xi32, #tpu.memory_space<hbm>> -> memref<5200xi32, #tpu.memory_space<hbm>>
      tpu.enqueue_dma source(%dma_start3A_74 : memref<5200xi32, #tpu.memory_space<hbm>>) target(%arg8 : memref<5200xi32, #tpu.memory_space<vmem>>) target_semaphore(%run_scoped3A : memref<!tpu.dma_semaphore, #tpu.memory_space<semaphore_mem>>)
      %dma_wait3A_75 = tpu.memref_slice %arg4[%mul3A_2] : memref<166400xi32, #tpu.memory_space<hbm>> -> memref<5200xi32, #tpu.memory_space<hbm>>
      %dma_wait3A_76 = tpu.memref_slice %arg4[%mul3A_2] : memref<166400xi32, #tpu.memory_space<hbm>> -> memref<5200xi32, #tpu.memory_space<hbm>>
      tpu.wait_dma2 semaphore(%run_scoped3A : memref<!tpu.dma_semaphore, #tpu.memory_space<semaphore_mem>>) src(%dma_wait3A_76 : memref<5200xi32, #tpu.memory_space<hbm>>) dst(%arg8 : memref<5200xi32, #tpu.memory_space<vmem>>)
      tpu.yield
    }) : () -> ()
    %dma_start3A = arith.constant 0 : i32
    %dma_start3A_3 = tpu.memref_slice %arg7[%dma_start3A] : memref<5200xi32, #tpu.memory_space<vmem>> -> memref<80xi32, #tpu.memory_space<vmem>>
    %dma_start3A_4 = arith.constant 0 : i32
    %dma_start3A_5 = arith.constant 0 : i32
    %dma_start3A_6 = tpu.memref_slice %arg2[%dma_start3A_4, %dma_start3A_5] : memref<10000x128xf32, #tpu.memory_space<hbm>> -> memref<10000x128xf32, #tpu.memory_space<hbm>>
    tpu.enqueue_indirect_dma source(%dma_start3A_6 : memref<10000x128xf32, #tpu.memory_space<hbm>>) target(%arg9 : memref<80x128xf32, #tpu.memory_space<vmem>>) offsets(%dma_start3A_3 : memref<80xi32, #tpu.memory_space<vmem>>) semaphore(%arg17 : memref<!tpu.dma_semaphore, #tpu.memory_space<semaphore_mem>>)
    %dma_start3A_7 = arith.constant 0 : i32
    %dma_start3A_8 = tpu.memref_slice %arg8[%dma_start3A_7] : memref<5200xi32, #tpu.memory_space<vmem>> -> memref<80xi32, #tpu.memory_space<vmem>>
    %dma_start3A_9 = arith.constant 0 : i32
    %dma_start3A_10 = arith.constant 0 : i32
    %dma_start3A_11 = tpu.memref_slice %arg2[%dma_start3A_9, %dma_start3A_10] : memref<10000x128xf32, #tpu.memory_space<hbm>> -> memref<10000x128xf32, #tpu.memory_space<hbm>>
    tpu.enqueue_indirect_dma source(%dma_start3A_11 : memref<10000x128xf32, #tpu.memory_space<hbm>>) target(%arg13 : memref<80x128xf32, #tpu.memory_space<vmem>>) offsets(%dma_start3A_8 : memref<80xi32, #tpu.memory_space<vmem>>) semaphore(%arg21 : memref<!tpu.dma_semaphore, #tpu.memory_space<semaphore_mem>>)
    %dma_start3A_12 = arith.constant 80 : i32
    %dma_start3A_13 = tpu.memref_slice %arg7[%dma_start3A_12] : memref<5200xi32, #tpu.memory_space<vmem>> -> memref<80xi32, #tpu.memory_space<vmem>>
    %dma_start3A_14 = arith.constant 0 : i32
    %dma_start3A_15 = arith.constant 0 : i32
    %dma_start3A_16 = tpu.memref_slice %arg2[%dma_start3A_14, %dma_start3A_15] : memref<10000x128xf32, #tpu.memory_space<hbm>> -> memref<10000x128xf32, #tpu.memory_space<hbm>>
    tpu.enqueue_indirect_dma source(%dma_start3A_16 : memref<10000x128xf32, #tpu.memory_space<hbm>>) target(%arg10 : memref<80x128xf32, #tpu.memory_space<vmem>>) offsets(%dma_start3A_13 : memref<80xi32, #tpu.memory_space<vmem>>) semaphore(%arg18 : memref<!tpu.dma_semaphore, #tpu.memory_space<semaphore_mem>>)
    %dma_start3A_17 = arith.constant 80 : i32
    %dma_start3A_18 = tpu.memref_slice %arg8[%dma_start3A_17] : memref<5200xi32, #tpu.memory_space<vmem>> -> memref<80xi32, #tpu.memory_space<vmem>>
    %dma_start3A_19 = arith.constant 0 : i32
    %dma_start3A_20 = arith.constant 0 : i32
    %dma_start3A_21 = tpu.memref_slice %arg2[%dma_start3A_19, %dma_start3A_20] : memref<10000x128xf32, #tpu.memory_space<hbm>> -> memref<10000x128xf32, #tpu.memory_space<hbm>>
    tpu.enqueue_indirect_dma source(%dma_start3A_21 : memref<10000x128xf32, #tpu.memory_space<hbm>>) target(%arg14 : memref<80x128xf32, #tpu.memory_space<vmem>>) offsets(%dma_start3A_18 : memref<80xi32, #tpu.memory_space<vmem>>) semaphore(%arg22 : memref<!tpu.dma_semaphore, #tpu.memory_space<semaphore_mem>>)
    %dma_start3A_22 = arith.constant 160 : i32
    %dma_start3A_23 = tpu.memref_slice %arg7[%dma_start3A_22] : memref<5200xi32, #tpu.memory_space<vmem>> -> memref<80xi32, #tpu.memory_space<vmem>>
    %dma_start3A_24 = arith.constant 0 : i32
    %dma_start3A_25 = arith.constant 0 : i32
    %dma_start3A_26 = tpu.memref_slice %arg2[%dma_start3A_24, %dma_start3A_25] : memref<10000x128xf32, #tpu.memory_space<hbm>> -> memref<10000x128xf32, #tpu.memory_space<hbm>>
    tpu.enqueue_indirect_dma source(%dma_start3A_26 : memref<10000x128xf32, #tpu.memory_space<hbm>>) target(%arg11 : memref<80x128xf32, #tpu.memory_space<vmem>>) offsets(%dma_start3A_23 : memref<80xi32, #tpu.memory_space<vmem>>) semaphore(%arg19 : memref<!tpu.dma_semaphore, #tpu.memory_space<semaphore_mem>>)
    %dma_start3A_27 = arith.constant 160 : i32
    %dma_start3A_28 = tpu.memref_slice %arg8[%dma_start3A_27] : memref<5200xi32, #tpu.memory_space<vmem>> -> memref<80xi32, #tpu.memory_space<vmem>>
    %dma_start3A_29 = arith.constant 0 : i32
    %dma_start3A_30 = arith.constant 0 : i32
    %dma_start3A_31 = tpu.memref_slice %arg2[%dma_start3A_29, %dma_start3A_30] : memref<10000x128xf32, #tpu.memory_space<hbm>> -> memref<10000x128xf32, #tpu.memory_space<hbm>>
    tpu.enqueue_indirect_dma source(%dma_start3A_31 : memref<10000x128xf32, #tpu.memory_space<hbm>>) target(%arg15 : memref<80x128xf32, #tpu.memory_space<vmem>>) offsets(%dma_start3A_28 : memref<80xi32, #tpu.memory_space<vmem>>) semaphore(%arg23 : memref<!tpu.dma_semaphore, #tpu.memory_space<semaphore_mem>>)
    %dma_start3A_32 = arith.constant 240 : i32
    %dma_start3A_33 = tpu.memref_slice %arg7[%dma_start3A_32] : memref<5200xi32, #tpu.memory_space<vmem>> -> memref<80xi32, #tpu.memory_space<vmem>>
    %dma_start3A_34 = arith.constant 0 : i32
    %dma_start3A_35 = arith.constant 0 : i32
    %dma_start3A_36 = tpu.memref_slice %arg2[%dma_start3A_34, %dma_start3A_35] : memref<10000x128xf32, #tpu.memory_space<hbm>> -> memref<10000x128xf32, #tpu.memory_space<hbm>>
    tpu.enqueue_indirect_dma source(%dma_start3A_36 : memref<10000x128xf32, #tpu.memory_space<hbm>>) target(%arg12 : memref<80x128xf32, #tpu.memory_space<vmem>>) offsets(%dma_start3A_33 : memref<80xi32, #tpu.memory_space<vmem>>) semaphore(%arg20 : memref<!tpu.dma_semaphore, #tpu.memory_space<semaphore_mem>>)
    %dma_start3A_37 = arith.constant 240 : i32
    %dma_start3A_38 = tpu.memref_slice %arg8[%dma_start3A_37] : memref<5200xi32, #tpu.memory_space<vmem>> -> memref<80xi32, #tpu.memory_space<vmem>>
    %dma_start3A_39 = arith.constant 0 : i32
    %dma_start3A_40 = arith.constant 0 : i32
    %dma_start3A_41 = tpu.memref_slice %arg2[%dma_start3A_39, %dma_start3A_40] : memref<10000x128xf32, #tpu.memory_space<hbm>> -> memref<10000x128xf32, #tpu.memory_space<hbm>>
    tpu.enqueue_indirect_dma source(%dma_start3A_41 : memref<10000x128xf32, #tpu.memory_space<hbm>>) target(%arg16 : memref<80x128xf32, #tpu.memory_space<vmem>>) offsets(%dma_start3A_38 : memref<80xi32, #tpu.memory_space<vmem>>) semaphore(%arg24 : memref<!tpu.dma_semaphore, #tpu.memory_space<semaphore_mem>>)
    %scan3A = arith.constant 0 : i32
    %scan3A_42 = arith.constant 16 : i32
    %scan3A_43 = arith.addi %scan3A, %scan3A_42 : i32
    %scan3A_44 = arith.constant 1 : i32
    scf.for %scan3A_73 = %scan3A to %scan3A_43 step %scan3A_44  : i32 {
      %mul3A_74 = arith.constant 1 : i32
      %mul3A_75 = arith.muli %scan3A_73, %mul3A_74 : i32
      %add3A_76 = arith.constant 0 : i32
      %add3A_77 = arith.addi %add3A_76, %mul3A_75 : i32
      %mul3A_78 = arith.constant 4 : i32
      %mul3A_79 = arith.muli %mul3A_78, %add3A_77 : i32
      %add3A_80 = arith.constant 0 : i32
      %add3A_81 = arith.addi %mul3A_79, %add3A_80 : i32
      %mul3A_82 = arith.constant 80 : i32
      %mul3A_83 = arith.muli %add3A_81, %mul3A_82 : i32
      %add3A_84 = arith.addi %mul3A_2, %mul3A_83 : i32
      %mul3A_85 = arith.constant 80 : i32
      %mul3A_86 = arith.muli %add3A_81, %mul3A_85 : i32
      %dma_wait3A_87 = tpu.memref_slice %arg7[%mul3A_86] : memref<5200xi32, #tpu.memory_space<vmem>> -> memref<80xi32, #tpu.memory_space<vmem>>
      %dma_wait3A_88 = arith.constant 0 : i32
      %dma_wait3A_89 = arith.constant 0 : i32
      %dma_wait3A_90 = tpu.memref_slice %arg2[%dma_wait3A_88, %dma_wait3A_89] : memref<10000x128xf32, #tpu.memory_space<hbm>> -> memref<10000x128xf32, #tpu.memory_space<hbm>>
      tpu.wait_indirect_dma semaphore(%arg17 : memref<!tpu.dma_semaphore, #tpu.memory_space<semaphore_mem>>) src(%dma_wait3A_90 : memref<10000x128xf32, #tpu.memory_space<hbm>>) dst(%arg9 : memref<80x128xf32, #tpu.memory_space<vmem>>)
      %mul3A_91 = arith.constant 80 : i32
      %mul3A_92 = arith.muli %add3A_81, %mul3A_91 : i32
      %dma_wait3A_93 = tpu.memref_slice %arg8[%mul3A_92] : memref<5200xi32, #tpu.memory_space<vmem>> -> memref<80xi32, #tpu.memory_space<vmem>>
      %dma_wait3A_94 = arith.constant 0 : i32
      %dma_wait3A_95 = arith.constant 0 : i32
      %dma_wait3A_96 = tpu.memref_slice %arg2[%dma_wait3A_94, %dma_wait3A_95] : memref<10000x128xf32, #tpu.memory_space<hbm>> -> memref<10000x128xf32, #tpu.memory_space<hbm>>
      tpu.wait_indirect_dma semaphore(%arg21 : memref<!tpu.dma_semaphore, #tpu.memory_space<semaphore_mem>>) src(%dma_wait3A_96 : memref<10000x128xf32, #tpu.memory_space<hbm>>) dst(%arg13 : memref<80x128xf32, #tpu.memory_space<vmem>>)
      %dma_start3A_97 = arith.constant 0 : i32
      %dma_start3A_98 = tpu.memref_slice %arg5[%add3A_84, %dma_start3A_97] : memref<166400x128xf32, #tpu.memory_space<hbm>> -> memref<80x128xf32, #tpu.memory_space<hbm>>
      %dma_start3A_99 = arith.constant 0 : i32
      %dma_start3A_100 = tpu.memref_slice %arg5[%add3A_84, %dma_start3A_99] : memref<166400x128xf32, #tpu.memory_space<hbm>> -> memref<80x128xf32, #tpu.memory_space<hbm>>
      tpu.enqueue_dma source(%arg9 : memref<80x128xf32, #tpu.memory_space<vmem>>) target(%dma_start3A_100 : memref<80x128xf32, #tpu.memory_space<hbm>>) target_semaphore(%arg25 : memref<!tpu.dma_semaphore, #tpu.memory_space<semaphore_mem>>)
      %dma_start3A_101 = arith.constant 0 : i32
      %dma_start3A_102 = tpu.memref_slice %arg6[%add3A_84, %dma_start3A_101] : memref<166400x128xf32, #tpu.memory_space<hbm>> -> memref<80x128xf32, #tpu.memory_space<hbm>>
      %dma_start3A_103 = arith.constant 0 : i32
      %dma_start3A_104 = tpu.memref_slice %arg6[%add3A_84, %dma_start3A_103] : memref<166400x128xf32, #tpu.memory_space<hbm>> -> memref<80x128xf32, #tpu.memory_space<hbm>>
      tpu.enqueue_dma source(%arg13 : memref<80x128xf32, #tpu.memory_space<vmem>>) target(%dma_start3A_104 : memref<80x128xf32, #tpu.memory_space<hbm>>) target_semaphore(%arg29 : memref<!tpu.dma_semaphore, #tpu.memory_space<semaphore_mem>>)
      %dma_wait3A_105 = arith.constant 0 : i32
      %dma_wait3A_106 = tpu.memref_slice %arg5[%add3A_84, %dma_wait3A_105] : memref<166400x128xf32, #tpu.memory_space<hbm>> -> memref<80x128xf32, #tpu.memory_space<hbm>>
      %dma_wait3A_107 = arith.constant 0 : i32
      %dma_wait3A_108 = tpu.memref_slice %arg5[%add3A_84, %dma_wait3A_107] : memref<166400x128xf32, #tpu.memory_space<hbm>> -> memref<80x128xf32, #tpu.memory_space<hbm>>
      tpu.wait_dma2 semaphore(%arg25 : memref<!tpu.dma_semaphore, #tpu.memory_space<semaphore_mem>>) src(%arg9 : memref<80x128xf32, #tpu.memory_space<vmem>>) dst(%dma_wait3A_108 : memref<80x128xf32, #tpu.memory_space<hbm>>)
      %dma_wait3A_109 = arith.constant 0 : i32
      %dma_wait3A_110 = tpu.memref_slice %arg6[%add3A_84, %dma_wait3A_109] : memref<166400x128xf32, #tpu.memory_space<hbm>> -> memref<80x128xf32, #tpu.memory_space<hbm>>
      %dma_wait3A_111 = arith.constant 0 : i32
      %dma_wait3A_112 = tpu.memref_slice %arg6[%add3A_84, %dma_wait3A_111] : memref<166400x128xf32, #tpu.memory_space<hbm>> -> memref<80x128xf32, #tpu.memory_space<hbm>>
      tpu.wait_dma2 semaphore(%arg29 : memref<!tpu.dma_semaphore, #tpu.memory_space<semaphore_mem>>) src(%arg13 : memref<80x128xf32, #tpu.memory_space<vmem>>) dst(%dma_wait3A_112 : memref<80x128xf32, #tpu.memory_space<hbm>>)
      %add3A_113 = arith.constant 4 : i32
      %add3A_114 = arith.addi %add3A_81, %add3A_113 : i32
      %le3A = arith.constant 64 : i32
      %le3A_115 = arith.cmpi sle, %add3A_114, %le3A : i32
      %convert_element_type3A = arith.extui %le3A_115 : i1 to i32
      %cond3A = arith.constant 0 : i32
      %cond3A_116 = arith.cmpi ne, %convert_element_type3A, %cond3A : i32
      scf.if %cond3A_116 {
        %add3A_243 = arith.constant 4 : i32
        %add3A_244 = arith.addi %add3A_81, %add3A_243 : i32
        %mul3A_245 = arith.constant 80 : i32
        %mul3A_246 = arith.muli %add3A_244, %mul3A_245 : i32
        %dma_start3A_247 = tpu.memref_slice %arg7[%mul3A_246] : memref<5200xi32, #tpu.memory_space<vmem>> -> memref<80xi32, #tpu.memory_space<vmem>>
        %dma_start3A_248 = arith.constant 0 : i32
        %dma_start3A_249 = arith.constant 0 : i32
        %dma_start3A_250 = tpu.memref_slice %arg2[%dma_start3A_248, %dma_start3A_249] : memref<10000x128xf32, #tpu.memory_space<hbm>> -> memref<10000x128xf32, #tpu.memory_space<hbm>>
        tpu.enqueue_indirect_dma source(%dma_start3A_250 : memref<10000x128xf32, #tpu.memory_space<hbm>>) target(%arg9 : memref<80x128xf32, #tpu.memory_space<vmem>>) offsets(%dma_start3A_247 : memref<80xi32, #tpu.memory_space<vmem>>) semaphore(%arg17 : memref<!tpu.dma_semaphore, #tpu.memory_space<semaphore_mem>>)
        %add3A_251 = arith.constant 4 : i32
        %add3A_252 = arith.addi %add3A_81, %add3A_251 : i32
        %mul3A_253 = arith.constant 80 : i32
        %mul3A_254 = arith.muli %add3A_252, %mul3A_253 : i32
        %dma_start3A_255 = tpu.memref_slice %arg8[%mul3A_254] : memref<5200xi32, #tpu.memory_space<vmem>> -> memref<80xi32, #tpu.memory_space<vmem>>
        %dma_start3A_256 = arith.constant 0 : i32
        %dma_start3A_257 = arith.constant 0 : i32
        %dma_start3A_258 = tpu.memref_slice %arg2[%dma_start3A_256, %dma_start3A_257] : memref<10000x128xf32, #tpu.memory_space<hbm>> -> memref<10000x128xf32, #tpu.memory_space<hbm>>
        tpu.enqueue_indirect_dma source(%dma_start3A_258 : memref<10000x128xf32, #tpu.memory_space<hbm>>) target(%arg13 : memref<80x128xf32, #tpu.memory_space<vmem>>) offsets(%dma_start3A_255 : memref<80xi32, #tpu.memory_space<vmem>>) semaphore(%arg21 : memref<!tpu.dma_semaphore, #tpu.memory_space<semaphore_mem>>)
      } else {
      }
      %mul3A_117 = arith.constant 4 : i32
      %mul3A_118 = arith.muli %mul3A_117, %add3A_77 : i32
      %add3A_119 = arith.constant 1 : i32
      %add3A_120 = arith.addi %mul3A_118, %add3A_119 : i32
      %mul3A_121 = arith.constant 80 : i32
      %mul3A_122 = arith.muli %add3A_120, %mul3A_121 : i32
      %add3A_123 = arith.addi %mul3A_2, %mul3A_122 : i32
      %mul3A_124 = arith.constant 80 : i32
      %mul3A_125 = arith.muli %add3A_120, %mul3A_124 : i32
      %dma_wait3A_126 = tpu.memref_slice %arg7[%mul3A_125] : memref<5200xi32, #tpu.memory_space<vmem>> -> memref<80xi32, #tpu.memory_space<vmem>>
      %dma_wait3A_127 = arith.constant 0 : i32
      %dma_wait3A_128 = arith.constant 0 : i32
      %dma_wait3A_129 = tpu.memref_slice %arg2[%dma_wait3A_127, %dma_wait3A_128] : memref<10000x128xf32, #tpu.memory_space<hbm>> -> memref<10000x128xf32, #tpu.memory_space<hbm>>
      tpu.wait_indirect_dma semaphore(%arg18 : memref<!tpu.dma_semaphore, #tpu.memory_space<semaphore_mem>>) src(%dma_wait3A_129 : memref<10000x128xf32, #tpu.memory_space<hbm>>) dst(%arg10 : memref<80x128xf32, #tpu.memory_space<vmem>>)
      %mul3A_130 = arith.constant 80 : i32
      %mul3A_131 = arith.muli %add3A_120, %mul3A_130 : i32
      %dma_wait3A_132 = tpu.memref_slice %arg8[%mul3A_131] : memref<5200xi32, #tpu.memory_space<vmem>> -> memref<80xi32, #tpu.memory_space<vmem>>
      %dma_wait3A_133 = arith.constant 0 : i32
      %dma_wait3A_134 = arith.constant 0 : i32
      %dma_wait3A_135 = tpu.memref_slice %arg2[%dma_wait3A_133, %dma_wait3A_134] : memref<10000x128xf32, #tpu.memory_space<hbm>> -> memref<10000x128xf32, #tpu.memory_space<hbm>>
      tpu.wait_indirect_dma semaphore(%arg22 : memref<!tpu.dma_semaphore, #tpu.memory_space<semaphore_mem>>) src(%dma_wait3A_135 : memref<10000x128xf32, #tpu.memory_space<hbm>>) dst(%arg14 : memref<80x128xf32, #tpu.memory_space<vmem>>)
      %dma_start3A_136 = arith.constant 0 : i32
      %dma_start3A_137 = tpu.memref_slice %arg5[%add3A_123, %dma_start3A_136] : memref<166400x128xf32, #tpu.memory_space<hbm>> -> memref<80x128xf32, #tpu.memory_space<hbm>>
      %dma_start3A_138 = arith.constant 0 : i32
      %dma_start3A_139 = tpu.memref_slice %arg5[%add3A_123, %dma_start3A_138] : memref<166400x128xf32, #tpu.memory_space<hbm>> -> memref<80x128xf32, #tpu.memory_space<hbm>>
      tpu.enqueue_dma source(%arg10 : memref<80x128xf32, #tpu.memory_space<vmem>>) target(%dma_start3A_139 : memref<80x128xf32, #tpu.memory_space<hbm>>) target_semaphore(%arg26 : memref<!tpu.dma_semaphore, #tpu.memory_space<semaphore_mem>>)
      %dma_start3A_140 = arith.constant 0 : i32
      %dma_start3A_141 = tpu.memref_slice %arg6[%add3A_123, %dma_start3A_140] : memref<166400x128xf32, #tpu.memory_space<hbm>> -> memref<80x128xf32, #tpu.memory_space<hbm>>
      %dma_start3A_142 = arith.constant 0 : i32
      %dma_start3A_143 = tpu.memref_slice %arg6[%add3A_123, %dma_start3A_142] : memref<166400x128xf32, #tpu.memory_space<hbm>> -> memref<80x128xf32, #tpu.memory_space<hbm>>
      tpu.enqueue_dma source(%arg14 : memref<80x128xf32, #tpu.memory_space<vmem>>) target(%dma_start3A_143 : memref<80x128xf32, #tpu.memory_space<hbm>>) target_semaphore(%arg30 : memref<!tpu.dma_semaphore, #tpu.memory_space<semaphore_mem>>)
      %dma_wait3A_144 = arith.constant 0 : i32
      %dma_wait3A_145 = tpu.memref_slice %arg5[%add3A_123, %dma_wait3A_144] : memref<166400x128xf32, #tpu.memory_space<hbm>> -> memref<80x128xf32, #tpu.memory_space<hbm>>
      %dma_wait3A_146 = arith.constant 0 : i32
      %dma_wait3A_147 = tpu.memref_slice %arg5[%add3A_123, %dma_wait3A_146] : memref<166400x128xf32, #tpu.memory_space<hbm>> -> memref<80x128xf32, #tpu.memory_space<hbm>>
      tpu.wait_dma2 semaphore(%arg26 : memref<!tpu.dma_semaphore, #tpu.memory_space<semaphore_mem>>) src(%arg10 : memref<80x128xf32, #tpu.memory_space<vmem>>) dst(%dma_wait3A_147 : memref<80x128xf32, #tpu.memory_space<hbm>>)
      %dma_wait3A_148 = arith.constant 0 : i32
      %dma_wait3A_149 = tpu.memref_slice %arg6[%add3A_123, %dma_wait3A_148] : memref<166400x128xf32, #tpu.memory_space<hbm>> -> memref<80x128xf32, #tpu.memory_space<hbm>>
      %dma_wait3A_150 = arith.constant 0 : i32
      %dma_wait3A_151 = tpu.memref_slice %arg6[%add3A_123, %dma_wait3A_150] : memref<166400x128xf32, #tpu.memory_space<hbm>> -> memref<80x128xf32, #tpu.memory_space<hbm>>
      tpu.wait_dma2 semaphore(%arg30 : memref<!tpu.dma_semaphore, #tpu.memory_space<semaphore_mem>>) src(%arg14 : memref<80x128xf32, #tpu.memory_space<vmem>>) dst(%dma_wait3A_151 : memref<80x128xf32, #tpu.memory_space<hbm>>)
      %add3A_152 = arith.constant 4 : i32
      %add3A_153 = arith.addi %add3A_120, %add3A_152 : i32
      %le3A_154 = arith.constant 64 : i32
      %le3A_155 = arith.cmpi sle, %add3A_153, %le3A_154 : i32
      %convert_element_type3A_156 = arith.extui %le3A_155 : i1 to i32
      %cond3A_157 = arith.constant 0 : i32
      %cond3A_158 = arith.cmpi ne, %convert_element_type3A_156, %cond3A_157 : i32
      scf.if %cond3A_158 {
        %add3A_243 = arith.constant 4 : i32
        %add3A_244 = arith.addi %add3A_120, %add3A_243 : i32
        %mul3A_245 = arith.constant 80 : i32
        %mul3A_246 = arith.muli %add3A_244, %mul3A_245 : i32
        %dma_start3A_247 = tpu.memref_slice %arg7[%mul3A_246] : memref<5200xi32, #tpu.memory_space<vmem>> -> memref<80xi32, #tpu.memory_space<vmem>>
        %dma_start3A_248 = arith.constant 0 : i32
        %dma_start3A_249 = arith.constant 0 : i32
        %dma_start3A_250 = tpu.memref_slice %arg2[%dma_start3A_248, %dma_start3A_249] : memref<10000x128xf32, #tpu.memory_space<hbm>> -> memref<10000x128xf32, #tpu.memory_space<hbm>>
        tpu.enqueue_indirect_dma source(%dma_start3A_250 : memref<10000x128xf32, #tpu.memory_space<hbm>>) target(%arg10 : memref<80x128xf32, #tpu.memory_space<vmem>>) offsets(%dma_start3A_247 : memref<80xi32, #tpu.memory_space<vmem>>) semaphore(%arg18 : memref<!tpu.dma_semaphore, #tpu.memory_space<semaphore_mem>>)
        %add3A_251 = arith.constant 4 : i32
        %add3A_252 = arith.addi %add3A_120, %add3A_251 : i32
        %mul3A_253 = arith.constant 80 : i32
        %mul3A_254 = arith.muli %add3A_252, %mul3A_253 : i32
        %dma_start3A_255 = tpu.memref_slice %arg8[%mul3A_254] : memref<5200xi32, #tpu.memory_space<vmem>> -> memref<80xi32, #tpu.memory_space<vmem>>
        %dma_start3A_256 = arith.constant 0 : i32
        %dma_start3A_257 = arith.constant 0 : i32
        %dma_start3A_258 = tpu.memref_slice %arg2[%dma_start3A_256, %dma_start3A_257] : memref<10000x128xf32, #tpu.memory_space<hbm>> -> memref<10000x128xf32, #tpu.memory_space<hbm>>
        tpu.enqueue_indirect_dma source(%dma_start3A_258 : memref<10000x128xf32, #tpu.memory_space<hbm>>) target(%arg14 : memref<80x128xf32, #tpu.memory_space<vmem>>) offsets(%dma_start3A_255 : memref<80xi32, #tpu.memory_space<vmem>>) semaphore(%arg22 : memref<!tpu.dma_semaphore, #tpu.memory_space<semaphore_mem>>)
      } else {
      }
      %mul3A_159 = arith.constant 4 : i32
      %mul3A_160 = arith.muli %mul3A_159, %add3A_77 : i32
      %add3A_161 = arith.constant 2 : i32
      %add3A_162 = arith.addi %mul3A_160, %add3A_161 : i32
      %mul3A_163 = arith.constant 80 : i32
      %mul3A_164 = arith.muli %add3A_162, %mul3A_163 : i32
      %add3A_165 = arith.addi %mul3A_2, %mul3A_164 : i32
      %mul3A_166 = arith.constant 80 : i32
      %mul3A_167 = arith.muli %add3A_162, %mul3A_166 : i32
      %dma_wait3A_168 = tpu.memref_slice %arg7[%mul3A_167] : memref<5200xi32, #tpu.memory_space<vmem>> -> memref<80xi32, #tpu.memory_space<vmem>>
      %dma_wait3A_169 = arith.constant 0 : i32
      %dma_wait3A_170 = arith.constant 0 : i32
      %dma_wait3A_171 = tpu.memref_slice %arg2[%dma_wait3A_169, %dma_wait3A_170] : memref<10000x128xf32, #tpu.memory_space<hbm>> -> memref<10000x128xf32, #tpu.memory_space<hbm>>
      tpu.wait_indirect_dma semaphore(%arg19 : memref<!tpu.dma_semaphore, #tpu.memory_space<semaphore_mem>>) src(%dma_wait3A_171 : memref<10000x128xf32, #tpu.memory_space<hbm>>) dst(%arg11 : memref<80x128xf32, #tpu.memory_space<vmem>>)
      %mul3A_172 = arith.constant 80 : i32
      %mul3A_173 = arith.muli %add3A_162, %mul3A_172 : i32
      %dma_wait3A_174 = tpu.memref_slice %arg8[%mul3A_173] : memref<5200xi32, #tpu.memory_space<vmem>> -> memref<80xi32, #tpu.memory_space<vmem>>
      %dma_wait3A_175 = arith.constant 0 : i32
      %dma_wait3A_176 = arith.constant 0 : i32
      %dma_wait3A_177 = tpu.memref_slice %arg2[%dma_wait3A_175, %dma_wait3A_176] : memref<10000x128xf32, #tpu.memory_space<hbm>> -> memref<10000x128xf32, #tpu.memory_space<hbm>>
      tpu.wait_indirect_dma semaphore(%arg23 : memref<!tpu.dma_semaphore, #tpu.memory_space<semaphore_mem>>) src(%dma_wait3A_177 : memref<10000x128xf32, #tpu.memory_space<hbm>>) dst(%arg15 : memref<80x128xf32, #tpu.memory_space<vmem>>)
      %dma_start3A_178 = arith.constant 0 : i32
      %dma_start3A_179 = tpu.memref_slice %arg5[%add3A_165, %dma_start3A_178] : memref<166400x128xf32, #tpu.memory_space<hbm>> -> memref<80x128xf32, #tpu.memory_space<hbm>>
      %dma_start3A_180 = arith.constant 0 : i32
      %dma_start3A_181 = tpu.memref_slice %arg5[%add3A_165, %dma_start3A_180] : memref<166400x128xf32, #tpu.memory_space<hbm>> -> memref<80x128xf32, #tpu.memory_space<hbm>>
      tpu.enqueue_dma source(%arg11 : memref<80x128xf32, #tpu.memory_space<vmem>>) target(%dma_start3A_181 : memref<80x128xf32, #tpu.memory_space<hbm>>) target_semaphore(%arg27 : memref<!tpu.dma_semaphore, #tpu.memory_space<semaphore_mem>>)
      %dma_start3A_182 = arith.constant 0 : i32
      %dma_start3A_183 = tpu.memref_slice %arg6[%add3A_165, %dma_start3A_182] : memref<166400x128xf32, #tpu.memory_space<hbm>> -> memref<80x128xf32, #tpu.memory_space<hbm>>
      %dma_start3A_184 = arith.constant 0 : i32
      %dma_start3A_185 = tpu.memref_slice %arg6[%add3A_165, %dma_start3A_184] : memref<166400x128xf32, #tpu.memory_space<hbm>> -> memref<80x128xf32, #tpu.memory_space<hbm>>
      tpu.enqueue_dma source(%arg15 : memref<80x128xf32, #tpu.memory_space<vmem>>) target(%dma_start3A_185 : memref<80x128xf32, #tpu.memory_space<hbm>>) target_semaphore(%arg31 : memref<!tpu.dma_semaphore, #tpu.memory_space<semaphore_mem>>)
      %dma_wait3A_186 = arith.constant 0 : i32
      %dma_wait3A_187 = tpu.memref_slice %arg5[%add3A_165, %dma_wait3A_186] : memref<166400x128xf32, #tpu.memory_space<hbm>> -> memref<80x128xf32, #tpu.memory_space<hbm>>
      %dma_wait3A_188 = arith.constant 0 : i32
      %dma_wait3A_189 = tpu.memref_slice %arg5[%add3A_165, %dma_wait3A_188] : memref<166400x128xf32, #tpu.memory_space<hbm>> -> memref<80x128xf32, #tpu.memory_space<hbm>>
      tpu.wait_dma2 semaphore(%arg27 : memref<!tpu.dma_semaphore, #tpu.memory_space<semaphore_mem>>) src(%arg11 : memref<80x128xf32, #tpu.memory_space<vmem>>) dst(%dma_wait3A_189 : memref<80x128xf32, #tpu.memory_space<hbm>>)
      %dma_wait3A_190 = arith.constant 0 : i32
      %dma_wait3A_191 = tpu.memref_slice %arg6[%add3A_165, %dma_wait3A_190] : memref<166400x128xf32, #tpu.memory_space<hbm>> -> memref<80x128xf32, #tpu.memory_space<hbm>>
      %dma_wait3A_192 = arith.constant 0 : i32
      %dma_wait3A_193 = tpu.memref_slice %arg6[%add3A_165, %dma_wait3A_192] : memref<166400x128xf32, #tpu.memory_space<hbm>> -> memref<80x128xf32, #tpu.memory_space<hbm>>
      tpu.wait_dma2 semaphore(%arg31 : memref<!tpu.dma_semaphore, #tpu.memory_space<semaphore_mem>>) src(%arg15 : memref<80x128xf32, #tpu.memory_space<vmem>>) dst(%dma_wait3A_193 : memref<80x128xf32, #tpu.memory_space<hbm>>)
      %add3A_194 = arith.constant 4 : i32
      %add3A_195 = arith.addi %add3A_162, %add3A_194 : i32
      %le3A_196 = arith.constant 64 : i32
      %le3A_197 = arith.cmpi sle, %add3A_195, %le3A_196 : i32
      %convert_element_type3A_198 = arith.extui %le3A_197 : i1 to i32
      %cond3A_199 = arith.constant 0 : i32
      %cond3A_200 = arith.cmpi ne, %convert_element_type3A_198, %cond3A_199 : i32
      scf.if %cond3A_200 {
        %add3A_243 = arith.constant 4 : i32
        %add3A_244 = arith.addi %add3A_162, %add3A_243 : i32
        %mul3A_245 = arith.constant 80 : i32
        %mul3A_246 = arith.muli %add3A_244, %mul3A_245 : i32
        %dma_start3A_247 = tpu.memref_slice %arg7[%mul3A_246] : memref<5200xi32, #tpu.memory_space<vmem>> -> memref<80xi32, #tpu.memory_space<vmem>>
        %dma_start3A_248 = arith.constant 0 : i32
        %dma_start3A_249 = arith.constant 0 : i32
        %dma_start3A_250 = tpu.memref_slice %arg2[%dma_start3A_248, %dma_start3A_249] : memref<10000x128xf32, #tpu.memory_space<hbm>> -> memref<10000x128xf32, #tpu.memory_space<hbm>>
        tpu.enqueue_indirect_dma source(%dma_start3A_250 : memref<10000x128xf32, #tpu.memory_space<hbm>>) target(%arg11 : memref<80x128xf32, #tpu.memory_space<vmem>>) offsets(%dma_start3A_247 : memref<80xi32, #tpu.memory_space<vmem>>) semaphore(%arg19 : memref<!tpu.dma_semaphore, #tpu.memory_space<semaphore_mem>>)
        %add3A_251 = arith.constant 4 : i32
        %add3A_252 = arith.addi %add3A_162, %add3A_251 : i32
        %mul3A_253 = arith.constant 80 : i32
        %mul3A_254 = arith.muli %add3A_252, %mul3A_253 : i32
        %dma_start3A_255 = tpu.memref_slice %arg8[%mul3A_254] : memref<5200xi32, #tpu.memory_space<vmem>> -> memref<80xi32, #tpu.memory_space<vmem>>
        %dma_start3A_256 = arith.constant 0 : i32
        %dma_start3A_257 = arith.constant 0 : i32
        %dma_start3A_258 = tpu.memref_slice %arg2[%dma_start3A_256, %dma_start3A_257] : memref<10000x128xf32, #tpu.memory_space<hbm>> -> memref<10000x128xf32, #tpu.memory_space<hbm>>
        tpu.enqueue_indirect_dma source(%dma_start3A_258 : memref<10000x128xf32, #tpu.memory_space<hbm>>) target(%arg15 : memref<80x128xf32, #tpu.memory_space<vmem>>) offsets(%dma_start3A_255 : memref<80xi32, #tpu.memory_space<vmem>>) semaphore(%arg23 : memref<!tpu.dma_semaphore, #tpu.memory_space<semaphore_mem>>)
      } else {
      }
      %mul3A_201 = arith.constant 4 : i32
      %mul3A_202 = arith.muli %mul3A_201, %add3A_77 : i32
      %add3A_203 = arith.constant 3 : i32
      %add3A_204 = arith.addi %mul3A_202, %add3A_203 : i32
      %mul3A_205 = arith.constant 80 : i32
      %mul3A_206 = arith.muli %add3A_204, %mul3A_205 : i32
      %add3A_207 = arith.addi %mul3A_2, %mul3A_206 : i32
      %mul3A_208 = arith.constant 80 : i32
      %mul3A_209 = arith.muli %add3A_204, %mul3A_208 : i32
      %dma_wait3A_210 = tpu.memref_slice %arg7[%mul3A_209] : memref<5200xi32, #tpu.memory_space<vmem>> -> memref<80xi32, #tpu.memory_space<vmem>>
      %dma_wait3A_211 = arith.constant 0 : i32
      %dma_wait3A_212 = arith.constant 0 : i32
      %dma_wait3A_213 = tpu.memref_slice %arg2[%dma_wait3A_211, %dma_wait3A_212] : memref<10000x128xf32, #tpu.memory_space<hbm>> -> memref<10000x128xf32, #tpu.memory_space<hbm>>
      tpu.wait_indirect_dma semaphore(%arg20 : memref<!tpu.dma_semaphore, #tpu.memory_space<semaphore_mem>>) src(%dma_wait3A_213 : memref<10000x128xf32, #tpu.memory_space<hbm>>) dst(%arg12 : memref<80x128xf32, #tpu.memory_space<vmem>>)
      %mul3A_214 = arith.constant 80 : i32
      %mul3A_215 = arith.muli %add3A_204, %mul3A_214 : i32
      %dma_wait3A_216 = tpu.memref_slice %arg8[%mul3A_215] : memref<5200xi32, #tpu.memory_space<vmem>> -> memref<80xi32, #tpu.memory_space<vmem>>
      %dma_wait3A_217 = arith.constant 0 : i32
      %dma_wait3A_218 = arith.constant 0 : i32
      %dma_wait3A_219 = tpu.memref_slice %arg2[%dma_wait3A_217, %dma_wait3A_218] : memref<10000x128xf32, #tpu.memory_space<hbm>> -> memref<10000x128xf32, #tpu.memory_space<hbm>>
      tpu.wait_indirect_dma semaphore(%arg24 : memref<!tpu.dma_semaphore, #tpu.memory_space<semaphore_mem>>) src(%dma_wait3A_219 : memref<10000x128xf32, #tpu.memory_space<hbm>>) dst(%arg16 : memref<80x128xf32, #tpu.memory_space<vmem>>)
      %dma_start3A_220 = arith.constant 0 : i32
      %dma_start3A_221 = tpu.memref_slice %arg5[%add3A_207, %dma_start3A_220] : memref<166400x128xf32, #tpu.memory_space<hbm>> -> memref<80x128xf32, #tpu.memory_space<hbm>>
      %dma_start3A_222 = arith.constant 0 : i32
      %dma_start3A_223 = tpu.memref_slice %arg5[%add3A_207, %dma_start3A_222] : memref<166400x128xf32, #tpu.memory_space<hbm>> -> memref<80x128xf32, #tpu.memory_space<hbm>>
      tpu.enqueue_dma source(%arg12 : memref<80x128xf32, #tpu.memory_space<vmem>>) target(%dma_start3A_223 : memref<80x128xf32, #tpu.memory_space<hbm>>) target_semaphore(%arg28 : memref<!tpu.dma_semaphore, #tpu.memory_space<semaphore_mem>>)
      %dma_start3A_224 = arith.constant 0 : i32
      %dma_start3A_225 = tpu.memref_slice %arg6[%add3A_207, %dma_start3A_224] : memref<166400x128xf32, #tpu.memory_space<hbm>> -> memref<80x128xf32, #tpu.memory_space<hbm>>
      %dma_start3A_226 = arith.constant 0 : i32
      %dma_start3A_227 = tpu.memref_slice %arg6[%add3A_207, %dma_start3A_226] : memref<166400x128xf32, #tpu.memory_space<hbm>> -> memref<80x128xf32, #tpu.memory_space<hbm>>
      tpu.enqueue_dma source(%arg16 : memref<80x128xf32, #tpu.memory_space<vmem>>) target(%dma_start3A_227 : memref<80x128xf32, #tpu.memory_space<hbm>>) target_semaphore(%arg32 : memref<!tpu.dma_semaphore, #tpu.memory_space<semaphore_mem>>)
      %dma_wait3A_228 = arith.constant 0 : i32
      %dma_wait3A_229 = tpu.memref_slice %arg5[%add3A_207, %dma_wait3A_228] : memref<166400x128xf32, #tpu.memory_space<hbm>> -> memref<80x128xf32, #tpu.memory_space<hbm>>
      %dma_wait3A_230 = arith.constant 0 : i32
      %dma_wait3A_231 = tpu.memref_slice %arg5[%add3A_207, %dma_wait3A_230] : memref<166400x128xf32, #tpu.memory_space<hbm>> -> memref<80x128xf32, #tpu.memory_space<hbm>>
      tpu.wait_dma2 semaphore(%arg28 : memref<!tpu.dma_semaphore, #tpu.memory_space<semaphore_mem>>) src(%arg12 : memref<80x128xf32, #tpu.memory_space<vmem>>) dst(%dma_wait3A_231 : memref<80x128xf32, #tpu.memory_space<hbm>>)
      %dma_wait3A_232 = arith.constant 0 : i32
      %dma_wait3A_233 = tpu.memref_slice %arg6[%add3A_207, %dma_wait3A_232] : memref<166400x128xf32, #tpu.memory_space<hbm>> -> memref<80x128xf32, #tpu.memory_space<hbm>>
      %dma_wait3A_234 = arith.constant 0 : i32
      %dma_wait3A_235 = tpu.memref_slice %arg6[%add3A_207, %dma_wait3A_234] : memref<166400x128xf32, #tpu.memory_space<hbm>> -> memref<80x128xf32, #tpu.memory_space<hbm>>
      tpu.wait_dma2 semaphore(%arg32 : memref<!tpu.dma_semaphore, #tpu.memory_space<semaphore_mem>>) src(%arg16 : memref<80x128xf32, #tpu.memory_space<vmem>>) dst(%dma_wait3A_235 : memref<80x128xf32, #tpu.memory_space<hbm>>)
      %add3A_236 = arith.constant 4 : i32
      %add3A_237 = arith.addi %add3A_204, %add3A_236 : i32
      %le3A_238 = arith.constant 64 : i32
      %le3A_239 = arith.cmpi sle, %add3A_237, %le3A_238 : i32
      %convert_element_type3A_240 = arith.extui %le3A_239 : i1 to i32
      %cond3A_241 = arith.constant 0 : i32
      %cond3A_242 = arith.cmpi ne, %convert_element_type3A_240, %cond3A_241 : i32
      scf.if %cond3A_242 {
        %add3A_243 = arith.constant 4 : i32
        %add3A_244 = arith.addi %add3A_204, %add3A_243 : i32
        %mul3A_245 = arith.constant 80 : i32
        %mul3A_246 = arith.muli %add3A_244, %mul3A_245 : i32
        %dma_start3A_247 = tpu.memref_slice %arg7[%mul3A_246] : memref<5200xi32, #tpu.memory_space<vmem>> -> memref<80xi32, #tpu.memory_space<vmem>>
        %dma_start3A_248 = arith.constant 0 : i32
        %dma_start3A_249 = arith.constant 0 : i32
        %dma_start3A_250 = tpu.memref_slice %arg2[%dma_start3A_248, %dma_start3A_249] : memref<10000x128xf32, #tpu.memory_space<hbm>> -> memref<10000x128xf32, #tpu.memory_space<hbm>>
        tpu.enqueue_indirect_dma source(%dma_start3A_250 : memref<10000x128xf32, #tpu.memory_space<hbm>>) target(%arg12 : memref<80x128xf32, #tpu.memory_space<vmem>>) offsets(%dma_start3A_247 : memref<80xi32, #tpu.memory_space<vmem>>) semaphore(%arg20 : memref<!tpu.dma_semaphore, #tpu.memory_space<semaphore_mem>>)
        %add3A_251 = arith.constant 4 : i32
        %add3A_252 = arith.addi %add3A_204, %add3A_251 : i32
        %mul3A_253 = arith.constant 80 : i32
        %mul3A_254 = arith.muli %add3A_252, %mul3A_253 : i32
        %dma_start3A_255 = tpu.memref_slice %arg8[%mul3A_254] : memref<5200xi32, #tpu.memory_space<vmem>> -> memref<80xi32, #tpu.memory_space<vmem>>
        %dma_start3A_256 = arith.constant 0 : i32
        %dma_start3A_257 = arith.constant 0 : i32
        %dma_start3A_258 = tpu.memref_slice %arg2[%dma_start3A_256, %dma_start3A_257] : memref<10000x128xf32, #tpu.memory_space<hbm>> -> memref<10000x128xf32, #tpu.memory_space<hbm>>
        tpu.enqueue_indirect_dma source(%dma_start3A_258 : memref<10000x128xf32, #tpu.memory_space<hbm>>) target(%arg16 : memref<80x128xf32, #tpu.memory_space<vmem>>) offsets(%dma_start3A_255 : memref<80xi32, #tpu.memory_space<vmem>>) semaphore(%arg24 : memref<!tpu.dma_semaphore, #tpu.memory_space<semaphore_mem>>)
      } else {
      }
    }
    %scan3A_45 = arith.constant 16 : i32
    %add3A_46 = arith.constant 5120 : i32
    %add3A_47 = arith.addi %mul3A_2, %add3A_46 : i32
    %dma_wait3A = arith.constant 5120 : i32
    %dma_wait3A_48 = tpu.memref_slice %arg7[%dma_wait3A] : memref<5200xi32, #tpu.memory_space<vmem>> -> memref<80xi32, #tpu.memory_space<vmem>>
    %dma_wait3A_49 = arith.constant 0 : i32
    %dma_wait3A_50 = arith.constant 0 : i32
    %dma_wait3A_51 = tpu.memref_slice %arg2[%dma_wait3A_49, %dma_wait3A_50] : memref<10000x128xf32, #tpu.memory_space<hbm>> -> memref<10000x128xf32, #tpu.memory_space<hbm>>
    tpu.wait_indirect_dma semaphore(%arg17 : memref<!tpu.dma_semaphore, #tpu.memory_space<semaphore_mem>>) src(%dma_wait3A_51 : memref<10000x128xf32, #tpu.memory_space<hbm>>) dst(%arg9 : memref<80x128xf32, #tpu.memory_space<vmem>>)
    %dma_wait3A_52 = arith.constant 5120 : i32
    %dma_wait3A_53 = tpu.memref_slice %arg8[%dma_wait3A_52] : memref<5200xi32, #tpu.memory_space<vmem>> -> memref<80xi32, #tpu.memory_space<vmem>>
    %dma_wait3A_54 = arith.constant 0 : i32
    %dma_wait3A_55 = arith.constant 0 : i32
    %dma_wait3A_56 = tpu.memref_slice %arg2[%dma_wait3A_54, %dma_wait3A_55] : memref<10000x128xf32, #tpu.memory_space<hbm>> -> memref<10000x128xf32, #tpu.memory_space<hbm>>
    tpu.wait_indirect_dma semaphore(%arg21 : memref<!tpu.dma_semaphore, #tpu.memory_space<semaphore_mem>>) src(%dma_wait3A_56 : memref<10000x128xf32, #tpu.memory_space<hbm>>) dst(%arg13 : memref<80x128xf32, #tpu.memory_space<vmem>>)
    %dma_start3A_57 = arith.constant 0 : i32
    %dma_start3A_58 = tpu.memref_slice %arg5[%add3A_47, %dma_start3A_57] : memref<166400x128xf32, #tpu.memory_space<hbm>> -> memref<80x128xf32, #tpu.memory_space<hbm>>
    %dma_start3A_59 = arith.constant 0 : i32
    %dma_start3A_60 = tpu.memref_slice %arg5[%add3A_47, %dma_start3A_59] : memref<166400x128xf32, #tpu.memory_space<hbm>> -> memref<80x128xf32, #tpu.memory_space<hbm>>
    tpu.enqueue_dma source(%arg9 : memref<80x128xf32, #tpu.memory_space<vmem>>) target(%dma_start3A_60 : memref<80x128xf32, #tpu.memory_space<hbm>>) target_semaphore(%arg25 : memref<!tpu.dma_semaphore, #tpu.memory_space<semaphore_mem>>)
    %dma_start3A_61 = arith.constant 0 : i32
    %dma_start3A_62 = tpu.memref_slice %arg6[%add3A_47, %dma_start3A_61] : memref<166400x128xf32, #tpu.memory_space<hbm>> -> memref<80x128xf32, #tpu.memory_space<hbm>>
    %dma_start3A_63 = arith.constant 0 : i32
    %dma_start3A_64 = tpu.memref_slice %arg6[%add3A_47, %dma_start3A_63] : memref<166400x128xf32, #tpu.memory_space<hbm>> -> memref<80x128xf32, #tpu.memory_space<hbm>>
    tpu.enqueue_dma source(%arg13 : memref<80x128xf32, #tpu.memory_space<vmem>>) target(%dma_start3A_64 : memref<80x128xf32, #tpu.memory_space<hbm>>) target_semaphore(%arg29 : memref<!tpu.dma_semaphore, #tpu.memory_space<semaphore_mem>>)
    %dma_wait3A_65 = arith.constant 0 : i32
    %dma_wait3A_66 = tpu.memref_slice %arg5[%add3A_47, %dma_wait3A_65] : memref<166400x128xf32, #tpu.memory_space<hbm>> -> memref<80x128xf32, #tpu.memory_space<hbm>>
    %dma_wait3A_67 = arith.constant 0 : i32
    %dma_wait3A_68 = tpu.memref_slice %arg5[%add3A_47, %dma_wait3A_67] : memref<166400x128xf32, #tpu.memory_space<hbm>> -> memref<80x128xf32, #tpu.memory_space<hbm>>
    tpu.wait_dma2 semaphore(%arg25 : memref<!tpu.dma_semaphore, #tpu.memory_space<semaphore_mem>>) src(%arg9 : memref<80x128xf32, #tpu.memory_space<vmem>>) dst(%dma_wait3A_68 : memref<80x128xf32, #tpu.memory_space<hbm>>)
    %dma_wait3A_69 = arith.constant 0 : i32
    %dma_wait3A_70 = tpu.memref_slice %arg6[%add3A_47, %dma_wait3A_69] : memref<166400x128xf32, #tpu.memory_space<hbm>> -> memref<80x128xf32, #tpu.memory_space<hbm>>
    %dma_wait3A_71 = arith.constant 0 : i32
    %dma_wait3A_72 = tpu.memref_slice %arg6[%add3A_47, %dma_wait3A_71] : memref<166400x128xf32, #tpu.memory_space<hbm>> -> memref<80x128xf32, #tpu.memory_space<hbm>>
    tpu.wait_dma2 semaphore(%arg29 : memref<!tpu.dma_semaphore, #tpu.memory_space<semaphore_mem>>) src(%arg13 : memref<80x128xf32, #tpu.memory_space<vmem>>) dst(%dma_wait3A_72 : memref<80x128xf32, #tpu.memory_space<hbm>>)
    return
  }
}

#map = affine_map<(d0, d1) -> (0, 0)>
#map1 = affine_map<(d0, d1) -> (0)>
module attributes {stable_mosaic.version = 14 : i64} {
  func.func @k(%arg0: i32, %arg1: i32, %arg2: memref<10000x128xf32, #tpu.memory_space<hbm>>, %arg3: memref<153600xi32, #tpu.memory_space<hbm>>, %arg4: memref<153600xi32, #tpu.memory_space<hbm>>, %arg5: memref<153600x128xf32, #tpu.memory_space<hbm>>, %arg6: memref<153600x128xf32, #tpu.memory_space<hbm>>, %arg7: memref<4800xi32, #tpu.memory_space<vmem>>, %arg8: memref<4800xi32, #tpu.memory_space<vmem>>, %arg9: memref<80x128xf32, #tpu.memory_space<vmem>>, %arg10: memref<80x128xf32, #tpu.memory_space<vmem>>, %arg11: memref<80x128xf32, #tpu.memory_space<vmem>>, %arg12: memref<80x128xf32, #tpu.memory_space<vmem>>, %arg13: memref<80x128xf32, #tpu.memory_space<vmem>>, %arg14: memref<80x128xf32, #tpu.memory_space<vmem>>, %arg15: memref<80x128xf32, #tpu.memory_space<vmem>>, %arg16: memref<80x128xf32, #tpu.memory_space<vmem>>, %arg17: memref<!tpu.dma_semaphore, #tpu.memory_space<semaphore_mem>>, %arg18: memref<!tpu.dma_semaphore, #tpu.memory_space<semaphore_mem>>, %arg19: memref<!tpu.dma_semaphore, #tpu.memory_space<semaphore_mem>>, %arg20: memref<!tpu.dma_semaphore, #tpu.memory_space<semaphore_mem>>, %arg21: memref<!tpu.dma_semaphore, #tpu.memory_space<semaphore_mem>>, %arg22: memref<!tpu.dma_semaphore, #tpu.memory_space<semaphore_mem>>, %arg23: memref<!tpu.dma_semaphore, #tpu.memory_space<semaphore_mem>>, %arg24: memref<!tpu.dma_semaphore, #tpu.memory_space<semaphore_mem>>, %arg25: memref<!tpu.dma_semaphore, #tpu.memory_space<semaphore_mem>>, %arg26: memref<!tpu.dma_semaphore, #tpu.memory_space<semaphore_mem>>, %arg27: memref<!tpu.dma_semaphore, #tpu.memory_space<semaphore_mem>>, %arg28: memref<!tpu.dma_semaphore, #tpu.memory_space<semaphore_mem>>, %arg29: memref<!tpu.dma_semaphore, #tpu.memory_space<semaphore_mem>>, %arg30: memref<!tpu.dma_semaphore, #tpu.memory_space<semaphore_mem>>, %arg31: memref<!tpu.dma_semaphore, #tpu.memory_space<semaphore_mem>>, %arg32: memref<!tpu.dma_semaphore, #tpu.memory_space<semaphore_mem>>) attributes {dimension_semantics = [#tpu.dimension_semantics<core_parallel>, #tpu.dimension_semantics<subcore_parallel>], iteration_bounds = array<i64: 2, 16>, scalar_prefetch = 0 : i64, scratch_operands = 26 : i64, tpu.core_type = #tpu.core_type<sc_vector_subcore>, window_params = [{transform_indices = #map}, {transform_indices = #map1}, {transform_indices = #map1}, {transform_indices = #map}, {transform_indices = #map}]} {
    %mul3A = arith.constant 16 : i32
    %mul3A_0 = arith.muli %arg0, %mul3A : i32
    %add3A = arith.addi %mul3A_0, %arg1 : i32
    %mul3A_1 = arith.constant 4800 : i32
    %mul3A_2 = arith.muli %add3A, %mul3A_1 : i32
    "tpu.region"() ({
      %run_scoped3A = tpu.sem_alloc : memref<!tpu.dma_semaphore, #tpu.memory_space<semaphore_mem>>
      %dma_start3A_46 = tpu.memref_slice %arg3[%mul3A_2] : memref<153600xi32, #tpu.memory_space<hbm>> -> memref<4800xi32, #tpu.memory_space<hbm>>
      %dma_start3A_47 = tpu.memref_slice %arg3[%mul3A_2] : memref<153600xi32, #tpu.memory_space<hbm>> -> memref<4800xi32, #tpu.memory_space<hbm>>
      tpu.enqueue_dma source(%dma_start3A_47 : memref<4800xi32, #tpu.memory_space<hbm>>) target(%arg7 : memref<4800xi32, #tpu.memory_space<vmem>>) target_semaphore(%run_scoped3A : memref<!tpu.dma_semaphore, #tpu.memory_space<semaphore_mem>>)
      %dma_wait3A = tpu.memref_slice %arg3[%mul3A_2] : memref<153600xi32, #tpu.memory_space<hbm>> -> memref<4800xi32, #tpu.memory_space<hbm>>
      %dma_wait3A_48 = tpu.memref_slice %arg3[%mul3A_2] : memref<153600xi32, #tpu.memory_space<hbm>> -> memref<4800xi32, #tpu.memory_space<hbm>>
      tpu.wait_dma2 semaphore(%run_scoped3A : memref<!tpu.dma_semaphore, #tpu.memory_space<semaphore_mem>>) src(%dma_wait3A_48 : memref<4800xi32, #tpu.memory_space<hbm>>) dst(%arg7 : memref<4800xi32, #tpu.memory_space<vmem>>)
      tpu.yield
    }) : () -> ()
    "tpu.region"() ({
      %run_scoped3A = tpu.sem_alloc : memref<!tpu.dma_semaphore, #tpu.memory_space<semaphore_mem>>
      %dma_start3A_46 = tpu.memref_slice %arg4[%mul3A_2] : memref<153600xi32, #tpu.memory_space<hbm>> -> memref<4800xi32, #tpu.memory_space<hbm>>
      %dma_start3A_47 = tpu.memref_slice %arg4[%mul3A_2] : memref<153600xi32, #tpu.memory_space<hbm>> -> memref<4800xi32, #tpu.memory_space<hbm>>
      tpu.enqueue_dma source(%dma_start3A_47 : memref<4800xi32, #tpu.memory_space<hbm>>) target(%arg8 : memref<4800xi32, #tpu.memory_space<vmem>>) target_semaphore(%run_scoped3A : memref<!tpu.dma_semaphore, #tpu.memory_space<semaphore_mem>>)
      %dma_wait3A = tpu.memref_slice %arg4[%mul3A_2] : memref<153600xi32, #tpu.memory_space<hbm>> -> memref<4800xi32, #tpu.memory_space<hbm>>
      %dma_wait3A_48 = tpu.memref_slice %arg4[%mul3A_2] : memref<153600xi32, #tpu.memory_space<hbm>> -> memref<4800xi32, #tpu.memory_space<hbm>>
      tpu.wait_dma2 semaphore(%run_scoped3A : memref<!tpu.dma_semaphore, #tpu.memory_space<semaphore_mem>>) src(%dma_wait3A_48 : memref<4800xi32, #tpu.memory_space<hbm>>) dst(%arg8 : memref<4800xi32, #tpu.memory_space<vmem>>)
      tpu.yield
    }) : () -> ()
    %dma_start3A = arith.constant 0 : i32
    %dma_start3A_3 = tpu.memref_slice %arg7[%dma_start3A] : memref<4800xi32, #tpu.memory_space<vmem>> -> memref<80xi32, #tpu.memory_space<vmem>>
    %dma_start3A_4 = arith.constant 0 : i32
    %dma_start3A_5 = arith.constant 0 : i32
    %dma_start3A_6 = tpu.memref_slice %arg2[%dma_start3A_4, %dma_start3A_5] : memref<10000x128xf32, #tpu.memory_space<hbm>> -> memref<10000x128xf32, #tpu.memory_space<hbm>>
    tpu.enqueue_indirect_dma source(%dma_start3A_6 : memref<10000x128xf32, #tpu.memory_space<hbm>>) target(%arg9 : memref<80x128xf32, #tpu.memory_space<vmem>>) offsets(%dma_start3A_3 : memref<80xi32, #tpu.memory_space<vmem>>) semaphore(%arg17 : memref<!tpu.dma_semaphore, #tpu.memory_space<semaphore_mem>>)
    %dma_start3A_7 = arith.constant 0 : i32
    %dma_start3A_8 = tpu.memref_slice %arg8[%dma_start3A_7] : memref<4800xi32, #tpu.memory_space<vmem>> -> memref<80xi32, #tpu.memory_space<vmem>>
    %dma_start3A_9 = arith.constant 0 : i32
    %dma_start3A_10 = arith.constant 0 : i32
    %dma_start3A_11 = tpu.memref_slice %arg2[%dma_start3A_9, %dma_start3A_10] : memref<10000x128xf32, #tpu.memory_space<hbm>> -> memref<10000x128xf32, #tpu.memory_space<hbm>>
    tpu.enqueue_indirect_dma source(%dma_start3A_11 : memref<10000x128xf32, #tpu.memory_space<hbm>>) target(%arg13 : memref<80x128xf32, #tpu.memory_space<vmem>>) offsets(%dma_start3A_8 : memref<80xi32, #tpu.memory_space<vmem>>) semaphore(%arg21 : memref<!tpu.dma_semaphore, #tpu.memory_space<semaphore_mem>>)
    %dma_start3A_12 = arith.constant 80 : i32
    %dma_start3A_13 = tpu.memref_slice %arg7[%dma_start3A_12] : memref<4800xi32, #tpu.memory_space<vmem>> -> memref<80xi32, #tpu.memory_space<vmem>>
    %dma_start3A_14 = arith.constant 0 : i32
    %dma_start3A_15 = arith.constant 0 : i32
    %dma_start3A_16 = tpu.memref_slice %arg2[%dma_start3A_14, %dma_start3A_15] : memref<10000x128xf32, #tpu.memory_space<hbm>> -> memref<10000x128xf32, #tpu.memory_space<hbm>>
    tpu.enqueue_indirect_dma source(%dma_start3A_16 : memref<10000x128xf32, #tpu.memory_space<hbm>>) target(%arg10 : memref<80x128xf32, #tpu.memory_space<vmem>>) offsets(%dma_start3A_13 : memref<80xi32, #tpu.memory_space<vmem>>) semaphore(%arg18 : memref<!tpu.dma_semaphore, #tpu.memory_space<semaphore_mem>>)
    %dma_start3A_17 = arith.constant 80 : i32
    %dma_start3A_18 = tpu.memref_slice %arg8[%dma_start3A_17] : memref<4800xi32, #tpu.memory_space<vmem>> -> memref<80xi32, #tpu.memory_space<vmem>>
    %dma_start3A_19 = arith.constant 0 : i32
    %dma_start3A_20 = arith.constant 0 : i32
    %dma_start3A_21 = tpu.memref_slice %arg2[%dma_start3A_19, %dma_start3A_20] : memref<10000x128xf32, #tpu.memory_space<hbm>> -> memref<10000x128xf32, #tpu.memory_space<hbm>>
    tpu.enqueue_indirect_dma source(%dma_start3A_21 : memref<10000x128xf32, #tpu.memory_space<hbm>>) target(%arg14 : memref<80x128xf32, #tpu.memory_space<vmem>>) offsets(%dma_start3A_18 : memref<80xi32, #tpu.memory_space<vmem>>) semaphore(%arg22 : memref<!tpu.dma_semaphore, #tpu.memory_space<semaphore_mem>>)
    %dma_start3A_22 = arith.constant 160 : i32
    %dma_start3A_23 = tpu.memref_slice %arg7[%dma_start3A_22] : memref<4800xi32, #tpu.memory_space<vmem>> -> memref<80xi32, #tpu.memory_space<vmem>>
    %dma_start3A_24 = arith.constant 0 : i32
    %dma_start3A_25 = arith.constant 0 : i32
    %dma_start3A_26 = tpu.memref_slice %arg2[%dma_start3A_24, %dma_start3A_25] : memref<10000x128xf32, #tpu.memory_space<hbm>> -> memref<10000x128xf32, #tpu.memory_space<hbm>>
    tpu.enqueue_indirect_dma source(%dma_start3A_26 : memref<10000x128xf32, #tpu.memory_space<hbm>>) target(%arg11 : memref<80x128xf32, #tpu.memory_space<vmem>>) offsets(%dma_start3A_23 : memref<80xi32, #tpu.memory_space<vmem>>) semaphore(%arg19 : memref<!tpu.dma_semaphore, #tpu.memory_space<semaphore_mem>>)
    %dma_start3A_27 = arith.constant 160 : i32
    %dma_start3A_28 = tpu.memref_slice %arg8[%dma_start3A_27] : memref<4800xi32, #tpu.memory_space<vmem>> -> memref<80xi32, #tpu.memory_space<vmem>>
    %dma_start3A_29 = arith.constant 0 : i32
    %dma_start3A_30 = arith.constant 0 : i32
    %dma_start3A_31 = tpu.memref_slice %arg2[%dma_start3A_29, %dma_start3A_30] : memref<10000x128xf32, #tpu.memory_space<hbm>> -> memref<10000x128xf32, #tpu.memory_space<hbm>>
    tpu.enqueue_indirect_dma source(%dma_start3A_31 : memref<10000x128xf32, #tpu.memory_space<hbm>>) target(%arg15 : memref<80x128xf32, #tpu.memory_space<vmem>>) offsets(%dma_start3A_28 : memref<80xi32, #tpu.memory_space<vmem>>) semaphore(%arg23 : memref<!tpu.dma_semaphore, #tpu.memory_space<semaphore_mem>>)
    %dma_start3A_32 = arith.constant 240 : i32
    %dma_start3A_33 = tpu.memref_slice %arg7[%dma_start3A_32] : memref<4800xi32, #tpu.memory_space<vmem>> -> memref<80xi32, #tpu.memory_space<vmem>>
    %dma_start3A_34 = arith.constant 0 : i32
    %dma_start3A_35 = arith.constant 0 : i32
    %dma_start3A_36 = tpu.memref_slice %arg2[%dma_start3A_34, %dma_start3A_35] : memref<10000x128xf32, #tpu.memory_space<hbm>> -> memref<10000x128xf32, #tpu.memory_space<hbm>>
    tpu.enqueue_indirect_dma source(%dma_start3A_36 : memref<10000x128xf32, #tpu.memory_space<hbm>>) target(%arg12 : memref<80x128xf32, #tpu.memory_space<vmem>>) offsets(%dma_start3A_33 : memref<80xi32, #tpu.memory_space<vmem>>) semaphore(%arg20 : memref<!tpu.dma_semaphore, #tpu.memory_space<semaphore_mem>>)
    %dma_start3A_37 = arith.constant 240 : i32
    %dma_start3A_38 = tpu.memref_slice %arg8[%dma_start3A_37] : memref<4800xi32, #tpu.memory_space<vmem>> -> memref<80xi32, #tpu.memory_space<vmem>>
    %dma_start3A_39 = arith.constant 0 : i32
    %dma_start3A_40 = arith.constant 0 : i32
    %dma_start3A_41 = tpu.memref_slice %arg2[%dma_start3A_39, %dma_start3A_40] : memref<10000x128xf32, #tpu.memory_space<hbm>> -> memref<10000x128xf32, #tpu.memory_space<hbm>>
    tpu.enqueue_indirect_dma source(%dma_start3A_41 : memref<10000x128xf32, #tpu.memory_space<hbm>>) target(%arg16 : memref<80x128xf32, #tpu.memory_space<vmem>>) offsets(%dma_start3A_38 : memref<80xi32, #tpu.memory_space<vmem>>) semaphore(%arg24 : memref<!tpu.dma_semaphore, #tpu.memory_space<semaphore_mem>>)
    %scan3A = arith.constant 0 : i32
    %scan3A_42 = arith.constant 15 : i32
    %scan3A_43 = arith.addi %scan3A, %scan3A_42 : i32
    %scan3A_44 = arith.constant 1 : i32
    scf.for %scan3A_46 = %scan3A to %scan3A_43 step %scan3A_44  : i32 {
      %mul3A_47 = arith.constant 1 : i32
      %mul3A_48 = arith.muli %scan3A_46, %mul3A_47 : i32
      %add3A_49 = arith.constant 0 : i32
      %add3A_50 = arith.addi %add3A_49, %mul3A_48 : i32
      %mul3A_51 = arith.constant 4 : i32
      %mul3A_52 = arith.muli %mul3A_51, %add3A_50 : i32
      %add3A_53 = arith.constant 0 : i32
      %add3A_54 = arith.addi %mul3A_52, %add3A_53 : i32
      %mul3A_55 = arith.constant 80 : i32
      %mul3A_56 = arith.muli %add3A_54, %mul3A_55 : i32
      %add3A_57 = arith.addi %mul3A_2, %mul3A_56 : i32
      %mul3A_58 = arith.constant 80 : i32
      %mul3A_59 = arith.muli %add3A_54, %mul3A_58 : i32
      %dma_wait3A = tpu.memref_slice %arg7[%mul3A_59] : memref<4800xi32, #tpu.memory_space<vmem>> -> memref<80xi32, #tpu.memory_space<vmem>>
      %dma_wait3A_60 = arith.constant 0 : i32
      %dma_wait3A_61 = arith.constant 0 : i32
      %dma_wait3A_62 = tpu.memref_slice %arg2[%dma_wait3A_60, %dma_wait3A_61] : memref<10000x128xf32, #tpu.memory_space<hbm>> -> memref<10000x128xf32, #tpu.memory_space<hbm>>
      tpu.wait_indirect_dma semaphore(%arg17 : memref<!tpu.dma_semaphore, #tpu.memory_space<semaphore_mem>>) src(%dma_wait3A_62 : memref<10000x128xf32, #tpu.memory_space<hbm>>) dst(%arg9 : memref<80x128xf32, #tpu.memory_space<vmem>>)
      %mul3A_63 = arith.constant 80 : i32
      %mul3A_64 = arith.muli %add3A_54, %mul3A_63 : i32
      %dma_wait3A_65 = tpu.memref_slice %arg8[%mul3A_64] : memref<4800xi32, #tpu.memory_space<vmem>> -> memref<80xi32, #tpu.memory_space<vmem>>
      %dma_wait3A_66 = arith.constant 0 : i32
      %dma_wait3A_67 = arith.constant 0 : i32
      %dma_wait3A_68 = tpu.memref_slice %arg2[%dma_wait3A_66, %dma_wait3A_67] : memref<10000x128xf32, #tpu.memory_space<hbm>> -> memref<10000x128xf32, #tpu.memory_space<hbm>>
      tpu.wait_indirect_dma semaphore(%arg21 : memref<!tpu.dma_semaphore, #tpu.memory_space<semaphore_mem>>) src(%dma_wait3A_68 : memref<10000x128xf32, #tpu.memory_space<hbm>>) dst(%arg13 : memref<80x128xf32, #tpu.memory_space<vmem>>)
      %dma_start3A_69 = arith.constant 0 : i32
      %dma_start3A_70 = tpu.memref_slice %arg5[%add3A_57, %dma_start3A_69] : memref<153600x128xf32, #tpu.memory_space<hbm>> -> memref<80x128xf32, #tpu.memory_space<hbm>>
      %dma_start3A_71 = arith.constant 0 : i32
      %dma_start3A_72 = tpu.memref_slice %arg5[%add3A_57, %dma_start3A_71] : memref<153600x128xf32, #tpu.memory_space<hbm>> -> memref<80x128xf32, #tpu.memory_space<hbm>>
      tpu.enqueue_dma source(%arg9 : memref<80x128xf32, #tpu.memory_space<vmem>>) target(%dma_start3A_72 : memref<80x128xf32, #tpu.memory_space<hbm>>) target_semaphore(%arg25 : memref<!tpu.dma_semaphore, #tpu.memory_space<semaphore_mem>>)
      %dma_start3A_73 = arith.constant 0 : i32
      %dma_start3A_74 = tpu.memref_slice %arg6[%add3A_57, %dma_start3A_73] : memref<153600x128xf32, #tpu.memory_space<hbm>> -> memref<80x128xf32, #tpu.memory_space<hbm>>
      %dma_start3A_75 = arith.constant 0 : i32
      %dma_start3A_76 = tpu.memref_slice %arg6[%add3A_57, %dma_start3A_75] : memref<153600x128xf32, #tpu.memory_space<hbm>> -> memref<80x128xf32, #tpu.memory_space<hbm>>
      tpu.enqueue_dma source(%arg13 : memref<80x128xf32, #tpu.memory_space<vmem>>) target(%dma_start3A_76 : memref<80x128xf32, #tpu.memory_space<hbm>>) target_semaphore(%arg29 : memref<!tpu.dma_semaphore, #tpu.memory_space<semaphore_mem>>)
      %dma_wait3A_77 = arith.constant 0 : i32
      %dma_wait3A_78 = tpu.memref_slice %arg5[%add3A_57, %dma_wait3A_77] : memref<153600x128xf32, #tpu.memory_space<hbm>> -> memref<80x128xf32, #tpu.memory_space<hbm>>
      %dma_wait3A_79 = arith.constant 0 : i32
      %dma_wait3A_80 = tpu.memref_slice %arg5[%add3A_57, %dma_wait3A_79] : memref<153600x128xf32, #tpu.memory_space<hbm>> -> memref<80x128xf32, #tpu.memory_space<hbm>>
      tpu.wait_dma2 semaphore(%arg25 : memref<!tpu.dma_semaphore, #tpu.memory_space<semaphore_mem>>) src(%arg9 : memref<80x128xf32, #tpu.memory_space<vmem>>) dst(%dma_wait3A_80 : memref<80x128xf32, #tpu.memory_space<hbm>>)
      %dma_wait3A_81 = arith.constant 0 : i32
      %dma_wait3A_82 = tpu.memref_slice %arg6[%add3A_57, %dma_wait3A_81] : memref<153600x128xf32, #tpu.memory_space<hbm>> -> memref<80x128xf32, #tpu.memory_space<hbm>>
      %dma_wait3A_83 = arith.constant 0 : i32
      %dma_wait3A_84 = tpu.memref_slice %arg6[%add3A_57, %dma_wait3A_83] : memref<153600x128xf32, #tpu.memory_space<hbm>> -> memref<80x128xf32, #tpu.memory_space<hbm>>
      tpu.wait_dma2 semaphore(%arg29 : memref<!tpu.dma_semaphore, #tpu.memory_space<semaphore_mem>>) src(%arg13 : memref<80x128xf32, #tpu.memory_space<vmem>>) dst(%dma_wait3A_84 : memref<80x128xf32, #tpu.memory_space<hbm>>)
      %add3A_85 = arith.constant 4 : i32
      %add3A_86 = arith.addi %add3A_54, %add3A_85 : i32
      %le3A = arith.constant 59 : i32
      %le3A_87 = arith.cmpi sle, %add3A_86, %le3A : i32
      %convert_element_type3A = arith.extui %le3A_87 : i1 to i32
      %cond3A = arith.constant 0 : i32
      %cond3A_88 = arith.cmpi ne, %convert_element_type3A, %cond3A : i32
      scf.if %cond3A_88 {
        %add3A_215 = arith.constant 4 : i32
        %add3A_216 = arith.addi %add3A_54, %add3A_215 : i32
        %mul3A_217 = arith.constant 80 : i32
        %mul3A_218 = arith.muli %add3A_216, %mul3A_217 : i32
        %dma_start3A_219 = tpu.memref_slice %arg7[%mul3A_218] : memref<4800xi32, #tpu.memory_space<vmem>> -> memref<80xi32, #tpu.memory_space<vmem>>
        %dma_start3A_220 = arith.constant 0 : i32
        %dma_start3A_221 = arith.constant 0 : i32
        %dma_start3A_222 = tpu.memref_slice %arg2[%dma_start3A_220, %dma_start3A_221] : memref<10000x128xf32, #tpu.memory_space<hbm>> -> memref<10000x128xf32, #tpu.memory_space<hbm>>
        tpu.enqueue_indirect_dma source(%dma_start3A_222 : memref<10000x128xf32, #tpu.memory_space<hbm>>) target(%arg9 : memref<80x128xf32, #tpu.memory_space<vmem>>) offsets(%dma_start3A_219 : memref<80xi32, #tpu.memory_space<vmem>>) semaphore(%arg17 : memref<!tpu.dma_semaphore, #tpu.memory_space<semaphore_mem>>)
        %add3A_223 = arith.constant 4 : i32
        %add3A_224 = arith.addi %add3A_54, %add3A_223 : i32
        %mul3A_225 = arith.constant 80 : i32
        %mul3A_226 = arith.muli %add3A_224, %mul3A_225 : i32
        %dma_start3A_227 = tpu.memref_slice %arg8[%mul3A_226] : memref<4800xi32, #tpu.memory_space<vmem>> -> memref<80xi32, #tpu.memory_space<vmem>>
        %dma_start3A_228 = arith.constant 0 : i32
        %dma_start3A_229 = arith.constant 0 : i32
        %dma_start3A_230 = tpu.memref_slice %arg2[%dma_start3A_228, %dma_start3A_229] : memref<10000x128xf32, #tpu.memory_space<hbm>> -> memref<10000x128xf32, #tpu.memory_space<hbm>>
        tpu.enqueue_indirect_dma source(%dma_start3A_230 : memref<10000x128xf32, #tpu.memory_space<hbm>>) target(%arg13 : memref<80x128xf32, #tpu.memory_space<vmem>>) offsets(%dma_start3A_227 : memref<80xi32, #tpu.memory_space<vmem>>) semaphore(%arg21 : memref<!tpu.dma_semaphore, #tpu.memory_space<semaphore_mem>>)
      } else {
      }
      %mul3A_89 = arith.constant 4 : i32
      %mul3A_90 = arith.muli %mul3A_89, %add3A_50 : i32
      %add3A_91 = arith.constant 1 : i32
      %add3A_92 = arith.addi %mul3A_90, %add3A_91 : i32
      %mul3A_93 = arith.constant 80 : i32
      %mul3A_94 = arith.muli %add3A_92, %mul3A_93 : i32
      %add3A_95 = arith.addi %mul3A_2, %mul3A_94 : i32
      %mul3A_96 = arith.constant 80 : i32
      %mul3A_97 = arith.muli %add3A_92, %mul3A_96 : i32
      %dma_wait3A_98 = tpu.memref_slice %arg7[%mul3A_97] : memref<4800xi32, #tpu.memory_space<vmem>> -> memref<80xi32, #tpu.memory_space<vmem>>
      %dma_wait3A_99 = arith.constant 0 : i32
      %dma_wait3A_100 = arith.constant 0 : i32
      %dma_wait3A_101 = tpu.memref_slice %arg2[%dma_wait3A_99, %dma_wait3A_100] : memref<10000x128xf32, #tpu.memory_space<hbm>> -> memref<10000x128xf32, #tpu.memory_space<hbm>>
      tpu.wait_indirect_dma semaphore(%arg18 : memref<!tpu.dma_semaphore, #tpu.memory_space<semaphore_mem>>) src(%dma_wait3A_101 : memref<10000x128xf32, #tpu.memory_space<hbm>>) dst(%arg10 : memref<80x128xf32, #tpu.memory_space<vmem>>)
      %mul3A_102 = arith.constant 80 : i32
      %mul3A_103 = arith.muli %add3A_92, %mul3A_102 : i32
      %dma_wait3A_104 = tpu.memref_slice %arg8[%mul3A_103] : memref<4800xi32, #tpu.memory_space<vmem>> -> memref<80xi32, #tpu.memory_space<vmem>>
      %dma_wait3A_105 = arith.constant 0 : i32
      %dma_wait3A_106 = arith.constant 0 : i32
      %dma_wait3A_107 = tpu.memref_slice %arg2[%dma_wait3A_105, %dma_wait3A_106] : memref<10000x128xf32, #tpu.memory_space<hbm>> -> memref<10000x128xf32, #tpu.memory_space<hbm>>
      tpu.wait_indirect_dma semaphore(%arg22 : memref<!tpu.dma_semaphore, #tpu.memory_space<semaphore_mem>>) src(%dma_wait3A_107 : memref<10000x128xf32, #tpu.memory_space<hbm>>) dst(%arg14 : memref<80x128xf32, #tpu.memory_space<vmem>>)
      %dma_start3A_108 = arith.constant 0 : i32
      %dma_start3A_109 = tpu.memref_slice %arg5[%add3A_95, %dma_start3A_108] : memref<153600x128xf32, #tpu.memory_space<hbm>> -> memref<80x128xf32, #tpu.memory_space<hbm>>
      %dma_start3A_110 = arith.constant 0 : i32
      %dma_start3A_111 = tpu.memref_slice %arg5[%add3A_95, %dma_start3A_110] : memref<153600x128xf32, #tpu.memory_space<hbm>> -> memref<80x128xf32, #tpu.memory_space<hbm>>
      tpu.enqueue_dma source(%arg10 : memref<80x128xf32, #tpu.memory_space<vmem>>) target(%dma_start3A_111 : memref<80x128xf32, #tpu.memory_space<hbm>>) target_semaphore(%arg26 : memref<!tpu.dma_semaphore, #tpu.memory_space<semaphore_mem>>)
      %dma_start3A_112 = arith.constant 0 : i32
      %dma_start3A_113 = tpu.memref_slice %arg6[%add3A_95, %dma_start3A_112] : memref<153600x128xf32, #tpu.memory_space<hbm>> -> memref<80x128xf32, #tpu.memory_space<hbm>>
      %dma_start3A_114 = arith.constant 0 : i32
      %dma_start3A_115 = tpu.memref_slice %arg6[%add3A_95, %dma_start3A_114] : memref<153600x128xf32, #tpu.memory_space<hbm>> -> memref<80x128xf32, #tpu.memory_space<hbm>>
      tpu.enqueue_dma source(%arg14 : memref<80x128xf32, #tpu.memory_space<vmem>>) target(%dma_start3A_115 : memref<80x128xf32, #tpu.memory_space<hbm>>) target_semaphore(%arg30 : memref<!tpu.dma_semaphore, #tpu.memory_space<semaphore_mem>>)
      %dma_wait3A_116 = arith.constant 0 : i32
      %dma_wait3A_117 = tpu.memref_slice %arg5[%add3A_95, %dma_wait3A_116] : memref<153600x128xf32, #tpu.memory_space<hbm>> -> memref<80x128xf32, #tpu.memory_space<hbm>>
      %dma_wait3A_118 = arith.constant 0 : i32
      %dma_wait3A_119 = tpu.memref_slice %arg5[%add3A_95, %dma_wait3A_118] : memref<153600x128xf32, #tpu.memory_space<hbm>> -> memref<80x128xf32, #tpu.memory_space<hbm>>
      tpu.wait_dma2 semaphore(%arg26 : memref<!tpu.dma_semaphore, #tpu.memory_space<semaphore_mem>>) src(%arg10 : memref<80x128xf32, #tpu.memory_space<vmem>>) dst(%dma_wait3A_119 : memref<80x128xf32, #tpu.memory_space<hbm>>)
      %dma_wait3A_120 = arith.constant 0 : i32
      %dma_wait3A_121 = tpu.memref_slice %arg6[%add3A_95, %dma_wait3A_120] : memref<153600x128xf32, #tpu.memory_space<hbm>> -> memref<80x128xf32, #tpu.memory_space<hbm>>
      %dma_wait3A_122 = arith.constant 0 : i32
      %dma_wait3A_123 = tpu.memref_slice %arg6[%add3A_95, %dma_wait3A_122] : memref<153600x128xf32, #tpu.memory_space<hbm>> -> memref<80x128xf32, #tpu.memory_space<hbm>>
      tpu.wait_dma2 semaphore(%arg30 : memref<!tpu.dma_semaphore, #tpu.memory_space<semaphore_mem>>) src(%arg14 : memref<80x128xf32, #tpu.memory_space<vmem>>) dst(%dma_wait3A_123 : memref<80x128xf32, #tpu.memory_space<hbm>>)
      %add3A_124 = arith.constant 4 : i32
      %add3A_125 = arith.addi %add3A_92, %add3A_124 : i32
      %le3A_126 = arith.constant 59 : i32
      %le3A_127 = arith.cmpi sle, %add3A_125, %le3A_126 : i32
      %convert_element_type3A_128 = arith.extui %le3A_127 : i1 to i32
      %cond3A_129 = arith.constant 0 : i32
      %cond3A_130 = arith.cmpi ne, %convert_element_type3A_128, %cond3A_129 : i32
      scf.if %cond3A_130 {
        %add3A_215 = arith.constant 4 : i32
        %add3A_216 = arith.addi %add3A_92, %add3A_215 : i32
        %mul3A_217 = arith.constant 80 : i32
        %mul3A_218 = arith.muli %add3A_216, %mul3A_217 : i32
        %dma_start3A_219 = tpu.memref_slice %arg7[%mul3A_218] : memref<4800xi32, #tpu.memory_space<vmem>> -> memref<80xi32, #tpu.memory_space<vmem>>
        %dma_start3A_220 = arith.constant 0 : i32
        %dma_start3A_221 = arith.constant 0 : i32
        %dma_start3A_222 = tpu.memref_slice %arg2[%dma_start3A_220, %dma_start3A_221] : memref<10000x128xf32, #tpu.memory_space<hbm>> -> memref<10000x128xf32, #tpu.memory_space<hbm>>
        tpu.enqueue_indirect_dma source(%dma_start3A_222 : memref<10000x128xf32, #tpu.memory_space<hbm>>) target(%arg10 : memref<80x128xf32, #tpu.memory_space<vmem>>) offsets(%dma_start3A_219 : memref<80xi32, #tpu.memory_space<vmem>>) semaphore(%arg18 : memref<!tpu.dma_semaphore, #tpu.memory_space<semaphore_mem>>)
        %add3A_223 = arith.constant 4 : i32
        %add3A_224 = arith.addi %add3A_92, %add3A_223 : i32
        %mul3A_225 = arith.constant 80 : i32
        %mul3A_226 = arith.muli %add3A_224, %mul3A_225 : i32
        %dma_start3A_227 = tpu.memref_slice %arg8[%mul3A_226] : memref<4800xi32, #tpu.memory_space<vmem>> -> memref<80xi32, #tpu.memory_space<vmem>>
        %dma_start3A_228 = arith.constant 0 : i32
        %dma_start3A_229 = arith.constant 0 : i32
        %dma_start3A_230 = tpu.memref_slice %arg2[%dma_start3A_228, %dma_start3A_229] : memref<10000x128xf32, #tpu.memory_space<hbm>> -> memref<10000x128xf32, #tpu.memory_space<hbm>>
        tpu.enqueue_indirect_dma source(%dma_start3A_230 : memref<10000x128xf32, #tpu.memory_space<hbm>>) target(%arg14 : memref<80x128xf32, #tpu.memory_space<vmem>>) offsets(%dma_start3A_227 : memref<80xi32, #tpu.memory_space<vmem>>) semaphore(%arg22 : memref<!tpu.dma_semaphore, #tpu.memory_space<semaphore_mem>>)
      } else {
      }
      %mul3A_131 = arith.constant 4 : i32
      %mul3A_132 = arith.muli %mul3A_131, %add3A_50 : i32
      %add3A_133 = arith.constant 2 : i32
      %add3A_134 = arith.addi %mul3A_132, %add3A_133 : i32
      %mul3A_135 = arith.constant 80 : i32
      %mul3A_136 = arith.muli %add3A_134, %mul3A_135 : i32
      %add3A_137 = arith.addi %mul3A_2, %mul3A_136 : i32
      %mul3A_138 = arith.constant 80 : i32
      %mul3A_139 = arith.muli %add3A_134, %mul3A_138 : i32
      %dma_wait3A_140 = tpu.memref_slice %arg7[%mul3A_139] : memref<4800xi32, #tpu.memory_space<vmem>> -> memref<80xi32, #tpu.memory_space<vmem>>
      %dma_wait3A_141 = arith.constant 0 : i32
      %dma_wait3A_142 = arith.constant 0 : i32
      %dma_wait3A_143 = tpu.memref_slice %arg2[%dma_wait3A_141, %dma_wait3A_142] : memref<10000x128xf32, #tpu.memory_space<hbm>> -> memref<10000x128xf32, #tpu.memory_space<hbm>>
      tpu.wait_indirect_dma semaphore(%arg19 : memref<!tpu.dma_semaphore, #tpu.memory_space<semaphore_mem>>) src(%dma_wait3A_143 : memref<10000x128xf32, #tpu.memory_space<hbm>>) dst(%arg11 : memref<80x128xf32, #tpu.memory_space<vmem>>)
      %mul3A_144 = arith.constant 80 : i32
      %mul3A_145 = arith.muli %add3A_134, %mul3A_144 : i32
      %dma_wait3A_146 = tpu.memref_slice %arg8[%mul3A_145] : memref<4800xi32, #tpu.memory_space<vmem>> -> memref<80xi32, #tpu.memory_space<vmem>>
      %dma_wait3A_147 = arith.constant 0 : i32
      %dma_wait3A_148 = arith.constant 0 : i32
      %dma_wait3A_149 = tpu.memref_slice %arg2[%dma_wait3A_147, %dma_wait3A_148] : memref<10000x128xf32, #tpu.memory_space<hbm>> -> memref<10000x128xf32, #tpu.memory_space<hbm>>
      tpu.wait_indirect_dma semaphore(%arg23 : memref<!tpu.dma_semaphore, #tpu.memory_space<semaphore_mem>>) src(%dma_wait3A_149 : memref<10000x128xf32, #tpu.memory_space<hbm>>) dst(%arg15 : memref<80x128xf32, #tpu.memory_space<vmem>>)
      %dma_start3A_150 = arith.constant 0 : i32
      %dma_start3A_151 = tpu.memref_slice %arg5[%add3A_137, %dma_start3A_150] : memref<153600x128xf32, #tpu.memory_space<hbm>> -> memref<80x128xf32, #tpu.memory_space<hbm>>
      %dma_start3A_152 = arith.constant 0 : i32
      %dma_start3A_153 = tpu.memref_slice %arg5[%add3A_137, %dma_start3A_152] : memref<153600x128xf32, #tpu.memory_space<hbm>> -> memref<80x128xf32, #tpu.memory_space<hbm>>
      tpu.enqueue_dma source(%arg11 : memref<80x128xf32, #tpu.memory_space<vmem>>) target(%dma_start3A_153 : memref<80x128xf32, #tpu.memory_space<hbm>>) target_semaphore(%arg27 : memref<!tpu.dma_semaphore, #tpu.memory_space<semaphore_mem>>)
      %dma_start3A_154 = arith.constant 0 : i32
      %dma_start3A_155 = tpu.memref_slice %arg6[%add3A_137, %dma_start3A_154] : memref<153600x128xf32, #tpu.memory_space<hbm>> -> memref<80x128xf32, #tpu.memory_space<hbm>>
      %dma_start3A_156 = arith.constant 0 : i32
      %dma_start3A_157 = tpu.memref_slice %arg6[%add3A_137, %dma_start3A_156] : memref<153600x128xf32, #tpu.memory_space<hbm>> -> memref<80x128xf32, #tpu.memory_space<hbm>>
      tpu.enqueue_dma source(%arg15 : memref<80x128xf32, #tpu.memory_space<vmem>>) target(%dma_start3A_157 : memref<80x128xf32, #tpu.memory_space<hbm>>) target_semaphore(%arg31 : memref<!tpu.dma_semaphore, #tpu.memory_space<semaphore_mem>>)
      %dma_wait3A_158 = arith.constant 0 : i32
      %dma_wait3A_159 = tpu.memref_slice %arg5[%add3A_137, %dma_wait3A_158] : memref<153600x128xf32, #tpu.memory_space<hbm>> -> memref<80x128xf32, #tpu.memory_space<hbm>>
      %dma_wait3A_160 = arith.constant 0 : i32
      %dma_wait3A_161 = tpu.memref_slice %arg5[%add3A_137, %dma_wait3A_160] : memref<153600x128xf32, #tpu.memory_space<hbm>> -> memref<80x128xf32, #tpu.memory_space<hbm>>
      tpu.wait_dma2 semaphore(%arg27 : memref<!tpu.dma_semaphore, #tpu.memory_space<semaphore_mem>>) src(%arg11 : memref<80x128xf32, #tpu.memory_space<vmem>>) dst(%dma_wait3A_161 : memref<80x128xf32, #tpu.memory_space<hbm>>)
      %dma_wait3A_162 = arith.constant 0 : i32
      %dma_wait3A_163 = tpu.memref_slice %arg6[%add3A_137, %dma_wait3A_162] : memref<153600x128xf32, #tpu.memory_space<hbm>> -> memref<80x128xf32, #tpu.memory_space<hbm>>
      %dma_wait3A_164 = arith.constant 0 : i32
      %dma_wait3A_165 = tpu.memref_slice %arg6[%add3A_137, %dma_wait3A_164] : memref<153600x128xf32, #tpu.memory_space<hbm>> -> memref<80x128xf32, #tpu.memory_space<hbm>>
      tpu.wait_dma2 semaphore(%arg31 : memref<!tpu.dma_semaphore, #tpu.memory_space<semaphore_mem>>) src(%arg15 : memref<80x128xf32, #tpu.memory_space<vmem>>) dst(%dma_wait3A_165 : memref<80x128xf32, #tpu.memory_space<hbm>>)
      %add3A_166 = arith.constant 4 : i32
      %add3A_167 = arith.addi %add3A_134, %add3A_166 : i32
      %le3A_168 = arith.constant 59 : i32
      %le3A_169 = arith.cmpi sle, %add3A_167, %le3A_168 : i32
      %convert_element_type3A_170 = arith.extui %le3A_169 : i1 to i32
      %cond3A_171 = arith.constant 0 : i32
      %cond3A_172 = arith.cmpi ne, %convert_element_type3A_170, %cond3A_171 : i32
      scf.if %cond3A_172 {
        %add3A_215 = arith.constant 4 : i32
        %add3A_216 = arith.addi %add3A_134, %add3A_215 : i32
        %mul3A_217 = arith.constant 80 : i32
        %mul3A_218 = arith.muli %add3A_216, %mul3A_217 : i32
        %dma_start3A_219 = tpu.memref_slice %arg7[%mul3A_218] : memref<4800xi32, #tpu.memory_space<vmem>> -> memref<80xi32, #tpu.memory_space<vmem>>
        %dma_start3A_220 = arith.constant 0 : i32
        %dma_start3A_221 = arith.constant 0 : i32
        %dma_start3A_222 = tpu.memref_slice %arg2[%dma_start3A_220, %dma_start3A_221] : memref<10000x128xf32, #tpu.memory_space<hbm>> -> memref<10000x128xf32, #tpu.memory_space<hbm>>
        tpu.enqueue_indirect_dma source(%dma_start3A_222 : memref<10000x128xf32, #tpu.memory_space<hbm>>) target(%arg11 : memref<80x128xf32, #tpu.memory_space<vmem>>) offsets(%dma_start3A_219 : memref<80xi32, #tpu.memory_space<vmem>>) semaphore(%arg19 : memref<!tpu.dma_semaphore, #tpu.memory_space<semaphore_mem>>)
        %add3A_223 = arith.constant 4 : i32
        %add3A_224 = arith.addi %add3A_134, %add3A_223 : i32
        %mul3A_225 = arith.constant 80 : i32
        %mul3A_226 = arith.muli %add3A_224, %mul3A_225 : i32
        %dma_start3A_227 = tpu.memref_slice %arg8[%mul3A_226] : memref<4800xi32, #tpu.memory_space<vmem>> -> memref<80xi32, #tpu.memory_space<vmem>>
        %dma_start3A_228 = arith.constant 0 : i32
        %dma_start3A_229 = arith.constant 0 : i32
        %dma_start3A_230 = tpu.memref_slice %arg2[%dma_start3A_228, %dma_start3A_229] : memref<10000x128xf32, #tpu.memory_space<hbm>> -> memref<10000x128xf32, #tpu.memory_space<hbm>>
        tpu.enqueue_indirect_dma source(%dma_start3A_230 : memref<10000x128xf32, #tpu.memory_space<hbm>>) target(%arg15 : memref<80x128xf32, #tpu.memory_space<vmem>>) offsets(%dma_start3A_227 : memref<80xi32, #tpu.memory_space<vmem>>) semaphore(%arg23 : memref<!tpu.dma_semaphore, #tpu.memory_space<semaphore_mem>>)
      } else {
      }
      %mul3A_173 = arith.constant 4 : i32
      %mul3A_174 = arith.muli %mul3A_173, %add3A_50 : i32
      %add3A_175 = arith.constant 3 : i32
      %add3A_176 = arith.addi %mul3A_174, %add3A_175 : i32
      %mul3A_177 = arith.constant 80 : i32
      %mul3A_178 = arith.muli %add3A_176, %mul3A_177 : i32
      %add3A_179 = arith.addi %mul3A_2, %mul3A_178 : i32
      %mul3A_180 = arith.constant 80 : i32
      %mul3A_181 = arith.muli %add3A_176, %mul3A_180 : i32
      %dma_wait3A_182 = tpu.memref_slice %arg7[%mul3A_181] : memref<4800xi32, #tpu.memory_space<vmem>> -> memref<80xi32, #tpu.memory_space<vmem>>
      %dma_wait3A_183 = arith.constant 0 : i32
      %dma_wait3A_184 = arith.constant 0 : i32
      %dma_wait3A_185 = tpu.memref_slice %arg2[%dma_wait3A_183, %dma_wait3A_184] : memref<10000x128xf32, #tpu.memory_space<hbm>> -> memref<10000x128xf32, #tpu.memory_space<hbm>>
      tpu.wait_indirect_dma semaphore(%arg20 : memref<!tpu.dma_semaphore, #tpu.memory_space<semaphore_mem>>) src(%dma_wait3A_185 : memref<10000x128xf32, #tpu.memory_space<hbm>>) dst(%arg12 : memref<80x128xf32, #tpu.memory_space<vmem>>)
      %mul3A_186 = arith.constant 80 : i32
      %mul3A_187 = arith.muli %add3A_176, %mul3A_186 : i32
      %dma_wait3A_188 = tpu.memref_slice %arg8[%mul3A_187] : memref<4800xi32, #tpu.memory_space<vmem>> -> memref<80xi32, #tpu.memory_space<vmem>>
      %dma_wait3A_189 = arith.constant 0 : i32
      %dma_wait3A_190 = arith.constant 0 : i32
      %dma_wait3A_191 = tpu.memref_slice %arg2[%dma_wait3A_189, %dma_wait3A_190] : memref<10000x128xf32, #tpu.memory_space<hbm>> -> memref<10000x128xf32, #tpu.memory_space<hbm>>
      tpu.wait_indirect_dma semaphore(%arg24 : memref<!tpu.dma_semaphore, #tpu.memory_space<semaphore_mem>>) src(%dma_wait3A_191 : memref<10000x128xf32, #tpu.memory_space<hbm>>) dst(%arg16 : memref<80x128xf32, #tpu.memory_space<vmem>>)
      %dma_start3A_192 = arith.constant 0 : i32
      %dma_start3A_193 = tpu.memref_slice %arg5[%add3A_179, %dma_start3A_192] : memref<153600x128xf32, #tpu.memory_space<hbm>> -> memref<80x128xf32, #tpu.memory_space<hbm>>
      %dma_start3A_194 = arith.constant 0 : i32
      %dma_start3A_195 = tpu.memref_slice %arg5[%add3A_179, %dma_start3A_194] : memref<153600x128xf32, #tpu.memory_space<hbm>> -> memref<80x128xf32, #tpu.memory_space<hbm>>
      tpu.enqueue_dma source(%arg12 : memref<80x128xf32, #tpu.memory_space<vmem>>) target(%dma_start3A_195 : memref<80x128xf32, #tpu.memory_space<hbm>>) target_semaphore(%arg28 : memref<!tpu.dma_semaphore, #tpu.memory_space<semaphore_mem>>)
      %dma_start3A_196 = arith.constant 0 : i32
      %dma_start3A_197 = tpu.memref_slice %arg6[%add3A_179, %dma_start3A_196] : memref<153600x128xf32, #tpu.memory_space<hbm>> -> memref<80x128xf32, #tpu.memory_space<hbm>>
      %dma_start3A_198 = arith.constant 0 : i32
      %dma_start3A_199 = tpu.memref_slice %arg6[%add3A_179, %dma_start3A_198] : memref<153600x128xf32, #tpu.memory_space<hbm>> -> memref<80x128xf32, #tpu.memory_space<hbm>>
      tpu.enqueue_dma source(%arg16 : memref<80x128xf32, #tpu.memory_space<vmem>>) target(%dma_start3A_199 : memref<80x128xf32, #tpu.memory_space<hbm>>) target_semaphore(%arg32 : memref<!tpu.dma_semaphore, #tpu.memory_space<semaphore_mem>>)
      %dma_wait3A_200 = arith.constant 0 : i32
      %dma_wait3A_201 = tpu.memref_slice %arg5[%add3A_179, %dma_wait3A_200] : memref<153600x128xf32, #tpu.memory_space<hbm>> -> memref<80x128xf32, #tpu.memory_space<hbm>>
      %dma_wait3A_202 = arith.constant 0 : i32
      %dma_wait3A_203 = tpu.memref_slice %arg5[%add3A_179, %dma_wait3A_202] : memref<153600x128xf32, #tpu.memory_space<hbm>> -> memref<80x128xf32, #tpu.memory_space<hbm>>
      tpu.wait_dma2 semaphore(%arg28 : memref<!tpu.dma_semaphore, #tpu.memory_space<semaphore_mem>>) src(%arg12 : memref<80x128xf32, #tpu.memory_space<vmem>>) dst(%dma_wait3A_203 : memref<80x128xf32, #tpu.memory_space<hbm>>)
      %dma_wait3A_204 = arith.constant 0 : i32
      %dma_wait3A_205 = tpu.memref_slice %arg6[%add3A_179, %dma_wait3A_204] : memref<153600x128xf32, #tpu.memory_space<hbm>> -> memref<80x128xf32, #tpu.memory_space<hbm>>
      %dma_wait3A_206 = arith.constant 0 : i32
      %dma_wait3A_207 = tpu.memref_slice %arg6[%add3A_179, %dma_wait3A_206] : memref<153600x128xf32, #tpu.memory_space<hbm>> -> memref<80x128xf32, #tpu.memory_space<hbm>>
      tpu.wait_dma2 semaphore(%arg32 : memref<!tpu.dma_semaphore, #tpu.memory_space<semaphore_mem>>) src(%arg16 : memref<80x128xf32, #tpu.memory_space<vmem>>) dst(%dma_wait3A_207 : memref<80x128xf32, #tpu.memory_space<hbm>>)
      %add3A_208 = arith.constant 4 : i32
      %add3A_209 = arith.addi %add3A_176, %add3A_208 : i32
      %le3A_210 = arith.constant 59 : i32
      %le3A_211 = arith.cmpi sle, %add3A_209, %le3A_210 : i32
      %convert_element_type3A_212 = arith.extui %le3A_211 : i1 to i32
      %cond3A_213 = arith.constant 0 : i32
      %cond3A_214 = arith.cmpi ne, %convert_element_type3A_212, %cond3A_213 : i32
      scf.if %cond3A_214 {
        %add3A_215 = arith.constant 4 : i32
        %add3A_216 = arith.addi %add3A_176, %add3A_215 : i32
        %mul3A_217 = arith.constant 80 : i32
        %mul3A_218 = arith.muli %add3A_216, %mul3A_217 : i32
        %dma_start3A_219 = tpu.memref_slice %arg7[%mul3A_218] : memref<4800xi32, #tpu.memory_space<vmem>> -> memref<80xi32, #tpu.memory_space<vmem>>
        %dma_start3A_220 = arith.constant 0 : i32
        %dma_start3A_221 = arith.constant 0 : i32
        %dma_start3A_222 = tpu.memref_slice %arg2[%dma_start3A_220, %dma_start3A_221] : memref<10000x128xf32, #tpu.memory_space<hbm>> -> memref<10000x128xf32, #tpu.memory_space<hbm>>
        tpu.enqueue_indirect_dma source(%dma_start3A_222 : memref<10000x128xf32, #tpu.memory_space<hbm>>) target(%arg12 : memref<80x128xf32, #tpu.memory_space<vmem>>) offsets(%dma_start3A_219 : memref<80xi32, #tpu.memory_space<vmem>>) semaphore(%arg20 : memref<!tpu.dma_semaphore, #tpu.memory_space<semaphore_mem>>)
        %add3A_223 = arith.constant 4 : i32
        %add3A_224 = arith.addi %add3A_176, %add3A_223 : i32
        %mul3A_225 = arith.constant 80 : i32
        %mul3A_226 = arith.muli %add3A_224, %mul3A_225 : i32
        %dma_start3A_227 = tpu.memref_slice %arg8[%mul3A_226] : memref<4800xi32, #tpu.memory_space<vmem>> -> memref<80xi32, #tpu.memory_space<vmem>>
        %dma_start3A_228 = arith.constant 0 : i32
        %dma_start3A_229 = arith.constant 0 : i32
        %dma_start3A_230 = tpu.memref_slice %arg2[%dma_start3A_228, %dma_start3A_229] : memref<10000x128xf32, #tpu.memory_space<hbm>> -> memref<10000x128xf32, #tpu.memory_space<hbm>>
        tpu.enqueue_indirect_dma source(%dma_start3A_230 : memref<10000x128xf32, #tpu.memory_space<hbm>>) target(%arg16 : memref<80x128xf32, #tpu.memory_space<vmem>>) offsets(%dma_start3A_227 : memref<80xi32, #tpu.memory_space<vmem>>) semaphore(%arg24 : memref<!tpu.dma_semaphore, #tpu.memory_space<semaphore_mem>>)
      } else {
      }
    }
    %scan3A_45 = arith.constant 15 : i32
    return
  }
}

#map = affine_map<(d0, d1) -> (0, 0)>
#map1 = affine_map<(d0, d1) -> (0)>
#map2 = affine_map<(d0, d1) -> (0, 0, 0)>
module attributes {stable_mosaic.version = 14 : i64} {
  func.func @k(%arg0: i32, %arg1: i32, %arg2: memref<166400x128xf32, #tpu.memory_space<hbm>>, %arg3: memref<166400xf32, #tpu.memory_space<hbm>>, %arg4: memref<166400xi32, #tpu.memory_space<hbm>>, %arg5: memref<80x128xf32, #tpu.memory_space<hbm>>, %arg6: memref<2x10000x128xf32, #tpu.memory_space<hbm>>, %arg7: memref<32x10000xf32, #tpu.memory_space<hbm>>, %arg8: memref<80xi32, #tpu.memory_space<vmem>>, %arg9: memref<80xi32, #tpu.memory_space<vmem>>, %arg10: memref<80xf32, #tpu.memory_space<vmem>>, %arg11: memref<80xf32, #tpu.memory_space<vmem>>, %arg12: memref<80x128xf32, #tpu.memory_space<vmem>>, %arg13: memref<80x128xf32, #tpu.memory_space<vmem>>, %arg14: memref<10000xf32, #tpu.memory_space<vmem>>, %arg15: memref<10000x128xf32, #tpu.memory_space<vmem_shared>>, %arg16: memref<!tpu.dma_semaphore, #tpu.memory_space<semaphore_mem>>, %arg17: memref<!tpu.dma_semaphore, #tpu.memory_space<semaphore_mem>>, %arg18: memref<!tpu.dma_semaphore, #tpu.memory_space<semaphore_mem>>, %arg19: memref<!tpu.dma_semaphore, #tpu.memory_space<semaphore_mem>>, %arg20: memref<!tpu.dma_semaphore, #tpu.memory_space<semaphore_mem>>, %arg21: memref<!tpu.dma_semaphore, #tpu.memory_space<semaphore_mem>>, %arg22: memref<!tpu.dma_semaphore, #tpu.memory_space<semaphore_mem>>, %arg23: memref<!tpu.dma_semaphore, #tpu.memory_space<semaphore_mem>>) attributes {dimension_semantics = [#tpu.dimension_semantics<core_parallel>, #tpu.dimension_semantics<subcore_parallel>], iteration_bounds = array<i64: 2, 16>, scalar_prefetch = 0 : i64, scratch_operands = 16 : i64, tpu.core_type = #tpu.core_type<sc_vector_subcore>, window_params = [{transform_indices = #map}, {transform_indices = #map1}, {transform_indices = #map1}, {transform_indices = #map}, {transform_indices = #map2}, {transform_indices = #map}]} {
    %mul3A = arith.constant 16 : i32
    %mul3A_0 = arith.muli %arg0, %mul3A : i32
    %add3A = arith.addi %mul3A_0, %arg1 : i32
    %scan3A = arith.constant 0 : i32
    %scan3A_1 = arith.constant 125 : i32
    %scan3A_2 = arith.addi %scan3A, %scan3A_1 : i32
    %scan3A_3 = arith.constant 1 : i32
    scf.for %scan3A_78 = %scan3A to %scan3A_2 step %scan3A_3  : i32 {
      %mul3A_79 = arith.constant 1 : i32
      %mul3A_80 = arith.muli %scan3A_78, %mul3A_79 : i32
      %add3A_81 = arith.constant 0 : i32
      %add3A_82 = arith.addi %add3A_81, %mul3A_80 : i32
      %rem3A = arith.constant 16 : i32
      %rem3A_83 = arith.remsi %add3A_82, %rem3A : i32
      %eq3A = arith.cmpi eq, %rem3A_83, %arg1 : i32
      %convert_element_type3A = arith.extui %eq3A : i1 to i32
      %cond3A = arith.constant 0 : i32
      %cond3A_84 = arith.cmpi ne, %convert_element_type3A, %cond3A : i32
      scf.if %cond3A_84 {
        %mul3A_85 = arith.constant 80 : i32
        %mul3A_86 = arith.muli %add3A_82, %mul3A_85 : i32
        "tpu.region"() ({
          %run_scoped3A = tpu.sem_alloc : memref<!tpu.dma_semaphore, #tpu.memory_space<semaphore_mem>>
          %dma_start3A_87 = arith.constant 0 : i32
          %dma_start3A_88 = tpu.memref_slice %arg15[%mul3A_86, %dma_start3A_87] : memref<10000x128xf32, #tpu.memory_space<vmem_shared>> -> memref<80x128xf32, #tpu.memory_space<vmem_shared>>
          tpu.enqueue_dma source(%arg5 : memref<80x128xf32, #tpu.memory_space<hbm>>) target(%dma_start3A_88 : memref<80x128xf32, #tpu.memory_space<vmem_shared>>) target_semaphore(%run_scoped3A : memref<!tpu.dma_semaphore, #tpu.memory_space<semaphore_mem>>)
          %dma_wait3A_89 = arith.constant 0 : i32
          %dma_wait3A_90 = tpu.memref_slice %arg15[%mul3A_86, %dma_wait3A_89] : memref<10000x128xf32, #tpu.memory_space<vmem_shared>> -> memref<80x128xf32, #tpu.memory_space<vmem_shared>>
          tpu.wait_dma2 semaphore(%run_scoped3A : memref<!tpu.dma_semaphore, #tpu.memory_space<semaphore_mem>>) src(%arg5 : memref<80x128xf32, #tpu.memory_space<hbm>>) dst(%dma_wait3A_90 : memref<80x128xf32, #tpu.memory_space<vmem_shared>>)
          tpu.yield
        }) : () -> ()
      } else {
      }
    }
    %scan3A_4 = arith.constant 125 : i32
    %scan3A_5 = arith.constant 0 : i32
    %scan3A_6 = arith.constant 625 : i32
    %scan3A_7 = arith.addi %scan3A_5, %scan3A_6 : i32
    %scan3A_8 = arith.constant 1 : i32
    scf.for %scan3A_78 = %scan3A_5 to %scan3A_7 step %scan3A_8  : i32 {
      %mul3A_79 = arith.constant 1 : i32
      %mul3A_80 = arith.muli %scan3A_78, %mul3A_79 : i32
      %add3A_81 = arith.constant 0 : i32
      %add3A_82 = arith.addi %add3A_81, %mul3A_80 : i32
      %broadcast_in_dim3A = arith.constant 0.000000e+00 : f32
      %broadcast_in_dim3A_83 = vector.broadcast %broadcast_in_dim3A : f32 to vector<16xf32>
      %mul3A_84 = arith.constant 16 : i32
      %mul3A_85 = arith.muli %add3A_82, %mul3A_84 : i32
      %swap3A = arith.index_cast %mul3A_85 : i32 to index
      %swap3A_86 = tpu.vector_load %arg14[%swap3A] {strides = array<i32>} : memref<10000xf32, #tpu.memory_space<vmem>>, vector<16xf32>,
      tpu.vector_store %arg14[%swap3A], %broadcast_in_dim3A_83 {strides = array<i32>} : memref<10000xf32, #tpu.memory_space<vmem>>, vector<16xf32>,
    }
    %scan3A_9 = arith.constant 625 : i32
    %barrier3A = arith.constant 0 : index
    tpu.barrier barrier_id(%barrier3A)
    %mul3A_10 = arith.constant 5200 : i32
    %mul3A_11 = arith.muli %add3A, %mul3A_10 : i32
    %add3A_12 = arith.constant 0 : i32
    %add3A_13 = arith.addi %mul3A_11, %add3A_12 : i32
    "tpu.region"() ({
      %run_scoped3A = tpu.sem_alloc : memref<!tpu.dma_semaphore, #tpu.memory_space<semaphore_mem>>
      %dma_start3A_78 = tpu.memref_slice %arg4[%add3A_13] : memref<166400xi32, #tpu.memory_space<hbm>> -> memref<80xi32, #tpu.memory_space<hbm>>
      %dma_start3A_79 = tpu.memref_slice %arg4[%add3A_13] : memref<166400xi32, #tpu.memory_space<hbm>> -> memref<80xi32, #tpu.memory_space<hbm>>
      tpu.enqueue_dma source(%dma_start3A_79 : memref<80xi32, #tpu.memory_space<hbm>>) target(%arg8 : memref<80xi32, #tpu.memory_space<vmem>>) target_semaphore(%run_scoped3A : memref<!tpu.dma_semaphore, #tpu.memory_space<semaphore_mem>>)
      %dma_wait3A_80 = tpu.memref_slice %arg4[%add3A_13] : memref<166400xi32, #tpu.memory_space<hbm>> -> memref<80xi32, #tpu.memory_space<hbm>>
      %dma_wait3A_81 = tpu.memref_slice %arg4[%add3A_13] : memref<166400xi32, #tpu.memory_space<hbm>> -> memref<80xi32, #tpu.memory_space<hbm>>
      tpu.wait_dma2 semaphore(%run_scoped3A : memref<!tpu.dma_semaphore, #tpu.memory_space<semaphore_mem>>) src(%dma_wait3A_81 : memref<80xi32, #tpu.memory_space<hbm>>) dst(%arg8 : memref<80xi32, #tpu.memory_space<vmem>>)
      tpu.yield
    }) : () -> ()
    %add3A_14 = arith.constant 0 : i32
    %add3A_15 = arith.addi %mul3A_11, %add3A_14 : i32
    "tpu.region"() ({
      %run_scoped3A = tpu.sem_alloc : memref<!tpu.dma_semaphore, #tpu.memory_space<semaphore_mem>>
      %dma_start3A_78 = tpu.memref_slice %arg3[%add3A_15] : memref<166400xf32, #tpu.memory_space<hbm>> -> memref<80xf32, #tpu.memory_space<hbm>>
      %dma_start3A_79 = tpu.memref_slice %arg3[%add3A_15] : memref<166400xf32, #tpu.memory_space<hbm>> -> memref<80xf32, #tpu.memory_space<hbm>>
      tpu.enqueue_dma source(%dma_start3A_79 : memref<80xf32, #tpu.memory_space<hbm>>) target(%arg10 : memref<80xf32, #tpu.memory_space<vmem>>) target_semaphore(%run_scoped3A : memref<!tpu.dma_semaphore, #tpu.memory_space<semaphore_mem>>)
      %dma_wait3A_80 = tpu.memref_slice %arg3[%add3A_15] : memref<166400xf32, #tpu.memory_space<hbm>> -> memref<80xf32, #tpu.memory_space<hbm>>
      %dma_wait3A_81 = tpu.memref_slice %arg3[%add3A_15] : memref<166400xf32, #tpu.memory_space<hbm>> -> memref<80xf32, #tpu.memory_space<hbm>>
      tpu.wait_dma2 semaphore(%run_scoped3A : memref<!tpu.dma_semaphore, #tpu.memory_space<semaphore_mem>>) src(%dma_wait3A_81 : memref<80xf32, #tpu.memory_space<hbm>>) dst(%arg10 : memref<80xf32, #tpu.memory_space<vmem>>)
      tpu.yield
    }) : () -> ()
    %add3A_16 = arith.constant 80 : i32
    %add3A_17 = arith.addi %mul3A_11, %add3A_16 : i32
    "tpu.region"() ({
      %run_scoped3A = tpu.sem_alloc : memref<!tpu.dma_semaphore, #tpu.memory_space<semaphore_mem>>
      %dma_start3A_78 = tpu.memref_slice %arg4[%add3A_17] : memref<166400xi32, #tpu.memory_space<hbm>> -> memref<80xi32, #tpu.memory_space<hbm>>
      %dma_start3A_79 = tpu.memref_slice %arg4[%add3A_17] : memref<166400xi32, #tpu.memory_space<hbm>> -> memref<80xi32, #tpu.memory_space<hbm>>
      tpu.enqueue_dma source(%dma_start3A_79 : memref<80xi32, #tpu.memory_space<hbm>>) target(%arg9 : memref<80xi32, #tpu.memory_space<vmem>>) target_semaphore(%run_scoped3A : memref<!tpu.dma_semaphore, #tpu.memory_space<semaphore_mem>>)
      %dma_wait3A_80 = tpu.memref_slice %arg4[%add3A_17] : memref<166400xi32, #tpu.memory_space<hbm>> -> memref<80xi32, #tpu.memory_space<hbm>>
      %dma_wait3A_81 = tpu.memref_slice %arg4[%add3A_17] : memref<166400xi32, #tpu.memory_space<hbm>> -> memref<80xi32, #tpu.memory_space<hbm>>
      tpu.wait_dma2 semaphore(%run_scoped3A : memref<!tpu.dma_semaphore, #tpu.memory_space<semaphore_mem>>) src(%dma_wait3A_81 : memref<80xi32, #tpu.memory_space<hbm>>) dst(%arg9 : memref<80xi32, #tpu.memory_space<vmem>>)
      tpu.yield
    }) : () -> ()
    %add3A_18 = arith.constant 80 : i32
    %add3A_19 = arith.addi %mul3A_11, %add3A_18 : i32
    "tpu.region"() ({
      %run_scoped3A = tpu.sem_alloc : memref<!tpu.dma_semaphore, #tpu.memory_space<semaphore_mem>>
      %dma_start3A_78 = tpu.memref_slice %arg3[%add3A_19] : memref<166400xf32, #tpu.memory_space<hbm>> -> memref<80xf32, #tpu.memory_space<hbm>>
      %dma_start3A_79 = tpu.memref_slice %arg3[%add3A_19] : memref<166400xf32, #tpu.memory_space<hbm>> -> memref<80xf32, #tpu.memory_space<hbm>>
      tpu.enqueue_dma source(%dma_start3A_79 : memref<80xf32, #tpu.memory_space<hbm>>) target(%arg11 : memref<80xf32, #tpu.memory_space<vmem>>) target_semaphore(%run_scoped3A : memref<!tpu.dma_semaphore, #tpu.memory_space<semaphore_mem>>)
      %dma_wait3A_80 = tpu.memref_slice %arg3[%add3A_19] : memref<166400xf32, #tpu.memory_space<hbm>> -> memref<80xf32, #tpu.memory_space<hbm>>
      %dma_wait3A_81 = tpu.memref_slice %arg3[%add3A_19] : memref<166400xf32, #tpu.memory_space<hbm>> -> memref<80xf32, #tpu.memory_space<hbm>>
      tpu.wait_dma2 semaphore(%run_scoped3A : memref<!tpu.dma_semaphore, #tpu.memory_space<semaphore_mem>>) src(%dma_wait3A_81 : memref<80xf32, #tpu.memory_space<hbm>>) dst(%arg11 : memref<80xf32, #tpu.memory_space<vmem>>)
      tpu.yield
    }) : () -> ()
    %dma_start3A = arith.constant 0 : i32
    %dma_start3A_20 = tpu.memref_slice %arg2[%mul3A_11, %dma_start3A] : memref<166400x128xf32, #tpu.memory_space<hbm>> -> memref<80x128xf32, #tpu.memory_space<hbm>>
    %dma_start3A_21 = arith.constant 0 : i32
    %dma_start3A_22 = tpu.memref_slice %arg2[%mul3A_11, %dma_start3A_21] : memref<166400x128xf32, #tpu.memory_space<hbm>> -> memref<80x128xf32, #tpu.memory_space<hbm>>
    tpu.enqueue_dma source(%dma_start3A_22 : memref<80x128xf32, #tpu.memory_space<hbm>>) target(%arg12 : memref<80x128xf32, #tpu.memory_space<vmem>>) target_semaphore(%arg16 : memref<!tpu.dma_semaphore, #tpu.memory_space<semaphore_mem>>)
    %add3A_23 = arith.constant 80 : i32
    %add3A_24 = arith.addi %mul3A_11, %add3A_23 : i32
    %dma_start3A_25 = arith.constant 0 : i32
    %dma_start3A_26 = tpu.memref_slice %arg2[%add3A_24, %dma_start3A_25] : memref<166400x128xf32, #tpu.memory_space<hbm>> -> memref<80x128xf32, #tpu.memory_space<hbm>>
    %dma_start3A_27 = arith.constant 0 : i32
    %dma_start3A_28 = tpu.memref_slice %arg2[%add3A_24, %dma_start3A_27] : memref<166400x128xf32, #tpu.memory_space<hbm>> -> memref<80x128xf32, #tpu.memory_space<hbm>>
    tpu.enqueue_dma source(%dma_start3A_28 : memref<80x128xf32, #tpu.memory_space<hbm>>) target(%arg13 : memref<80x128xf32, #tpu.memory_space<vmem>>) target_semaphore(%arg17 : memref<!tpu.dma_semaphore, #tpu.memory_space<semaphore_mem>>)
    %scan3A_29 = arith.constant 0 : i32
    %scan3A_30 = arith.constant 32 : i32
    %scan3A_31 = arith.addi %scan3A_29, %scan3A_30 : i32
    %scan3A_32 = arith.constant 1 : i32
    scf.for %scan3A_78 = %scan3A_29 to %scan3A_31 step %scan3A_32  : i32 {
      %mul3A_79 = arith.constant 1 : i32
      %mul3A_80 = arith.muli %scan3A_78, %mul3A_79 : i32
      %add3A_81 = arith.constant 0 : i32
      %add3A_82 = arith.addi %add3A_81, %mul3A_80 : i32
      %mul3A_83 = arith.constant 2 : i32
      %mul3A_84 = arith.muli %mul3A_83, %add3A_82 : i32
      %mul3A_85 = arith.constant 80 : i32
      %mul3A_86 = arith.muli %mul3A_84, %mul3A_85 : i32
      %add3A_87 = arith.addi %mul3A_11, %mul3A_86 : i32
      %dma_wait3A_88 = arith.constant 0 : i32
      %dma_wait3A_89 = tpu.memref_slice %arg2[%add3A_87, %dma_wait3A_88] : memref<166400x128xf32, #tpu.memory_space<hbm>> -> memref<80x128xf32, #tpu.memory_space<hbm>>
      %dma_wait3A_90 = arith.constant 0 : i32
      %dma_wait3A_91 = tpu.memref_slice %arg2[%add3A_87, %dma_wait3A_90] : memref<166400x128xf32, #tpu.memory_space<hbm>> -> memref<80x128xf32, #tpu.memory_space<hbm>>
      tpu.wait_dma2 semaphore(%arg16 : memref<!tpu.dma_semaphore, #tpu.memory_space<semaphore_mem>>) src(%dma_wait3A_91 : memref<80x128xf32, #tpu.memory_space<hbm>>) dst(%arg12 : memref<80x128xf32, #tpu.memory_space<vmem>>)
      %ge3A = arith.constant 2 : i32
      %ge3A_92 = arith.cmpi sge, %mul3A_84, %ge3A : i32
      %convert_element_type3A = arith.extui %ge3A_92 : i1 to i32
      %cond3A = arith.constant 0 : i32
      %cond3A_93 = arith.cmpi ne, %convert_element_type3A, %cond3A : i32
      scf.if %cond3A_93 {
        %mul3A_175 = arith.constant 80 : i32
        %mul3A_176 = arith.muli %mul3A_84, %mul3A_175 : i32
        %add3A_177 = arith.addi %mul3A_11, %mul3A_176 : i32
        %dma_wait3A_178 = tpu.memref_slice %arg4[%add3A_177] : memref<166400xi32, #tpu.memory_space<hbm>> -> memref<80xi32, #tpu.memory_space<hbm>>
        %dma_wait3A_179 = tpu.memref_slice %arg4[%add3A_177] : memref<166400xi32, #tpu.memory_space<hbm>> -> memref<80xi32, #tpu.memory_space<hbm>>
        tpu.wait_dma2 semaphore(%arg20 : memref<!tpu.dma_semaphore, #tpu.memory_space<semaphore_mem>>) src(%dma_wait3A_179 : memref<80xi32, #tpu.memory_space<hbm>>) dst(%arg8 : memref<80xi32, #tpu.memory_space<vmem>>)
        %mul3A_180 = arith.constant 80 : i32
        %mul3A_181 = arith.muli %mul3A_84, %mul3A_180 : i32
        %add3A_182 = arith.addi %mul3A_11, %mul3A_181 : i32
        %dma_wait3A_183 = tpu.memref_slice %arg3[%add3A_182] : memref<166400xf32, #tpu.memory_space<hbm>> -> memref<80xf32, #tpu.memory_space<hbm>>
        %dma_wait3A_184 = tpu.memref_slice %arg3[%add3A_182] : memref<166400xf32, #tpu.memory_space<hbm>> -> memref<80xf32, #tpu.memory_space<hbm>>
        tpu.wait_dma2 semaphore(%arg22 : memref<!tpu.dma_semaphore, #tpu.memory_space<semaphore_mem>>) src(%dma_wait3A_184 : memref<80xf32, #tpu.memory_space<hbm>>) dst(%arg10 : memref<80xf32, #tpu.memory_space<vmem>>)
      } else {
      }
      %dma_start3A_94 = arith.constant 0 : i32
      %dma_start3A_95 = arith.constant 0 : i32
      %dma_start3A_96 = tpu.memref_slice %arg15[%dma_start3A_94, %dma_start3A_95] : memref<10000x128xf32, #tpu.memory_space<vmem_shared>> -> memref<10000x128xf32, #tpu.memory_space<vmem_shared>>
      tpu.enqueue_indirect_dma source(%arg12 : memref<80x128xf32, #tpu.memory_space<vmem>>) target(%dma_start3A_96 : memref<10000x128xf32, #tpu.memory_space<vmem_shared>>) offsets(%arg8 : memref<80xi32, #tpu.memory_space<vmem>>) semaphore(%arg18 : memref<!tpu.dma_semaphore, #tpu.memory_space<semaphore_mem>>) {add = true}
      %get3A_97 = arith.constant 0 : index
      %get3A_98 = tpu.vector_load %arg8[%get3A_97] {strides = array<i32>} : memref<80xi32, #tpu.memory_space<vmem>>, vector<16xi32>,
      %get3A_99 = arith.constant 0 : index
      %get3A_100 = tpu.vector_load %arg10[%get3A_99] {strides = array<i32>} : memref<80xf32, #tpu.memory_space<vmem>>, vector<16xf32>,
      tpu.vector_store_idx %arg14[%get3A_98], %get3A_100 {add = true} : memref<10000xf32, #tpu.memory_space<vmem>>[vector<16xi32>], vector<16xf32>,
      %get3A_101 = arith.constant 16 : index
      %get3A_102 = tpu.vector_load %arg8[%get3A_101] {strides = array<i32>} : memref<80xi32, #tpu.memory_space<vmem>>, vector<16xi32>,
      %get3A_103 = arith.constant 16 : index
      %get3A_104 = tpu.vector_load %arg10[%get3A_103] {strides = array<i32>} : memref<80xf32, #tpu.memory_space<vmem>>, vector<16xf32>,
      tpu.vector_store_idx %arg14[%get3A_102], %get3A_104 {add = true} : memref<10000xf32, #tpu.memory_space<vmem>>[vector<16xi32>], vector<16xf32>,
      %get3A_105 = arith.constant 32 : index
      %get3A_106 = tpu.vector_load %arg8[%get3A_105] {strides = array<i32>} : memref<80xi32, #tpu.memory_space<vmem>>, vector<16xi32>,
      %get3A_107 = arith.constant 32 : index
      %get3A_108 = tpu.vector_load %arg10[%get3A_107] {strides = array<i32>} : memref<80xf32, #tpu.memory_space<vmem>>, vector<16xf32>,
      tpu.vector_store_idx %arg14[%get3A_106], %get3A_108 {add = true} : memref<10000xf32, #tpu.memory_space<vmem>>[vector<16xi32>], vector<16xf32>,
      %get3A_109 = arith.constant 48 : index
      %get3A_110 = tpu.vector_load %arg8[%get3A_109] {strides = array<i32>} : memref<80xi32, #tpu.memory_space<vmem>>, vector<16xi32>,
      %get3A_111 = arith.constant 48 : index
      %get3A_112 = tpu.vector_load %arg10[%get3A_111] {strides = array<i32>} : memref<80xf32, #tpu.memory_space<vmem>>, vector<16xf32>,
      tpu.vector_store_idx %arg14[%get3A_110], %get3A_112 {add = true} : memref<10000xf32, #tpu.memory_space<vmem>>[vector<16xi32>], vector<16xf32>,
      %get3A_113 = arith.constant 64 : index
      %get3A_114 = tpu.vector_load %arg8[%get3A_113] {strides = array<i32>} : memref<80xi32, #tpu.memory_space<vmem>>, vector<16xi32>,
      %get3A_115 = arith.constant 64 : index
      %get3A_116 = tpu.vector_load %arg10[%get3A_115] {strides = array<i32>} : memref<80xf32, #tpu.memory_space<vmem>>, vector<16xf32>,
      tpu.vector_store_idx %arg14[%get3A_114], %get3A_116 {add = true} : memref<10000xf32, #tpu.memory_space<vmem>>[vector<16xi32>], vector<16xf32>,
      %dma_wait3A_117 = arith.constant 0 : i32
      %dma_wait3A_118 = arith.constant 0 : i32
      %dma_wait3A_119 = tpu.memref_slice %arg15[%dma_wait3A_117, %dma_wait3A_118] : memref<10000x128xf32, #tpu.memory_space<vmem_shared>> -> memref<10000x128xf32, #tpu.memory_space<vmem_shared>>
      tpu.wait_indirect_dma semaphore(%arg18 : memref<!tpu.dma_semaphore, #tpu.memory_space<semaphore_mem>>) src(%arg12 : memref<80x128xf32, #tpu.memory_space<vmem>>) dst(%dma_wait3A_119 : memref<10000x128xf32, #tpu.memory_space<vmem_shared>>)
      %add3A_120 = arith.constant 2 : i32
      %add3A_121 = arith.addi %mul3A_84, %add3A_120 : i32
      %le3A = arith.constant 64 : i32
      %le3A_122 = arith.cmpi sle, %add3A_121, %le3A : i32
      %convert_element_type3A_123 = arith.extui %le3A_122 : i1 to i32
      %cond3A_124 = arith.constant 0 : i32
      %cond3A_125 = arith.cmpi ne, %convert_element_type3A_123, %cond3A_124 : i32
      scf.if %cond3A_125 {
        %add3A_175 = arith.constant 2 : i32
        %add3A_176 = arith.addi %mul3A_84, %add3A_175 : i32
        %mul3A_177 = arith.constant 80 : i32
        %mul3A_178 = arith.muli %add3A_176, %mul3A_177 : i32
        %add3A_179 = arith.addi %mul3A_11, %mul3A_178 : i32
        %dma_start3A_180 = tpu.memref_slice %arg4[%add3A_179] : memref<166400xi32, #tpu.memory_space<hbm>> -> memref<80xi32, #tpu.memory_space<hbm>>
        %dma_start3A_181 = tpu.memref_slice %arg4[%add3A_179] : memref<166400xi32, #tpu.memory_space<hbm>> -> memref<80xi32, #tpu.memory_space<hbm>>
        tpu.enqueue_dma source(%dma_start3A_181 : memref<80xi32, #tpu.memory_space<hbm>>) target(%arg8 : memref<80xi32, #tpu.memory_space<vmem>>) target_semaphore(%arg20 : memref<!tpu.dma_semaphore, #tpu.memory_space<semaphore_mem>>)
        %add3A_182 = arith.constant 2 : i32
        %add3A_183 = arith.addi %mul3A_84, %add3A_182 : i32
        %mul3A_184 = arith.constant 80 : i32
        %mul3A_185 = arith.muli %add3A_183, %mul3A_184 : i32
        %add3A_186 = arith.addi %mul3A_11, %mul3A_185 : i32
        %dma_start3A_187 = tpu.memref_slice %arg3[%add3A_186] : memref<166400xf32, #tpu.memory_space<hbm>> -> memref<80xf32, #tpu.memory_space<hbm>>
        %dma_start3A_188 = tpu.memref_slice %arg3[%add3A_186] : memref<166400xf32, #tpu.memory_space<hbm>> -> memref<80xf32, #tpu.memory_space<hbm>>
        tpu.enqueue_dma source(%dma_start3A_188 : memref<80xf32, #tpu.memory_space<hbm>>) target(%arg10 : memref<80xf32, #tpu.memory_space<vmem>>) target_semaphore(%arg22 : memref<!tpu.dma_semaphore, #tpu.memory_space<semaphore_mem>>)
        %add3A_189 = arith.constant 2 : i32
        %add3A_190 = arith.addi %mul3A_84, %add3A_189 : i32
        %mul3A_191 = arith.constant 80 : i32
        %mul3A_192 = arith.muli %add3A_190, %mul3A_191 : i32
        %add3A_193 = arith.addi %mul3A_11, %mul3A_192 : i32
        %dma_start3A_194 = arith.constant 0 : i32
        %dma_start3A_195 = tpu.memref_slice %arg2[%add3A_193, %dma_start3A_194] : memref<166400x128xf32, #tpu.memory_space<hbm>> -> memref<80x128xf32, #tpu.memory_space<hbm>>
        %dma_start3A_196 = arith.constant 0 : i32
        %dma_start3A_197 = tpu.memref_slice %arg2[%add3A_193, %dma_start3A_196] : memref<166400x128xf32, #tpu.memory_space<hbm>> -> memref<80x128xf32, #tpu.memory_space<hbm>>
        tpu.enqueue_dma source(%dma_start3A_197 : memref<80x128xf32, #tpu.memory_space<hbm>>) target(%arg12 : memref<80x128xf32, #tpu.memory_space<vmem>>) target_semaphore(%arg16 : memref<!tpu.dma_semaphore, #tpu.memory_space<semaphore_mem>>)
      } else {
      }
      %mul3A_126 = arith.constant 2 : i32
      %mul3A_127 = arith.muli %mul3A_126, %add3A_82 : i32
      %add3A_128 = arith.constant 1 : i32
      %add3A_129 = arith.addi %mul3A_127, %add3A_128 : i32
      %mul3A_130 = arith.constant 80 : i32
      %mul3A_131 = arith.muli %add3A_129, %mul3A_130 : i32
      %add3A_132 = arith.addi %mul3A_11, %mul3A_131 : i32
      %dma_wait3A_133 = arith.constant 0 : i32
      %dma_wait3A_134 = tpu.memref_slice %arg2[%add3A_132, %dma_wait3A_133] : memref<166400x128xf32, #tpu.memory_space<hbm>> -> memref<80x128xf32, #tpu.memory_space<hbm>>
      %dma_wait3A_135 = arith.constant 0 : i32
      %dma_wait3A_136 = tpu.memref_slice %arg2[%add3A_132, %dma_wait3A_135] : memref<166400x128xf32, #tpu.memory_space<hbm>> -> memref<80x128xf32, #tpu.memory_space<hbm>>
      tpu.wait_dma2 semaphore(%arg17 : memref<!tpu.dma_semaphore, #tpu.memory_space<semaphore_mem>>) src(%dma_wait3A_136 : memref<80x128xf32, #tpu.memory_space<hbm>>) dst(%arg13 : memref<80x128xf32, #tpu.memory_space<vmem>>)
      %ge3A_137 = arith.constant 2 : i32
      %ge3A_138 = arith.cmpi sge, %add3A_129, %ge3A_137 : i32
      %convert_element_type3A_139 = arith.extui %ge3A_138 : i1 to i32
      %cond3A_140 = arith.constant 0 : i32
      %cond3A_141 = arith.cmpi ne, %convert_element_type3A_139, %cond3A_140 : i32
      scf.if %cond3A_141 {
        %mul3A_175 = arith.constant 80 : i32
        %mul3A_176 = arith.muli %add3A_129, %mul3A_175 : i32
        %add3A_177 = arith.addi %mul3A_11, %mul3A_176 : i32
        %dma_wait3A_178 = tpu.memref_slice %arg4[%add3A_177] : memref<166400xi32, #tpu.memory_space<hbm>> -> memref<80xi32, #tpu.memory_space<hbm>>
        %dma_wait3A_179 = tpu.memref_slice %arg4[%add3A_177] : memref<166400xi32, #tpu.memory_space<hbm>> -> memref<80xi32, #tpu.memory_space<hbm>>
        tpu.wait_dma2 semaphore(%arg21 : memref<!tpu.dma_semaphore, #tpu.memory_space<semaphore_mem>>) src(%dma_wait3A_179 : memref<80xi32, #tpu.memory_space<hbm>>) dst(%arg9 : memref<80xi32, #tpu.memory_space<vmem>>)
        %mul3A_180 = arith.constant 80 : i32
        %mul3A_181 = arith.muli %add3A_129, %mul3A_180 : i32
        %add3A_182 = arith.addi %mul3A_11, %mul3A_181 : i32
        %dma_wait3A_183 = tpu.memref_slice %arg3[%add3A_182] : memref<166400xf32, #tpu.memory_space<hbm>> -> memref<80xf32, #tpu.memory_space<hbm>>
        %dma_wait3A_184 = tpu.memref_slice %arg3[%add3A_182] : memref<166400xf32, #tpu.memory_space<hbm>> -> memref<80xf32, #tpu.memory_space<hbm>>
        tpu.wait_dma2 semaphore(%arg23 : memref<!tpu.dma_semaphore, #tpu.memory_space<semaphore_mem>>) src(%dma_wait3A_184 : memref<80xf32, #tpu.memory_space<hbm>>) dst(%arg11 : memref<80xf32, #tpu.memory_space<vmem>>)
      } else {
      }
      %dma_start3A_142 = arith.constant 0 : i32
      %dma_start3A_143 = arith.constant 0 : i32
      %dma_start3A_144 = tpu.memref_slice %arg15[%dma_start3A_142, %dma_start3A_143] : memref<10000x128xf32, #tpu.memory_space<vmem_shared>> -> memref<10000x128xf32, #tpu.memory_space<vmem_shared>>
      tpu.enqueue_indirect_dma source(%arg13 : memref<80x128xf32, #tpu.memory_space<vmem>>) target(%dma_start3A_144 : memref<10000x128xf32, #tpu.memory_space<vmem_shared>>) offsets(%arg9 : memref<80xi32, #tpu.memory_space<vmem>>) semaphore(%arg19 : memref<!tpu.dma_semaphore, #tpu.memory_space<semaphore_mem>>) {add = true}
      %get3A_145 = arith.constant 0 : index
      %get3A_146 = tpu.vector_load %arg9[%get3A_145] {strides = array<i32>} : memref<80xi32, #tpu.memory_space<vmem>>, vector<16xi32>,
      %get3A_147 = arith.constant 0 : index
      %get3A_148 = tpu.vector_load %arg11[%get3A_147] {strides = array<i32>} : memref<80xf32, #tpu.memory_space<vmem>>, vector<16xf32>,
      tpu.vector_store_idx %arg14[%get3A_146], %get3A_148 {add = true} : memref<10000xf32, #tpu.memory_space<vmem>>[vector<16xi32>], vector<16xf32>,
      %get3A_149 = arith.constant 16 : index
      %get3A_150 = tpu.vector_load %arg9[%get3A_149] {strides = array<i32>} : memref<80xi32, #tpu.memory_space<vmem>>, vector<16xi32>,
      %get3A_151 = arith.constant 16 : index
      %get3A_152 = tpu.vector_load %arg11[%get3A_151] {strides = array<i32>} : memref<80xf32, #tpu.memory_space<vmem>>, vector<16xf32>,
      tpu.vector_store_idx %arg14[%get3A_150], %get3A_152 {add = true} : memref<10000xf32, #tpu.memory_space<vmem>>[vector<16xi32>], vector<16xf32>,
      %get3A_153 = arith.constant 32 : index
      %get3A_154 = tpu.vector_load %arg9[%get3A_153] {strides = array<i32>} : memref<80xi32, #tpu.memory_space<vmem>>, vector<16xi32>,
      %get3A_155 = arith.constant 32 : index
      %get3A_156 = tpu.vector_load %arg11[%get3A_155] {strides = array<i32>} : memref<80xf32, #tpu.memory_space<vmem>>, vector<16xf32>,
      tpu.vector_store_idx %arg14[%get3A_154], %get3A_156 {add = true} : memref<10000xf32, #tpu.memory_space<vmem>>[vector<16xi32>], vector<16xf32>,
      %get3A_157 = arith.constant 48 : index
      %get3A_158 = tpu.vector_load %arg9[%get3A_157] {strides = array<i32>} : memref<80xi32, #tpu.memory_space<vmem>>, vector<16xi32>,
      %get3A_159 = arith.constant 48 : index
      %get3A_160 = tpu.vector_load %arg11[%get3A_159] {strides = array<i32>} : memref<80xf32, #tpu.memory_space<vmem>>, vector<16xf32>,
      tpu.vector_store_idx %arg14[%get3A_158], %get3A_160 {add = true} : memref<10000xf32, #tpu.memory_space<vmem>>[vector<16xi32>], vector<16xf32>,
      %get3A_161 = arith.constant 64 : index
      %get3A_162 = tpu.vector_load %arg9[%get3A_161] {strides = array<i32>} : memref<80xi32, #tpu.memory_space<vmem>>, vector<16xi32>,
      %get3A_163 = arith.constant 64 : index
      %get3A_164 = tpu.vector_load %arg11[%get3A_163] {strides = array<i32>} : memref<80xf32, #tpu.memory_space<vmem>>, vector<16xf32>,
      tpu.vector_store_idx %arg14[%get3A_162], %get3A_164 {add = true} : memref<10000xf32, #tpu.memory_space<vmem>>[vector<16xi32>], vector<16xf32>,
      %dma_wait3A_165 = arith.constant 0 : i32
      %dma_wait3A_166 = arith.constant 0 : i32
      %dma_wait3A_167 = tpu.memref_slice %arg15[%dma_wait3A_165, %dma_wait3A_166] : memref<10000x128xf32, #tpu.memory_space<vmem_shared>> -> memref<10000x128xf32, #tpu.memory_space<vmem_shared>>
      tpu.wait_indirect_dma semaphore(%arg19 : memref<!tpu.dma_semaphore, #tpu.memory_space<semaphore_mem>>) src(%arg13 : memref<80x128xf32, #tpu.memory_space<vmem>>) dst(%dma_wait3A_167 : memref<10000x128xf32, #tpu.memory_space<vmem_shared>>)
      %add3A_168 = arith.constant 2 : i32
      %add3A_169 = arith.addi %add3A_129, %add3A_168 : i32
      %le3A_170 = arith.constant 64 : i32
      %le3A_171 = arith.cmpi sle, %add3A_169, %le3A_170 : i32
      %convert_element_type3A_172 = arith.extui %le3A_171 : i1 to i32
      %cond3A_173 = arith.constant 0 : i32
      %cond3A_174 = arith.cmpi ne, %convert_element_type3A_172, %cond3A_173 : i32
      scf.if %cond3A_174 {
        %add3A_175 = arith.constant 2 : i32
        %add3A_176 = arith.addi %add3A_129, %add3A_175 : i32
        %mul3A_177 = arith.constant 80 : i32
        %mul3A_178 = arith.muli %add3A_176, %mul3A_177 : i32
        %add3A_179 = arith.addi %mul3A_11, %mul3A_178 : i32
        %dma_start3A_180 = tpu.memref_slice %arg4[%add3A_179] : memref<166400xi32, #tpu.memory_space<hbm>> -> memref<80xi32, #tpu.memory_space<hbm>>
        %dma_start3A_181 = tpu.memref_slice %arg4[%add3A_179] : memref<166400xi32, #tpu.memory_space<hbm>> -> memref<80xi32, #tpu.memory_space<hbm>>
        tpu.enqueue_dma source(%dma_start3A_181 : memref<80xi32, #tpu.memory_space<hbm>>) target(%arg9 : memref<80xi32, #tpu.memory_space<vmem>>) target_semaphore(%arg21 : memref<!tpu.dma_semaphore, #tpu.memory_space<semaphore_mem>>)
        %add3A_182 = arith.constant 2 : i32
        %add3A_183 = arith.addi %add3A_129, %add3A_182 : i32
        %mul3A_184 = arith.constant 80 : i32
        %mul3A_185 = arith.muli %add3A_183, %mul3A_184 : i32
        %add3A_186 = arith.addi %mul3A_11, %mul3A_185 : i32
        %dma_start3A_187 = tpu.memref_slice %arg3[%add3A_186] : memref<166400xf32, #tpu.memory_space<hbm>> -> memref<80xf32, #tpu.memory_space<hbm>>
        %dma_start3A_188 = tpu.memref_slice %arg3[%add3A_186] : memref<166400xf32, #tpu.memory_space<hbm>> -> memref<80xf32, #tpu.memory_space<hbm>>
        tpu.enqueue_dma source(%dma_start3A_188 : memref<80xf32, #tpu.memory_space<hbm>>) target(%arg11 : memref<80xf32, #tpu.memory_space<vmem>>) target_semaphore(%arg23 : memref<!tpu.dma_semaphore, #tpu.memory_space<semaphore_mem>>)
        %add3A_189 = arith.constant 2 : i32
        %add3A_190 = arith.addi %add3A_129, %add3A_189 : i32
        %mul3A_191 = arith.constant 80 : i32
        %mul3A_192 = arith.muli %add3A_190, %mul3A_191 : i32
        %add3A_193 = arith.addi %mul3A_11, %mul3A_192 : i32
        %dma_start3A_194 = arith.constant 0 : i32
        %dma_start3A_195 = tpu.memref_slice %arg2[%add3A_193, %dma_start3A_194] : memref<166400x128xf32, #tpu.memory_space<hbm>> -> memref<80x128xf32, #tpu.memory_space<hbm>>
        %dma_start3A_196 = arith.constant 0 : i32
        %dma_start3A_197 = tpu.memref_slice %arg2[%add3A_193, %dma_start3A_196] : memref<166400x128xf32, #tpu.memory_space<hbm>> -> memref<80x128xf32, #tpu.memory_space<hbm>>
        tpu.enqueue_dma source(%dma_start3A_197 : memref<80x128xf32, #tpu.memory_space<hbm>>) target(%arg13 : memref<80x128xf32, #tpu.memory_space<vmem>>) target_semaphore(%arg17 : memref<!tpu.dma_semaphore, #tpu.memory_space<semaphore_mem>>)
      } else {
      }
    }
    %scan3A_33 = arith.constant 32 : i32
    %add3A_34 = arith.constant 5120 : i32
    %add3A_35 = arith.addi %mul3A_11, %add3A_34 : i32
    %dma_wait3A = arith.constant 0 : i32
    %dma_wait3A_36 = tpu.memref_slice %arg2[%add3A_35, %dma_wait3A] : memref<166400x128xf32, #tpu.memory_space<hbm>> -> memref<80x128xf32, #tpu.memory_space<hbm>>
    %dma_wait3A_37 = arith.constant 0 : i32
    %dma_wait3A_38 = tpu.memref_slice %arg2[%add3A_35, %dma_wait3A_37] : memref<166400x128xf32, #tpu.memory_space<hbm>> -> memref<80x128xf32, #tpu.memory_space<hbm>>
    tpu.wait_dma2 semaphore(%arg16 : memref<!tpu.dma_semaphore, #tpu.memory_space<semaphore_mem>>) src(%dma_wait3A_38 : memref<80x128xf32, #tpu.memory_space<hbm>>) dst(%arg12 : memref<80x128xf32, #tpu.memory_space<vmem>>)
    %add3A_39 = arith.constant 5120 : i32
    %add3A_40 = arith.addi %mul3A_11, %add3A_39 : i32
    %dma_wait3A_41 = tpu.memref_slice %arg4[%add3A_40] : memref<166400xi32, #tpu.memory_space<hbm>> -> memref<80xi32, #tpu.memory_space<hbm>>
    %dma_wait3A_42 = tpu.memref_slice %arg4[%add3A_40] : memref<166400xi32, #tpu.memory_space<hbm>> -> memref<80xi32, #tpu.memory_space<hbm>>
    tpu.wait_dma2 semaphore(%arg20 : memref<!tpu.dma_semaphore, #tpu.memory_space<semaphore_mem>>) src(%dma_wait3A_42 : memref<80xi32, #tpu.memory_space<hbm>>) dst(%arg8 : memref<80xi32, #tpu.memory_space<vmem>>)
    %add3A_43 = arith.constant 5120 : i32
    %add3A_44 = arith.addi %mul3A_11, %add3A_43 : i32
    %dma_wait3A_45 = tpu.memref_slice %arg3[%add3A_44] : memref<166400xf32, #tpu.memory_space<hbm>> -> memref<80xf32, #tpu.memory_space<hbm>>
    %dma_wait3A_46 = tpu.memref_slice %arg3[%add3A_44] : memref<166400xf32, #tpu.memory_space<hbm>> -> memref<80xf32, #tpu.memory_space<hbm>>
    tpu.wait_dma2 semaphore(%arg22 : memref<!tpu.dma_semaphore, #tpu.memory_space<semaphore_mem>>) src(%dma_wait3A_46 : memref<80xf32, #tpu.memory_space<hbm>>) dst(%arg10 : memref<80xf32, #tpu.memory_space<vmem>>)
    %dma_start3A_47 = arith.constant 0 : i32
    %dma_start3A_48 = arith.constant 0 : i32
    %dma_start3A_49 = tpu.memref_slice %arg15[%dma_start3A_47, %dma_start3A_48] : memref<10000x128xf32, #tpu.memory_space<vmem_shared>> -> memref<10000x128xf32, #tpu.memory_space<vmem_shared>>
    tpu.enqueue_indirect_dma source(%arg12 : memref<80x128xf32, #tpu.memory_space<vmem>>) target(%dma_start3A_49 : memref<10000x128xf32, #tpu.memory_space<vmem_shared>>) offsets(%arg8 : memref<80xi32, #tpu.memory_space<vmem>>) semaphore(%arg18 : memref<!tpu.dma_semaphore, #tpu.memory_space<semaphore_mem>>) {add = true}
    %get3A = arith.constant 0 : index
    %get3A_50 = tpu.vector_load %arg8[%get3A] {strides = array<i32>} : memref<80xi32, #tpu.memory_space<vmem>>, vector<16xi32>,
    %get3A_51 = arith.constant 0 : index
    %get3A_52 = tpu.vector_load %arg10[%get3A_51] {strides = array<i32>} : memref<80xf32, #tpu.memory_space<vmem>>, vector<16xf32>,
    tpu.vector_store_idx %arg14[%get3A_50], %get3A_52 {add = true} : memref<10000xf32, #tpu.memory_space<vmem>>[vector<16xi32>], vector<16xf32>,
    %get3A_53 = arith.constant 16 : index
    %get3A_54 = tpu.vector_load %arg8[%get3A_53] {strides = array<i32>} : memref<80xi32, #tpu.memory_space<vmem>>, vector<16xi32>,
    %get3A_55 = arith.constant 16 : index
    %get3A_56 = tpu.vector_load %arg10[%get3A_55] {strides = array<i32>} : memref<80xf32, #tpu.memory_space<vmem>>, vector<16xf32>,
    tpu.vector_store_idx %arg14[%get3A_54], %get3A_56 {add = true} : memref<10000xf32, #tpu.memory_space<vmem>>[vector<16xi32>], vector<16xf32>,
    %get3A_57 = arith.constant 32 : index
    %get3A_58 = tpu.vector_load %arg8[%get3A_57] {strides = array<i32>} : memref<80xi32, #tpu.memory_space<vmem>>, vector<16xi32>,
    %get3A_59 = arith.constant 32 : index
    %get3A_60 = tpu.vector_load %arg10[%get3A_59] {strides = array<i32>} : memref<80xf32, #tpu.memory_space<vmem>>, vector<16xf32>,
    tpu.vector_store_idx %arg14[%get3A_58], %get3A_60 {add = true} : memref<10000xf32, #tpu.memory_space<vmem>>[vector<16xi32>], vector<16xf32>,
    %get3A_61 = arith.constant 48 : index
    %get3A_62 = tpu.vector_load %arg8[%get3A_61] {strides = array<i32>} : memref<80xi32, #tpu.memory_space<vmem>>, vector<16xi32>,
    %get3A_63 = arith.constant 48 : index
    %get3A_64 = tpu.vector_load %arg10[%get3A_63] {strides = array<i32>} : memref<80xf32, #tpu.memory_space<vmem>>, vector<16xf32>,
    tpu.vector_store_idx %arg14[%get3A_62], %get3A_64 {add = true} : memref<10000xf32, #tpu.memory_space<vmem>>[vector<16xi32>], vector<16xf32>,
    %get3A_65 = arith.constant 64 : index
    %get3A_66 = tpu.vector_load %arg8[%get3A_65] {strides = array<i32>} : memref<80xi32, #tpu.memory_space<vmem>>, vector<16xi32>,
    %get3A_67 = arith.constant 64 : index
    %get3A_68 = tpu.vector_load %arg10[%get3A_67] {strides = array<i32>} : memref<80xf32, #tpu.memory_space<vmem>>, vector<16xf32>,
    tpu.vector_store_idx %arg14[%get3A_66], %get3A_68 {add = true} : memref<10000xf32, #tpu.memory_space<vmem>>[vector<16xi32>], vector<16xf32>,
    %dma_wait3A_69 = arith.constant 0 : i32
    %dma_wait3A_70 = arith.constant 0 : i32
    %dma_wait3A_71 = tpu.memref_slice %arg15[%dma_wait3A_69, %dma_wait3A_70] : memref<10000x128xf32, #tpu.memory_space<vmem_shared>> -> memref<10000x128xf32, #tpu.memory_space<vmem_shared>>
    tpu.wait_indirect_dma semaphore(%arg18 : memref<!tpu.dma_semaphore, #tpu.memory_space<semaphore_mem>>) src(%arg12 : memref<80x128xf32, #tpu.memory_space<vmem>>) dst(%dma_wait3A_71 : memref<10000x128xf32, #tpu.memory_space<vmem_shared>>)
    %barrier3A_72 = arith.constant 0 : index
    tpu.barrier barrier_id(%barrier3A_72)
    %scan3A_73 = arith.constant 0 : i32
    %scan3A_74 = arith.constant 125 : i32
    %scan3A_75 = arith.addi %scan3A_73, %scan3A_74 : i32
    %scan3A_76 = arith.constant 1 : i32
    scf.for %scan3A_78 = %scan3A_73 to %scan3A_75 step %scan3A_76  : i32 {
      %mul3A_79 = arith.constant 1 : i32
      %mul3A_80 = arith.muli %scan3A_78, %mul3A_79 : i32
      %add3A_81 = arith.constant 0 : i32
      %add3A_82 = arith.addi %add3A_81, %mul3A_80 : i32
      %rem3A = arith.constant 16 : i32
      %rem3A_83 = arith.remsi %add3A_82, %rem3A : i32
      %eq3A = arith.cmpi eq, %rem3A_83, %arg1 : i32
      %convert_element_type3A = arith.extui %eq3A : i1 to i32
      %cond3A = arith.constant 0 : i32
      %cond3A_84 = arith.cmpi ne, %convert_element_type3A, %cond3A : i32
      scf.if %cond3A_84 {
        %mul3A_85 = arith.constant 80 : i32
        %mul3A_86 = arith.muli %add3A_82, %mul3A_85 : i32
        %mul3A_87 = arith.constant 80 : i32
        %mul3A_88 = arith.muli %add3A_82, %mul3A_87 : i32
        "tpu.region"() ({
          %run_scoped3A = tpu.sem_alloc : memref<!tpu.dma_semaphore, #tpu.memory_space<semaphore_mem>>
          %dma_start3A_89 = arith.constant 0 : i32
          %dma_start3A_90 = tpu.memref_slice %arg6[%arg0, %mul3A_88, %dma_start3A_89] : memref<2x10000x128xf32, #tpu.memory_space<hbm>> -> memref<1x80x128xf32, #tpu.memory_space<hbm>>
          %dma_start3A_91 = tpu.memref_squeeze %dma_start3A_90 : memref<1x80x128xf32, #tpu.memory_space<hbm>> -> memref<80x128xf32, #tpu.memory_space<hbm>>
          %dma_start3A_92 = arith.constant 0 : i32
          %dma_start3A_93 = tpu.memref_slice %arg15[%mul3A_86, %dma_start3A_92] : memref<10000x128xf32, #tpu.memory_space<vmem_shared>> -> memref<80x128xf32, #tpu.memory_space<vmem_shared>>
          tpu.enqueue_dma source(%dma_start3A_93 : memref<80x128xf32, #tpu.memory_space<vmem_shared>>) target(%dma_start3A_91 : memref<80x128xf32, #tpu.memory_space<hbm>>) target_semaphore(%run_scoped3A : memref<!tpu.dma_semaphore, #tpu.memory_space<semaphore_mem>>)
          %dma_wait3A_94 = arith.constant 0 : i32
          %dma_wait3A_95 = tpu.memref_slice %arg6[%arg0, %mul3A_88, %dma_wait3A_94] : memref<2x10000x128xf32, #tpu.memory_space<hbm>> -> memref<1x80x128xf32, #tpu.memory_space<hbm>>
          %dma_wait3A_96 = tpu.memref_squeeze %dma_wait3A_95 : memref<1x80x128xf32, #tpu.memory_space<hbm>> -> memref<80x128xf32, #tpu.memory_space<hbm>>
          %dma_wait3A_97 = arith.constant 0 : i32
          %dma_wait3A_98 = tpu.memref_slice %arg15[%mul3A_86, %dma_wait3A_97] : memref<10000x128xf32, #tpu.memory_space<vmem_shared>> -> memref<80x128xf32, #tpu.memory_space<vmem_shared>>
          tpu.wait_dma2 semaphore(%run_scoped3A : memref<!tpu.dma_semaphore, #tpu.memory_space<semaphore_mem>>) src(%dma_wait3A_98 : memref<80x128xf32, #tpu.memory_space<vmem_shared>>) dst(%dma_wait3A_96 : memref<80x128xf32, #tpu.memory_space<hbm>>)
          tpu.yield
        }) : () -> ()
      } else {
      }
    }
    %scan3A_77 = arith.constant 125 : i32
    "tpu.region"() ({
      %run_scoped3A = tpu.sem_alloc : memref<!tpu.dma_semaphore, #tpu.memory_space<semaphore_mem>>
      %dma_start3A_78 = arith.constant 0 : i32
      %dma_start3A_79 = tpu.memref_slice %arg7[%add3A, %dma_start3A_78] : memref<32x10000xf32, #tpu.memory_space<hbm>> -> memref<1x10000xf32, #tpu.memory_space<hbm>>
      %dma_start3A_80 = tpu.memref_squeeze %dma_start3A_79 : memref<1x10000xf32, #tpu.memory_space<hbm>> -> memref<10000xf32, #tpu.memory_space<hbm>>
      %dma_start3A_81 = arith.constant 0 : i32
      %dma_start3A_82 = tpu.memref_slice %arg7[%add3A, %dma_start3A_81] : memref<32x10000xf32, #tpu.memory_space<hbm>> -> memref<1x10000xf32, #tpu.memory_space<hbm>>
      %dma_start3A_83 = tpu.memref_squeeze %dma_start3A_82 : memref<1x10000xf32, #tpu.memory_space<hbm>> -> memref<10000xf32, #tpu.memory_space<hbm>>
      tpu.enqueue_dma source(%arg14 : memref<10000xf32, #tpu.memory_space<vmem>>) target(%dma_start3A_83 : memref<10000xf32, #tpu.memory_space<hbm>>) target_semaphore(%run_scoped3A : memref<!tpu.dma_semaphore, #tpu.memory_space<semaphore_mem>>)
      %dma_wait3A_84 = arith.constant 0 : i32
      %dma_wait3A_85 = tpu.memref_slice %arg7[%add3A, %dma_wait3A_84] : memref<32x10000xf32, #tpu.memory_space<hbm>> -> memref<1x10000xf32, #tpu.memory_space<hbm>>
      %dma_wait3A_86 = tpu.memref_squeeze %dma_wait3A_85 : memref<1x10000xf32, #tpu.memory_space<hbm>> -> memref<10000xf32, #tpu.memory_space<hbm>>
      %dma_wait3A_87 = arith.constant 0 : i32
      %dma_wait3A_88 = tpu.memref_slice %arg7[%add3A, %dma_wait3A_87] : memref<32x10000xf32, #tpu.memory_space<hbm>> -> memref<1x10000xf32, #tpu.memory_space<hbm>>
      %dma_wait3A_89 = tpu.memref_squeeze %dma_wait3A_88 : memref<1x10000xf32, #tpu.memory_space<hbm>> -> memref<10000xf32, #tpu.memory_space<hbm>>
      tpu.wait_dma2 semaphore(%run_scoped3A : memref<!tpu.dma_semaphore, #tpu.memory_space<semaphore_mem>>) src(%arg14 : memref<10000xf32, #tpu.memory_space<vmem>>) dst(%dma_wait3A_89 : memref<10000xf32, #tpu.memory_space<hbm>>)
      tpu.yield
    }) : () -> ()
    return
  }
}

module attributes {stable_mosaic.version = 14 : i64} {
  func.func @body(%arg0: i32, %arg1: memref<2000x128xf32, #tpu.memory_space<vmem>>, %arg2: memref<2000x128xf32, #tpu.memory_space<vmem>>, %arg3: memref<2000x128xf32, #tpu.memory_space<vmem>>, %arg4: memref<2000x1xf32, #tpu.memory_space<vmem>>, %arg5: memref<128x128xf32, #tpu.memory_space<vmem>>, %arg6: memref<128x128xf32, #tpu.memory_space<vmem>>, %arg7: memref<1x128xf32, #tpu.memory_space<vmem>>, %arg8: memref<2000x128xf32, #tpu.memory_space<vmem>>, %arg9: memref<2x128xf32, #tpu.memory_space<vmem>>, %arg10: memref<2x128xf32, #tpu.memory_space<vmem>>) attributes {dimension_semantics = [#tpu.dimension_semantics<arbitrary>], iteration_bounds = array<i64: 5>, scalar_prefetch = 0 : i64, scratch_operands = 1 : i64, tpu.core_type = #tpu.core_type<tc>, window_params = [{transform_indices = @transform_0, window_bounds = array<i64: 2000, 128>}, {transform_indices = @transform_1, window_bounds = array<i64: 2000, 128>}, {transform_indices = @transform_2, window_bounds = array<i64: 2000, 128>}, {transform_indices = @transform_3, window_bounds = array<i64: 2000, 1>}, {pipeline_mode = #tpu.pipeline_mode<synchronous>, transform_indices = @transform_4, window_bounds = array<i64: 128, 128>}, {pipeline_mode = #tpu.pipeline_mode<synchronous>, transform_indices = @transform_5, window_bounds = array<i64: 128, 128>}, {pipeline_mode = #tpu.pipeline_mode<synchronous>, transform_indices = @transform_6, window_bounds = array<i64: 1, 128>}, {transform_indices = @transform_7, window_bounds = array<i64: 2000, 128>}, {pipeline_mode = #tpu.pipeline_mode<synchronous>, transform_indices = @transform_8, window_bounds = array<i64: 2, 128>}]} {
    %get3A = arith.constant 0 : index
    %get3A_0 = arith.constant 0 : index
    %get3A_1 = vector.load %arg4[%get3A, %get3A_0] : memref<2000x1xf32, #tpu.memory_space<vmem>>, vector<2000x1xf32>
    %max3A = arith.constant 1.000000e+00 : f32
    %max3A_2 = vector.broadcast %max3A : f32 to vector<2000x1xf32>
    %max3A_3 = arith.maximumf %get3A_1, %max3A_2 : vector<2000x1xf32>
    %get3A_4 = arith.constant 0 : index
    %get3A_5 = arith.constant 0 : index
    %get3A_6 = vector.load %arg2[%get3A_4, %get3A_5] : memref<2000x128xf32, #tpu.memory_space<vmem>>, vector<2000x128xf32>
    %get3A_7 = arith.constant 0 : index
    %get3A_8 = arith.constant 0 : index
    %get3A_9 = vector.load %arg3[%get3A_7, %get3A_8] : memref<2000x128xf32, #tpu.memory_space<vmem>>, vector<2000x128xf32>
    %add3A = arith.addf %get3A_6, %get3A_9 : vector<2000x128xf32>
    %div3A = vector.broadcast %max3A_3 : vector<2000x1xf32> to vector<2000x128xf32>
    %div3A_10 = arith.divf %add3A, %div3A : vector<2000x128xf32>
    %get3A_11 = arith.constant 0 : index
    %get3A_12 = arith.constant 0 : index
    %get3A_13 = vector.load %arg1[%get3A_11, %get3A_12] : memref<2000x128xf32, #tpu.memory_space<vmem>>, vector<2000x128xf32>
    %get3A_14 = arith.constant 0 : index
    %get3A_15 = arith.constant 0 : index
    %get3A_16 = vector.load %arg5[%get3A_14, %get3A_15] : memref<128x128xf32, #tpu.memory_space<vmem>>, vector<128x128xf32>
    %dot_general3A = arith.constant dense<0.000000e+00> : vector<2000x128xf32>
    %dot_general3A_17 = tpu.matmul %get3A_13, %get3A_16, %dot_general3A {dimension_numbers = #tpu.dot_dimension_numbers<[1], [0], [0], [1], [0, 0, 1, 1], [], []>, transpose_lhs_hint = false} : vector<2000x128xf32>, vector<128x128xf32>, vector<2000x128xf32> -> vector<2000x128xf32>
    %get3A_18 = arith.constant 0 : index
    %get3A_19 = arith.constant 0 : index
    %get3A_20 = vector.load %arg6[%get3A_18, %get3A_19] : memref<128x128xf32, #tpu.memory_space<vmem>>, vector<128x128xf32>
    %dot_general3A_21 = arith.constant dense<0.000000e+00> : vector<2000x128xf32>
    %dot_general3A_22 = tpu.matmul %div3A_10, %get3A_20, %dot_general3A_21 {dimension_numbers = #tpu.dot_dimension_numbers<[1], [0], [0], [1], [0, 0, 1, 1], [], []>, transpose_lhs_hint = false} : vector<2000x128xf32>, vector<128x128xf32>, vector<2000x128xf32> -> vector<2000x128xf32>
    %add3A_23 = arith.addf %dot_general3A_17, %dot_general3A_22 : vector<2000x128xf32>
    %get3A_24 = arith.constant 0 : index
    %get3A_25 = arith.constant 0 : index
    %get3A_26 = vector.load %arg7[%get3A_24, %get3A_25] : memref<1x128xf32, #tpu.memory_space<vmem>>, vector<1x128xf32>
    %add3A_27 = vector.broadcast %get3A_26 : vector<1x128xf32> to vector<2000x128xf32>
    %add3A_28 = arith.addf %add3A_23, %add3A_27 : vector<2000x128xf32>
    %swap3A = arith.constant 0 : index
    %swap3A_29 = arith.constant 0 : index
    %swap3A_30 = vector.load %arg8[%swap3A, %swap3A_29] : memref<2000x128xf32, #tpu.memory_space<vmem>>, vector<2000x128xf32>
    tpu.vector_store %arg8[%swap3A, %swap3A_29], %add3A_28 {strides = array<i32>} : memref<2000x128xf32, #tpu.memory_space<vmem>>, vector<2000x128xf32>,
    %eq3A = arith.constant 0 : i32
    %eq3A_31 = arith.cmpi eq, %arg0, %eq3A : i32
    %convert_element_type3A = arith.extui %eq3A_31 : i1 to i32
    %cond3A = arith.constant 0 : i32
    %cond3A_32 = arith.cmpi ne, %convert_element_type3A, %cond3A : i32
    scf.if %cond3A_32 {
      %broadcast_in_dim3A_56 = arith.constant 0.000000e+00 : f32
      %broadcast_in_dim3A_57 = vector.broadcast %broadcast_in_dim3A_56 : f32 to vector<2x128xf32>
      %swap3A_58 = arith.constant 0 : index
      %swap3A_59 = arith.constant 0 : index
      %swap3A_60 = vector.load %arg10[%swap3A_58, %swap3A_59] : memref<2x128xf32, #tpu.memory_space<vmem>>, vector<2x128xf32>
      tpu.vector_store %arg10[%swap3A_58, %swap3A_59], %broadcast_in_dim3A_57 {strides = array<i32>} : memref<2x128xf32, #tpu.memory_space<vmem>>, vector<2x128xf32>,
    } else {
    }
    %get3A_33 = arith.constant 0 : index
    %get3A_34 = arith.constant 0 : index
    %get3A_35 = vector.load %arg10[%get3A_33, %get3A_34] : memref<2x128xf32, #tpu.memory_space<vmem>>, vector<1x128xf32>
    %reduce_sum3A = arith.constant dense<0.000000e+00> : vector<128xf32>
    %reduce_sum3A_36 = vector.multi_reduction <add>, %add3A_28, %reduce_sum3A [0] : vector<2000x128xf32> to vector<128xf32>
    %broadcast_in_dim3A = vector.shape_cast %reduce_sum3A_36 : vector<128xf32> to vector<1x128xf32>
    %add3A_37 = arith.addf %get3A_35, %broadcast_in_dim3A : vector<1x128xf32>
    %swap3A_38 = arith.constant 0 : index
    %swap3A_39 = arith.constant 0 : index
    %swap3A_40 = vector.load %arg10[%swap3A_38, %swap3A_39] : memref<2x128xf32, #tpu.memory_space<vmem>>, vector<1x128xf32>
    tpu.vector_store %arg10[%swap3A_38, %swap3A_39], %add3A_37 {strides = array<i32>} : memref<2x128xf32, #tpu.memory_space<vmem>>, vector<1x128xf32>,
    %get3A_41 = arith.constant 1 : index
    %get3A_42 = arith.constant 0 : index
    %get3A_43 = vector.load %arg10[%get3A_41, %get3A_42] : memref<2x128xf32, #tpu.memory_space<vmem>>, vector<1x128xf32>
    %mul3A = arith.mulf %add3A_28, %add3A_28 : vector<2000x128xf32>
    %reduce_sum3A_44 = arith.constant dense<0.000000e+00> : vector<128xf32>
    %reduce_sum3A_45 = vector.multi_reduction <add>, %mul3A, %reduce_sum3A_44 [0] : vector<2000x128xf32> to vector<128xf32>
    %broadcast_in_dim3A_46 = vector.shape_cast %reduce_sum3A_45 : vector<128xf32> to vector<1x128xf32>
    %add3A_47 = arith.addf %get3A_43, %broadcast_in_dim3A_46 : vector<1x128xf32>
    %swap3A_48 = arith.constant 1 : index
    %swap3A_49 = arith.constant 0 : index
    %swap3A_50 = vector.load %arg10[%swap3A_48, %swap3A_49] : memref<2x128xf32, #tpu.memory_space<vmem>>, vector<1x128xf32>
    tpu.vector_store %arg10[%swap3A_48, %swap3A_49], %add3A_47 {strides = array<i32>} : memref<2x128xf32, #tpu.memory_space<vmem>>, vector<1x128xf32>,
    %eq3A_51 = arith.constant 4 : i32
    %eq3A_52 = arith.cmpi eq, %arg0, %eq3A_51 : i32
    %convert_element_type3A_53 = arith.extui %eq3A_52 : i1 to i32
    %cond3A_54 = arith.constant 0 : i32
    %cond3A_55 = arith.cmpi ne, %convert_element_type3A_53, %cond3A_54 : i32
    scf.if %cond3A_55 {
      %get3A_56 = arith.constant 0 : index
      %get3A_57 = arith.constant 0 : index
      %get3A_58 = vector.load %arg10[%get3A_56, %get3A_57] : memref<2x128xf32, #tpu.memory_space<vmem>>, vector<2x128xf32>
      %swap3A_59 = arith.constant 0 : index
      %swap3A_60 = arith.constant 0 : index
      %swap3A_61 = vector.load %arg9[%swap3A_59, %swap3A_60] : memref<2x128xf32, #tpu.memory_space<vmem>>, vector<2x128xf32>
      tpu.vector_store %arg9[%swap3A_59, %swap3A_60], %get3A_58 {strides = array<i32>} : memref<2x128xf32, #tpu.memory_space<vmem>>, vector<2x128xf32>,
    } else {
    }
    return
  }
  func.func @transform_0(%arg0: i32) -> (i32, i32) {
    %c0_i32 = arith.constant 0 : i32
    %c0_i32_0 = arith.constant 0 : i32
    return %arg0, %c0_i32 : i32, i32
  }
  func.func @transform_1(%arg0: i32) -> (i32, i32) {
    %c0_i32 = arith.constant 0 : i32
    %c0_i32_0 = arith.constant 0 : i32
    return %arg0, %c0_i32 : i32, i32
  }
  func.func @transform_2(%arg0: i32) -> (i32, i32) {
    %c0_i32 = arith.constant 0 : i32
    %c0_i32_0 = arith.constant 0 : i32
    return %arg0, %c0_i32 : i32, i32
  }
  func.func @transform_3(%arg0: i32) -> (i32, i32) {
    %c0_i32 = arith.constant 0 : i32
    %c0_i32_0 = arith.constant 0 : i32
    return %arg0, %c0_i32 : i32, i32
  }
  func.func @transform_4(%arg0: i32) -> (i32, i32) {
    %c0_i32 = arith.constant 0 : i32
    %c0_i32_0 = arith.constant 0 : i32
    %c0_i32_1 = arith.constant 0 : i32
    return %c0_i32, %c0_i32_0 : i32, i32
  }
  func.func @transform_5(%arg0: i32) -> (i32, i32) {
    %c0_i32 = arith.constant 0 : i32
    %c0_i32_0 = arith.constant 0 : i32
    %c0_i32_1 = arith.constant 0 : i32
    return %c0_i32, %c0_i32_0 : i32, i32
  }
  func.func @transform_6(%arg0: i32) -> (i32, i32) {
    %c0_i32 = arith.constant 0 : i32
    %c0_i32_0 = arith.constant 0 : i32
    %c0_i32_1 = arith.constant 0 : i32
    return %c0_i32, %c0_i32_0 : i32, i32
  }
  func.func @transform_7(%arg0: i32) -> (i32, i32) {
    %c0_i32 = arith.constant 0 : i32
    %c0_i32_0 = arith.constant 0 : i32
    return %arg0, %c0_i32 : i32, i32
  }
  func.func @transform_8(%arg0: i32) -> (i32, i32) {
    %c0_i32 = arith.constant 0 : i32
    %c0_i32_0 = arith.constant 0 : i32
    %c0_i32_1 = arith.constant 0 : i32
    return %c0_i32, %c0_i32_0 : i32, i32
  }
}

module attributes {stable_mosaic.version = 14 : i64} {
  func.func @body(%arg0: i32, %arg1: memref<2000x128xf32, #tpu.memory_space<vmem>>, %arg2: memref<2x128xf32, #tpu.memory_space<vmem>>, %arg3: memref<1x128xf32, #tpu.memory_space<vmem>>, %arg4: memref<1x128xf32, #tpu.memory_space<vmem>>, %arg5: memref<1x128xf32, #tpu.memory_space<vmem>>, %arg6: memref<128x128xf32, #tpu.memory_space<vmem>>, %arg7: memref<1x128xf32, #tpu.memory_space<vmem>>, %arg8: memref<1x128xf32, #tpu.memory_space<vmem>>, %arg9: memref<2000x128xf32, #tpu.memory_space<vmem>>, %arg10: memref<8x128xf32, #tpu.memory_space<vmem>>, %arg11: memref<2xf32, #tpu.memory_space<smem>>) attributes {dimension_semantics = [#tpu.dimension_semantics<arbitrary>], iteration_bounds = array<i64: 5>, scalar_prefetch = 0 : i64, scratch_operands = 1 : i64, tpu.core_type = #tpu.core_type<tc>, window_params = [{transform_indices = @transform_0, window_bounds = array<i64: 2000, 128>}, {pipeline_mode = #tpu.pipeline_mode<synchronous>, transform_indices = @transform_1, window_bounds = array<i64: 2, 128>}, {pipeline_mode = #tpu.pipeline_mode<synchronous>, transform_indices = @transform_2, window_bounds = array<i64: 1, 128>}, {pipeline_mode = #tpu.pipeline_mode<synchronous>, transform_indices = @transform_3, window_bounds = array<i64: 1, 128>}, {pipeline_mode = #tpu.pipeline_mode<synchronous>, transform_indices = @transform_4, window_bounds = array<i64: 1, 128>}, {pipeline_mode = #tpu.pipeline_mode<synchronous>, transform_indices = @transform_5, window_bounds = array<i64: 128, 128>}, {pipeline_mode = #tpu.pipeline_mode<synchronous>, transform_indices = @transform_6, window_bounds = array<i64: 1, 128>}, {pipeline_mode = #tpu.pipeline_mode<synchronous>, transform_indices = @transform_7, window_bounds = array<i64: 1, 128>}, {transform_indices = @transform_8, window_bounds = array<i64: 2000, 128>}, {pipeline_mode = #tpu.pipeline_mode<synchronous>, transform_indices = @transform_9, window_bounds = array<i64: 8, 128>}]} {
    %get3A = arith.constant 0 : index
    %get3A_0 = arith.constant 0 : index
    %get3A_1 = vector.load %arg2[%get3A, %get3A_0] : memref<2x128xf32, #tpu.memory_space<vmem>>, vector<1x128xf32>
    %div3A = arith.constant 1.000000e+04 : f32
    %div3A_2 = vector.broadcast %div3A : f32 to vector<1x128xf32>
    %div3A_3 = arith.divf %get3A_1, %div3A_2 : vector<1x128xf32>
    %get3A_4 = arith.constant 1 : index
    %get3A_5 = arith.constant 0 : index
    %get3A_6 = vector.load %arg2[%get3A_4, %get3A_5] : memref<2x128xf32, #tpu.memory_space<vmem>>, vector<1x128xf32>
    %div3A_7 = arith.constant 1.000000e+04 : f32
    %div3A_8 = vector.broadcast %div3A_7 : f32 to vector<1x128xf32>
    %div3A_9 = arith.divf %get3A_6, %div3A_8 : vector<1x128xf32>
    %get3A_10 = arith.constant 0 : index
    %get3A_11 = arith.constant 0 : index
    %get3A_12 = vector.load %arg5[%get3A_10, %get3A_11] : memref<1x128xf32, #tpu.memory_space<vmem>>, vector<1x128xf32>
    %mul3A = arith.constant 2.000000e+00 : f32
    %mul3A_13 = vector.broadcast %mul3A : f32 to vector<1x128xf32>
    %mul3A_14 = arith.mulf %mul3A_13, %get3A_12 : vector<1x128xf32>
    %mul3A_15 = arith.mulf %get3A_12, %get3A_12 : vector<1x128xf32>
    %sub3A = arith.subf %mul3A_14, %mul3A_15 : vector<1x128xf32>
    %mul3A_16 = arith.mulf %sub3A, %div3A_3 : vector<1x128xf32>
    %mul3A_17 = arith.mulf %mul3A_16, %div3A_3 : vector<1x128xf32>
    %sub3A_18 = arith.subf %div3A_9, %mul3A_17 : vector<1x128xf32>
    %get3A_19 = arith.constant 0 : index
    %get3A_20 = arith.constant 0 : index
    %get3A_21 = vector.load %arg1[%get3A_19, %get3A_20] : memref<2000x128xf32, #tpu.memory_space<vmem>>, vector<2000x128xf32>
    %mul3A_22 = arith.mulf %get3A_12, %div3A_3 : vector<1x128xf32>
    %sub3A_23 = vector.broadcast %mul3A_22 : vector<1x128xf32> to vector<2000x128xf32>
    %sub3A_24 = arith.subf %get3A_21, %sub3A_23 : vector<2000x128xf32>
    %get3A_25 = arith.constant 0 : index
    %get3A_26 = arith.constant 0 : index
    %get3A_27 = vector.load %arg3[%get3A_25, %get3A_26] : memref<1x128xf32, #tpu.memory_space<vmem>>, vector<1x128xf32>
    %mul3A_28 = vector.broadcast %get3A_27 : vector<1x128xf32> to vector<2000x128xf32>
    %mul3A_29 = arith.mulf %mul3A_28, %sub3A_24 : vector<2000x128xf32>
    %add3A = arith.constant 9.99999974E-6 : f32
    %add3A_30 = vector.broadcast %add3A : f32 to vector<1x128xf32>
    %add3A_31 = arith.addf %sub3A_18, %add3A_30 : vector<1x128xf32>
    %sqrt3A = math.sqrt %add3A_31 : vector<1x128xf32>
    %div3A_32 = vector.broadcast %sqrt3A : vector<1x128xf32> to vector<2000x128xf32>
    %div3A_33 = arith.divf %mul3A_29, %div3A_32 : vector<2000x128xf32>
    %get3A_34 = arith.constant 0 : index
    %get3A_35 = arith.constant 0 : index
    %get3A_36 = vector.load %arg4[%get3A_34, %get3A_35] : memref<1x128xf32, #tpu.memory_space<vmem>>, vector<1x128xf32>
    %add3A_37 = vector.broadcast %get3A_36 : vector<1x128xf32> to vector<2000x128xf32>
    %add3A_38 = arith.addf %div3A_33, %add3A_37 : vector<2000x128xf32>
    %max3A = arith.constant 0.000000e+00 : f32
    %max3A_39 = vector.broadcast %max3A : f32 to vector<2000x128xf32>
    %max3A_40 = arith.maximumf %add3A_38, %max3A_39 : vector<2000x128xf32>
    %get3A_41 = arith.constant 0 : index
    %get3A_42 = arith.constant 0 : index
    %get3A_43 = vector.load %arg6[%get3A_41, %get3A_42] : memref<128x128xf32, #tpu.memory_space<vmem>>, vector<128x128xf32>
    %dot_general3A = arith.constant dense<0.000000e+00> : vector<2000x128xf32>
    %dot_general3A_44 = tpu.matmul %max3A_40, %get3A_43, %dot_general3A {dimension_numbers = #tpu.dot_dimension_numbers<[1], [0], [0], [1], [0, 0, 1, 1], [], []>, transpose_lhs_hint = false} : vector<2000x128xf32>, vector<128x128xf32>, vector<2000x128xf32> -> vector<2000x128xf32>
    %get3A_45 = arith.constant 0 : index
    %get3A_46 = arith.constant 0 : index
    %get3A_47 = vector.load %arg7[%get3A_45, %get3A_46] : memref<1x128xf32, #tpu.memory_space<vmem>>, vector<1x128xf32>
    %mul3A_48 = vector.broadcast %get3A_47 : vector<1x128xf32> to vector<2000x128xf32>
    %mul3A_49 = arith.mulf %dot_general3A_44, %mul3A_48 : vector<2000x128xf32>
    %reduce_sum3A = arith.constant dense<0.000000e+00> : vector<2000xf32>
    %reduce_sum3A_50 = vector.multi_reduction <add>, %mul3A_49, %reduce_sum3A [1] : vector<2000x128xf32> to vector<2000xf32>
    %broadcast_in_dim3A = vector.shape_cast %reduce_sum3A_50 : vector<2000xf32> to vector<2000x1xf32>
    %get3A_51 = arith.constant 0 : index
    %get3A_52 = arith.constant 0 : index
    %get3A_53 = vector.load %arg8[%get3A_51, %get3A_52] : memref<1x128xf32, #tpu.memory_space<vmem>>, vector<1x128xf32>
    %mul3A_54 = vector.broadcast %get3A_53 : vector<1x128xf32> to vector<2000x128xf32>
    %mul3A_55 = arith.mulf %dot_general3A_44, %mul3A_54 : vector<2000x128xf32>
    %reduce_sum3A_56 = arith.constant dense<0.000000e+00> : vector<2000xf32>
    %reduce_sum3A_57 = vector.multi_reduction <add>, %mul3A_55, %reduce_sum3A_56 [1] : vector<2000x128xf32> to vector<2000xf32>
    %broadcast_in_dim3A_58 = vector.shape_cast %reduce_sum3A_57 : vector<2000xf32> to vector<2000x1xf32>
    %swap3A = arith.constant 0 : index
    %swap3A_59 = arith.constant 0 : index
    %swap3A_60 = vector.load %arg9[%swap3A, %swap3A_59] : memref<2000x128xf32, #tpu.memory_space<vmem>>, vector<2000x128xf32>
    tpu.vector_store %arg9[%swap3A, %swap3A_59], %dot_general3A_44 {strides = array<i32>} : memref<2000x128xf32, #tpu.memory_space<vmem>>, vector<2000x128xf32>,
    %eq3A = arith.constant 0 : i32
    %eq3A_61 = arith.cmpi eq, %arg0, %eq3A : i32
    %convert_element_type3A = arith.extui %eq3A_61 : i1 to i32
    %cond3A = arith.constant 0 : i32
    %cond3A_62 = arith.cmpi ne, %convert_element_type3A, %cond3A : i32
    scf.if %cond3A_62 {
      %swap3A_87 = arith.constant 0xFF800000 : f32
      %swap3A_88 = arith.constant 0 : index
      %swap3A_89 = memref.load %arg11[%swap3A_88] : memref<2xf32, #tpu.memory_space<smem>>
      memref.store %swap3A_87, %arg11[%swap3A_88] : memref<2xf32, #tpu.memory_space<smem>>
      %swap3A_90 = arith.constant 0xFF800000 : f32
      %swap3A_91 = arith.constant 1 : index
      %swap3A_92 = memref.load %arg11[%swap3A_91] : memref<2xf32, #tpu.memory_space<smem>>
      memref.store %swap3A_90, %arg11[%swap3A_91] : memref<2xf32, #tpu.memory_space<smem>>
    } else {
    }
    %get3A_63 = arith.constant 0 : index
    %get3A_64 = memref.load %arg11[%get3A_63] : memref<2xf32, #tpu.memory_space<smem>>
    %reduce_max3A = vector.shape_cast %broadcast_in_dim3A : vector<2000x1xf32> to vector<1x2000x1xf32>
    %reduce_max3A_65 = arith.constant dense<0xFF800000> : vector<1xf32>
    %reduce_max3A_66 = vector.multi_reduction <maximumf>, %reduce_max3A, %reduce_max3A_65 [1, 2] : vector<1x2000x1xf32> to vector<1xf32>
    %reduce_max3A_67 = vector.shape_cast %reduce_max3A_66 : vector<1xf32> to vector<1x1x1xf32>
    %reduce_max3A_68 = vector.extract %reduce_max3A_67[0, 0, 0] : f32 from vector<1x1x1xf32>
    %max3A_69 = arith.maximumf %get3A_64, %reduce_max3A_68 : f32
    %swap3A_70 = arith.constant 0 : index
    %swap3A_71 = memref.load %arg11[%swap3A_70] : memref<2xf32, #tpu.memory_space<smem>>
    memref.store %max3A_69, %arg11[%swap3A_70] : memref<2xf32, #tpu.memory_space<smem>>
    %get3A_72 = arith.constant 1 : index
    %get3A_73 = memref.load %arg11[%get3A_72] : memref<2xf32, #tpu.memory_space<smem>>
    %reduce_max3A_74 = vector.shape_cast %broadcast_in_dim3A_58 : vector<2000x1xf32> to vector<1x2000x1xf32>
    %reduce_max3A_75 = arith.constant dense<0xFF800000> : vector<1xf32>
    %reduce_max3A_76 = vector.multi_reduction <maximumf>, %reduce_max3A_74, %reduce_max3A_75 [1, 2] : vector<1x2000x1xf32> to vector<1xf32>
    %reduce_max3A_77 = vector.shape_cast %reduce_max3A_76 : vector<1xf32> to vector<1x1x1xf32>
    %reduce_max3A_78 = vector.extract %reduce_max3A_77[0, 0, 0] : f32 from vector<1x1x1xf32>
    %max3A_79 = arith.maximumf %get3A_73, %reduce_max3A_78 : f32
    %swap3A_80 = arith.constant 1 : index
    %swap3A_81 = memref.load %arg11[%swap3A_80] : memref<2xf32, #tpu.memory_space<smem>>
    memref.store %max3A_79, %arg11[%swap3A_80] : memref<2xf32, #tpu.memory_space<smem>>
    %eq3A_82 = arith.constant 4 : i32
    %eq3A_83 = arith.cmpi eq, %arg0, %eq3A_82 : i32
    %convert_element_type3A_84 = arith.extui %eq3A_83 : i1 to i32
    %cond3A_85 = arith.constant 0 : i32
    %cond3A_86 = arith.cmpi ne, %convert_element_type3A_84, %cond3A_85 : i32
    scf.if %cond3A_86 {
      %get3A_87 = arith.constant 0 : index
      %get3A_88 = memref.load %arg11[%get3A_87] : memref<2xf32, #tpu.memory_space<smem>>
      %get3A_89 = arith.constant 1 : index
      %get3A_90 = memref.load %arg11[%get3A_89] : memref<2xf32, #tpu.memory_space<smem>>
      %add3A_91 = arith.addf %get3A_88, %get3A_90 : f32
      %max3A_92 = arith.constant 0.000000e+00 : f32
      %max3A_93 = arith.maximumf %add3A_91, %max3A_92 : f32
      %broadcast_in_dim3A_94 = vector.broadcast %max3A_93 : f32 to vector<8x128xf32>
      %swap3A_95 = arith.constant 0 : index
      %swap3A_96 = arith.constant 0 : index
      %swap3A_97 = vector.load %arg10[%swap3A_95, %swap3A_96] : memref<8x128xf32, #tpu.memory_space<vmem>>, vector<8x128xf32>
      tpu.vector_store %arg10[%swap3A_95, %swap3A_96], %broadcast_in_dim3A_94 {strides = array<i32>} : memref<8x128xf32, #tpu.memory_space<vmem>>, vector<8x128xf32>,
    } else {
    }
    return
  }
  func.func @transform_0(%arg0: i32) -> (i32, i32) {
    %c0_i32 = arith.constant 0 : i32
    %c0_i32_0 = arith.constant 0 : i32
    return %arg0, %c0_i32 : i32, i32
  }
  func.func @transform_1(%arg0: i32) -> (i32, i32) {
    %c0_i32 = arith.constant 0 : i32
    %c0_i32_0 = arith.constant 0 : i32
    %c0_i32_1 = arith.constant 0 : i32
    return %c0_i32, %c0_i32_0 : i32, i32
  }
  func.func @transform_2(%arg0: i32) -> (i32, i32) {
    %c0_i32 = arith.constant 0 : i32
    %c0_i32_0 = arith.constant 0 : i32
    %c0_i32_1 = arith.constant 0 : i32
    return %c0_i32, %c0_i32_0 : i32, i32
  }
  func.func @transform_3(%arg0: i32) -> (i32, i32) {
    %c0_i32 = arith.constant 0 : i32
    %c0_i32_0 = arith.constant 0 : i32
    %c0_i32_1 = arith.constant 0 : i32
    return %c0_i32, %c0_i32_0 : i32, i32
  }
  func.func @transform_4(%arg0: i32) -> (i32, i32) {
    %c0_i32 = arith.constant 0 : i32
    %c0_i32_0 = arith.constant 0 : i32
    %c0_i32_1 = arith.constant 0 : i32
    return %c0_i32, %c0_i32_0 : i32, i32
  }
  func.func @transform_5(%arg0: i32) -> (i32, i32) {
    %c0_i32 = arith.constant 0 : i32
    %c0_i32_0 = arith.constant 0 : i32
    %c0_i32_1 = arith.constant 0 : i32
    return %c0_i32, %c0_i32_0 : i32, i32
  }
  func.func @transform_6(%arg0: i32) -> (i32, i32) {
    %c0_i32 = arith.constant 0 : i32
    %c0_i32_0 = arith.constant 0 : i32
    %c0_i32_1 = arith.constant 0 : i32
    return %c0_i32, %c0_i32_0 : i32, i32
  }
  func.func @transform_7(%arg0: i32) -> (i32, i32) {
    %c0_i32 = arith.constant 0 : i32
    %c0_i32_0 = arith.constant 0 : i32
    %c0_i32_1 = arith.constant 0 : i32
    return %c0_i32, %c0_i32_0 : i32, i32
  }
  func.func @transform_8(%arg0: i32) -> (i32, i32) {
    %c0_i32 = arith.constant 0 : i32
    %c0_i32_0 = arith.constant 0 : i32
    return %arg0, %c0_i32 : i32, i32
  }
  func.func @transform_9(%arg0: i32) -> (i32, i32) {
    %c0_i32 = arith.constant 0 : i32
    %c0_i32_0 = arith.constant 0 : i32
    %c0_i32_1 = arith.constant 0 : i32
    return %c0_i32, %c0_i32_0 : i32, i32
  }
}

module attributes {stable_mosaic.version = 14 : i64} {
  func.func @body(%arg0: i32, %arg1: memref<3200x128xf32, #tpu.memory_space<vmem>>, %arg2: memref<3200x128xf32, #tpu.memory_space<vmem>>, %arg3: memref<1x128xf32, #tpu.memory_space<vmem>>, %arg4: memref<1x128xf32, #tpu.memory_space<vmem>>, %arg5: memref<8x128xf32, #tpu.memory_space<vmem>>, %arg6: memref<3200x128xf32, #tpu.memory_space<vmem>>, %arg7: memref<1x1x3200xf32, #tpu.memory_space<vmem>>, %arg8: memref<8x128xf32, #tpu.memory_space<vmem>>, %arg9: memref<1xf32, #tpu.memory_space<smem>>) attributes {dimension_semantics = [#tpu.dimension_semantics<arbitrary>], iteration_bounds = array<i64: 48>, scalar_prefetch = 0 : i64, scratch_operands = 1 : i64, tpu.core_type = #tpu.core_type<tc>, window_params = [{transform_indices = @transform_0, window_bounds = array<i64: 3200, 128>}, {transform_indices = @transform_1, window_bounds = array<i64: 3200, 128>}, {pipeline_mode = #tpu.pipeline_mode<synchronous>, transform_indices = @transform_2, window_bounds = array<i64: 1, 128>}, {pipeline_mode = #tpu.pipeline_mode<synchronous>, transform_indices = @transform_3, window_bounds = array<i64: 1, 128>}, {pipeline_mode = #tpu.pipeline_mode<synchronous>, transform_indices = @transform_4, window_bounds = array<i64: 8, 128>}, {transform_indices = @transform_5, window_bounds = array<i64: 3200, 128>}, {transform_indices = @transform_6, window_bounds = array<i64: 1, 1, 3200>}, {pipeline_mode = #tpu.pipeline_mode<synchronous>, transform_indices = @transform_7, window_bounds = array<i64: 8, 128>}]} {
    %get3A = arith.constant 0 : index
    %get3A_0 = arith.constant 0 : index
    %get3A_1 = vector.load %arg5[%get3A, %get3A_0] : memref<8x128xf32, #tpu.memory_space<vmem>>, vector<1x1xf32>
    %get3A_2 = vector.extract %get3A_1[0, 0] : f32 from vector<1x1xf32>
    %get3A_3 = arith.constant 0 : index
    %get3A_4 = arith.constant 0 : index
    %get3A_5 = vector.load %arg1[%get3A_3, %get3A_4] : memref<3200x128xf32, #tpu.memory_space<vmem>>, vector<3200x128xf32>
    %get3A_6 = arith.constant 0 : index
    %get3A_7 = arith.constant 0 : index
    %get3A_8 = vector.load %arg2[%get3A_6, %get3A_7] : memref<3200x128xf32, #tpu.memory_space<vmem>>, vector<3200x128xf32>
    %mul3A = arith.mulf %get3A_5, %get3A_8 : vector<3200x128xf32>
    %reduce_sum3A = arith.constant dense<0.000000e+00> : vector<3200xf32>
    %reduce_sum3A_9 = vector.multi_reduction <add>, %mul3A, %reduce_sum3A [1] : vector<3200x128xf32> to vector<3200xf32>
    %broadcast_in_dim3A = vector.shape_cast %reduce_sum3A_9 : vector<3200xf32> to vector<3200x1xf32>
    %get3A_10 = arith.constant 0 : index
    %get3A_11 = arith.constant 0 : index
    %get3A_12 = vector.load %arg3[%get3A_10, %get3A_11] : memref<1x128xf32, #tpu.memory_space<vmem>>, vector<1x128xf32>
    %mul3A_13 = vector.broadcast %get3A_12 : vector<1x128xf32> to vector<3200x128xf32>
    %mul3A_14 = arith.mulf %get3A_5, %mul3A_13 : vector<3200x128xf32>
    %reduce_sum3A_15 = arith.constant dense<0.000000e+00> : vector<3200xf32>
    %reduce_sum3A_16 = vector.multi_reduction <add>, %mul3A_14, %reduce_sum3A_15 [1] : vector<3200x128xf32> to vector<3200xf32>
    %broadcast_in_dim3A_17 = vector.shape_cast %reduce_sum3A_16 : vector<3200xf32> to vector<3200x1xf32>
    %get3A_18 = arith.constant 0 : index
    %get3A_19 = arith.constant 0 : index
    %get3A_20 = vector.load %arg4[%get3A_18, %get3A_19] : memref<1x128xf32, #tpu.memory_space<vmem>>, vector<1x128xf32>
    %mul3A_21 = vector.broadcast %get3A_20 : vector<1x128xf32> to vector<3200x128xf32>
    %mul3A_22 = arith.mulf %get3A_8, %mul3A_21 : vector<3200x128xf32>
    %reduce_sum3A_23 = arith.constant dense<0.000000e+00> : vector<3200xf32>
    %reduce_sum3A_24 = vector.multi_reduction <add>, %mul3A_22, %reduce_sum3A_23 [1] : vector<3200x128xf32> to vector<3200xf32>
    %broadcast_in_dim3A_25 = vector.shape_cast %reduce_sum3A_24 : vector<3200xf32> to vector<3200x1xf32>
    %add3A = arith.addf %broadcast_in_dim3A_17, %broadcast_in_dim3A_25 : vector<3200x1xf32>
    %ge3A = arith.constant 0.000000e+00 : f32
    %ge3A_26 = vector.broadcast %ge3A : f32 to vector<3200x1xf32>
    %ge3A_27 = arith.cmpf oge, %add3A, %ge3A_26 : vector<3200x1xf32>
    %mul3A_28 = arith.constant 2.000000e-01 : f32
    %mul3A_29 = vector.broadcast %mul3A_28 : f32 to vector<3200x1xf32>
    %mul3A_30 = arith.mulf %mul3A_29, %add3A : vector<3200x1xf32>
    %select_n3A = arith.select %ge3A_27, %add3A, %mul3A_30 : vector<3200x1xi1>, vector<3200x1xf32>
    %logistic3A = arith.negf %broadcast_in_dim3A : vector<3200x1xf32>
    %logistic3A_31 = math.exp %logistic3A : vector<3200x1xf32>
    %logistic3A_32 = arith.constant 1.000000e+00 : f32
    %logistic3A_33 = vector.broadcast %logistic3A_32 : f32 to vector<3200x1xf32>
    %logistic3A_34 = arith.addf %logistic3A_33, %logistic3A_31 : vector<3200x1xf32>
    %logistic3A_35 = arith.divf %logistic3A_33, %logistic3A_34 : vector<3200x1xf32>
    %mul3A_36 = arith.mulf %select_n3A, %logistic3A_35 : vector<3200x1xf32>
    %sub3A = vector.broadcast %get3A_2 : f32 to vector<3200x1xf32>
    %sub3A_37 = arith.subf %mul3A_36, %sub3A : vector<3200x1xf32>
    %exp3A = math.exp %sub3A_37 : vector<3200x1xf32>
    %mul3A_38 = vector.broadcast %exp3A : vector<3200x1xf32> to vector<3200x128xf32>
    %mul3A_39 = arith.mulf %mul3A_38, %get3A_5 : vector<3200x128xf32>
    %swap3A = arith.constant 0 : index
    %swap3A_40 = arith.constant 0 : index
    %swap3A_41 = vector.load %arg6[%swap3A, %swap3A_40] : memref<3200x128xf32, #tpu.memory_space<vmem>>, vector<3200x128xf32>
    tpu.vector_store %arg6[%swap3A, %swap3A_40], %mul3A_39 {strides = array<i32>} : memref<3200x128xf32, #tpu.memory_space<vmem>>, vector<3200x128xf32>,
    %broadcast_in_dim3A_42 = arith.constant 1.000000e+00 : f32
    %broadcast_in_dim3A_43 = vector.broadcast %broadcast_in_dim3A_42 : f32 to vector<1x128xf32>
    %dot_general3A = arith.constant dense<0.000000e+00> : vector<1x3200xf32>
    %dot_general3A_44 = tpu.matmul %broadcast_in_dim3A_43, %mul3A, %dot_general3A {dimension_numbers = #tpu.dot_dimension_numbers<[1], [1], [0], [0], [0, 0, 1, 0], [], []>, transpose_lhs_hint = false} : vector<1x128xf32>, vector<3200x128xf32>, vector<1x3200xf32> -> vector<1x3200xf32>
    %get3A_45 = arith.constant 0 : index
    %get3A_46 = arith.constant 0 : index
    %get3A_47 = vector.load %arg3[%get3A_45, %get3A_46] : memref<1x128xf32, #tpu.memory_space<vmem>>, vector<1x128xf32>
    %dot_general3A_48 = arith.constant dense<0.000000e+00> : vector<1x3200xf32>
    %dot_general3A_49 = tpu.matmul %get3A_47, %get3A_5, %dot_general3A_48 {dimension_numbers = #tpu.dot_dimension_numbers<[1], [1], [0], [0], [0, 0, 1, 0], [], []>, transpose_lhs_hint = false} : vector<1x128xf32>, vector<3200x128xf32>, vector<1x3200xf32> -> vector<1x3200xf32>
    %get3A_50 = arith.constant 0 : index
    %get3A_51 = arith.constant 0 : index
    %get3A_52 = vector.load %arg4[%get3A_50, %get3A_51] : memref<1x128xf32, #tpu.memory_space<vmem>>, vector<1x128xf32>
    %dot_general3A_53 = arith.constant dense<0.000000e+00> : vector<1x3200xf32>
    %dot_general3A_54 = tpu.matmul %get3A_52, %get3A_8, %dot_general3A_53 {dimension_numbers = #tpu.dot_dimension_numbers<[1], [1], [0], [0], [0, 0, 1, 0], [], []>, transpose_lhs_hint = false} : vector<1x128xf32>, vector<3200x128xf32>, vector<1x3200xf32> -> vector<1x3200xf32>
    %add3A_55 = arith.addf %dot_general3A_49, %dot_general3A_54 : vector<1x3200xf32>
    %ge3A_56 = arith.constant 0.000000e+00 : f32
    %ge3A_57 = vector.broadcast %ge3A_56 : f32 to vector<1x3200xf32>
    %ge3A_58 = arith.cmpf oge, %add3A_55, %ge3A_57 : vector<1x3200xf32>
    %mul3A_59 = arith.constant 2.000000e-01 : f32
    %mul3A_60 = vector.broadcast %mul3A_59 : f32 to vector<1x3200xf32>
    %mul3A_61 = arith.mulf %mul3A_60, %add3A_55 : vector<1x3200xf32>
    %select_n3A_62 = arith.select %ge3A_58, %add3A_55, %mul3A_61 : vector<1x3200xi1>, vector<1x3200xf32>
    %logistic3A_63 = arith.negf %dot_general3A_44 : vector<1x3200xf32>
    %logistic3A_64 = math.exp %logistic3A_63 : vector<1x3200xf32>
    %logistic3A_65 = arith.constant 1.000000e+00 : f32
    %logistic3A_66 = vector.broadcast %logistic3A_65 : f32 to vector<1x3200xf32>
    %logistic3A_67 = arith.addf %logistic3A_66, %logistic3A_64 : vector<1x3200xf32>
    %logistic3A_68 = arith.divf %logistic3A_66, %logistic3A_67 : vector<1x3200xf32>
    %mul3A_69 = arith.mulf %select_n3A_62, %logistic3A_68 : vector<1x3200xf32>
    %sub3A_70 = vector.broadcast %get3A_2 : f32 to vector<1x3200xf32>
    %sub3A_71 = arith.subf %mul3A_69, %sub3A_70 : vector<1x3200xf32>
    %exp3A_72 = math.exp %sub3A_71 : vector<1x3200xf32>
    %reshape3A = vector.shape_cast %exp3A_72 : vector<1x3200xf32> to vector<1x1x3200xf32>
    %swap3A_73 = arith.constant 0 : index
    %swap3A_74 = arith.constant 0 : index
    %swap3A_75 = arith.constant 0 : index
    %swap3A_76 = vector.load %arg7[%swap3A_73, %swap3A_74, %swap3A_75] : memref<1x1x3200xf32, #tpu.memory_space<vmem>>, vector<1x1x3200xf32>
    tpu.vector_store %arg7[%swap3A_73, %swap3A_74, %swap3A_75], %reshape3A {strides = array<i32>} : memref<1x1x3200xf32, #tpu.memory_space<vmem>>, vector<1x1x3200xf32>,
    %neg3A = arith.constant 0.000000e+00 : f32
    %neg3A_77 = vector.broadcast %neg3A : f32 to vector<3200x1xf32>
    %neg3A_78 = arith.subf %neg3A_77, %broadcast_in_dim3A : vector<3200x1xf32>
    %max3A = arith.constant 0.000000e+00 : f32
    %max3A_79 = vector.broadcast %max3A : f32 to vector<3200x1xf32>
    %max3A_80 = arith.maximumf %neg3A_78, %max3A_79 : vector<3200x1xf32>
    %abs3A = math.absf %broadcast_in_dim3A : vector<3200x1xf32>
    %neg3A_81 = arith.constant 0.000000e+00 : f32
    %neg3A_82 = vector.broadcast %neg3A_81 : f32 to vector<3200x1xf32>
    %neg3A_83 = arith.subf %neg3A_82, %abs3A : vector<3200x1xf32>
    %exp3A_84 = math.exp %neg3A_83 : vector<3200x1xf32>
    %log1p3A = math.log1p %exp3A_84 : vector<3200x1xf32>
    %add3A_85 = arith.addf %max3A_80, %log1p3A : vector<3200x1xf32>
    %reduce_sum3A_86 = vector.shape_cast %add3A_85 : vector<3200x1xf32> to vector<1x3200x1xf32>
    %reduce_sum3A_87 = arith.constant dense<0.000000e+00> : vector<1xf32>
    %reduce_sum3A_88 = vector.multi_reduction <add>, %reduce_sum3A_86, %reduce_sum3A_87 [1, 2] : vector<1x3200x1xf32> to vector<1xf32>
    %reduce_sum3A_89 = vector.shape_cast %reduce_sum3A_88 : vector<1xf32> to vector<1x1x1xf32>
    %reduce_sum3A_90 = vector.extract %reduce_sum3A_89[0, 0, 0] : f32 from vector<1x1x1xf32>
    %eq3A = arith.constant 0 : i32
    %eq3A_91 = arith.cmpi eq, %arg0, %eq3A : i32
    %convert_element_type3A = arith.extui %eq3A_91 : i1 to i32
    %cond3A = arith.constant 0 : i32
    %cond3A_92 = arith.cmpi ne, %convert_element_type3A, %cond3A : i32
    scf.if %cond3A_92 {
      %swap3A_103 = arith.constant 0.000000e+00 : f32
      %swap3A_104 = arith.constant 0 : index
      %swap3A_105 = memref.load %arg9[%swap3A_104] : memref<1xf32, #tpu.memory_space<smem>>
      memref.store %swap3A_103, %arg9[%swap3A_104] : memref<1xf32, #tpu.memory_space<smem>>
    } else {
    }
    %get3A_93 = arith.constant 0 : index
    %get3A_94 = memref.load %arg9[%get3A_93] : memref<1xf32, #tpu.memory_space<smem>>
    %add3A_95 = arith.addf %get3A_94, %reduce_sum3A_90 : f32
    %swap3A_96 = arith.constant 0 : index
    %swap3A_97 = memref.load %arg9[%swap3A_96] : memref<1xf32, #tpu.memory_space<smem>>
    memref.store %add3A_95, %arg9[%swap3A_96] : memref<1xf32, #tpu.memory_space<smem>>
    %eq3A_98 = arith.constant 47 : i32
    %eq3A_99 = arith.cmpi eq, %arg0, %eq3A_98 : i32
    %convert_element_type3A_100 = arith.extui %eq3A_99 : i1 to i32
    %cond3A_101 = arith.constant 0 : i32
    %cond3A_102 = arith.cmpi ne, %convert_element_type3A_100, %cond3A_101 : i32
    scf.if %cond3A_102 {
      %get3A_103 = arith.constant 0 : index
      %get3A_104 = memref.load %arg9[%get3A_103] : memref<1xf32, #tpu.memory_space<smem>>
      %broadcast_in_dim3A_105 = vector.broadcast %get3A_104 : f32 to vector<8x128xf32>
      %swap3A_106 = arith.constant 0 : index
      %swap3A_107 = arith.constant 0 : index
      %swap3A_108 = vector.load %arg8[%swap3A_106, %swap3A_107] : memref<8x128xf32, #tpu.memory_space<vmem>>, vector<8x128xf32>
      tpu.vector_store %arg8[%swap3A_106, %swap3A_107], %broadcast_in_dim3A_105 {strides = array<i32>} : memref<8x128xf32, #tpu.memory_space<vmem>>, vector<8x128xf32>,
    } else {
    }
    return
  }
  func.func @transform_0(%arg0: i32) -> (i32, i32) {
    %c0_i32 = arith.constant 0 : i32
    %c0_i32_0 = arith.constant 0 : i32
    return %arg0, %c0_i32 : i32, i32
  }
  func.func @transform_1(%arg0: i32) -> (i32, i32) {
    %c0_i32 = arith.constant 0 : i32
    %c0_i32_0 = arith.constant 0 : i32
    return %arg0, %c0_i32 : i32, i32
  }
  func.func @transform_2(%arg0: i32) -> (i32, i32) {
    %c0_i32 = arith.constant 0 : i32
    %c0_i32_0 = arith.constant 0 : i32
    %c0_i32_1 = arith.constant 0 : i32
    return %c0_i32, %c0_i32_0 : i32, i32
  }
  func.func @transform_3(%arg0: i32) -> (i32, i32) {
    %c0_i32 = arith.constant 0 : i32
    %c0_i32_0 = arith.constant 0 : i32
    %c0_i32_1 = arith.constant 0 : i32
    return %c0_i32, %c0_i32_0 : i32, i32
  }
  func.func @transform_4(%arg0: i32) -> (i32, i32) {
    %c0_i32 = arith.constant 0 : i32
    %c0_i32_0 = arith.constant 0 : i32
    %c0_i32_1 = arith.constant 0 : i32
    return %c0_i32, %c0_i32_0 : i32, i32
  }
  func.func @transform_5(%arg0: i32) -> (i32, i32) {
    %c0_i32 = arith.constant 0 : i32
    %c0_i32_0 = arith.constant 0 : i32
    return %arg0, %c0_i32 : i32, i32
  }
  func.func @transform_6(%arg0: i32) -> (i32, i32, i32) {
    %c0_i32 = arith.constant 0 : i32
    %c0_i32_0 = arith.constant 0 : i32
    %c0_i32_1 = arith.constant 0 : i32
    return %arg0, %c0_i32, %c0_i32_0 : i32, i32, i32
  }
  func.func @transform_7(%arg0: i32) -> (i32, i32) {
    %c0_i32 = arith.constant 0 : i32
    %c0_i32_0 = arith.constant 0 : i32
    %c0_i32_1 = arith.constant 0 : i32
    return %c0_i32, %c0_i32_0 : i32, i32
  }
}

module attributes {stable_mosaic.version = 14 : i64} {
  func.func @body(%arg0: i32, %arg1: memref<3200x128xf32, #tpu.memory_space<vmem>>, %arg2: memref<3200x128xf32, #tpu.memory_space<vmem>>, %arg3: memref<1x128xf32, #tpu.memory_space<vmem>>, %arg4: memref<1x128xf32, #tpu.memory_space<vmem>>, %arg5: memref<8x128xf32, #tpu.memory_space<vmem>>, %arg6: memref<3200x128xf32, #tpu.memory_space<vmem>>, %arg7: memref<1x1x3200xf32, #tpu.memory_space<vmem>>, %arg8: memref<8x128xf32, #tpu.memory_space<vmem>>, %arg9: memref<1xf32, #tpu.memory_space<smem>>) attributes {dimension_semantics = [#tpu.dimension_semantics<arbitrary>], iteration_bounds = array<i64: 52>, scalar_prefetch = 0 : i64, scratch_operands = 1 : i64, tpu.core_type = #tpu.core_type<tc>, window_params = [{transform_indices = @transform_0, window_bounds = array<i64: 3200, 128>}, {transform_indices = @transform_1, window_bounds = array<i64: 3200, 128>}, {pipeline_mode = #tpu.pipeline_mode<synchronous>, transform_indices = @transform_2, window_bounds = array<i64: 1, 128>}, {pipeline_mode = #tpu.pipeline_mode<synchronous>, transform_indices = @transform_3, window_bounds = array<i64: 1, 128>}, {pipeline_mode = #tpu.pipeline_mode<synchronous>, transform_indices = @transform_4, window_bounds = array<i64: 8, 128>}, {transform_indices = @transform_5, window_bounds = array<i64: 3200, 128>}, {transform_indices = @transform_6, window_bounds = array<i64: 1, 1, 3200>}, {pipeline_mode = #tpu.pipeline_mode<synchronous>, transform_indices = @transform_7, window_bounds = array<i64: 8, 128>}]} {
    %get3A = arith.constant 0 : index
    %get3A_0 = arith.constant 0 : index
    %get3A_1 = vector.load %arg5[%get3A, %get3A_0] : memref<8x128xf32, #tpu.memory_space<vmem>>, vector<1x1xf32>
    %get3A_2 = vector.extract %get3A_1[0, 0] : f32 from vector<1x1xf32>
    %get3A_3 = arith.constant 0 : index
    %get3A_4 = arith.constant 0 : index
    %get3A_5 = vector.load %arg1[%get3A_3, %get3A_4] : memref<3200x128xf32, #tpu.memory_space<vmem>>, vector<3200x128xf32>
    %get3A_6 = arith.constant 0 : index
    %get3A_7 = arith.constant 0 : index
    %get3A_8 = vector.load %arg2[%get3A_6, %get3A_7] : memref<3200x128xf32, #tpu.memory_space<vmem>>, vector<3200x128xf32>
    %mul3A = arith.mulf %get3A_5, %get3A_8 : vector<3200x128xf32>
    %reduce_sum3A = arith.constant dense<0.000000e+00> : vector<3200xf32>
    %reduce_sum3A_9 = vector.multi_reduction <add>, %mul3A, %reduce_sum3A [1] : vector<3200x128xf32> to vector<3200xf32>
    %broadcast_in_dim3A = vector.shape_cast %reduce_sum3A_9 : vector<3200xf32> to vector<3200x1xf32>
    %get3A_10 = arith.constant 0 : index
    %get3A_11 = arith.constant 0 : index
    %get3A_12 = vector.load %arg3[%get3A_10, %get3A_11] : memref<1x128xf32, #tpu.memory_space<vmem>>, vector<1x128xf32>
    %mul3A_13 = vector.broadcast %get3A_12 : vector<1x128xf32> to vector<3200x128xf32>
    %mul3A_14 = arith.mulf %get3A_5, %mul3A_13 : vector<3200x128xf32>
    %reduce_sum3A_15 = arith.constant dense<0.000000e+00> : vector<3200xf32>
    %reduce_sum3A_16 = vector.multi_reduction <add>, %mul3A_14, %reduce_sum3A_15 [1] : vector<3200x128xf32> to vector<3200xf32>
    %broadcast_in_dim3A_17 = vector.shape_cast %reduce_sum3A_16 : vector<3200xf32> to vector<3200x1xf32>
    %get3A_18 = arith.constant 0 : index
    %get3A_19 = arith.constant 0 : index
    %get3A_20 = vector.load %arg4[%get3A_18, %get3A_19] : memref<1x128xf32, #tpu.memory_space<vmem>>, vector<1x128xf32>
    %mul3A_21 = vector.broadcast %get3A_20 : vector<1x128xf32> to vector<3200x128xf32>
    %mul3A_22 = arith.mulf %get3A_8, %mul3A_21 : vector<3200x128xf32>
    %reduce_sum3A_23 = arith.constant dense<0.000000e+00> : vector<3200xf32>
    %reduce_sum3A_24 = vector.multi_reduction <add>, %mul3A_22, %reduce_sum3A_23 [1] : vector<3200x128xf32> to vector<3200xf32>
    %broadcast_in_dim3A_25 = vector.shape_cast %reduce_sum3A_24 : vector<3200xf32> to vector<3200x1xf32>
    %add3A = arith.addf %broadcast_in_dim3A_17, %broadcast_in_dim3A_25 : vector<3200x1xf32>
    %ge3A = arith.constant 0.000000e+00 : f32
    %ge3A_26 = vector.broadcast %ge3A : f32 to vector<3200x1xf32>
    %ge3A_27 = arith.cmpf oge, %add3A, %ge3A_26 : vector<3200x1xf32>
    %mul3A_28 = arith.constant 2.000000e-01 : f32
    %mul3A_29 = vector.broadcast %mul3A_28 : f32 to vector<3200x1xf32>
    %mul3A_30 = arith.mulf %mul3A_29, %add3A : vector<3200x1xf32>
    %select_n3A = arith.select %ge3A_27, %add3A, %mul3A_30 : vector<3200x1xi1>, vector<3200x1xf32>
    %logistic3A = arith.negf %broadcast_in_dim3A : vector<3200x1xf32>
    %logistic3A_31 = math.exp %logistic3A : vector<3200x1xf32>
    %logistic3A_32 = arith.constant 1.000000e+00 : f32
    %logistic3A_33 = vector.broadcast %logistic3A_32 : f32 to vector<3200x1xf32>
    %logistic3A_34 = arith.addf %logistic3A_33, %logistic3A_31 : vector<3200x1xf32>
    %logistic3A_35 = arith.divf %logistic3A_33, %logistic3A_34 : vector<3200x1xf32>
    %mul3A_36 = arith.mulf %select_n3A, %logistic3A_35 : vector<3200x1xf32>
    %sub3A = vector.broadcast %get3A_2 : f32 to vector<3200x1xf32>
    %sub3A_37 = arith.subf %mul3A_36, %sub3A : vector<3200x1xf32>
    %exp3A = math.exp %sub3A_37 : vector<3200x1xf32>
    %mul3A_38 = vector.broadcast %exp3A : vector<3200x1xf32> to vector<3200x128xf32>
    %mul3A_39 = arith.mulf %mul3A_38, %get3A_5 : vector<3200x128xf32>
    %swap3A = arith.constant 0 : index
    %swap3A_40 = arith.constant 0 : index
    %swap3A_41 = vector.load %arg6[%swap3A, %swap3A_40] : memref<3200x128xf32, #tpu.memory_space<vmem>>, vector<3200x128xf32>
    tpu.vector_store %arg6[%swap3A, %swap3A_40], %mul3A_39 {strides = array<i32>} : memref<3200x128xf32, #tpu.memory_space<vmem>>, vector<3200x128xf32>,
    %broadcast_in_dim3A_42 = arith.constant 1.000000e+00 : f32
    %broadcast_in_dim3A_43 = vector.broadcast %broadcast_in_dim3A_42 : f32 to vector<1x128xf32>
    %dot_general3A = arith.constant dense<0.000000e+00> : vector<1x3200xf32>
    %dot_general3A_44 = tpu.matmul %broadcast_in_dim3A_43, %mul3A, %dot_general3A {dimension_numbers = #tpu.dot_dimension_numbers<[1], [1], [0], [0], [0, 0, 1, 0], [], []>, transpose_lhs_hint = false} : vector<1x128xf32>, vector<3200x128xf32>, vector<1x3200xf32> -> vector<1x3200xf32>
    %get3A_45 = arith.constant 0 : index
    %get3A_46 = arith.constant 0 : index
    %get3A_47 = vector.load %arg3[%get3A_45, %get3A_46] : memref<1x128xf32, #tpu.memory_space<vmem>>, vector<1x128xf32>
    %dot_general3A_48 = arith.constant dense<0.000000e+00> : vector<1x3200xf32>
    %dot_general3A_49 = tpu.matmul %get3A_47, %get3A_5, %dot_general3A_48 {dimension_numbers = #tpu.dot_dimension_numbers<[1], [1], [0], [0], [0, 0, 1, 0], [], []>, transpose_lhs_hint = false} : vector<1x128xf32>, vector<3200x128xf32>, vector<1x3200xf32> -> vector<1x3200xf32>
    %get3A_50 = arith.constant 0 : index
    %get3A_51 = arith.constant 0 : index
    %get3A_52 = vector.load %arg4[%get3A_50, %get3A_51] : memref<1x128xf32, #tpu.memory_space<vmem>>, vector<1x128xf32>
    %dot_general3A_53 = arith.constant dense<0.000000e+00> : vector<1x3200xf32>
    %dot_general3A_54 = tpu.matmul %get3A_52, %get3A_8, %dot_general3A_53 {dimension_numbers = #tpu.dot_dimension_numbers<[1], [1], [0], [0], [0, 0, 1, 0], [], []>, transpose_lhs_hint = false} : vector<1x128xf32>, vector<3200x128xf32>, vector<1x3200xf32> -> vector<1x3200xf32>
    %add3A_55 = arith.addf %dot_general3A_49, %dot_general3A_54 : vector<1x3200xf32>
    %ge3A_56 = arith.constant 0.000000e+00 : f32
    %ge3A_57 = vector.broadcast %ge3A_56 : f32 to vector<1x3200xf32>
    %ge3A_58 = arith.cmpf oge, %add3A_55, %ge3A_57 : vector<1x3200xf32>
    %mul3A_59 = arith.constant 2.000000e-01 : f32
    %mul3A_60 = vector.broadcast %mul3A_59 : f32 to vector<1x3200xf32>
    %mul3A_61 = arith.mulf %mul3A_60, %add3A_55 : vector<1x3200xf32>
    %select_n3A_62 = arith.select %ge3A_58, %add3A_55, %mul3A_61 : vector<1x3200xi1>, vector<1x3200xf32>
    %logistic3A_63 = arith.negf %dot_general3A_44 : vector<1x3200xf32>
    %logistic3A_64 = math.exp %logistic3A_63 : vector<1x3200xf32>
    %logistic3A_65 = arith.constant 1.000000e+00 : f32
    %logistic3A_66 = vector.broadcast %logistic3A_65 : f32 to vector<1x3200xf32>
    %logistic3A_67 = arith.addf %logistic3A_66, %logistic3A_64 : vector<1x3200xf32>
    %logistic3A_68 = arith.divf %logistic3A_66, %logistic3A_67 : vector<1x3200xf32>
    %mul3A_69 = arith.mulf %select_n3A_62, %logistic3A_68 : vector<1x3200xf32>
    %sub3A_70 = vector.broadcast %get3A_2 : f32 to vector<1x3200xf32>
    %sub3A_71 = arith.subf %mul3A_69, %sub3A_70 : vector<1x3200xf32>
    %exp3A_72 = math.exp %sub3A_71 : vector<1x3200xf32>
    %reshape3A = vector.shape_cast %exp3A_72 : vector<1x3200xf32> to vector<1x1x3200xf32>
    %swap3A_73 = arith.constant 0 : index
    %swap3A_74 = arith.constant 0 : index
    %swap3A_75 = arith.constant 0 : index
    %swap3A_76 = vector.load %arg7[%swap3A_73, %swap3A_74, %swap3A_75] : memref<1x1x3200xf32, #tpu.memory_space<vmem>>, vector<1x1x3200xf32>
    tpu.vector_store %arg7[%swap3A_73, %swap3A_74, %swap3A_75], %reshape3A {strides = array<i32>} : memref<1x1x3200xf32, #tpu.memory_space<vmem>>, vector<1x1x3200xf32>,
    %neg3A = arith.constant 0.000000e+00 : f32
    %neg3A_77 = vector.broadcast %neg3A : f32 to vector<3200x1xf32>
    %neg3A_78 = arith.subf %neg3A_77, %broadcast_in_dim3A : vector<3200x1xf32>
    %max3A = arith.constant 0.000000e+00 : f32
    %max3A_79 = vector.broadcast %max3A : f32 to vector<3200x1xf32>
    %max3A_80 = arith.maximumf %neg3A_78, %max3A_79 : vector<3200x1xf32>
    %abs3A = math.absf %broadcast_in_dim3A : vector<3200x1xf32>
    %neg3A_81 = arith.constant 0.000000e+00 : f32
    %neg3A_82 = vector.broadcast %neg3A_81 : f32 to vector<3200x1xf32>
    %neg3A_83 = arith.subf %neg3A_82, %abs3A : vector<3200x1xf32>
    %exp3A_84 = math.exp %neg3A_83 : vector<3200x1xf32>
    %log1p3A = math.log1p %exp3A_84 : vector<3200x1xf32>
    %add3A_85 = arith.addf %max3A_80, %log1p3A : vector<3200x1xf32>
    %reduce_sum3A_86 = vector.shape_cast %add3A_85 : vector<3200x1xf32> to vector<1x3200x1xf32>
    %reduce_sum3A_87 = arith.constant dense<0.000000e+00> : vector<1xf32>
    %reduce_sum3A_88 = vector.multi_reduction <add>, %reduce_sum3A_86, %reduce_sum3A_87 [1, 2] : vector<1x3200x1xf32> to vector<1xf32>
    %reduce_sum3A_89 = vector.shape_cast %reduce_sum3A_88 : vector<1xf32> to vector<1x1x1xf32>
    %reduce_sum3A_90 = vector.extract %reduce_sum3A_89[0, 0, 0] : f32 from vector<1x1x1xf32>
    %eq3A = arith.constant 0 : i32
    %eq3A_91 = arith.cmpi eq, %arg0, %eq3A : i32
    %convert_element_type3A = arith.extui %eq3A_91 : i1 to i32
    %cond3A = arith.constant 0 : i32
    %cond3A_92 = arith.cmpi ne, %convert_element_type3A, %cond3A : i32
    scf.if %cond3A_92 {
      %swap3A_103 = arith.constant 0.000000e+00 : f32
      %swap3A_104 = arith.constant 0 : index
      %swap3A_105 = memref.load %arg9[%swap3A_104] : memref<1xf32, #tpu.memory_space<smem>>
      memref.store %swap3A_103, %arg9[%swap3A_104] : memref<1xf32, #tpu.memory_space<smem>>
    } else {
    }
    %get3A_93 = arith.constant 0 : index
    %get3A_94 = memref.load %arg9[%get3A_93] : memref<1xf32, #tpu.memory_space<smem>>
    %add3A_95 = arith.addf %get3A_94, %reduce_sum3A_90 : f32
    %swap3A_96 = arith.constant 0 : index
    %swap3A_97 = memref.load %arg9[%swap3A_96] : memref<1xf32, #tpu.memory_space<smem>>
    memref.store %add3A_95, %arg9[%swap3A_96] : memref<1xf32, #tpu.memory_space<smem>>
    %eq3A_98 = arith.constant 51 : i32
    %eq3A_99 = arith.cmpi eq, %arg0, %eq3A_98 : i32
    %convert_element_type3A_100 = arith.extui %eq3A_99 : i1 to i32
    %cond3A_101 = arith.constant 0 : i32
    %cond3A_102 = arith.cmpi ne, %convert_element_type3A_100, %cond3A_101 : i32
    scf.if %cond3A_102 {
      %get3A_103 = arith.constant 0 : index
      %get3A_104 = memref.load %arg9[%get3A_103] : memref<1xf32, #tpu.memory_space<smem>>
      %broadcast_in_dim3A_105 = vector.broadcast %get3A_104 : f32 to vector<8x128xf32>
      %swap3A_106 = arith.constant 0 : index
      %swap3A_107 = arith.constant 0 : index
      %swap3A_108 = vector.load %arg8[%swap3A_106, %swap3A_107] : memref<8x128xf32, #tpu.memory_space<vmem>>, vector<8x128xf32>
      tpu.vector_store %arg8[%swap3A_106, %swap3A_107], %broadcast_in_dim3A_105 {strides = array<i32>} : memref<8x128xf32, #tpu.memory_space<vmem>>, vector<8x128xf32>,
    } else {
    }
    return
  }
  func.func @transform_0(%arg0: i32) -> (i32, i32) {
    %c0_i32 = arith.constant 0 : i32
    %c0_i32_0 = arith.constant 0 : i32
    return %arg0, %c0_i32 : i32, i32
  }
  func.func @transform_1(%arg0: i32) -> (i32, i32) {
    %c0_i32 = arith.constant 0 : i32
    %c0_i32_0 = arith.constant 0 : i32
    return %arg0, %c0_i32 : i32, i32
  }
  func.func @transform_2(%arg0: i32) -> (i32, i32) {
    %c0_i32 = arith.constant 0 : i32
    %c0_i32_0 = arith.constant 0 : i32
    %c0_i32_1 = arith.constant 0 : i32
    return %c0_i32, %c0_i32_0 : i32, i32
  }
  func.func @transform_3(%arg0: i32) -> (i32, i32) {
    %c0_i32 = arith.constant 0 : i32
    %c0_i32_0 = arith.constant 0 : i32
    %c0_i32_1 = arith.constant 0 : i32
    return %c0_i32, %c0_i32_0 : i32, i32
  }
  func.func @transform_4(%arg0: i32) -> (i32, i32) {
    %c0_i32 = arith.constant 0 : i32
    %c0_i32_0 = arith.constant 0 : i32
    %c0_i32_1 = arith.constant 0 : i32
    return %c0_i32, %c0_i32_0 : i32, i32
  }
  func.func @transform_5(%arg0: i32) -> (i32, i32) {
    %c0_i32 = arith.constant 0 : i32
    %c0_i32_0 = arith.constant 0 : i32
    return %arg0, %c0_i32 : i32, i32
  }
  func.func @transform_6(%arg0: i32) -> (i32, i32, i32) {
    %c0_i32 = arith.constant 0 : i32
    %c0_i32_0 = arith.constant 0 : i32
    %c0_i32_1 = arith.constant 0 : i32
    return %arg0, %c0_i32, %c0_i32_0 : i32, i32, i32
  }
  func.func @transform_7(%arg0: i32) -> (i32, i32) {
    %c0_i32 = arith.constant 0 : i32
    %c0_i32_0 = arith.constant 0 : i32
    %c0_i32_1 = arith.constant 0 : i32
    return %c0_i32, %c0_i32_0 : i32, i32
  }
}

module attributes {stable_mosaic.version = 14 : i64} {
  func.func @body(%arg0: i32, %arg1: memref<2000x128xf32, #tpu.memory_space<vmem>>, %arg2: memref<2000x128xf32, #tpu.memory_space<vmem>>, %arg3: memref<2000x128xf32, #tpu.memory_space<vmem>>, %arg4: memref<2000x128xf32, #tpu.memory_space<vmem>>, %arg5: memref<2000x1xf32, #tpu.memory_space<vmem>>, %arg6: memref<1x128xf32, #tpu.memory_space<vmem>>, %arg7: memref<2000x128xf32, #tpu.memory_space<vmem>>) attributes {dimension_semantics = [#tpu.dimension_semantics<arbitrary>], iteration_bounds = array<i64: 10>, scalar_prefetch = 0 : i64, scratch_operands = 0 : i64, tpu.core_type = #tpu.core_type<tc>, window_params = [{transform_indices = @transform_0, window_bounds = array<i64: 2000, 128>}, {transform_indices = @transform_1, window_bounds = array<i64: 2000, 128>}, {transform_indices = @transform_2, window_bounds = array<i64: 2000, 128>}, {transform_indices = @transform_3, window_bounds = array<i64: 2000, 128>}, {transform_indices = @transform_4, window_bounds = array<i64: 2000, 1>}, {pipeline_mode = #tpu.pipeline_mode<synchronous>, transform_indices = @transform_5, window_bounds = array<i64: 1, 128>}, {transform_indices = @transform_6, window_bounds = array<i64: 2000, 128>}]} {
    %lt3A = arith.constant 5 : i32
    %lt3A_0 = arith.cmpi slt, %arg0, %lt3A : i32
    %convert_element_type3A = arith.extui %lt3A_0 : i1 to i32
    %cond3A = arith.constant 0 : i32
    %cond3A_1 = arith.cmpi ne, %convert_element_type3A, %cond3A : i32
    scf.if %cond3A_1 {
      %get3A = arith.constant 0 : index
      %get3A_6 = arith.constant 0 : index
      %get3A_7 = vector.load %arg1[%get3A, %get3A_6] : memref<2000x128xf32, #tpu.memory_space<vmem>>, vector<2000x128xf32>
      %get3A_8 = arith.constant 0 : index
      %get3A_9 = arith.constant 0 : index
      %get3A_10 = vector.load %arg2[%get3A_8, %get3A_9] : memref<2000x128xf32, #tpu.memory_space<vmem>>, vector<2000x128xf32>
      %add3A = arith.addf %get3A_7, %get3A_10 : vector<2000x128xf32>
      %get3A_11 = arith.constant 0 : index
      %get3A_12 = arith.constant 0 : index
      %get3A_13 = vector.load %arg3[%get3A_11, %get3A_12] : memref<2000x128xf32, #tpu.memory_space<vmem>>, vector<2000x128xf32>
      %get3A_14 = arith.constant 0 : index
      %get3A_15 = arith.constant 0 : index
      %get3A_16 = vector.load %arg4[%get3A_14, %get3A_15] : memref<2000x128xf32, #tpu.memory_space<vmem>>, vector<2000x128xf32>
      %add3A_17 = arith.addf %get3A_13, %get3A_16 : vector<2000x128xf32>
      %add3A_18 = arith.addf %add3A, %add3A_17 : vector<2000x128xf32>
      %get3A_19 = arith.constant 0 : index
      %get3A_20 = arith.constant 0 : index
      %get3A_21 = vector.load %arg5[%get3A_19, %get3A_20] : memref<2000x1xf32, #tpu.memory_space<vmem>>, vector<2000x1xf32>
      %add3A_22 = arith.constant 1.000000e-16 : f32
      %add3A_23 = vector.broadcast %add3A_22 : f32 to vector<2000x1xf32>
      %add3A_24 = arith.addf %get3A_21, %add3A_23 : vector<2000x1xf32>
      %div3A = vector.broadcast %add3A_24 : vector<2000x1xf32> to vector<2000x128xf32>
      %div3A_25 = arith.divf %add3A_18, %div3A : vector<2000x128xf32>
      %get3A_26 = arith.constant 0 : index
      %get3A_27 = arith.constant 0 : index
      %get3A_28 = vector.load %arg6[%get3A_26, %get3A_27] : memref<1x128xf32, #tpu.memory_space<vmem>>, vector<1x128xf32>
      %add3A_29 = vector.broadcast %get3A_28 : vector<1x128xf32> to vector<2000x128xf32>
      %add3A_30 = arith.addf %div3A_25, %add3A_29 : vector<2000x128xf32>
      %swap3A = arith.constant 0 : index
      %swap3A_31 = arith.constant 0 : index
      %swap3A_32 = vector.load %arg7[%swap3A, %swap3A_31] : memref<2000x128xf32, #tpu.memory_space<vmem>>, vector<2000x128xf32>
      tpu.vector_store %arg7[%swap3A, %swap3A_31], %add3A_30 {strides = array<i32>} : memref<2000x128xf32, #tpu.memory_space<vmem>>, vector<2000x128xf32>,
    } else {
    }
    %ge3A = arith.constant 5 : i32
    %ge3A_2 = arith.cmpi sge, %arg0, %ge3A : i32
    %convert_element_type3A_3 = arith.extui %ge3A_2 : i1 to i32
    %cond3A_4 = arith.constant 0 : i32
    %cond3A_5 = arith.cmpi ne, %convert_element_type3A_3, %cond3A_4 : i32
    scf.if %cond3A_5 {
      %get3A = arith.constant 0 : index
      %get3A_6 = arith.constant 0 : index
      %get3A_7 = vector.load %arg6[%get3A, %get3A_6] : memref<1x128xf32, #tpu.memory_space<vmem>>, vector<1x128xf32>
      %broadcast_in_dim3A = vector.shape_cast %get3A_7 : vector<1x128xf32> to vector<1x128xf32>
      %broadcast_in_dim3A_8 = vector.broadcast %broadcast_in_dim3A : vector<1x128xf32> to vector<2000x128xf32>
      %swap3A = arith.constant 0 : index
      %swap3A_9 = arith.constant 0 : index
      %swap3A_10 = vector.load %arg7[%swap3A, %swap3A_9] : memref<2000x128xf32, #tpu.memory_space<vmem>>, vector<2000x128xf32>
      tpu.vector_store %arg7[%swap3A, %swap3A_9], %broadcast_in_dim3A_8 {strides = array<i32>} : memref<2000x128xf32, #tpu.memory_space<vmem>>, vector<2000x128xf32>,
    } else {
    }
    return
  }
  func.func @transform_0(%arg0: i32) -> (i32, i32) {
    %min3A = arith.constant 4 : i32
    %min3A_0 = arith.minsi %arg0, %min3A : i32
    %c0_i32 = arith.constant 0 : i32
    %c0_i32_1 = arith.constant 0 : i32
    return %min3A_0, %c0_i32 : i32, i32
  }
  func.func @transform_1(%arg0: i32) -> (i32, i32) {
    %min3A = arith.constant 4 : i32
    %min3A_0 = arith.minsi %arg0, %min3A : i32
    %c0_i32 = arith.constant 0 : i32
    %c0_i32_1 = arith.constant 0 : i32
    return %min3A_0, %c0_i32 : i32, i32
  }
  func.func @transform_2(%arg0: i32) -> (i32, i32) {
    %min3A = arith.constant 4 : i32
    %min3A_0 = arith.minsi %arg0, %min3A : i32
    %c0_i32 = arith.constant 0 : i32
    %c0_i32_1 = arith.constant 0 : i32
    return %min3A_0, %c0_i32 : i32, i32
  }
  func.func @transform_3(%arg0: i32) -> (i32, i32) {
    %min3A = arith.constant 4 : i32
    %min3A_0 = arith.minsi %arg0, %min3A : i32
    %c0_i32 = arith.constant 0 : i32
    %c0_i32_1 = arith.constant 0 : i32
    return %min3A_0, %c0_i32 : i32, i32
  }
  func.func @transform_4(%arg0: i32) -> (i32, i32) {
    %min3A = arith.constant 4 : i32
    %min3A_0 = arith.minsi %arg0, %min3A : i32
    %c0_i32 = arith.constant 0 : i32
    %c0_i32_1 = arith.constant 0 : i32
    return %min3A_0, %c0_i32 : i32, i32
  }
  func.func @transform_5(%arg0: i32) -> (i32, i32) {
    %c0_i32 = arith.constant 0 : i32
    %c0_i32_0 = arith.constant 0 : i32
    %c0_i32_1 = arith.constant 0 : i32
    return %c0_i32, %c0_i32_0 : i32, i32
  }
  func.func @transform_6(%arg0: i32) -> (i32, i32) {
    %c0_i32 = arith.constant 0 : i32
    %c0_i32_0 = arith.constant 0 : i32
    return %arg0, %c0_i32 : i32, i32
  }
}

</mosaic_0001>

<sc_bundles>
// kernel: kernel.12.cloned.1.call-start
scs
__scs_entry_jumppad:
0x0: {  	(pc) =	sbr.rel $0x88, $3  }
0x1: {  	(tag) =	ssettag $0x0;
	lr =	simm.s32 $0x1  }
0x2: {  	[smem:$0x3F95] =	sst lr;
	_ =	strace $0xD0000000  }
0x3: {  	_ = 	snop  }
0x4: {  	_ = 	snop  }
0x5: {  	_ = 	snop  }
0x6: {  	_ = 	snop  }
0x7: {  	_ = 	snop  }
__scs_overlays_trampoline_lowered:
0x8: {  	[smem:$0x3FA4] =	sst s0  }
0x9: {  	[smem:$0x3FA5] =	sst s1  }
0xa: {  	[smem:$0x3FA6] =	sst s2  }
0xb: {  	[smem:$0x3FA7] =	sst s3  }
0xc: {  	[smem:$0x3FA8] =	sst s4  }
0xd: {  	[smem:$0x3FA9] =	sst s5  }
0xe: {  	[smem:$0x3FAA] =	sst s6  }
0xf: {  	[smem:$0x3FAB] =	sst s7  }
0x10: {  	[smem:$0x3FAC] =	sst s8  }
0x11: {  	[smem:$0x3FAD] =	sst s9;
	s0 =	simm.s32 @!p0 $0x0  }
0x12: {  	s1 =	sld [smem:$0x3F93];
	s0 =	simm.s32 @p0 $0x1  }
0x13: {  	[smem:$0x3FAE] =	sst s0;
	s0 =	simm.s32 @!p1 $0x0  }
0x14: {  	s2 =	sld [smem:$0x3F92];
	s0 =	simm.s32 @p1 $0x1  }
0x15: {  	[smem:$0x3FAF] =	sst s0;
	s0 =	simm.s32 @!p2 $0x0  }
0x16: {  	s3 =	sld [smem:$0x3FDB];
	s0 =	simm.s32 @p2 $0x1  }
0x17: {  	s4 =	simm.s32 $0x1BF5;
	[smem:$0x3FB1] =	sst s0  }
0x18: {  	s0 =	sld [smem:$0x3F94];
	_ =	swait.ge [sflag:s4], $0x0  }
0x19: {  	s7 =	sld [smem:$0x3F95]  }
0x1a: {  	s8 =	sadd.s32 $0xFFFFE003, lr  }
0x1b: {  	s9 =	sadd.s32 $0xFFFFFEF7, lr;
	s5 =	simm.s32 $0xFFFFFFFF;
	p2 =	slt.u32 s8, $0xFFFFF086  }
0x1c: {  	p1 =	slt.u32 s9, $0xF7A;
	s5 =	simm.s32 @!p2 $0x0  }
0x1d: {  	s5 =	simm.s32 @p1 $0x1;
	p0 =	seq.s32 s7, s2  }
0x1e: {  	s7 =	smul.u32 @!p0 $0xF7A, s2;
	p2 =	seq.s32 @!p0 s5, $0x0  }
0x1f: {  	s9 =	smul.u32 $0xF7A, s1;
	s8 =	simm.s32 @!p0 $0x1BF5;
	p2 =	por !p2, p0  }
0x20: {  	[sflag:s8] =	ssyncset.s32 @!p0 $0xFFFFF086;
	s6 =	sadd.s32 @!p0 s3, s7;
	s7 =	simm.s32 @!p0 $0x108  }
0x21: {  	s3 =	sadd.s32 s3, s9;
	s6 =	sadd.s32 @!p0 $0x88, s6;
	s7 =	simm.s32 @p2 $0x1082  }
0x22: {  	[simem:s7], [sflag:s8] =	dma.local @!p0 [hbm:s6], $0xF7A  }
0x23: {  	s9 =	sor.u32 $0xD0000000, s2;
	s6 =	simm.s32 $0x108;
	_ =	swait.ge @!p0 [sflag:s8], $0x0  }
0x24: {  	s3 =	sadd.s32 $0x88, s3;
	s6 =	simm.s32 @!p1 $0x1082;
	[sflag:s4] =	ssyncset.s32 $0xFFFFF086  }
0x25: {  	[simem:s6], [sflag:s4] =	dma.local [hbm:s3], $0xF7A  }
0x26: {  	[smem:$0x3F95] =	sst s1;
	(tag) =	ssettag s2;
	_ =	strace s9  }
0x27: {  	s1 =	sld [smem:$0x3FA5]  }
0x28: {  	s2 =	sld [smem:$0x3FA6]  }
0x29: {  	s4 =	sld [smem:$0x3FA8]  }
0x2a: {  	p0 =	seq.s32 s5, $0x0;
	s5 =	sld [smem:$0x3FA9]  }
0x2b: {  	s6 =	sld [smem:$0x3FAA]  }
0x2c: {  	s7 =	sld [smem:$0x3FAB]  }
0x2d: {  	s3 =	simm.s32 $0x108;
	s8 =	sld [smem:$0x3FAC]  }
0x2e: {  	s3 =	simm.s32 @!p0 $0x1082;
	s9 =	sld [smem:$0x3FAD]  }
0x2f: {  	lr =	sadd.s32 s0, s3;
	s0 =	sld [smem:$0x3FA4]  }
0x30: {  	s3 =	sld [smem:$0x3FA7]  }
0x31: {  	[smem:$0x3FB0] =	sst s10  }
0x32: {  	s10 =	sld [smem:$0x3FAE];
	_ =	sdelay $0x3  }
0x33: {  	p0 =	seq.s32 s10, $0x1;
	s10 =	sld [smem:$0x3FB0];
	_ =	sdelay $0x3  }
0x34: {  	[smem:$0x3FB0] =	sst s10  }
0x35: {  	s10 =	sld [smem:$0x3FAF];
	_ =	sdelay $0x3  }
0x36: {  	p1 =	seq.s32 s10, $0x1;
	s10 =	sld [smem:$0x3FB0];
	_ =	sdelay $0x3  }
0x37: {  	[smem:$0x3FB0] =	sst s10  }
0x38: {  	s10 =	sld [smem:$0x3FB1]  }
0x39: {  	_ = 	snop;
	(pc) =	sbr.ind lr, $3  }
0x3a: {  	_ = 	snop  }
0x3b: {  	_ = 	snop  }
0x3c: {  	p2 =	seq.s32 s10, $0x1;
	s10 =	sld [smem:$0x3FB0]  }
0x3d: {  	_ =	shalt  }
0x3e: {  	_ =	shalt  }
0x3f: {  	_ =	shalt  }
0x40: {  	_ =	shalt  }
0x41: {  	_ =	shalt  }
0x42: {  	_ =	shalt  }
0x43: {  	_ =	shalt  }
0x44: {  	_ =	shalt  }
0x45: {  	_ =	shalt  }
0x46: {  	_ =	shalt  }
0x47: {  	_ =	shalt  }
0x48: {  	_ =	shalt  }
0x49: {  	_ =	shalt  }
0x4a: {  	_ =	shalt  }
0x4b: {  	_ =	shalt  }
0x4c: {  	_ =	shalt  }
0x4d: {  	_ =	shalt  }
0x4e: {  	_ =	shalt  }
0x4f: {  	_ =	shalt  }
0x50: {  	_ =	shalt  }
0x51: {  	_ =	shalt  }
0x52: {  	_ =	shalt  }
0x53: {  	_ =	shalt  }
0x54: {  	_ =	shalt  }
0x55: {  	_ =	shalt  }
0x56: {  	_ =	shalt  }
0x57: {  	_ =	shalt  }
0x58: {  	_ =	shalt  }
0x59: {  	_ =	shalt  }
0x5a: {  	_ =	shalt  }
0x5b: {  	_ =	shalt  }
0x5c: {  	_ =	shalt  }
0x5d: {  	_ =	shalt  }
0x5e: {  	_ =	shalt  }
0x5f: {  	_ =	shalt  }
0x60: {  	_ =	shalt  }
0x61: {  	_ =	shalt  }
0x62: {  	_ =	shalt  }
0x63: {  	_ =	shalt  }
0x64: {  	_ =	shalt  }
0x65: {  	_ =	shalt  }
0x66: {  	_ =	shalt  }
0x67: {  	_ =	shalt  }
0x68: {  	_ =	shalt  }
0x69: {  	_ =	shalt  }
0x6a: {  	_ =	shalt  }
0x6b: {  	_ =	shalt  }
0x6c: {  	_ =	shalt  }
0x6d: {  	_ =	shalt  }
0x6e: {  	_ =	shalt  }
0x6f: {  	_ =	shalt  }
0x70: {  	_ =	shalt  }
0x71: {  	_ =	shalt  }
0x72: {  	_ =	shalt  }
0x73: {  	_ =	shalt  }
0x74: {  	_ =	shalt  }
0x75: {  	_ =	shalt  }
0x76: {  	_ =	shalt  }
0x77: {  	_ =	shalt  }
0x78: {  	_ =	shalt  }
0x79: {  	_ =	shalt  }
0x7a: {  	_ =	shalt  }
0x7b: {  	_ =	shalt  }
0x7c: {  	_ =	shalt  }
0x7d: {  	_ =	shalt  }
0x7e: {  	_ =	shalt  }
0x7f: {  	_ =	shalt  }
0x80: {  	_ =	shalt  }
0x81: {  	_ =	shalt  }
0x82: {  	_ =	shalt  }
0x83: {  	_ =	shalt  }
0x84: {  	_ =	shalt  }
0x85: {  	_ =	shalt  }
0x86: {  	_ =	shalt  }
0x87: {  	_ =	shalt  }
.Lfunc_end0:
.L_simem_size_0:
called_computation_lowered:
.L_overlay_start_0:
0x88: {  	s2 =	sld [smem:$0x3FD9]  }
0x89: {  	s3 =	sld [smem:$0x3FFE];
	_ =	sdelay $0x1  }
0x8a: {  	s1 =	srdreg.scid  }
0x8b: {  	s0 =	sand.u32 $0x1, s1  }
0x8c: {  	s14 =	sshll.u32 s0, $0xA;
	s2 =	sadd.s32 s3, s2  }
0x8d: {  	s2 =	sadd.s32 s2, s14  }
0x8e: {  	[smem:$0x3FBC] =	sst s2  }
0x8f: {  	_ = 	snop  }
0x90: {  	s2 =	sld [smem:$0x3FD0];
	_ =	sdelay $0x2  }
0x91: {  	s4 =	simm.s32 $0xB;
	s5 =	simm.s32 $0x10;
	s15 =	sld [smem:$0x3FC9]  }
0x92: {  	[smem:s5], [sflag:s4] =	dma.local [hbm:s2], $0x1  }
0x93: {  	_ =	swait.eq [sflag:s4], $0x1  }
0x94: {  	[sflag:s4] =	ssyncset.done $0x0  }
0x95: {  	[sflag:s4] =	ssyncadd.s32 $0xFFFFFFFF  }
0x96: {  	s16 =	sld [smem:$0x10];
	(tm) =	ssettm $0x1  }
0x97: {  	s17 =	sld [smem:$0x3FFB];
	_ =	sdelay $0x3  }
0x98: {  	_ =	strace s17  }
0x99: {  	s4 =	sld [smem:$0x3FFC];
	_ =	sdelay $0x3  }
0x9a: {  	_ =	strace s4  }
0x9b: {  	s4 =	sld [smem:$0x3FFD];
	_ =	sdelay $0x3  }
0x9c: {  	_ =	strace s4  }
0x9d: {  	_ =	strace $0x8FFFFFFF  }
0x9e: {  	s18 =	sld [smem:$0x3FDB];
	_ =	sdelay $0x1  }
0x9f: {  	s19 =	simm.s32 $_scs_section_size  }
0xa0: {  	s6 =	simm.s32 $_size__tile_overlayer_lowered;
	s7 =	simm.s32 $_tile_overlayer_lowered  }
0xa1: {  	s22 =	simm.s32 $0x1BFF;
	s21 =	sshll.u32 s7, $0x1;
	s4 =	sadd.s32 s19, s18  }
0xa2: {  	s8 =	simm.s32 $0x0;
	s20 =	sshll.u32 s6, $0x1;
	s6 =	sadd.s32 s21, s4  }
0xa3: {  	[timem:s8], [sflag:s22] =	dma.local [hbm:s6], s20  }
0xa4: {  	_ =	swait.ge [sflag:s22], s20  }
0xa5: {  	s5 =	ssub.s32 $0x0, s20;
	[sflag:s22] =	ssyncset.done $0x0  }
0xa6: {  	[sflag:s22] =	ssyncadd.s32 s5;
	_ =	sdelay $0x1  }
0xa7: {  	s23 =	simm.s32 $0x1B8B  }
0xa8: {  	_ =	swait.ge [sflag:s23], $0x1  }
0xa9: {  	[sflag:s23] =	ssyncset.done $0x0  }
0xaa: {  	s25 =	simm.s32 $0x1B8E;
	s24 =	sld [smem:$0x3FFE];
	[sflag:s23] =	ssyncadd.s32 $0xFFFFFFFF  }
0xab: {  	s26 =	simm.s32 $execute0_lowered;
	[smem:$0x3FD2] =	sst s25  }
0xac: {  	s6 =	sshll.u32 s26, $0x1;
	_ =	strace $0x80000046;
	[dreg:$0x1] =	wrdreg $0xFFFFFFFF  }
0xad: {  	s28 =	simm.s32 $_size_execute0_lowered;
	s4 =	sadd.s32 s4, s6;
	[dreg:$0x0] =	wrdreg $0x0  }
0xae: {  	s6 =	sshll.u32 s28, $0x1;
	[dreg:$0x2] =	wrdreg s4  }
0xaf: {  	[dreg:$0x3] =	wrdreg s6  }
0xb0: {  	[dreg:$0x4] =	wrdreg $0xC0  }
0xb1: {  	_ =	task [dreg:s8], $0x5FFFF  }
0xb2: {  	[dreg:$0x1] =	wrdreg $0xFFFFFFFF  }
0xb3: {  	[dreg:$0x0] =	wrdreg $0x60  }
0xb4: {  	[dreg:$0x2] =	wrdreg s15  }
0xb5: {  	[dreg:$0x3] =	wrdreg s24  }
0xb6: {  	[dreg:$0x4] =	wrdreg s16  }
0xb7: {  	[dreg:$0x5] =	wrdreg $0x79800  }
0xb8: {  	[dreg:$0x6] =	wrdreg $0x9  }
0xb9: {  	_ =	task.clear_ibuf [dreg:s8], $0x7FFFF;
	_ =	strace $0x90000046  }
0xba: {  	s29 =	simm.s32 $0x9;
	_ =	strace $0x80000048  }
0xbb: {  	_ =	swait.ge [sflag:s29], $0x1  }
0xbc: {  	[sflag:s29] =	ssyncadd.s32 $0xFFFFFFFF  }
0xbd: {  	_ =	strace $0x90000048  }
0xbe: {  	_ =	sfence  }
0xbf: {  	s30 =	sld [smem:$0x0];
	_ =	sdelay $0x2  }
0xc0: {  	s31 =	sshll.u32 s1, $0xD;
	s1 =	sshrl.u32 s1, $0x2  }
0xc1: {  	s3 =	sand.u32 $0x4000, s31;
	s1 =	sadd.s32 s1, s30  }
0xc2: {  	s0 =	sor.u32 s3, s0;
	s1 =	sshll.u32 s1, $0x11  }
0xc3: {  	s0 =	sor.u32 s1, s0  }
0xc4: {  	s0 =	sadd.s32 $0x8F2B, s0  }
0xc5: {  	[sflag:s0] =	ssyncadd.remote.s32 $0x1  }
0xc6: {  	_ =	sfence.sel $0xFFFF  }
0xc7: {  	[dreg:$0x0] =	wrdreg $0xFFFFFFFF;
	(pc) =	sbr.abs _section_cstart, $3  }
0xc8: {  	[dreg:$0x1] =	wrdreg $0xFFFFFFFF  }
0xc9: {  	_ =	task.clear_ibuf [dreg:s8], $0x2FFFF;
	_ =	strace $0x9FFFFFFF  }
0xca: {  	(tm) =	ssettm $0x7FFFFFFF  }
0xcb: {  	_ =	shalt  }
tec
execute0_lowered:
.L_overlay_start_1:
0x0: {  	(tag) =	ssettag $0x1  }
0x1: {  	s1 =	rddreg [dreg:$0x0]  }
0x2: {  	s0 =	rddreg [dreg:$0x1]  }
0x3: {  	s8 =	rddreg [dreg:$0x2]  }
0x4: {  	s2 =	rddreg [dreg:$0x3]  }
0x5: {  	s3 =	srdreg.scid;
	s4 =	simm.s32 $0x0;
	s28 =	simm.s32 $0x3  }
0x6: {  	s29 =	simm.s32 $0x5;
	s30 =	simm.s32 $0x2;
	s31 =	simm.s32 $0x4  }
0x7: {  	s9 =	sand.u32 $0x1, s3;
	s3 =	stileid.u32;
	[smem:$0x7FF] =	sst s4  }
0x8: {  	s5 =	sshll.u32 s9, $0x4;
	_ =	strace $0x80000047;
	s17 =	smul.u32 $0x27100, s9  }
0x9: {  	s11 =	sshll.u32 s3, $0x7;
	s9 =	ssub.s32 $0x2, s9;
	s13 =	smul.u32 $0x2710, s3  }
0xa: {  	s7 =	sor.u32 s3, s5;
	s5 =	sadd.s32 $0xCE00, s0;
	s11 =	sand.u32 $0x380, s11  }
0xb: {  	s18 =	sshrl.u32 s9, $0x1;
	s6 =	sshrl.u32 s7, $0x3;
	s12 =	smul.u32 $0x2710, s7  }
0xc: {  	s7 =	sadd.s32 $0x16C00, s0;
	s9 =	ssub.s32 s9, s18;
	s20 =	sadd.s32 s13, s17  }
0xd: {  	s26 =	sadd.s32 s17, s8;
	s18 =	simm.s32 $0x9;
	s8 =	simm.s32 $0x6  }
0xe: {  	s10 =	smul.u32 $0x13C00, s6;
	s6 =	sadd.s32 $0x3000, s0;
	s22 =	sadd.s32 $0xF0, s20  }
0xf: {  	s24 =	smax.u32 s9, $0x1;
	s25 =	sadd.s32 $0xA0, s20;
	[dreg:$0xc] =	wrdreg s26  }
0x10: {  	s20 =	simm.s32 $0x80;
	s26 =	simm.s32 $0x5200;
	s9 =	simm.s32 $0x8  }
0x11: {  	s12 =	sshrl.u32 s12, $0x3;
	s23 =	sshrl.u32 s22, $0x3;
	[dreg:$0xa] =	wrdreg s24  }
0x12: {  	[dreg:$0xb] =	wrdreg s25;
	s22 =	simm.s32 $0x50;
	s24 =	simm.s32 $0x2A00  }
0x13: {  	s25 =	simm.s32 $0x1;
	s10 =	sor.u32 s11, s10;
	s19 =	sadd.s32 s5, s12  }
0x14: {  	s21 =	sadd.s32 s6, s12;
	s12 =	sadd.s32 $0xA, s12;
	[dreg:$0x5] =	wrdreg s19  }
0x15: {  	s15 =	sadd.s32 s23, s5;
	s10 =	sshrl.u32 s10, $0x3;
	[dreg:$0x6] =	wrdreg s21  }
0x16: {  	s14 =	sadd.s32 s5, s12;
	s12 =	sadd.s32 s6, s12;
	s19 =	simm.s32 $0x100  }
0x17: {  	s21 =	simm.s32 $0x180;
	s0 =	sadd.s32 s10, s0;
	[dreg:$0x7] =	wrdreg s14  }
0x18: {  	[dreg:$0x8] =	wrdreg s12;
	s14 =	sadd.s32 s23, s6;
	s0 =	sadd.s32 $0x17200, s0  }
0x19: {  	v0 =	vimm.f32 $0.0e+00;
	v1 =	vimm.f32 $1.000000000e+00;
	s23 =	simm.s32 $0x200;
	s10 =	simm.s32 $0x0;
	[dreg:$0x9] =	wrdreg s0  }
.LBB2_1:
0x1a: {  	s0 =	sand.u32 $0xF, s4  }
0x1b: {  	p0 =	sne.s32 s0, s3  }
0x1c: {  	s0 =	sshll.u32 @!p0 s3, $0x6  }
0x1d: {  	s11 =	sshrl.u32 @!p0 s2, $0x3;
	s12 =	simm.s32 @!p0 $0x9;
	s0 =	sor.u32 @!p0 $0x1C09, s0  }
0x1e: {  	[spmem:s11], [sflag:s0] =	dma.local @!p0 [hbm:s7], $0x500  }
0x1f: {  	s17 =	simm.s32 $0x1;
	s13 =	simm.s32 $0x2;
	_ =	swait.ge @!p0 [sflag:s12], $0x500  }
0x20: {  	s0 =	sand.u32 $0xF, s17;
	s11 =	sadd.s32 $0x2800, s2;
	[sflag:s12] =	ssyncset.done @!p0 $0x0  }
.LBB2_2:
0x21: {  	[sflag:s12] =	ssyncadd.s32 @!p0 $0xFFFFFB00  }
0x22: {  	p0 =	sne.s32 s0, s3;
	s0 =	smov.u32 s13;
	s13 =	sadd.s32 $0x1, s13  }
0x23: {  	p1 =	sne.s32 s13, $0x7D  }
.Ltmp0:
0x24: {  	s12 =	sshll.u32 @!p0 s3, $0x6;
	s16 =	sshrl.u32 @!p0 s11, $0x3;
	(pc) =	sbr.rel @p1 .LBB2_2-.Ltmp0, $4  }
0x25: {  	s17 =	sor.u32 @!p0 $0x1C09, s12;
	s12 =	simm.s32 @!p0 $0x9  }
0x26: {  	[spmem:s16], [sflag:s17] =	dma.local @!p0 [hbm:s7], $0x500  }
0x27: {  	_ =	swait.ge @!p0 [sflag:s12], $0x500  }
0x28: {  	s0 =	sand.u32 $0xF, s0;
	s11 =	sadd.s32 $0x2800, s11;
	[sflag:s12] =	ssyncset.done @!p0 $0x0  }
0x29: {  	p1 =	sne.s32 s0, s3  }
0x2a: {  	[sflag:s12] =	ssyncadd.s32 @!p0 $0xFFFFFB00;
	s0 =	sshll.u32 @!p1 s3, $0x6  }
0x2b: {  	s11 =	sshrl.u32 @!p1 s11, $0x3;
	s12 =	simm.s32 @!p1 $0x9;
	s0 =	sor.u32 @!p1 $0x1C09, s0  }
0x2c: {  	[spmem:s11], [sflag:s0] =	dma.local @!p1 [hbm:s7], $0x500  }
0x2d: {  	_ =	swait.ge @!p1 [sflag:s12], $0x500  }
0x2e: {  	[sflag:s12] =	ssyncset.done @!p1 $0x0  }
0x2f: {  	s11 =	simm.s32 $0x40;
	s0 =	simm.s32 $0x0;
	[sflag:s12] =	ssyncadd.s32 @!p1 $0xFFFFFB00  }
.LBB2_4:
0x30: {  	p0 =	sne.s32 s11, $0x9C00;
	[tilespmem:s0+$0x5200] =	vst v0;
	s0 =	smov.u32 s11;
	s11 =	sadd.s32 $0x40, s11  }
.Ltmp1:
0x31: {  	(pc) =	sbr.rel @p0 .LBB2_4-.Ltmp1, $2  }
0x32: {  	_ =	sdelay $0x2  }
0x33: {  	s0 =	sshra.s32 s0, $0x2  }
0x34: {  	[tilespmem:s0+$0x5200] =	vst v0  }
0x35: {  	[bflag:$0x0] =	sbarrier.arrive $0xFFFF  }
0x36: {  	s11 =	simm.s32 $0x0;
	s12 =	rddreg [dreg:$0x5]  }
0x37: {  	[tilespmem:s11], [sflag:$0x9] =	stream.linear.gather [hbm4b:s12+s11], $0x50, $0x38;
	[tilespmem:$0x1B200] =	vst v63  }
0x38: {  	_ =	swait.ge [sflag:s18], $0x50  }
0x39: {  	[sflag:s18] =	ssyncset.done $0x0  }
0x3a: {  	s13 =	rddreg [dreg:$0x6];
	[sflag:s18] =	ssyncadd.s32 $0xFFFFFFB0  }
0x3b: {  	[tilespmem:s19], [sflag:$0x9] =	stream.linear.gather [hbm4b:s13+s11], $0x50, $0x38;
	[tilespmem:$0x1B200] =	vst v63  }
0x3c: {  	_ =	swait.ge [sflag:s18], $0x50  }
0x3d: {  	[sflag:s18] =	ssyncset.done $0x0  }
0x3e: {  	s16 =	rddreg [dreg:$0x7];
	[sflag:s18] =	ssyncadd.s32 $0xFFFFFFB0  }
0x3f: {  	[tilespmem:s20], [sflag:$0x9] =	stream.linear.gather [hbm4b:s16+s11], $0x50, $0x38;
	[tilespmem:$0x1B200] =	vst v63  }
0x40: {  	_ =	swait.ge [sflag:s18], $0x50  }
0x41: {  	[sflag:s18] =	ssyncset.done $0x0  }
0x42: {  	s17 =	rddreg [dreg:$0x8];
	[sflag:s18] =	ssyncadd.s32 $0xFFFFFFB0  }
0x43: {  	[tilespmem:s21], [sflag:$0x9] =	stream.linear.gather [hbm4b:s17+s11], $0x50, $0x38;
	[tilespmem:$0x1B200] =	vst v63  }
0x44: {  	_ =	swait.ge [sflag:s18], $0x50  }
0x45: {  	[sflag:s18] =	ssyncset.done $0x0  }
0x46: {  	[sflag:s18] =	ssyncadd.s32 $0xFFFFFFB0  }
0x47: {  	[tilespmem:s23], [sflag:$0x1] =	stream.indirect.gather [hbm4b:s1+s22], $0x80, s11, s22, $0xb8;
	[tilespmem:$0x1B200] =	vst v63  }
0x48: {  	s16 =	rddreg [dreg:$0xb]  }
0x49: {  	[tilespmem:s24], [sflag:$0x2] =	stream.indirect.gather [hbm4b:s1+s22], $0x80, s20, s22, $0xb8;
	[tilespmem:$0x1B200] =	vst v63  }
.LBB2_6:
0x4a: {  	_ =	swait.ge [sflag:s25], $0x2800  }
0x4b: {  	s0 =	sshrl.u32 s16, $0x3;
	[sflag:s25] =	ssyncset.done $0x0  }
0x4c: {  	p0 =	seq.s32 s11, $0x0;
	s12 =	sadd.s32 s5, s0;
	[sflag:s25] =	ssyncadd.s32 $0xFFFFD800  }
0x4d: {  	[tilespmem:s4], [sflag:$0x5] =	stream.linear.gather [hbm4b:s12+s4], $0x50, $0x38;
	[tilespmem:$0x1B200] =	vst v63  }
0x4e: {  	s12 =	simm.s32 @!p0 $0x7  }
0x4f: {  	_ =	swait.ge @!p0 [sflag:s12], $0x50  }
0x50: {  	[sflag:s12] =	ssyncset.done @!p0 $0x0  }
0x51: {  	[sflag:s12] =	ssyncadd.s32 @!p0 $0xFFFFFFB0  }
0x52: {  	[spmem:s2] =	stream.indirect.scatter.add.f32 [tilespmem:s23], [sflag:$0x3], $0x80, s19, s22, $0xb8;
	[tilespmem:$0x1B200] =	vst v63  }
0x53: {  	v2 =	vld [tilespmem:$0x100];
	_ =	sdelay $0x7  }
0x54: {  	[tilespmem:v2+s26+$0x0] =	vst.idx.add.f32.msk $0xffff, v1  }
0x55: {  	v2 =	vld [tilespmem:$0x110];
	_ =	sdelay $0x7  }
0x56: {  	[tilespmem:v2+s26+$0x0] =	vst.idx.add.f32.msk $0xffff, v1  }
0x57: {  	v2 =	vld [tilespmem:$0x120];
	_ =	sdelay $0x7  }
0x58: {  	[tilespmem:v2+s26+$0x0] =	vst.idx.add.f32.msk $0xffff, v1  }
0x59: {  	v2 =	vld [tilespmem:$0x130];
	_ =	sdelay $0x7  }
0x5a: {  	[tilespmem:v2+s26+$0x0] =	vst.idx.add.f32.msk $0xffff, v1  }
0x5b: {  	v2 =	vld [tilespmem:$0x140];
	_ =	sdelay $0x7  }
0x5c: {  	[tilespmem:v2+s26+$0x0] =	vst.idx.add.f32.msk $0xffff, v1  }
0x5d: {  	_ =	swait.ge [sflag:s28], $0x2800  }
0x5e: {  	[sflag:s28] =	ssyncset.done $0x0  }
0x5f: {  	s0 =	sadd.s32 s6, s0;
	[sflag:s28] =	ssyncadd.s32 $0xFFFFD800  }
0x60: {  	[tilespmem:s19], [sflag:$0x7] =	stream.linear.gather [hbm4b:s0+s4], $0x50, $0x38;
	[tilespmem:$0x1B200] =	vst v63  }
0x61: {  	_ =	swait.ge [sflag:s29], $0x50  }
0x62: {  	[sflag:s29] =	ssyncset.done $0x0  }
0x63: {  	p0 =	seq.s32 s11, $0x4C4;
	[sflag:s29] =	ssyncadd.s32 $0xFFFFFFB0  }
0x64: {  	[tilespmem:s23], [sflag:$0x1] =	stream.indirect.gather [hbm4b:s1+s22], $0x80, s4, s22, $0xb8;
	[tilespmem:$0x1B200] =	vst v63  }
0x65: {  	p1 =	seq.s32 @!p0 s11, $0x0;
	_ =	swait.ge [sflag:s30], $0x2800  }
0x66: {  	s12 =	simm.s32 @!p0 $0x0;
	s13 =	simm.s32 @!p0 $0x80;
	[sflag:s30] =	ssyncset.done $0x0  }
0x67: {  	p1 =	por p0, !p1;
	s0 =	sadd.s32 @!p0 s11, s15;
	[sflag:s30] =	ssyncadd.s32 $0xFFFFD800  }
0x68: {  	[tilespmem:s13], [sflag:$0x6] =	stream.linear.gather @!p0 [hbm4b:s0+s12], $0x50, $0x38;
	[tilespmem:$0x1B200] =	vst v63  }
0x69: {  	_ =	swait.ge @p1 [sflag:s9], $0x50  }
0x6a: {  	[sflag:s9] =	ssyncset.done @p1 $0x0  }
0x6b: {  	[sflag:s9] =	ssyncadd.s32 @p1 $0xFFFFFFB0  }
0x6c: {  	[spmem:s2] =	stream.indirect.scatter.add.f32 [tilespmem:s24], [sflag:$0x4], $0x80, s21, s22, $0xb8;
	[tilespmem:$0x1B200] =	vst v63  }
0x6d: {  	v2 =	vld [tilespmem:$0x180];
	_ =	sdelay $0x7  }
0x6e: {  	[tilespmem:v2+s26+$0x0] =	vst.idx.add.f32.msk $0xffff, v1  }
0x6f: {  	v2 =	vld [tilespmem:$0x190];
	_ =	sdelay $0x7  }
0x70: {  	[tilespmem:v2+s26+$0x0] =	vst.idx.add.f32.msk $0xffff, v1  }
0x71: {  	v2 =	vld [tilespmem:$0x1A0];
	_ =	sdelay $0x7  }
0x72: {  	[tilespmem:v2+s26+$0x0] =	vst.idx.add.f32.msk $0xffff, v1  }
0x73: {  	v2 =	vld [tilespmem:$0x1B0];
	_ =	sdelay $0x7  }
0x74: {  	[tilespmem:v2+s26+$0x0] =	vst.idx.add.f32.msk $0xffff, v1  }
0x75: {  	v2 =	vld [tilespmem:$0x1C0];
	_ =	sdelay $0x6  }
.Ltmp2:
0x76: {  	_ = 	snop;
	(pc) =	sbr.rel @p0 .LBB2_8-.Ltmp2, $4  }
0x77: {  	[tilespmem:v2+s26+$0x0] =	vst.idx.add.f32.msk $0xffff, v1  }
0x78: {  	_ =	swait.ge [sflag:s31], $0x2800  }
0x79: {  	[sflag:s31] =	ssyncset.done $0x0  }
0x7a: {  	[sflag:s31] =	ssyncadd.s32 $0xFFFFD800  }
0x7b: {  	s0 =	sadd.s32 s11, s14  }
0x7c: {  	[tilespmem:s21], [sflag:$0x8] =	stream.linear.gather [hbm4b:s0+s4], $0x50, $0x38;
	[tilespmem:$0x1B200] =	vst v63  }
.Ltmp3:
0x7d: {  	_ = 	snop;
	(pc) =	sbr.rel .LBB2_6-.Ltmp3, $4  }
0x7e: {  	_ =	swait.ge [sflag:s8], $0x50  }
0x7f: {  	[sflag:s8] =	ssyncset.done $0x0  }
0x80: {  	s11 =	sadd.s32 $0x14, s11;
	s16 =	sadd.s32 $0xA0, s16;
	[sflag:s8] =	ssyncadd.s32 $0xFFFFFFB0  }
0x81: {  	[tilespmem:s24], [sflag:$0x2] =	stream.indirect.gather [hbm4b:s1+s22], $0x80, s20, s22, $0xb8;
	[tilespmem:$0x1B200] =	vst v63  }
.LBB2_8:
0x82: {  	_ =	swait.ge [sflag:s25], $0x2800  }
0x83: {  	[sflag:s25] =	ssyncset.done $0x0  }
0x84: {  	s0 =	simm.s32 $0x7;
	[sflag:s25] =	ssyncadd.s32 $0xFFFFD800  }
0x85: {  	_ =	swait.ge [sflag:s0], $0x50  }
0x86: {  	[sflag:s0] =	ssyncset.done $0x0  }
0x87: {  	[sflag:s0] =	ssyncadd.s32 $0xFFFFFFB0  }
0x88: {  	[spmem:s2] =	stream.indirect.scatter.add.f32 [tilespmem:s23], [sflag:$0x3], $0x80, s19, s22, $0xb8;
	[tilespmem:$0x1B200] =	vst v63  }
0x89: {  	v2 =	vld [tilespmem:$0x100];
	_ =	sdelay $0x7  }
0x8a: {  	[tilespmem:v2+s26+$0x0] =	vst.idx.add.f32.msk $0xffff, v1  }
0x8b: {  	v2 =	vld [tilespmem:$0x110];
	_ =	sdelay $0x7  }
0x8c: {  	[tilespmem:v2+s26+$0x0] =	vst.idx.add.f32.msk $0xffff, v1  }
0x8d: {  	v2 =	vld [tilespmem:$0x120];
	_ =	sdelay $0x7  }
0x8e: {  	[tilespmem:v2+s26+$0x0] =	vst.idx.add.f32.msk $0xffff, v1  }
0x8f: {  	v2 =	vld [tilespmem:$0x130];
	_ =	sdelay $0x7  }
0x90: {  	[tilespmem:v2+s26+$0x0] =	vst.idx.add.f32.msk $0xffff, v1  }
0x91: {  	v2 =	vld [tilespmem:$0x140];
	_ =	sdelay $0x7  }
0x92: {  	[tilespmem:v2+s26+$0x0] =	vst.idx.add.f32.msk $0xffff, v1  }
0x93: {  	s17 =	simm.s32 $0x0;
	_ =	swait.ge [sflag:s28], $0x2800  }
0x94: {  	s0 =	sand.u32 $0xF, s17;
	[sflag:s28] =	ssyncset.done $0x0  }
0x95: {  	s18 =	simm.s32 $0x1;
	p0 =	sne.s32 s0, s3;
	[sflag:s28] =	ssyncadd.s32 $0xFFFFD800  }
0x96: {  	s11 =	sshll.u32 @!p0 s3, $0x6;
	s13 =	sshrl.u32 @!p0 s2, $0x3;
	[bflag:$0x0] =	sbarrier.arrive $0xFFFF  }
0x97: {  	s12 =	simm.s32 @!p0 $0x9;
	s11 =	sor.u32 @!p0 $0x1C09, s11;
	s17 =	rddreg [dreg:$0xc]  }
0x98: {  	[hbm:s17], [sflag:s11] =	dma.local @!p0 [spmem:s13], $0x500  }
0x99: {  	s16 =	simm.s32 $0x2;
	s0 =	sand.u32 $0xF, s18;
	_ =	swait.ge @!p0 [sflag:s12], $0x500  }
0x9a: {  	s11 =	sadd.s32 $0x500, s17;
	s13 =	sadd.s32 $0x2800, s2;
	[sflag:s12] =	ssyncset.done @!p0 $0x0  }
.LBB2_9:
0x9b: {  	[sflag:s12] =	ssyncadd.s32 @!p0 $0xFFFFFB00  }
0x9c: {  	p0 =	sne.s32 s0, s3;
	s0 =	smov.u32 s16;
	s16 =	sadd.s32 $0x1, s16  }
0x9d: {  	p1 =	sne.s32 s16, $0x7D  }
.Ltmp4:
0x9e: {  	s12 =	sshll.u32 @!p0 s3, $0x6;
	s17 =	sshrl.u32 @!p0 s13, $0x3;
	(pc) =	sbr.rel @p1 .LBB2_9-.Ltmp4, $4  }
0x9f: {  	s18 =	sor.u32 @!p0 $0x1C09, s12;
	s12 =	simm.s32 @!p0 $0x9  }
0xa0: {  	[hbm:s11], [sflag:s18] =	dma.local @!p0 [spmem:s17], $0x500  }
0xa1: {  	s11 =	sadd.s32 $0x500, s11;
	_ =	swait.ge @!p0 [sflag:s12], $0x500  }
0xa2: {  	s0 =	sand.u32 $0xF, s0;
	s13 =	sadd.s32 $0x2800, s13;
	[sflag:s12] =	ssyncset.done @!p0 $0x0  }
0xa3: {  	p1 =	sne.s32 s0, s3  }
0xa4: {  	[sflag:s12] =	ssyncadd.s32 @!p0 $0xFFFFFB00;
	s0 =	sshll.u32 @!p1 s3, $0x6  }
0xa5: {  	s12 =	sshrl.u32 @!p1 s13, $0x3;
	s13 =	simm.s32 @!p1 $0x9;
	s0 =	sor.u32 @!p1 $0x1C09, s0  }
0xa6: {  	[hbm:s11], [sflag:s0] =	dma.local @!p1 [spmem:s12], $0x500  }
0xa7: {  	_ =	swait.ge @!p1 [sflag:s13], $0x500  }
0xa8: {  	s16 =	simm.s32 $0x400;
	[sflag:s13] =	ssyncset.done @!p1 $0x0  }
0xa9: {  	s18 =	simm.s32 $0x9;
	[sflag:s13] =	ssyncadd.s32 @!p1 $0xFFFFFB00;
	s13 =	rddreg [dreg:$0x9]  }
0xaa: {  	[hbm4b:s13+s20] =	stream.strided.scatter [tilespmem:s26], [sflag:$0x9], $0x2780, s16, s20, $0x38;
	[tilespmem:$0x1B200] =	vst v63  }
0xab: {  	_ =	swait.ge [sflag:s18], $0x2780  }
0xac: {  	s10 =	sadd.s32 $0x1, s10;
	s17 =	rddreg [dreg:$0xa]  }
0xad: {  	p0 =	sne.s32 s10, s17  }
.Ltmp5:
0xae: {  	_ = 	snop;
	(pc) =	sbr.rel @p0 .LBB2_1-.Ltmp5, $3  }
0xaf: {  	_ =	sdelay $0x1  }
0xb0: {  	[sflag:s18] =	ssyncset.done $0x0  }
0xb1: {  	[sflag:s18] =	ssyncadd.s32 $0xFFFFD880  }
0xb2: {  	_ =	sfence.sel $0x180000  }
0xb3: {  	[bflag:$0x0] =	sbarrier.arrive $0xFFFF  }
0xb4: {  	_ =	strace $0x90000047  }
0xb5: {  	[bflag:$0x2] =	sbarrier.arrive $0xFFFF  }
0xb6: {  	p0 =	sne.s32 s3, $0x0;
	s0 =	rddreg [dreg:$0x4]  }
0xb7: {  	s0 =	sadd.s32 @!p0 $0x100000, s0  }
0xb8: {  	[sflag:s0] =	ssyncadd.tile.s32 @!p0 $0x1;
	_ =	shalt  }
.Lfunc_end2:
_tile_overlayer_lowered:
.L_overlay_start_2:
0xb9: {  	(tag) =	ssettag $0x2  }
0xba: {  	s0 =	rddreg [dreg:$0x0];
	s2 =	stileid.u32  }
0xbb: {  	s1 =	rddreg [dreg:$0x1];
	p0 =	sne.s32 s2, $0x0  }
0xbc: {  	s3 =	rddreg [dreg:$0x2];
	[bflag:$0x3] =	sbarrier.arrive $0xFFFF;
	s2 =	simm.s32 @!p0 $0x1C09  }
0xbd: {  	[timem:s3], [sflag:s2] =	dma.local @!p0 [hbm:s0], s1  }
0xbe: {  	s0 =	simm.s32 @!p0 $0x9  }
0xbf: {  	_ =	swait.ge @!p0 [sflag:s0], s1  }
0xc0: {  	s1 =	ssub.s32 @!p0 $0x0, s1;
	[sflag:s0] =	ssyncset.done @!p0 $0x0  }
0xc1: {  	[sflag:s0] =	ssyncadd.s32 @!p0 s1  }
0xc2: {  	[bflag:$0x3] =	sbarrier.arrive $0xFFFF  }
0xc3: {  	_ =	shalt  }

// kernel: kernel.15.cloned.1.call-start
scs
__scs_entry_jumppad:
0x0: {  	(pc) =	sbr.rel $0x88, $3  }
0x1: {  	(tag) =	ssettag $0x0;
	lr =	simm.s32 $0x1  }
0x2: {  	[smem:$0x3F95] =	sst lr;
	_ =	strace $0xD0000000  }
0x3: {  	_ = 	snop  }
0x4: {  	_ = 	snop  }
0x5: {  	_ = 	snop  }
0x6: {  	_ = 	snop  }
0x7: {  	_ = 	snop  }
__scs_overlays_trampoline_lowered:
0x8: {  	[smem:$0x3FA4] =	sst s0  }
0x9: {  	[smem:$0x3FA5] =	sst s1  }
0xa: {  	[smem:$0x3FA6] =	sst s2  }
0xb: {  	[smem:$0x3FA7] =	sst s3  }
0xc: {  	[smem:$0x3FA8] =	sst s4  }
0xd: {  	[smem:$0x3FA9] =	sst s5  }
0xe: {  	[smem:$0x3FAA] =	sst s6  }
0xf: {  	[smem:$0x3FAB] =	sst s7  }
0x10: {  	[smem:$0x3FAC] =	sst s8  }
0x11: {  	[smem:$0x3FAD] =	sst s9;
	s0 =	simm.s32 @!p0 $0x0  }
0x12: {  	s1 =	sld [smem:$0x3F93];
	s0 =	simm.s32 @p0 $0x1  }
0x13: {  	[smem:$0x3FAE] =	sst s0;
	s0 =	simm.s32 @!p1 $0x0  }
0x14: {  	s2 =	sld [smem:$0x3F92];
	s0 =	simm.s32 @p1 $0x1  }
0x15: {  	[smem:$0x3FAF] =	sst s0;
	s0 =	simm.s32 @!p2 $0x0  }
0x16: {  	s3 =	sld [smem:$0x3FDB];
	s0 =	simm.s32 @p2 $0x1  }
0x17: {  	s4 =	simm.s32 $0x1BF5;
	[smem:$0x3FB1] =	sst s0  }
0x18: {  	s0 =	sld [smem:$0x3F94];
	_ =	swait.ge [sflag:s4], $0x0  }
0x19: {  	s7 =	sld [smem:$0x3F95]  }
0x1a: {  	s8 =	sadd.s32 $0xFFFFE003, lr  }
0x1b: {  	s9 =	sadd.s32 $0xFFFFFEF7, lr;
	s5 =	simm.s32 $0xFFFFFFFF;
	p2 =	slt.u32 s8, $0xFFFFF086  }
0x1c: {  	p1 =	slt.u32 s9, $0xF7A;
	s5 =	simm.s32 @!p2 $0x0  }
0x1d: {  	s5 =	simm.s32 @p1 $0x1;
	p0 =	seq.s32 s7, s2  }
0x1e: {  	s7 =	smul.u32 @!p0 $0xF7A, s2;
	p2 =	seq.s32 @!p0 s5, $0x0  }
0x1f: {  	s9 =	smul.u32 $0xF7A, s1;
	s8 =	simm.s32 @!p0 $0x1BF5;
	p2 =	por !p2, p0  }
0x20: {  	[sflag:s8] =	ssyncset.s32 @!p0 $0xFFFFF086;
	s6 =	sadd.s32 @!p0 s3, s7;
	s7 =	simm.s32 @!p0 $0x108  }
0x21: {  	s3 =	sadd.s32 s3, s9;
	s6 =	sadd.s32 @!p0 $0x88, s6;
	s7 =	simm.s32 @p2 $0x1082  }
0x22: {  	[simem:s7], [sflag:s8] =	dma.local @!p0 [hbm:s6], $0xF7A  }
0x23: {  	s9 =	sor.u32 $0xD0000000, s2;
	s6 =	simm.s32 $0x108;
	_ =	swait.ge @!p0 [sflag:s8], $0x0  }
0x24: {  	s3 =	sadd.s32 $0x88, s3;
	s6 =	simm.s32 @!p1 $0x1082;
	[sflag:s4] =	ssyncset.s32 $0xFFFFF086  }
0x25: {  	[simem:s6], [sflag:s4] =	dma.local [hbm:s3], $0xF7A  }
0x26: {  	[smem:$0x3F95] =	sst s1;
	(tag) =	ssettag s2;
	_ =	strace s9  }
0x27: {  	s1 =	sld [smem:$0x3FA5]  }
0x28: {  	s2 =	sld [smem:$0x3FA6]  }
0x29: {  	s4 =	sld [smem:$0x3FA8]  }
0x2a: {  	p0 =	seq.s32 s5, $0x0;
	s5 =	sld [smem:$0x3FA9]  }
0x2b: {  	s6 =	sld [smem:$0x3FAA]  }
0x2c: {  	s7 =	sld [smem:$0x3FAB]  }
0x2d: {  	s3 =	simm.s32 $0x108;
	s8 =	sld [smem:$0x3FAC]  }
0x2e: {  	s3 =	simm.s32 @!p0 $0x1082;
	s9 =	sld [smem:$0x3FAD]  }
0x2f: {  	lr =	sadd.s32 s0, s3;
	s0 =	sld [smem:$0x3FA4]  }
0x30: {  	s3 =	sld [smem:$0x3FA7]  }
0x31: {  	[smem:$0x3FB0] =	sst s10  }
0x32: {  	s10 =	sld [smem:$0x3FAE];
	_ =	sdelay $0x3  }
0x33: {  	p0 =	seq.s32 s10, $0x1;
	s10 =	sld [smem:$0x3FB0];
	_ =	sdelay $0x3  }
0x34: {  	[smem:$0x3FB0] =	sst s10  }
0x35: {  	s10 =	sld [smem:$0x3FAF];
	_ =	sdelay $0x3  }
0x36: {  	p1 =	seq.s32 s10, $0x1;
	s10 =	sld [smem:$0x3FB0];
	_ =	sdelay $0x3  }
0x37: {  	[smem:$0x3FB0] =	sst s10  }
0x38: {  	s10 =	sld [smem:$0x3FB1]  }
0x39: {  	_ = 	snop;
	(pc) =	sbr.ind lr, $3  }
0x3a: {  	_ = 	snop  }
0x3b: {  	_ = 	snop  }
0x3c: {  	p2 =	seq.s32 s10, $0x1;
	s10 =	sld [smem:$0x3FB0]  }
0x3d: {  	_ =	shalt  }
0x3e: {  	_ =	shalt  }
0x3f: {  	_ =	shalt  }
0x40: {  	_ =	shalt  }
0x41: {  	_ =	shalt  }
0x42: {  	_ =	shalt  }
0x43: {  	_ =	shalt  }
0x44: {  	_ =	shalt  }
0x45: {  	_ =	shalt  }
0x46: {  	_ =	shalt  }
0x47: {  	_ =	shalt  }
0x48: {  	_ =	shalt  }
0x49: {  	_ =	shalt  }
0x4a: {  	_ =	shalt  }
0x4b: {  	_ =	shalt  }
0x4c: {  	_ =	shalt  }
0x4d: {  	_ =	shalt  }
0x4e: {  	_ =	shalt  }
0x4f: {  	_ =	shalt  }
0x50: {  	_ =	shalt  }
0x51: {  	_ =	shalt  }
0x52: {  	_ =	shalt  }
0x53: {  	_ =	shalt  }
0x54: {  	_ =	shalt  }
0x55: {  	_ =	shalt  }
0x56: {  	_ =	shalt  }
0x57: {  	_ =	shalt  }
0x58: {  	_ =	shalt  }
0x59: {  	_ =	shalt  }
0x5a: {  	_ =	shalt  }
0x5b: {  	_ =	shalt  }
0x5c: {  	_ =	shalt  }
0x5d: {  	_ =	shalt  }
0x5e: {  	_ =	shalt  }
0x5f: {  	_ =	shalt  }
0x60: {  	_ =	shalt  }
0x61: {  	_ =	shalt  }
0x62: {  	_ =	shalt  }
0x63: {  	_ =	shalt  }
0x64: {  	_ =	shalt  }
0x65: {  	_ =	shalt  }
0x66: {  	_ =	shalt  }
0x67: {  	_ =	shalt  }
0x68: {  	_ =	shalt  }
0x69: {  	_ =	shalt  }
0x6a: {  	_ =	shalt  }
0x6b: {  	_ =	shalt  }
0x6c: {  	_ =	shalt  }
0x6d: {  	_ =	shalt  }
0x6e: {  	_ =	shalt  }
0x6f: {  	_ =	shalt  }
0x70: {  	_ =	shalt  }
0x71: {  	_ =	shalt  }
0x72: {  	_ =	shalt  }
0x73: {  	_ =	shalt  }
0x74: {  	_ =	shalt  }
0x75: {  	_ =	shalt  }
0x76: {  	_ =	shalt  }
0x77: {  	_ =	shalt  }
0x78: {  	_ =	shalt  }
0x79: {  	_ =	shalt  }
0x7a: {  	_ =	shalt  }
0x7b: {  	_ =	shalt  }
0x7c: {  	_ =	shalt  }
0x7d: {  	_ =	shalt  }
0x7e: {  	_ =	shalt  }
0x7f: {  	_ =	shalt  }
0x80: {  	_ =	shalt  }
0x81: {  	_ =	shalt  }
0x82: {  	_ =	shalt  }
0x83: {  	_ =	shalt  }
0x84: {  	_ =	shalt  }
0x85: {  	_ =	shalt  }
0x86: {  	_ =	shalt  }
0x87: {  	_ =	shalt  }
.Lfunc_end0:
.L_simem_size_0:
called_computation.1_lowered:
.L_overlay_start_0:
0x88: {  	s2 =	sld [smem:$0x3FD9]  }
0x89: {  	s3 =	sld [smem:$0x3FFE];
	_ =	sdelay $0x1  }
0x8a: {  	s1 =	srdreg.scid  }
0x8b: {  	s0 =	sand.u32 $0x1, s1  }
0x8c: {  	s15 =	sshll.u32 s0, $0xA;
	s2 =	sadd.s32 s3, s2  }
0x8d: {  	s2 =	sadd.s32 s2, s15  }
0x8e: {  	[smem:$0x3FBC] =	sst s2  }
0x8f: {  	_ = 	snop  }
0x90: {  	s2 =	sld [smem:$0x3FD0];
	_ =	sdelay $0x2  }
0x91: {  	s16 =	simm.s32 $0xB;
	s4 =	simm.s32 $0x10  }
0x92: {  	[smem:s4], [sflag:s16] =	dma.local [hbm:s2], $0x1  }
0x93: {  	_ =	swait.eq [sflag:s16], $0x1  }
0x94: {  	[sflag:s16] =	ssyncset.done $0x0  }
0x95: {  	[sflag:s16] =	ssyncadd.s32 $0xFFFFFFFF  }
0x96: {  	s17 =	sld [smem:$0x10];
	(tm) =	ssettm $0x1  }
0x97: {  	s18 =	sld [smem:$0x3FFB];
	_ =	sdelay $0x3  }
0x98: {  	_ =	strace s18  }
0x99: {  	s2 =	sld [smem:$0x3FFC];
	_ =	sdelay $0x3  }
0x9a: {  	_ =	strace s2  }
0x9b: {  	s2 =	sld [smem:$0x3FFD];
	_ =	sdelay $0x3  }
0x9c: {  	_ =	strace s2  }
0x9d: {  	_ =	strace $0x8FFFFFFF  }
0x9e: {  	s19 =	sld [smem:$0x3FDB];
	_ =	sdelay $0x1  }
0x9f: {  	s20 =	simm.s32 $_scs_section_size  }
0xa0: {  	s5 =	simm.s32 $_size__tile_overlayer_lowered;
	s6 =	simm.s32 $_tile_overlayer_lowered  }
0xa1: {  	s7 =	simm.s32 $0x1BFF;
	s21 =	sshll.u32 s6, $0x1;
	s4 =	sadd.s32 s20, s19  }
0xa2: {  	s22 =	simm.s32 $0x0;
	s5 =	sshll.u32 s5, $0x1;
	s6 =	sadd.s32 s21, s4  }
0xa3: {  	[timem:s22], [sflag:s7] =	dma.local [hbm:s6], s5  }
0xa4: {  	_ =	swait.ge [sflag:s7], s5  }
0xa5: {  	s5 =	ssub.s32 $0x0, s5;
	[sflag:s7] =	ssyncset.done $0x0  }
0xa6: {  	[sflag:s7] =	ssyncadd.s32 s5;
	_ =	sdelay $0x1  }
0xa7: {  	s23 =	simm.s32 $0x1B8B  }
0xa8: {  	_ =	swait.ge [sflag:s23], $0x1  }
0xa9: {  	[sflag:s23] =	ssyncset.done $0x0  }
0xaa: {  	[sflag:s23] =	ssyncadd.s32 $0xFFFFFFFF  }
0xab: {  	s5 =	sld [smem:$0x0]  }
0xac: {  	s6 =	sand.u32 $0xFFFFFFFE, s1  }
0xad: {  	p0 =	sne.s32 s1, s6  }
0xae: {  	s6 =	sshll.u32 @p0 s6, $0xE  }
0xaf: {  	s6 =	sadd.s32 @p0 $0x11B8D, s6;
	s7 =	sshll.u32 @p0 s5, $0x11  }
0xb0: {  	s6 =	sor.u32 @p0 s7, s6  }
0xb1: {  	[sflag:s6] =	ssyncadd.remote.s32 @p0 $0x1;
	_ =	sdelay $0x1  }
0xb2: {  	s6 =	simm.s32 @p0 $0x1B8D  }
0xb3: {  	_ =	swait.eq @p0 [sflag:s6], $0x1  }
0xb4: {  	[sflag:s6] =	ssyncadd.s32 @p0 $0xFFFFFFFF  }
0xb5: {  	s7 =	sshll.u32 @!p0 s1, $0xE  }
0xb6: {  	s7 =	sor.u32 @!p0 $0x4000, s7;
	s6 =	simm.s32 @!p0 $0x1B8D  }
0xb7: {  	s5 =	sshll.u32 @!p0 s5, $0x11;
	s7 =	sadd.s32 @!p0 $0x11B8D, s7;
	_ =	swait.eq @!p0 [sflag:s6], $0x1  }
0xb8: {  	s5 =	sor.u32 @!p0 s5, s7;
	[sflag:s6] =	ssyncadd.s32 @!p0 $0xFFFFFFFF  }
0xb9: {  	s25 =	simm.s32 $0x1B8E;
	s24 =	sld [smem:$0x3FFE];
	[sflag:s5] =	ssyncadd.remote.s32 @!p0 $0x1  }
0xba: {  	s26 =	simm.s32 $execute0_lowered;
	[smem:$0x3FD2] =	sst s25  }
0xbb: {  	s6 =	sshll.u32 s26, $0x1;
	_ =	strace $0x8000004C;
	[dreg:$0x1] =	wrdreg $0xFFFFFFFF  }
0xbc: {  	s28 =	simm.s32 $_size_execute0_lowered;
	s4 =	sadd.s32 s4, s6;
	[dreg:$0x0] =	wrdreg $0x0  }
0xbd: {  	s6 =	sshll.u32 s28, $0x1;
	[dreg:$0x2] =	wrdreg s4  }
0xbe: {  	[dreg:$0x3] =	wrdreg s6  }
0xbf: {  	[dreg:$0x4] =	wrdreg $0xC0  }
0xc0: {  	_ =	task [dreg:s22], $0x5FFFF  }
0xc1: {  	[dreg:$0x1] =	wrdreg $0xFFFFFFFF  }
0xc2: {  	[dreg:$0x0] =	wrdreg $0x60  }
0xc3: {  	[dreg:$0x2] =	wrdreg s17  }
0xc4: {  	[dreg:$0x3] =	wrdreg s24  }
0xc5: {  	[dreg:$0x4] =	wrdreg $0x9  }
0xc6: {  	_ =	task.clear_ibuf [dreg:s22], $0x5FFFF;
	_ =	strace $0x9000004C  }
0xc7: {  	s29 =	simm.s32 $0x9;
	_ =	strace $0x8000004E  }
0xc8: {  	_ =	swait.ge [sflag:s29], $0x1  }
0xc9: {  	[sflag:s29] =	ssyncadd.s32 $0xFFFFFFFF  }
0xca: {  	_ =	strace $0x9000004E  }
0xcb: {  	_ =	sfence  }
0xcc: {  	s30 =	sld [smem:$0x0];
	_ =	sdelay $0x2  }
0xcd: {  	s31 =	sshll.u32 s1, $0xD;
	s1 =	sshrl.u32 s1, $0x2  }
0xce: {  	s4 =	sand.u32 $0x4000, s31;
	s1 =	sadd.s32 s1, s30  }
0xcf: {  	s0 =	sor.u32 s4, s0;
	s1 =	sshll.u32 s1, $0x11  }
0xd0: {  	s0 =	sor.u32 s1, s0  }
0xd1: {  	s0 =	sadd.s32 $0x8F2B, s0  }
0xd2: {  	[sflag:s0] =	ssyncadd.remote.s32 $0x1  }
0xd3: {  	_ =	sfence.sel $0xFFFF  }
0xd4: {  	[dreg:$0x0] =	wrdreg $0xFFFFFFFF;
	(pc) =	sbr.abs _section_cstart, $3  }
0xd5: {  	[dreg:$0x1] =	wrdreg $0xFFFFFFFF  }
0xd6: {  	_ =	task.clear_ibuf [dreg:s22], $0x2FFFF;
	_ =	strace $0x9FFFFFFF  }
0xd7: {  	(tm) =	ssettm $0x7FFFFFFF  }
tec
execute0_lowered:
.L_overlay_start_1:
0x0: {  	(tag) =	ssettag $0x1  }
0x1: {  	s0 =	srdreg.scid;
	s2 =	rddreg [dreg:$0x0]  }
0x2: {  	s1 =	rddreg [dreg:$0x1];
	s9 =	stileid.u32;
	s3 =	simm.s32 $0x0  }
0x3: {  	s13 =	simm.s32 $0x50;
	s14 =	simm.s32 $0x2900;
	s15 =	simm.s32 $0xC900  }
0x4: {  	s28 =	simm.s32 $0x1;
	s29 =	simm.s32 $0x5;
	s30 =	simm.s32 $0x9  }
0x5: {  	s31 =	simm.s32 $0xD;
	s17 =	simm.s32 $0xA;
	s19 =	simm.s32 $0xE  }
0x6: {  	s10 =	simm.s32 $0x0;
	s0 =	sand.u32 $0x1, s0;
	[smem:$0x7FF] =	sst s3  }
0x7: {  	s7 =	sadd.s32 $0x4DA800, s1;
	s23 =	smul.u32 $0x14500, s9;
	s4 =	sshll.u32 s0, $0x4  }
0x8: {  	s6 =	ssub.s32 $0x2, s0;
	s0 =	smul.u32 $0x145000, s0;
	s4 =	sor.u32 s9, s4  }
0x9: {  	_ =	strace $0x8000004D;
	s8 =	sshrl.u32 s6, $0x1;
	s5 =	smul.u32 $0x1450, s4  }
0xa: {  	s4 =	smul.u32 $0xA2800, s4;
	s6 =	ssub.s32 s6, s8;
	s24 =	sadd.s32 s0, s7  }
0xb: {  	s8 =	simm.s32 $0x10;
	s25 =	smax.u32 s6, $0x1;
	s26 =	sadd.s32 s23, s24  }
0xc: {  	s24 =	simm.s32 $0xA100;
	s6 =	simm.s32 $0x8;
	[dreg:$0x7] =	wrdreg s25  }
0xd: {  	s5 =	sshrl.u32 s5, $0x3;
	s4 =	sshrl.u32 s4, $0x3;
	[dreg:$0x8] =	wrdreg s26  }
0xe: {  	s26 =	simm.s32 $0x14100;
	s25 =	simm.s32 $0xB;
	s5 =	sadd.s32 s5, s1  }
0xf: {  	s1 =	sadd.s32 $0x764800, s1;
	s4 =	sadd.s32 $0x14000, s4;
	s21 =	sadd.s32 $0x17200, s5  }
0x10: {  	s5 =	sadd.s32 $0x3000, s5;
	s22 =	sadd.s32 s7, s4;
	[dreg:$0x3] =	wrdreg s21  }
.Ltmp0:
0x11: {  	s4 =	sadd.s32 s1, s4;
	[dreg:$0x4] =	wrdreg s5;
	(pc) =	sbr.rel .LBB2_1-.Ltmp0, $4  }
0x12: {  	s0 =	sadd.s32 s0, s1;
	s1 =	simm.s32 $0x6;
	[dreg:$0x5] =	wrdreg s22  }
0x13: {  	s7 =	simm.s32 $0xC;
	[dreg:$0x6] =	wrdreg s4;
	s0 =	sadd.s32 s23, s0  }
0x14: {  	s21 =	simm.s32 $0x3;
	s23 =	simm.s32 $0x7;
	s4 =	simm.s32 $0xF  }
0x15: {  	s5 =	simm.s32 $0x4;
	[dreg:$0x9] =	wrdreg s0;
	s0 =	simm.s32 $0x2  }
.LBB2_4:
0x16: {  	_ =	swait.ge [sflag:s28], $0x2800  }
0x17: {  	[sflag:s28] =	ssyncset.done $0x0  }
0x18: {  	[sflag:s28] =	ssyncadd.s32 $0xFFFFD800  }
0x19: {  	_ =	swait.ge [sflag:s29], $0x2800  }
0x1a: {  	[sflag:s29] =	ssyncset.done $0x0  }
0x1b: {  	s14 =	simm.s32 $0x2900;
	s9 =	rddreg [dreg:$0x5];
	[sflag:s29] =	ssyncadd.s32 $0xFFFFD800  }
0x1c: {  	[hbm4b:s9+s3] =	stream.linear.scatter [tilespmem:s14], [sflag:$0x9], $0x2800, $0x38;
	[tilespmem:$0x16900] =	vst v63  }
0x1d: {  	s20 =	rddreg [dreg:$0x6]  }
0x1e: {  	[hbm4b:s20+s3] =	stream.linear.scatter [tilespmem:s15], [sflag:$0xD], $0x2800, $0x38;
	[tilespmem:$0x16900] =	vst v63  }
0x1f: {  	_ =	swait.ge [sflag:s30], $0x2800  }
0x20: {  	[sflag:s30] =	ssyncset.done $0x0  }
0x21: {  	[sflag:s30] =	ssyncadd.s32 $0xFFFFD800  }
0x22: {  	_ =	swait.ge [sflag:s31], $0x2800  }
0x23: {  	s10 =	rddreg [dreg:$0xa]  }
0x24: {  	s22 =	rddreg [dreg:$0x7];
	s10 =	sadd.s32 $0x1, s10  }
0x25: {  	p0 =	sne.s32 s10, s22  }
.Ltmp1:
0x26: {  	_ = 	snop;
	(pc) =	sbr.rel @!p0 .LBB2_5-.Ltmp1, $3  }
0x27: {  	_ =	sdelay $0x1  }
0x28: {  	[sflag:s31] =	ssyncset.done $0x0  }
0x29: {  	[sflag:s31] =	ssyncadd.s32 $0xFFFFD800  }
.LBB2_1:
0x2a: {  	[dreg:$0xa] =	wrdreg s10  }
0x2b: {  	s9 =	rddreg [dreg:$0x3];
	s12 =	simm.s32 $0x11  }
0x2c: {  	[tilespmem:s3], [sflag:$0x11] =	stream.linear.gather [hbm4b:s9+s3], $0x1450, $0x38;
	[tilespmem:$0x16900] =	vst v63  }
0x2d: {  	_ =	swait.ge [sflag:s12], $0x1450  }
0x2e: {  	[sflag:s12] =	ssyncset.done $0x0  }
0x2f: {  	s11 =	simm.s32 $0x1480;
	s16 =	rddreg [dreg:$0x4];
	[sflag:s12] =	ssyncadd.s32 $0xFFFFEBB0  }
0x30: {  	[tilespmem:s11], [sflag:$0x11] =	stream.linear.gather [hbm4b:s16+s3], $0x1450, $0x38;
	[tilespmem:$0x16900] =	vst v63  }
0x31: {  	_ =	swait.ge [sflag:s12], $0x1450  }
0x32: {  	[sflag:s12] =	ssyncset.done $0x0  }
0x33: {  	[sflag:s12] =	ssyncadd.s32 $0xFFFFEBB0  }
0x34: {  	[tilespmem:s14], [sflag:$0x1] =	stream.indirect.gather [hbm4b:s2+s13], $0x80, s3, s13, $0xb8;
	[tilespmem:$0x16900] =	vst v63  }
0x35: {  	_ = 	snop  }
0x36: {  	[tilespmem:s15], [sflag:$0x5] =	stream.indirect.gather [hbm4b:s2+s13], $0x80, s11, s13, $0xb8;
	[tilespmem:$0x16900] =	vst v63  }
0x37: {  	s18 =	simm.s32 $0x5100  }
0x38: {  	[tilespmem:s18], [sflag:$0x2] =	stream.indirect.gather [hbm4b:s2+s13], $0x80, s13, s13, $0xb8;
	[tilespmem:$0x16900] =	vst v63  }
0x39: {  	s20 =	simm.s32 $0x14D0;
	s22 =	simm.s32 $0xF100  }
0x3a: {  	[tilespmem:s22], [sflag:$0x6] =	stream.indirect.gather [hbm4b:s2+s13], $0x80, s20, s13, $0xb8;
	[tilespmem:$0x16900] =	vst v63  }
0x3b: {  	s12 =	simm.s32 $0x7900;
	s11 =	simm.s32 $0xA0  }
0x3c: {  	[tilespmem:s12], [sflag:$0x3] =	stream.indirect.gather [hbm4b:s2+s13], $0x80, s11, s13, $0xb8;
	[tilespmem:$0x16900] =	vst v63  }
0x3d: {  	s16 =	simm.s32 $0x1520;
	s18 =	simm.s32 $0x11900  }
0x3e: {  	[tilespmem:s18], [sflag:$0x7] =	stream.indirect.gather [hbm4b:s2+s13], $0x80, s16, s13, $0xb8;
	[tilespmem:$0x16900] =	vst v63  }
0x3f: {  	s20 =	simm.s32 $0xF0  }
0x40: {  	[tilespmem:s24], [sflag:$0x4] =	stream.indirect.gather [hbm4b:s2+s13], $0x80, s20, s13, $0xb8;
	[tilespmem:$0x16900] =	vst v63  }
0x41: {  	s22 =	simm.s32 $0x1570;
	s11 =	simm.s32 $0x0;
	s12 =	simm.s32 $0x0  }
0x42: {  	[tilespmem:s26], [sflag:$0x8] =	stream.indirect.gather [hbm4b:s2+s13], $0x80, s22, s13, $0xb8;
	[tilespmem:$0x16900] =	vst v63  }
.LBB2_2:
0x43: {  	_ =	swait.ge [sflag:s28], $0x2800  }
0x44: {  	[sflag:s28] =	ssyncset.done $0x0  }
0x45: {  	[sflag:s28] =	ssyncadd.s32 $0xFFFFD800  }
0x46: {  	_ =	swait.ge [sflag:s29], $0x2800  }
0x47: {  	[sflag:s29] =	ssyncset.done $0x0;
	s9 =	rddreg [dreg:$0x8]  }
0x48: {  	s22 =	rddreg [dreg:$0x9];
	[sflag:s29] =	ssyncadd.s32 $0xFFFFD800;
	s18 =	sadd.s32 s12, s9  }
0x49: {  	[hbm4b:s18+s3] =	stream.linear.scatter [tilespmem:s14], [sflag:$0x9], $0x2800, $0x38;
	[tilespmem:$0x16900] =	vst v63  }
0x4a: {  	s20 =	sadd.s32 s12, s22  }
0x4b: {  	[hbm4b:s20+s3] =	stream.linear.scatter [tilespmem:s15], [sflag:$0xD], $0x2800, $0x38;
	[tilespmem:$0x16900] =	vst v63  }
0x4c: {  	_ =	swait.ge [sflag:s30], $0x2800  }
0x4d: {  	[sflag:s30] =	ssyncset.done $0x0  }
0x4e: {  	[sflag:s30] =	ssyncadd.s32 $0xFFFFD800  }
0x4f: {  	_ =	swait.ge [sflag:s31], $0x2800  }
0x50: {  	s16 =	sshra.s32 s11, $0x2;
	[sflag:s31] =	ssyncset.done $0x0  }
0x51: {  	s22 =	sadd.s32 $0x140, s16;
	[sflag:s31] =	ssyncadd.s32 $0xFFFFD800  }
0x52: {  	[tilespmem:s14], [sflag:$0x1] =	stream.indirect.gather [hbm4b:s2+s13], $0x80, s22, s13, $0xb8;
	[tilespmem:$0x16900] =	vst v63  }
0x53: {  	s9 =	sadd.s32 $0x15C0, s16  }
0x54: {  	[tilespmem:s15], [sflag:$0x5] =	stream.indirect.gather [hbm4b:s2+s13], $0x80, s9, s13, $0xb8;
	[tilespmem:$0x16900] =	vst v63  }
0x55: {  	_ =	swait.ge [sflag:s0], $0x2800  }
0x56: {  	[sflag:s0] =	ssyncset.done $0x0  }
0x57: {  	[sflag:s0] =	ssyncadd.s32 $0xFFFFD800  }
0x58: {  	_ =	swait.ge [sflag:s1], $0x2800  }
0x59: {  	[sflag:s1] =	ssyncset.done $0x0  }
0x5a: {  	s10 =	sadd.s32 $0x500, s18;
	s14 =	simm.s32 $0x5100;
	[sflag:s1] =	ssyncadd.s32 $0xFFFFD800  }
0x5b: {  	[hbm4b:s10+s3] =	stream.linear.scatter [tilespmem:s14], [sflag:$0xA], $0x2800, $0x38;
	[tilespmem:$0x16900] =	vst v63  }
0x5c: {  	s10 =	sadd.s32 $0x500, s20;
	s14 =	simm.s32 $0xF100  }
0x5d: {  	[hbm4b:s10+s3] =	stream.linear.scatter [tilespmem:s14], [sflag:$0xE], $0x2800, $0x38;
	[tilespmem:$0x16900] =	vst v63  }
0x5e: {  	_ =	swait.ge [sflag:s17], $0x2800  }
0x5f: {  	[sflag:s17] =	ssyncset.done $0x0  }
0x60: {  	p0 =	seq.s32 s12, $0x12C00;
	[sflag:s17] =	ssyncadd.s32 $0xFFFFD800  }
0x61: {  	s22 =	sshra.s32 @!p0 s11, $0x2;
	_ =	swait.ge [sflag:s19], $0x2800  }
0x62: {  	s9 =	sadd.s32 @!p0 $0x190, s22;
	[sflag:s19] =	ssyncset.done $0x0  }
0x63: {  	s10 =	simm.s32 @!p0 $0x50;
	s14 =	simm.s32 @!p0 $0x5100;
	[sflag:s19] =	ssyncadd.s32 $0xFFFFD800  }
0x64: {  	[tilespmem:s14], [sflag:$0x2] =	stream.indirect.gather @!p0 [hbm4b:s2+s10], $0x80, s9, s10, $0xb8;
	[tilespmem:$0x16900] =	vst v63  }
0x65: {  	s9 =	sadd.s32 @!p0 $0x1610, s22;
	s14 =	simm.s32 @!p0 $0xF100  }
0x66: {  	[tilespmem:s14], [sflag:$0x6] =	stream.indirect.gather @!p0 [hbm4b:s2+s10], $0x80, s9, s10, $0xb8;
	[tilespmem:$0x16900] =	vst v63  }
0x67: {  	_ =	swait.ge [sflag:s21], $0x2800  }
0x68: {  	[sflag:s21] =	ssyncset.done $0x0  }
0x69: {  	[sflag:s21] =	ssyncadd.s32 $0xFFFFD800  }
0x6a: {  	_ =	swait.ge [sflag:s23], $0x2800  }
0x6b: {  	[sflag:s23] =	ssyncset.done $0x0  }
0x6c: {  	s9 =	sadd.s32 $0xA00, s18;
	s14 =	simm.s32 $0x7900;
	[sflag:s23] =	ssyncadd.s32 $0xFFFFD800  }
0x6d: {  	[hbm4b:s9+s3] =	stream.linear.scatter [tilespmem:s14], [sflag:$0xB], $0x2800, $0x38;
	[tilespmem:$0x16900] =	vst v63  }
0x6e: {  	s9 =	sadd.s32 $0xA00, s20;
	s14 =	simm.s32 $0x11900  }
0x6f: {  	[hbm4b:s9+s3] =	stream.linear.scatter [tilespmem:s14], [sflag:$0xF], $0x2800, $0x38;
	[tilespmem:$0x16900] =	vst v63  }
0x70: {  	_ =	swait.ge [sflag:s25], $0x2800  }
0x71: {  	[sflag:s25] =	ssyncset.done $0x0  }
0x72: {  	[sflag:s25] =	ssyncadd.s32 $0xFFFFD800  }
0x73: {  	_ =	swait.ge [sflag:s4], $0x2800  }
0x74: {  	[sflag:s4] =	ssyncset.done $0x0  }
0x75: {  	s9 =	sadd.s32 @!p0 $0x1E0, s22;
	s14 =	simm.s32 @!p0 $0x7900;
	[sflag:s4] =	ssyncadd.s32 $0xFFFFD800  }
0x76: {  	[tilespmem:s14], [sflag:$0x3] =	stream.indirect.gather @!p0 [hbm4b:s2+s10], $0x80, s9, s10, $0xb8;
	[tilespmem:$0x16900] =	vst v63  }
0x77: {  	s9 =	sadd.s32 @!p0 $0x1660, s22;
	s14 =	simm.s32 @!p0 $0x11900  }
0x78: {  	[tilespmem:s14], [sflag:$0x7] =	stream.indirect.gather @!p0 [hbm4b:s2+s10], $0x80, s9, s10, $0xb8;
	[tilespmem:$0x16900] =	vst v63  }
0x79: {  	_ =	swait.ge [sflag:s5], $0x2800  }
0x7a: {  	[sflag:s5] =	ssyncset.done $0x0  }
0x7b: {  	[sflag:s5] =	ssyncadd.s32 $0xFFFFD800  }
0x7c: {  	_ =	swait.ge [sflag:s6], $0x2800  }
0x7d: {  	[sflag:s6] =	ssyncset.done $0x0  }
0x7e: {  	s18 =	sadd.s32 $0xF00, s18;
	[sflag:s6] =	ssyncadd.s32 $0xFFFFD800  }
0x7f: {  	[hbm4b:s18+s3] =	stream.linear.scatter [tilespmem:s24], [sflag:$0xC], $0x2800, $0x38;
	[tilespmem:$0x16900] =	vst v63  }
0x80: {  	s22 =	sadd.s32 $0xF00, s20  }
0x81: {  	[hbm4b:s22+s3] =	stream.linear.scatter [tilespmem:s26], [sflag:$0x10], $0x2800, $0x38;
	[tilespmem:$0x16900] =	vst v63  }
0x82: {  	_ =	swait.ge [sflag:s7], $0x2800  }
.Ltmp2:
0x83: {  	[sflag:s7] =	ssyncset.done $0x0;
	(pc) =	sbr.rel @p0 .LBB2_4-.Ltmp2, $4  }
0x84: {  	[sflag:s7] =	ssyncadd.s32 $0xFFFFD800  }
0x85: {  	_ =	swait.ge [sflag:s8], $0x2800  }
0x86: {  	[sflag:s8] =	ssyncset.done $0x0  }
0x87: {  	[sflag:s8] =	ssyncadd.s32 $0xFFFFD800  }
.Ltmp3:
0x88: {  	(pc) =	sbr.rel .LBB2_2-.Ltmp3, $4  }
0x89: {  	s9 =	sadd.s32 $0x230, s16;
	s22 =	sadd.s32 $0x16B0, s16  }
0x8a: {  	[tilespmem:s24], [sflag:$0x4] =	stream.indirect.gather [hbm4b:s2+s13], $0x80, s9, s13, $0xb8;
	[tilespmem:$0x16900] =	vst v63  }
0x8b: {  	s12 =	sadd.s32 $0x1400, s12;
	s11 =	sadd.s32 $0x500, s11;
	s14 =	simm.s32 $0x2900  }
0x8c: {  	[tilespmem:s26], [sflag:$0x8] =	stream.indirect.gather [hbm4b:s2+s13], $0x80, s22, s13, $0xb8;
	[tilespmem:$0x16900] =	vst v63  }
.LBB2_5:
0x8d: {  	_ =	sfence.sel $0x180000  }
0x8e: {  	[bflag:$0x0] =	sbarrier.arrive $0xFFFF  }
0x8f: {  	_ =	strace $0x9000004D  }
0x90: {  	s0 =	stileid.u32;
	[bflag:$0x2] =	sbarrier.arrive $0xFFFF  }
0x91: {  	p0 =	sne.s32 s0, $0x0;
	s0 =	rddreg [dreg:$0x2]  }
0x92: {  	s0 =	sadd.s32 @!p0 $0x100000, s0  }
0x93: {  	[sflag:s0] =	ssyncadd.tile.s32 @!p0 $0x1;
	_ =	shalt  }
.Lfunc_end2:
_tile_overlayer_lowered:
.L_overlay_start_2:
0x94: {  	(tag) =	ssettag $0x2  }
0x95: {  	s0 =	rddreg [dreg:$0x0];
	s2 =	stileid.u32  }
0x96: {  	s1 =	rddreg [dreg:$0x1];
	p0 =	sne.s32 s2, $0x0  }
0x97: {  	s3 =	rddreg [dreg:$0x2];
	[bflag:$0x3] =	sbarrier.arrive $0xFFFF;
	s2 =	simm.s32 @!p0 $0x1C11  }
0x98: {  	[timem:s3], [sflag:s2] =	dma.local @!p0 [hbm:s0], s1  }
0x99: {  	s0 =	simm.s32 @!p0 $0x11  }
0x9a: {  	_ =	swait.ge @!p0 [sflag:s0], s1  }
0x9b: {  	s1 =	ssub.s32 @!p0 $0x0, s1;
	[sflag:s0] =	ssyncset.done @!p0 $0x0  }
0x9c: {  	[sflag:s0] =	ssyncadd.s32 @!p0 s1  }
0x9d: {  	[bflag:$0x3] =	sbarrier.arrive $0xFFFF  }
0x9e: {  	_ =	shalt  }

// kernel: kernel.18.cloned.1.call-start
scs
__scs_entry_jumppad:
0x0: {  	(pc) =	sbr.rel $0x88, $3  }
0x1: {  	(tag) =	ssettag $0x0;
	lr =	simm.s32 $0x1  }
0x2: {  	[smem:$0x3F95] =	sst lr;
	_ =	strace $0xD0000000  }
0x3: {  	_ = 	snop  }
0x4: {  	_ = 	snop  }
0x5: {  	_ = 	snop  }
0x6: {  	_ = 	snop  }
0x7: {  	_ = 	snop  }
__scs_overlays_trampoline_lowered:
0x8: {  	[smem:$0x3FA4] =	sst s0  }
0x9: {  	[smem:$0x3FA5] =	sst s1  }
0xa: {  	[smem:$0x3FA6] =	sst s2  }
0xb: {  	[smem:$0x3FA7] =	sst s3  }
0xc: {  	[smem:$0x3FA8] =	sst s4  }
0xd: {  	[smem:$0x3FA9] =	sst s5  }
0xe: {  	[smem:$0x3FAA] =	sst s6  }
0xf: {  	[smem:$0x3FAB] =	sst s7  }
0x10: {  	[smem:$0x3FAC] =	sst s8  }
0x11: {  	[smem:$0x3FAD] =	sst s9;
	s0 =	simm.s32 @!p0 $0x0  }
0x12: {  	s1 =	sld [smem:$0x3F93];
	s0 =	simm.s32 @p0 $0x1  }
0x13: {  	[smem:$0x3FAE] =	sst s0;
	s0 =	simm.s32 @!p1 $0x0  }
0x14: {  	s2 =	sld [smem:$0x3F92];
	s0 =	simm.s32 @p1 $0x1  }
0x15: {  	[smem:$0x3FAF] =	sst s0;
	s0 =	simm.s32 @!p2 $0x0  }
0x16: {  	s3 =	sld [smem:$0x3FDB];
	s0 =	simm.s32 @p2 $0x1  }
0x17: {  	s4 =	simm.s32 $0x1BF5;
	[smem:$0x3FB1] =	sst s0  }
0x18: {  	s0 =	sld [smem:$0x3F94];
	_ =	swait.ge [sflag:s4], $0x0  }
0x19: {  	s7 =	sld [smem:$0x3F95]  }
0x1a: {  	s8 =	sadd.s32 $0xFFFFE003, lr  }
0x1b: {  	s9 =	sadd.s32 $0xFFFFFEF7, lr;
	s5 =	simm.s32 $0xFFFFFFFF;
	p2 =	slt.u32 s8, $0xFFFFF086  }
0x1c: {  	p1 =	slt.u32 s9, $0xF7A;
	s5 =	simm.s32 @!p2 $0x0  }
0x1d: {  	s5 =	simm.s32 @p1 $0x1;
	p0 =	seq.s32 s7, s2  }
0x1e: {  	s7 =	smul.u32 @!p0 $0xF7A, s2;
	p2 =	seq.s32 @!p0 s5, $0x0  }
0x1f: {  	s9 =	smul.u32 $0xF7A, s1;
	s8 =	simm.s32 @!p0 $0x1BF5;
	p2 =	por !p2, p0  }
0x20: {  	[sflag:s8] =	ssyncset.s32 @!p0 $0xFFFFF086;
	s6 =	sadd.s32 @!p0 s3, s7;
	s7 =	simm.s32 @!p0 $0x108  }
0x21: {  	s3 =	sadd.s32 s3, s9;
	s6 =	sadd.s32 @!p0 $0x88, s6;
	s7 =	simm.s32 @p2 $0x1082  }
0x22: {  	[simem:s7], [sflag:s8] =	dma.local @!p0 [hbm:s6], $0xF7A  }
0x23: {  	s9 =	sor.u32 $0xD0000000, s2;
	s6 =	simm.s32 $0x108;
	_ =	swait.ge @!p0 [sflag:s8], $0x0  }
0x24: {  	s3 =	sadd.s32 $0x88, s3;
	s6 =	simm.s32 @!p1 $0x1082;
	[sflag:s4] =	ssyncset.s32 $0xFFFFF086  }
0x25: {  	[simem:s6], [sflag:s4] =	dma.local [hbm:s3], $0xF7A  }
0x26: {  	[smem:$0x3F95] =	sst s1;
	(tag) =	ssettag s2;
	_ =	strace s9  }
0x27: {  	s1 =	sld [smem:$0x3FA5]  }
0x28: {  	s2 =	sld [smem:$0x3FA6]  }
0x29: {  	s4 =	sld [smem:$0x3FA8]  }
0x2a: {  	p0 =	seq.s32 s5, $0x0;
	s5 =	sld [smem:$0x3FA9]  }
0x2b: {  	s6 =	sld [smem:$0x3FAA]  }
0x2c: {  	s7 =	sld [smem:$0x3FAB]  }
0x2d: {  	s3 =	simm.s32 $0x108;
	s8 =	sld [smem:$0x3FAC]  }
0x2e: {  	s3 =	simm.s32 @!p0 $0x1082;
	s9 =	sld [smem:$0x3FAD]  }
0x2f: {  	lr =	sadd.s32 s0, s3;
	s0 =	sld [smem:$0x3FA4]  }
0x30: {  	s3 =	sld [smem:$0x3FA7]  }
0x31: {  	[smem:$0x3FB0] =	sst s10  }
0x32: {  	s10 =	sld [smem:$0x3FAE];
	_ =	sdelay $0x3  }
0x33: {  	p0 =	seq.s32 s10, $0x1;
	s10 =	sld [smem:$0x3FB0];
	_ =	sdelay $0x3  }
0x34: {  	[smem:$0x3FB0] =	sst s10  }
0x35: {  	s10 =	sld [smem:$0x3FAF];
	_ =	sdelay $0x3  }
0x36: {  	p1 =	seq.s32 s10, $0x1;
	s10 =	sld [smem:$0x3FB0];
	_ =	sdelay $0x3  }
0x37: {  	[smem:$0x3FB0] =	sst s10  }
0x38: {  	s10 =	sld [smem:$0x3FB1]  }
0x39: {  	_ = 	snop;
	(pc) =	sbr.ind lr, $3  }
0x3a: {  	_ = 	snop  }
0x3b: {  	_ = 	snop  }
0x3c: {  	p2 =	seq.s32 s10, $0x1;
	s10 =	sld [smem:$0x3FB0]  }
0x3d: {  	_ =	shalt  }
0x3e: {  	_ =	shalt  }
0x3f: {  	_ =	shalt  }
0x40: {  	_ =	shalt  }
0x41: {  	_ =	shalt  }
0x42: {  	_ =	shalt  }
0x43: {  	_ =	shalt  }
0x44: {  	_ =	shalt  }
0x45: {  	_ =	shalt  }
0x46: {  	_ =	shalt  }
0x47: {  	_ =	shalt  }
0x48: {  	_ =	shalt  }
0x49: {  	_ =	shalt  }
0x4a: {  	_ =	shalt  }
0x4b: {  	_ =	shalt  }
0x4c: {  	_ =	shalt  }
0x4d: {  	_ =	shalt  }
0x4e: {  	_ =	shalt  }
0x4f: {  	_ =	shalt  }
0x50: {  	_ =	shalt  }
0x51: {  	_ =	shalt  }
0x52: {  	_ =	shalt  }
0x53: {  	_ =	shalt  }
0x54: {  	_ =	shalt  }
0x55: {  	_ =	shalt  }
0x56: {  	_ =	shalt  }
0x57: {  	_ =	shalt  }
0x58: {  	_ =	shalt  }
0x59: {  	_ =	shalt  }
0x5a: {  	_ =	shalt  }
0x5b: {  	_ =	shalt  }
0x5c: {  	_ =	shalt  }
0x5d: {  	_ =	shalt  }
0x5e: {  	_ =	shalt  }
0x5f: {  	_ =	shalt  }
0x60: {  	_ =	shalt  }
0x61: {  	_ =	shalt  }
0x62: {  	_ =	shalt  }
0x63: {  	_ =	shalt  }
0x64: {  	_ =	shalt  }
0x65: {  	_ =	shalt  }
0x66: {  	_ =	shalt  }
0x67: {  	_ =	shalt  }
0x68: {  	_ =	shalt  }
0x69: {  	_ =	shalt  }
0x6a: {  	_ =	shalt  }
0x6b: {  	_ =	shalt  }
0x6c: {  	_ =	shalt  }
0x6d: {  	_ =	shalt  }
0x6e: {  	_ =	shalt  }
0x6f: {  	_ =	shalt  }
0x70: {  	_ =	shalt  }
0x71: {  	_ =	shalt  }
0x72: {  	_ =	shalt  }
0x73: {  	_ =	shalt  }
0x74: {  	_ =	shalt  }
0x75: {  	_ =	shalt  }
0x76: {  	_ =	shalt  }
0x77: {  	_ =	shalt  }
0x78: {  	_ =	shalt  }
0x79: {  	_ =	shalt  }
0x7a: {  	_ =	shalt  }
0x7b: {  	_ =	shalt  }
0x7c: {  	_ =	shalt  }
0x7d: {  	_ =	shalt  }
0x7e: {  	_ =	shalt  }
0x7f: {  	_ =	shalt  }
0x80: {  	_ =	shalt  }
0x81: {  	_ =	shalt  }
0x82: {  	_ =	shalt  }
0x83: {  	_ =	shalt  }
0x84: {  	_ =	shalt  }
0x85: {  	_ =	shalt  }
0x86: {  	_ =	shalt  }
0x87: {  	_ =	shalt  }
.Lfunc_end0:
.L_simem_size_0:
called_computation.2_lowered:
.L_overlay_start_0:
0x88: {  	s2 =	sld [smem:$0x3FD9]  }
0x89: {  	s3 =	sld [smem:$0x3FFE];
	_ =	sdelay $0x1  }
0x8a: {  	s1 =	srdreg.scid  }
0x8b: {  	s0 =	sand.u32 $0x1, s1  }
0x8c: {  	s14 =	sshll.u32 s0, $0xA;
	s2 =	sadd.s32 s3, s2  }
0x8d: {  	s2 =	sadd.s32 s2, s14  }
0x8e: {  	[smem:$0x3FBC] =	sst s2  }
0x8f: {  	_ = 	snop  }
0x90: {  	s2 =	sld [smem:$0x3FD0];
	_ =	sdelay $0x2  }
0x91: {  	s15 =	simm.s32 $0xB;
	s4 =	simm.s32 $0x10  }
0x92: {  	[smem:s4], [sflag:s15] =	dma.local [hbm:s2], $0x1  }
0x93: {  	_ =	swait.eq [sflag:s15], $0x1  }
0x94: {  	[sflag:s15] =	ssyncset.done $0x0  }
0x95: {  	[sflag:s15] =	ssyncadd.s32 $0xFFFFFFFF  }
0x96: {  	s16 =	sld [smem:$0x10];
	(tm) =	ssettm $0x1  }
0x97: {  	s17 =	sld [smem:$0x3FFB];
	_ =	sdelay $0x3  }
0x98: {  	_ =	strace s17  }
0x99: {  	s3 =	sld [smem:$0x3FFC];
	_ =	sdelay $0x3  }
0x9a: {  	_ =	strace s3  }
0x9b: {  	s3 =	sld [smem:$0x3FFD];
	_ =	sdelay $0x3  }
0x9c: {  	_ =	strace s3  }
0x9d: {  	_ =	strace $0x8FFFFFFF  }
0x9e: {  	s18 =	sld [smem:$0x3FDB];
	_ =	sdelay $0x1  }
0x9f: {  	s19 =	simm.s32 $_scs_section_size  }
0xa0: {  	s5 =	simm.s32 $_size__tile_overlayer_lowered;
	s6 =	simm.s32 $_tile_overlayer_lowered  }
0xa1: {  	s22 =	simm.s32 $0x1BFF;
	s21 =	sshll.u32 s6, $0x1;
	s3 =	sadd.s32 s19, s18  }
0xa2: {  	s7 =	simm.s32 $0x0;
	s20 =	sshll.u32 s5, $0x1;
	s5 =	sadd.s32 s21, s3  }
0xa3: {  	[timem:s7], [sflag:s22] =	dma.local [hbm:s5], s20  }
0xa4: {  	_ =	swait.ge [sflag:s22], s20  }
0xa5: {  	s4 =	ssub.s32 $0x0, s20;
	[sflag:s22] =	ssyncset.done $0x0  }
0xa6: {  	[sflag:s22] =	ssyncadd.s32 s4;
	_ =	sdelay $0x1  }
0xa7: {  	s23 =	simm.s32 $0x1B8B  }
0xa8: {  	_ =	swait.ge [sflag:s23], $0x1  }
0xa9: {  	[sflag:s23] =	ssyncset.done $0x0  }
0xaa: {  	s25 =	simm.s32 $0x1B8E;
	s24 =	sld [smem:$0x3FFE];
	[sflag:s23] =	ssyncadd.s32 $0xFFFFFFFF  }
0xab: {  	s26 =	simm.s32 $execute0_lowered;
	[smem:$0x3FD2] =	sst s25  }
0xac: {  	s5 =	sshll.u32 s26, $0x1;
	_ =	strace $0x80000049;
	[dreg:$0x1] =	wrdreg $0xFFFFFFFF  }
0xad: {  	s28 =	simm.s32 $_size_execute0_lowered;
	s3 =	sadd.s32 s3, s5;
	[dreg:$0x0] =	wrdreg $0x0  }
0xae: {  	s5 =	sshll.u32 s28, $0x1;
	[dreg:$0x2] =	wrdreg s3  }
0xaf: {  	[dreg:$0x3] =	wrdreg s5  }
0xb0: {  	[dreg:$0x4] =	wrdreg $0xC0  }
0xb1: {  	_ =	task [dreg:s7], $0x5FFFF  }
0xb2: {  	[dreg:$0x1] =	wrdreg $0xFFFFFFFF  }
0xb3: {  	[dreg:$0x0] =	wrdreg $0x60  }
0xb4: {  	[dreg:$0x2] =	wrdreg s16  }
0xb5: {  	[dreg:$0x3] =	wrdreg s24  }
0xb6: {  	[dreg:$0x4] =	wrdreg $0xA  }
0xb7: {  	_ =	task.clear_ibuf [dreg:s7], $0x5FFFF;
	_ =	strace $0x90000049  }
0xb8: {  	s29 =	simm.s32 $0xA;
	_ =	strace $0x8000004B  }
0xb9: {  	_ =	swait.ge [sflag:s29], $0x1  }
0xba: {  	[sflag:s29] =	ssyncadd.s32 $0xFFFFFFFF  }
0xbb: {  	_ =	strace $0x9000004B  }
0xbc: {  	_ =	sfence  }
0xbd: {  	s30 =	sld [smem:$0x0];
	_ =	sdelay $0x2  }
0xbe: {  	s31 =	sshll.u32 s1, $0xD;
	s1 =	sshrl.u32 s1, $0x2  }
0xbf: {  	s3 =	sand.u32 $0x4000, s31;
	s1 =	sadd.s32 s1, s30  }
0xc0: {  	s0 =	sor.u32 s3, s0;
	s1 =	sshll.u32 s1, $0x11  }
0xc1: {  	s0 =	sor.u32 s1, s0  }
0xc2: {  	s0 =	sadd.s32 $0x8F2B, s0  }
0xc3: {  	[sflag:s0] =	ssyncadd.remote.s32 $0x1  }
0xc4: {  	_ =	sfence.sel $0xFFFF  }
0xc5: {  	[dreg:$0x0] =	wrdreg $0xFFFFFFFF;
	(pc) =	sbr.abs _section_cstart, $3  }
0xc6: {  	[dreg:$0x1] =	wrdreg $0xFFFFFFFF  }
0xc7: {  	_ =	task.clear_ibuf [dreg:s7], $0x2FFFF;
	_ =	strace $0x9FFFFFFF  }
0xc8: {  	(tm) =	ssettm $0x7FFFFFFF  }
0xc9: {  	_ =	shalt  }
tec
execute0_lowered:
.L_overlay_start_1:
0x0: {  	(tag) =	ssettag $0x1  }
0x1: {  	s0 =	srdreg.scid;
	s2 =	rddreg [dreg:$0x0]  }
0x2: {  	s1 =	rddreg [dreg:$0x1];
	s7 =	stileid.u32  }
0x3: {  	s3 =	simm.s32 $0x0;
	s11 =	simm.s32 $0x50;
	s22 =	simm.s32 $0x9E00  }
0x4: {  	s24 =	simm.s32 $0x13E00;
	s25 =	simm.s32 $0x1;
	s28 =	simm.s32 $0x9  }
0x5: {  	s29 =	simm.s32 $0xD;
	s30 =	simm.s32 $0x2;
	s31 =	simm.s32 $0x6  }
0x6: {  	s15 =	simm.s32 $0x3;
	s17 =	simm.s32 $0x7;
	s19 =	simm.s32 $0xB  }
0x7: {  	s21 =	simm.s32 $0xF;
	s23 =	simm.s32 $0x4;
	s0 =	sand.u32 $0x1, s0  }
0x8: {  	s4 =	sshll.u32 s0, $0x4;
	s5 =	smul.u32 $0x12C000, s0;
	s0 =	ssub.s32 $0x2, s0  }
0x9: {  	s10 =	simm.s32 $0x0;
	s4 =	sor.u32 s7, s4;
	s6 =	sshrl.u32 s0, $0x1  }
0xa: {  	[smem:$0x7FF] =	sst s3;
	s4 =	smul.u32 $0x12C0, s4;
	s0 =	ssub.s32 s0, s6  }
0xb: {  	_ =	strace $0x8000004A;
	s7 =	smul.u32 $0x12C00, s7;
	s0 =	smax.u32 s0, $0x1  }
0xc: {  	s6 =	simm.s32 $0x10;
	s4 =	sshrl.u32 s4, $0x3;
	[dreg:$0x5] =	wrdreg s0  }
.Ltmp0:
0xd: {  	s0 =	simm.s32 $0xA;
	s4 =	sadd.s32 s4, s1;
	(pc) =	sbr.rel .LBB2_1-.Ltmp0, $4  }
0xe: {  	s1 =	sadd.s32 s5, s1;
	s5 =	simm.s32 $0xC;
	s26 =	sadd.s32 $0x25C00, s4  }
0xf: {  	s4 =	sadd.s32 $0x21000, s4;
	s1 =	sadd.s32 s7, s1;
	[dreg:$0x3] =	wrdreg s26  }
0x10: {  	[dreg:$0x4] =	wrdreg s4;
	s7 =	sadd.s32 $0x2A800, s1;
	s8 =	sadd.s32 $0x282800, s1  }
0x11: {  	s26 =	simm.s32 $0x5;
	s1 =	simm.s32 $0xE;
	s4 =	simm.s32 $0x8  }
.LBB2_4:
0x12: {  	s10 =	rddreg [dreg:$0x6]  }
0x13: {  	s9 =	rddreg [dreg:$0x5];
	s10 =	sadd.s32 $0x1, s10  }
0x14: {  	p0 =	sne.s32 s10, s9  }
.Ltmp1:
0x15: {  	_ = 	snop;
	(pc) =	sbr.rel @!p0 .LBB2_5-.Ltmp1, $1  }
0x16: {  	_ =	sdelay $0x3  }
.LBB2_1:
0x17: {  	[dreg:$0x6] =	wrdreg s10  }
0x18: {  	s9 =	rddreg [dreg:$0x3];
	s18 =	simm.s32 $0x11  }
0x19: {  	[tilespmem:s3], [sflag:$0x11] =	stream.linear.gather [hbm4b:s9+s3], $0x12C0, $0x38;
	[tilespmem:$0x16600] =	vst v63  }
0x1a: {  	_ =	swait.ge [sflag:s18], $0x12C0  }
0x1b: {  	[sflag:s18] =	ssyncset.done $0x0  }
0x1c: {  	s12 =	simm.s32 $0x1300;
	s20 =	rddreg [dreg:$0x4];
	[sflag:s18] =	ssyncadd.s32 $0xFFFFED40  }
0x1d: {  	[tilespmem:s12], [sflag:$0x11] =	stream.linear.gather [hbm4b:s20+s3], $0x12C0, $0x38;
	[tilespmem:$0x16600] =	vst v63  }
0x1e: {  	_ =	swait.ge [sflag:s18], $0x12C0  }
0x1f: {  	[sflag:s18] =	ssyncset.done $0x0  }
0x20: {  	s13 =	simm.s32 $0x2600;
	[sflag:s18] =	ssyncadd.s32 $0xFFFFED40  }
0x21: {  	[tilespmem:s13], [sflag:$0x1] =	stream.indirect.gather [hbm4b:s2+s11], $0x80, s3, s11, $0xb8;
	[tilespmem:$0x16600] =	vst v63  }
0x22: {  	s14 =	simm.s32 $0xC600  }
0x23: {  	[tilespmem:s14], [sflag:$0x5] =	stream.indirect.gather [hbm4b:s2+s11], $0x80, s12, s11, $0xb8;
	[tilespmem:$0x16600] =	vst v63  }
0x24: {  	s16 =	simm.s32 $0x4E00  }
0x25: {  	[tilespmem:s16], [sflag:$0x2] =	stream.indirect.gather [hbm4b:s2+s11], $0x80, s11, s11, $0xb8;
	[tilespmem:$0x16600] =	vst v63  }
0x26: {  	s20 =	simm.s32 $0xEE00;
	s18 =	simm.s32 $0x1350  }
0x27: {  	[tilespmem:s20], [sflag:$0x6] =	stream.indirect.gather [hbm4b:s2+s11], $0x80, s18, s11, $0xb8;
	[tilespmem:$0x16600] =	vst v63  }
0x28: {  	s13 =	simm.s32 $0x7600;
	s12 =	simm.s32 $0xA0  }
0x29: {  	[tilespmem:s13], [sflag:$0x3] =	stream.indirect.gather [hbm4b:s2+s11], $0x80, s12, s11, $0xb8;
	[tilespmem:$0x16600] =	vst v63  }
0x2a: {  	s14 =	simm.s32 $0x13A0;
	s16 =	simm.s32 $0x11600  }
0x2b: {  	[tilespmem:s16], [sflag:$0x7] =	stream.indirect.gather [hbm4b:s2+s11], $0x80, s14, s11, $0xb8;
	[tilespmem:$0x16600] =	vst v63  }
0x2c: {  	s18 =	simm.s32 $0xF0  }
0x2d: {  	[tilespmem:s22], [sflag:$0x4] =	stream.indirect.gather [hbm4b:s2+s11], $0x80, s18, s11, $0xb8;
	[tilespmem:$0x16600] =	vst v63  }
0x2e: {  	s10 =	simm.s32 $0x0;
	s9 =	simm.s32 $0x0;
	s20 =	simm.s32 $0x13F0  }
0x2f: {  	[tilespmem:s24], [sflag:$0x8] =	stream.indirect.gather [hbm4b:s2+s11], $0x80, s20, s11, $0xb8;
	[tilespmem:$0x16600] =	vst v63  }
.LBB2_2:
0x30: {  	_ =	swait.ge [sflag:s25], $0x2800  }
0x31: {  	[sflag:s25] =	ssyncset.done $0x0  }
0x32: {  	[sflag:s25] =	ssyncadd.s32 $0xFFFFD800  }
0x33: {  	_ =	swait.ge [sflag:s26], $0x2800  }
0x34: {  	[sflag:s26] =	ssyncset.done $0x0  }
0x35: {  	s12 =	sadd.s32 s10, s7;
	s13 =	simm.s32 $0x2600;
	[sflag:s26] =	ssyncadd.s32 $0xFFFFD800  }
0x36: {  	[hbm4b:s12+s3] =	stream.linear.scatter [tilespmem:s13], [sflag:$0x9], $0x2800, $0x38;
	[tilespmem:$0x16600] =	vst v63  }
0x37: {  	s14 =	simm.s32 $0xC600;
	s13 =	sadd.s32 s10, s8  }
0x38: {  	[hbm4b:s13+s3] =	stream.linear.scatter [tilespmem:s14], [sflag:$0xD], $0x2800, $0x38;
	[tilespmem:$0x16600] =	vst v63  }
0x39: {  	_ =	swait.ge [sflag:s28], $0x2800  }
0x3a: {  	[sflag:s28] =	ssyncset.done $0x0  }
0x3b: {  	[sflag:s28] =	ssyncadd.s32 $0xFFFFD800  }
0x3c: {  	p0 =	seq.s32 s10, $0x11800;
	_ =	swait.ge [sflag:s29], $0x2800  }
0x3d: {  	s18 =	simm.s32 @!p0 $0x50;
	s14 =	sshra.s32 @!p0 s9, $0x2;
	[sflag:s29] =	ssyncset.done $0x0  }
0x3e: {  	s20 =	simm.s32 @!p0 $0x2600;
	s16 =	sadd.s32 @!p0 $0x140, s14;
	[sflag:s29] =	ssyncadd.s32 $0xFFFFD800  }
0x3f: {  	[tilespmem:s20], [sflag:$0x1] =	stream.indirect.gather @!p0 [hbm4b:s2+s18], $0x80, s16, s18, $0xb8;
	[tilespmem:$0x16600] =	vst v63  }
0x40: {  	s16 =	sadd.s32 @!p0 $0x1440, s14;
	s20 =	simm.s32 @!p0 $0xC600  }
0x41: {  	[tilespmem:s20], [sflag:$0x5] =	stream.indirect.gather @!p0 [hbm4b:s2+s18], $0x80, s16, s18, $0xb8;
	[tilespmem:$0x16600] =	vst v63  }
0x42: {  	_ =	swait.ge [sflag:s30], $0x2800  }
0x43: {  	[sflag:s30] =	ssyncset.done $0x0  }
0x44: {  	[sflag:s30] =	ssyncadd.s32 $0xFFFFD800  }
0x45: {  	_ =	swait.ge [sflag:s31], $0x2800  }
0x46: {  	[sflag:s31] =	ssyncset.done $0x0  }
0x47: {  	s16 =	sadd.s32 $0x500, s12;
	s20 =	simm.s32 $0x4E00;
	[sflag:s31] =	ssyncadd.s32 $0xFFFFD800  }
0x48: {  	[hbm4b:s16+s3] =	stream.linear.scatter [tilespmem:s20], [sflag:$0xA], $0x2800, $0x38;
	[tilespmem:$0x16600] =	vst v63  }
0x49: {  	s16 =	sadd.s32 $0x500, s13;
	s20 =	simm.s32 $0xEE00  }
0x4a: {  	[hbm4b:s16+s3] =	stream.linear.scatter [tilespmem:s20], [sflag:$0xE], $0x2800, $0x38;
	[tilespmem:$0x16600] =	vst v63  }
0x4b: {  	_ =	swait.ge [sflag:s0], $0x2800  }
0x4c: {  	[sflag:s0] =	ssyncset.done $0x0  }
0x4d: {  	[sflag:s0] =	ssyncadd.s32 $0xFFFFD800  }
0x4e: {  	_ =	swait.ge [sflag:s1], $0x2800  }
0x4f: {  	[sflag:s1] =	ssyncset.done $0x0  }
0x50: {  	s16 =	sadd.s32 @!p0 $0x190, s14;
	s20 =	simm.s32 @!p0 $0x4E00;
	[sflag:s1] =	ssyncadd.s32 $0xFFFFD800  }
0x51: {  	[tilespmem:s20], [sflag:$0x2] =	stream.indirect.gather @!p0 [hbm4b:s2+s18], $0x80, s16, s18, $0xb8;
	[tilespmem:$0x16600] =	vst v63  }
0x52: {  	s16 =	sadd.s32 @!p0 $0x1490, s14;
	s20 =	simm.s32 @!p0 $0xEE00  }
0x53: {  	[tilespmem:s20], [sflag:$0x6] =	stream.indirect.gather @!p0 [hbm4b:s2+s18], $0x80, s16, s18, $0xb8;
	[tilespmem:$0x16600] =	vst v63  }
0x54: {  	_ =	swait.ge [sflag:s15], $0x2800  }
0x55: {  	[sflag:s15] =	ssyncset.done $0x0  }
0x56: {  	[sflag:s15] =	ssyncadd.s32 $0xFFFFD800  }
0x57: {  	_ =	swait.ge [sflag:s17], $0x2800  }
0x58: {  	[sflag:s17] =	ssyncset.done $0x0  }
0x59: {  	s16 =	sadd.s32 $0xA00, s12;
	s20 =	simm.s32 $0x7600;
	[sflag:s17] =	ssyncadd.s32 $0xFFFFD800  }
0x5a: {  	[hbm4b:s16+s3] =	stream.linear.scatter [tilespmem:s20], [sflag:$0xB], $0x2800, $0x38;
	[tilespmem:$0x16600] =	vst v63  }
0x5b: {  	s16 =	sadd.s32 $0xA00, s13;
	s20 =	simm.s32 $0x11600  }
0x5c: {  	[hbm4b:s16+s3] =	stream.linear.scatter [tilespmem:s20], [sflag:$0xF], $0x2800, $0x38;
	[tilespmem:$0x16600] =	vst v63  }
0x5d: {  	_ =	swait.ge [sflag:s19], $0x2800  }
0x5e: {  	[sflag:s19] =	ssyncset.done $0x0  }
0x5f: {  	[sflag:s19] =	ssyncadd.s32 $0xFFFFD800  }
0x60: {  	_ =	swait.ge [sflag:s21], $0x2800  }
0x61: {  	[sflag:s21] =	ssyncset.done $0x0  }
0x62: {  	s16 =	sadd.s32 @!p0 $0x1E0, s14;
	s20 =	simm.s32 @!p0 $0x7600;
	[sflag:s21] =	ssyncadd.s32 $0xFFFFD800  }
0x63: {  	[tilespmem:s20], [sflag:$0x3] =	stream.indirect.gather @!p0 [hbm4b:s2+s18], $0x80, s16, s18, $0xb8;
	[tilespmem:$0x16600] =	vst v63  }
0x64: {  	s14 =	sadd.s32 @!p0 $0x14E0, s14;
	s16 =	simm.s32 @!p0 $0x11600  }
0x65: {  	[tilespmem:s16], [sflag:$0x7] =	stream.indirect.gather @!p0 [hbm4b:s2+s18], $0x80, s14, s18, $0xb8;
	[tilespmem:$0x16600] =	vst v63  }
0x66: {  	_ =	swait.ge [sflag:s23], $0x2800  }
0x67: {  	[sflag:s23] =	ssyncset.done $0x0  }
0x68: {  	[sflag:s23] =	ssyncadd.s32 $0xFFFFD800  }
0x69: {  	_ =	swait.ge [sflag:s4], $0x2800  }
0x6a: {  	[sflag:s4] =	ssyncset.done $0x0  }
0x6b: {  	s12 =	sadd.s32 $0xF00, s12;
	[sflag:s4] =	ssyncadd.s32 $0xFFFFD800  }
0x6c: {  	[hbm4b:s12+s3] =	stream.linear.scatter [tilespmem:s22], [sflag:$0xC], $0x2800, $0x38;
	[tilespmem:$0x16600] =	vst v63  }
0x6d: {  	s20 =	sadd.s32 $0xF00, s13  }
0x6e: {  	[hbm4b:s20+s3] =	stream.linear.scatter [tilespmem:s24], [sflag:$0x10], $0x2800, $0x38;
	[tilespmem:$0x16600] =	vst v63  }
0x6f: {  	_ =	swait.ge [sflag:s5], $0x2800  }
.Ltmp2:
0x70: {  	[sflag:s5] =	ssyncset.done $0x0;
	(pc) =	sbr.rel @p0 .LBB2_4-.Ltmp2, $4  }
0x71: {  	[sflag:s5] =	ssyncadd.s32 $0xFFFFD800  }
0x72: {  	_ =	swait.ge [sflag:s6], $0x2800  }
0x73: {  	[sflag:s6] =	ssyncset.done $0x0  }
0x74: {  	[sflag:s6] =	ssyncadd.s32 $0xFFFFD800  }
.Ltmp3:
0x75: {  	s12 =	sshra.s32 s9, $0x2;
	(pc) =	sbr.rel .LBB2_2-.Ltmp3, $4  }
0x76: {  	s13 =	sadd.s32 $0x230, s12  }
0x77: {  	[tilespmem:s22], [sflag:$0x4] =	stream.indirect.gather [hbm4b:s2+s11], $0x80, s13, s11, $0xb8;
	[tilespmem:$0x16600] =	vst v63  }
0x78: {  	s10 =	sadd.s32 $0x1400, s10;
	s9 =	sadd.s32 $0x500, s9;
	s12 =	sadd.s32 $0x1530, s12  }
0x79: {  	[tilespmem:s24], [sflag:$0x8] =	stream.indirect.gather [hbm4b:s2+s11], $0x80, s12, s11, $0xb8;
	[tilespmem:$0x16600] =	vst v63  }
.LBB2_5:
0x7a: {  	_ =	sfence.sel $0x180000  }
0x7b: {  	[bflag:$0x0] =	sbarrier.arrive $0xFFFF  }
0x7c: {  	_ =	strace $0x9000004A  }
0x7d: {  	s0 =	stileid.u32;
	[bflag:$0x2] =	sbarrier.arrive $0xFFFF  }
0x7e: {  	p0 =	sne.s32 s0, $0x0;
	s0 =	rddreg [dreg:$0x2]  }
0x7f: {  	s0 =	sadd.s32 @!p0 $0x100000, s0  }
0x80: {  	[sflag:s0] =	ssyncadd.tile.s32 @!p0 $0x1;
	_ =	shalt  }
.Lfunc_end2:
_tile_overlayer_lowered:
.L_overlay_start_2:
0x81: {  	(tag) =	ssettag $0x2  }
0x82: {  	s0 =	rddreg [dreg:$0x0];
	s2 =	stileid.u32  }
0x83: {  	s1 =	rddreg [dreg:$0x1];
	p0 =	sne.s32 s2, $0x0  }
0x84: {  	s3 =	rddreg [dreg:$0x2];
	[bflag:$0x3] =	sbarrier.arrive $0xFFFF;
	s2 =	simm.s32 @!p0 $0x1C11  }
0x85: {  	[timem:s3], [sflag:s2] =	dma.local @!p0 [hbm:s0], s1  }
0x86: {  	s0 =	simm.s32 @!p0 $0x11  }
0x87: {  	_ =	swait.ge @!p0 [sflag:s0], s1  }
0x88: {  	s1 =	ssub.s32 @!p0 $0x0, s1;
	[sflag:s0] =	ssyncset.done @!p0 $0x0  }
0x89: {  	[sflag:s0] =	ssyncadd.s32 @!p0 s1  }
0x8a: {  	[bflag:$0x3] =	sbarrier.arrive $0xFFFF  }
0x8b: {  	_ =	shalt  }

// kernel: kernel.21.cloned.1.call-start
scs
__scs_entry_jumppad:
0x0: {  	(pc) =	sbr.rel $0x88, $3  }
0x1: {  	(tag) =	ssettag $0x0;
	lr =	simm.s32 $0x1  }
0x2: {  	[smem:$0x3F95] =	sst lr;
	_ =	strace $0xD0000000  }
0x3: {  	_ = 	snop  }
0x4: {  	_ = 	snop  }
0x5: {  	_ = 	snop  }
0x6: {  	_ = 	snop  }
0x7: {  	_ = 	snop  }
__scs_overlays_trampoline_lowered:
0x8: {  	[smem:$0x3FA4] =	sst s0  }
0x9: {  	[smem:$0x3FA5] =	sst s1  }
0xa: {  	[smem:$0x3FA6] =	sst s2  }
0xb: {  	[smem:$0x3FA7] =	sst s3  }
0xc: {  	[smem:$0x3FA8] =	sst s4  }
0xd: {  	[smem:$0x3FA9] =	sst s5  }
0xe: {  	[smem:$0x3FAA] =	sst s6  }
0xf: {  	[smem:$0x3FAB] =	sst s7  }
0x10: {  	[smem:$0x3FAC] =	sst s8  }
0x11: {  	[smem:$0x3FAD] =	sst s9;
	s0 =	simm.s32 @!p0 $0x0  }
0x12: {  	s1 =	sld [smem:$0x3F93];
	s0 =	simm.s32 @p0 $0x1  }
0x13: {  	[smem:$0x3FAE] =	sst s0;
	s0 =	simm.s32 @!p1 $0x0  }
0x14: {  	s2 =	sld [smem:$0x3F92];
	s0 =	simm.s32 @p1 $0x1  }
0x15: {  	[smem:$0x3FAF] =	sst s0;
	s0 =	simm.s32 @!p2 $0x0  }
0x16: {  	s3 =	sld [smem:$0x3FDB];
	s0 =	simm.s32 @p2 $0x1  }
0x17: {  	s4 =	simm.s32 $0x1BF5;
	[smem:$0x3FB1] =	sst s0  }
0x18: {  	s0 =	sld [smem:$0x3F94];
	_ =	swait.ge [sflag:s4], $0x0  }
0x19: {  	s7 =	sld [smem:$0x3F95]  }
0x1a: {  	s8 =	sadd.s32 $0xFFFFE003, lr  }
0x1b: {  	s9 =	sadd.s32 $0xFFFFFEF7, lr;
	s5 =	simm.s32 $0xFFFFFFFF;
	p2 =	slt.u32 s8, $0xFFFFF086  }
0x1c: {  	p1 =	slt.u32 s9, $0xF7A;
	s5 =	simm.s32 @!p2 $0x0  }
0x1d: {  	s5 =	simm.s32 @p1 $0x1;
	p0 =	seq.s32 s7, s2  }
0x1e: {  	s7 =	smul.u32 @!p0 $0xF7A, s2;
	p2 =	seq.s32 @!p0 s5, $0x0  }
0x1f: {  	s9 =	smul.u32 $0xF7A, s1;
	s8 =	simm.s32 @!p0 $0x1BF5;
	p2 =	por !p2, p0  }
0x20: {  	[sflag:s8] =	ssyncset.s32 @!p0 $0xFFFFF086;
	s6 =	sadd.s32 @!p0 s3, s7;
	s7 =	simm.s32 @!p0 $0x108  }
0x21: {  	s3 =	sadd.s32 s3, s9;
	s6 =	sadd.s32 @!p0 $0x88, s6;
	s7 =	simm.s32 @p2 $0x1082  }
0x22: {  	[simem:s7], [sflag:s8] =	dma.local @!p0 [hbm:s6], $0xF7A  }
0x23: {  	s9 =	sor.u32 $0xD0000000, s2;
	s6 =	simm.s32 $0x108;
	_ =	swait.ge @!p0 [sflag:s8], $0x0  }
0x24: {  	s3 =	sadd.s32 $0x88, s3;
	s6 =	simm.s32 @!p1 $0x1082;
	[sflag:s4] =	ssyncset.s32 $0xFFFFF086  }
0x25: {  	[simem:s6], [sflag:s4] =	dma.local [hbm:s3], $0xF7A  }
0x26: {  	[smem:$0x3F95] =	sst s1;
	(tag) =	ssettag s2;
	_ =	strace s9  }
0x27: {  	s1 =	sld [smem:$0x3FA5]  }
0x28: {  	s2 =	sld [smem:$0x3FA6]  }
0x29: {  	s4 =	sld [smem:$0x3FA8]  }
0x2a: {  	p0 =	seq.s32 s5, $0x0;
	s5 =	sld [smem:$0x3FA9]  }
0x2b: {  	s6 =	sld [smem:$0x3FAA]  }
0x2c: {  	s7 =	sld [smem:$0x3FAB]  }
0x2d: {  	s3 =	simm.s32 $0x108;
	s8 =	sld [smem:$0x3FAC]  }
0x2e: {  	s3 =	simm.s32 @!p0 $0x1082;
	s9 =	sld [smem:$0x3FAD]  }
0x2f: {  	lr =	sadd.s32 s0, s3;
	s0 =	sld [smem:$0x3FA4]  }
0x30: {  	s3 =	sld [smem:$0x3FA7]  }
0x31: {  	[smem:$0x3FB0] =	sst s10  }
0x32: {  	s10 =	sld [smem:$0x3FAE];
	_ =	sdelay $0x3  }
0x33: {  	p0 =	seq.s32 s10, $0x1;
	s10 =	sld [smem:$0x3FB0];
	_ =	sdelay $0x3  }
0x34: {  	[smem:$0x3FB0] =	sst s10  }
0x35: {  	s10 =	sld [smem:$0x3FAF];
	_ =	sdelay $0x3  }
0x36: {  	p1 =	seq.s32 s10, $0x1;
	s10 =	sld [smem:$0x3FB0];
	_ =	sdelay $0x3  }
0x37: {  	[smem:$0x3FB0] =	sst s10  }
0x38: {  	s10 =	sld [smem:$0x3FB1]  }
0x39: {  	_ = 	snop;
	(pc) =	sbr.ind lr, $3  }
0x3a: {  	_ = 	snop  }
0x3b: {  	_ = 	snop  }
0x3c: {  	p2 =	seq.s32 s10, $0x1;
	s10 =	sld [smem:$0x3FB0]  }
0x3d: {  	_ =	shalt  }
0x3e: {  	_ =	shalt  }
0x3f: {  	_ =	shalt  }
0x40: {  	_ =	shalt  }
0x41: {  	_ =	shalt  }
0x42: {  	_ =	shalt  }
0x43: {  	_ =	shalt  }
0x44: {  	_ =	shalt  }
0x45: {  	_ =	shalt  }
0x46: {  	_ =	shalt  }
0x47: {  	_ =	shalt  }
0x48: {  	_ =	shalt  }
0x49: {  	_ =	shalt  }
0x4a: {  	_ =	shalt  }
0x4b: {  	_ =	shalt  }
0x4c: {  	_ =	shalt  }
0x4d: {  	_ =	shalt  }
0x4e: {  	_ =	shalt  }
0x4f: {  	_ =	shalt  }
0x50: {  	_ =	shalt  }
0x51: {  	_ =	shalt  }
0x52: {  	_ =	shalt  }
0x53: {  	_ =	shalt  }
0x54: {  	_ =	shalt  }
0x55: {  	_ =	shalt  }
0x56: {  	_ =	shalt  }
0x57: {  	_ =	shalt  }
0x58: {  	_ =	shalt  }
0x59: {  	_ =	shalt  }
0x5a: {  	_ =	shalt  }
0x5b: {  	_ =	shalt  }
0x5c: {  	_ =	shalt  }
0x5d: {  	_ =	shalt  }
0x5e: {  	_ =	shalt  }
0x5f: {  	_ =	shalt  }
0x60: {  	_ =	shalt  }
0x61: {  	_ =	shalt  }
0x62: {  	_ =	shalt  }
0x63: {  	_ =	shalt  }
0x64: {  	_ =	shalt  }
0x65: {  	_ =	shalt  }
0x66: {  	_ =	shalt  }
0x67: {  	_ =	shalt  }
0x68: {  	_ =	shalt  }
0x69: {  	_ =	shalt  }
0x6a: {  	_ =	shalt  }
0x6b: {  	_ =	shalt  }
0x6c: {  	_ =	shalt  }
0x6d: {  	_ =	shalt  }
0x6e: {  	_ =	shalt  }
0x6f: {  	_ =	shalt  }
0x70: {  	_ =	shalt  }
0x71: {  	_ =	shalt  }
0x72: {  	_ =	shalt  }
0x73: {  	_ =	shalt  }
0x74: {  	_ =	shalt  }
0x75: {  	_ =	shalt  }
0x76: {  	_ =	shalt  }
0x77: {  	_ =	shalt  }
0x78: {  	_ =	shalt  }
0x79: {  	_ =	shalt  }
0x7a: {  	_ =	shalt  }
0x7b: {  	_ =	shalt  }
0x7c: {  	_ =	shalt  }
0x7d: {  	_ =	shalt  }
0x7e: {  	_ =	shalt  }
0x7f: {  	_ =	shalt  }
0x80: {  	_ =	shalt  }
0x81: {  	_ =	shalt  }
0x82: {  	_ =	shalt  }
0x83: {  	_ =	shalt  }
0x84: {  	_ =	shalt  }
0x85: {  	_ =	shalt  }
0x86: {  	_ =	shalt  }
0x87: {  	_ =	shalt  }
.Lfunc_end0:
.L_simem_size_0:
called_computation.3_lowered:
.L_overlay_start_0:
0x88: {  	s2 =	sld [smem:$0x3FD9]  }
0x89: {  	s3 =	sld [smem:$0x3FFE];
	_ =	sdelay $0x1  }
0x8a: {  	s1 =	srdreg.scid  }
0x8b: {  	s0 =	sand.u32 $0x1, s1  }
0x8c: {  	s15 =	sshll.u32 s0, $0xA;
	s2 =	sadd.s32 s3, s2  }
0x8d: {  	s2 =	sadd.s32 s2, s15  }
0x8e: {  	[smem:$0x3FBC] =	sst s2  }
0x8f: {  	_ = 	snop  }
0x90: {  	s2 =	sld [smem:$0x3FD0];
	_ =	sdelay $0x2  }
0x91: {  	s16 =	simm.s32 $0xB;
	s4 =	simm.s32 $0x10  }
0x92: {  	[smem:s4], [sflag:s16] =	dma.local [hbm:s2], $0x1  }
0x93: {  	_ =	swait.eq [sflag:s16], $0x1  }
0x94: {  	[sflag:s16] =	ssyncset.done $0x0  }
0x95: {  	[sflag:s16] =	ssyncadd.s32 $0xFFFFFFFF  }
0x96: {  	s17 =	sld [smem:$0x10];
	(tm) =	ssettm $0x1  }
0x97: {  	s18 =	sld [smem:$0x3FFB];
	_ =	sdelay $0x3  }
0x98: {  	_ =	strace s18  }
0x99: {  	s2 =	sld [smem:$0x3FFC];
	_ =	sdelay $0x3  }
0x9a: {  	_ =	strace s2  }
0x9b: {  	s2 =	sld [smem:$0x3FFD];
	_ =	sdelay $0x3  }
0x9c: {  	_ =	strace s2  }
0x9d: {  	_ =	strace $0x8FFFFFFF  }
0x9e: {  	s19 =	sld [smem:$0x3FDB];
	_ =	sdelay $0x1  }
0x9f: {  	s20 =	simm.s32 $_scs_section_size  }
0xa0: {  	s5 =	simm.s32 $_size__tile_overlayer_lowered;
	s6 =	simm.s32 $_tile_overlayer_lowered  }
0xa1: {  	s7 =	simm.s32 $0x1BFF;
	s21 =	sshll.u32 s6, $0x1;
	s4 =	sadd.s32 s20, s19  }
0xa2: {  	s22 =	simm.s32 $0x0;
	s5 =	sshll.u32 s5, $0x1;
	s6 =	sadd.s32 s21, s4  }
0xa3: {  	[timem:s22], [sflag:s7] =	dma.local [hbm:s6], s5  }
0xa4: {  	_ =	swait.ge [sflag:s7], s5  }
0xa5: {  	s5 =	ssub.s32 $0x0, s5;
	[sflag:s7] =	ssyncset.done $0x0  }
0xa6: {  	[sflag:s7] =	ssyncadd.s32 s5;
	_ =	sdelay $0x1  }
0xa7: {  	s23 =	simm.s32 $0x1B8B  }
0xa8: {  	_ =	swait.ge [sflag:s23], $0x1  }
0xa9: {  	[sflag:s23] =	ssyncset.done $0x0  }
0xaa: {  	[sflag:s23] =	ssyncadd.s32 $0xFFFFFFFF  }
0xab: {  	s5 =	sld [smem:$0x0]  }
0xac: {  	s6 =	sand.u32 $0xFFFFFFFE, s1  }
0xad: {  	p0 =	sne.s32 s1, s6  }
0xae: {  	s6 =	sshll.u32 @p0 s6, $0xE  }
0xaf: {  	s6 =	sadd.s32 @p0 $0x11B8D, s6;
	s7 =	sshll.u32 @p0 s5, $0x11  }
0xb0: {  	s6 =	sor.u32 @p0 s7, s6  }
0xb1: {  	[sflag:s6] =	ssyncadd.remote.s32 @p0 $0x1;
	_ =	sdelay $0x1  }
0xb2: {  	s6 =	simm.s32 @p0 $0x1B8D  }
0xb3: {  	_ =	swait.eq @p0 [sflag:s6], $0x1  }
0xb4: {  	[sflag:s6] =	ssyncadd.s32 @p0 $0xFFFFFFFF  }
0xb5: {  	s7 =	sshll.u32 @!p0 s1, $0xE  }
0xb6: {  	s7 =	sor.u32 @!p0 $0x4000, s7;
	s6 =	simm.s32 @!p0 $0x1B8D  }
0xb7: {  	s5 =	sshll.u32 @!p0 s5, $0x11;
	s7 =	sadd.s32 @!p0 $0x11B8D, s7;
	_ =	swait.eq @!p0 [sflag:s6], $0x1  }
0xb8: {  	s5 =	sor.u32 @!p0 s5, s7;
	[sflag:s6] =	ssyncadd.s32 @!p0 $0xFFFFFFFF  }
0xb9: {  	s25 =	simm.s32 $0x1B8E;
	s24 =	sld [smem:$0x3FFE];
	[sflag:s5] =	ssyncadd.remote.s32 @!p0 $0x1  }
0xba: {  	s26 =	simm.s32 $execute0_lowered;
	[smem:$0x3FD2] =	sst s25  }
0xbb: {  	s6 =	sshll.u32 s26, $0x1;
	_ =	strace $0x80000052;
	[dreg:$0x1] =	wrdreg $0xFFFFFFFF  }
0xbc: {  	s28 =	simm.s32 $_size_execute0_lowered;
	s4 =	sadd.s32 s4, s6;
	[dreg:$0x0] =	wrdreg $0x0  }
0xbd: {  	s6 =	sshll.u32 s28, $0x1;
	[dreg:$0x2] =	wrdreg s4  }
0xbe: {  	[dreg:$0x3] =	wrdreg s6  }
0xbf: {  	[dreg:$0x4] =	wrdreg $0xC0  }
0xc0: {  	_ =	task [dreg:s22], $0x5FFFF  }
0xc1: {  	[dreg:$0x1] =	wrdreg $0xFFFFFFFF  }
0xc2: {  	[dreg:$0x0] =	wrdreg $0x60  }
0xc3: {  	[dreg:$0x2] =	wrdreg s24  }
0xc4: {  	[dreg:$0x3] =	wrdreg s17  }
0xc5: {  	[dreg:$0x4] =	wrdreg $0x79800  }
0xc6: {  	[dreg:$0x5] =	wrdreg $0x9  }
0xc7: {  	_ =	task.clear_ibuf [dreg:s22], $0x6FFFF;
	_ =	strace $0x90000052  }
0xc8: {  	s29 =	simm.s32 $0x9;
	_ =	strace $0x80000054  }
0xc9: {  	_ =	swait.ge [sflag:s29], $0x1  }
0xca: {  	[sflag:s29] =	ssyncadd.s32 $0xFFFFFFFF  }
0xcb: {  	_ =	strace $0x90000054  }
0xcc: {  	_ =	sfence  }
0xcd: {  	s30 =	sld [smem:$0x0];
	_ =	sdelay $0x2  }
0xce: {  	s31 =	sshll.u32 s1, $0xD;
	s1 =	sshrl.u32 s1, $0x2  }
0xcf: {  	s4 =	sand.u32 $0x4000, s31;
	s1 =	sadd.s32 s1, s30  }
0xd0: {  	s0 =	sor.u32 s4, s0;
	s1 =	sshll.u32 s1, $0x11  }
0xd1: {  	s0 =	sor.u32 s1, s0  }
0xd2: {  	s0 =	sadd.s32 $0x8F2B, s0  }
0xd3: {  	[sflag:s0] =	ssyncadd.remote.s32 $0x1  }
0xd4: {  	_ =	sfence.sel $0xFFFF  }
0xd5: {  	[dreg:$0x0] =	wrdreg $0xFFFFFFFF;
	(pc) =	sbr.abs _section_cstart, $3  }
0xd6: {  	[dreg:$0x1] =	wrdreg $0xFFFFFFFF  }
0xd7: {  	_ =	task.clear_ibuf [dreg:s22], $0x2FFFF;
	_ =	strace $0x9FFFFFFF  }
0xd8: {  	(tm) =	ssettm $0x7FFFFFFF  }
0xd9: {  	_ =	shalt  }
tec
execute0_lowered:
.L_overlay_start_1:
0x0: {  	(tag) =	ssettag $0x1  }
0x1: {  	s0 =	rddreg [dreg:$0x0]  }
0x2: {  	s7 =	rddreg [dreg:$0x1]  }
0x3: {  	s1 =	rddreg [dreg:$0x2]  }
0x4: {  	s2 =	srdreg.scid;
	s3 =	simm.s32 $0x0;
	s28 =	simm.s32 $0x50  }
0x5: {  	s29 =	simm.s32 $0x5200;
	s30 =	simm.s32 $0x3;
	s8 =	sand.u32 $0x1, s2  }
0x6: {  	s31 =	simm.s32 $0x2;
	s2 =	stileid.u32;
	s17 =	smul.u32 $0x14500, s8  }
0x7: {  	[smem:$0x7FF] =	sst s3;
	s10 =	sadd.s32 $0x73E00, s0;
	s18 =	smul.u32 $0x1450, s2  }
0x8: {  	s5 =	sadd.s32 $0x3000, s0;
	s4 =	sshll.u32 s8, $0x4;
	s20 =	smul.u32 $0x145000, s8  }
0x9: {  	_ =	strace $0x80000053;
	s11 =	sshll.u32 s2, $0x7;
	s22 =	smul.u32 $0x14500, s2  }
0xa: {  	s12 =	ssub.s32 $0x2, s8;
	s8 =	smul.u32 $0x27100, s8;
	s9 =	sor.u32 s2, s4  }
0xb: {  	s11 =	sand.u32 $0x380, s11;
	s14 =	sshrl.u32 s12, $0x1;
	s13 =	smul.u32 $0x1450, s9  }
0xc: {  	s4 =	sshrl.u32 s9, $0x3;
	s25 =	ssub.s32 s12, s14;
	s9 =	smul.u32 $0x14500, s9  }
0xd: {  	s21 =	sadd.s32 s18, s17;
	s6 =	smul.u32 $0x13C00, s4;
	s4 =	sadd.s32 $0x17200, s0  }
0xe: {  	s23 =	sadd.s32 $0xF0, s21;
	s26 =	sshrl.u32 s13, $0x3;
	s13 =	sadd.s32 $0x50, s13  }
0xf: {  	s9 =	sadd.s32 s10, s9;
	s24 =	sshrl.u32 s23, $0x3;
	s23 =	simm.s32 $0x180  }
0x10: {  	s11 =	sor.u32 s11, s6;
	s15 =	sadd.s32 s5, s26;
	[dreg:$0x8] =	wrdreg s9  }
0x11: {  	s6 =	sadd.s32 $0x16C00, s0;
	s12 =	sadd.s32 s4, s26;
	[dreg:$0x4] =	wrdreg s15  }
0x12: {  	s16 =	sshrl.u32 s13, $0x3;
	s26 =	sadd.s32 s24, s5;
	[dreg:$0x5] =	wrdreg s12  }
0x13: {  	s13 =	sshll.u32 s13, $0x4;
	s15 =	sadd.s32 s5, s16;
	[dreg:$0xd] =	wrdreg s26  }
0x14: {  	s9 =	simm.s32 $0x0;
	s12 =	sadd.s32 s4, s16;
	[dreg:$0x6] =	wrdreg s15  }
0x15: {  	s11 =	sshrl.u32 s11, $0x3;
	s19 =	sadd.s32 s10, s13;
	[dreg:$0x7] =	wrdreg s12  }
0x16: {  	s26 =	simm.s32 $0x1;
	s0 =	sadd.s32 s11, s0;
	[dreg:$0x9] =	wrdreg s19  }
0x17: {  	s11 =	smax.u32 s25, $0x1;
	s25 =	sadd.s32 s24, s4;
	s19 =	sadd.s32 s8, s7  }
0x18: {  	s24 =	simm.s32 $0x200;
	s7 =	simm.s32 $0x5;
	[dreg:$0xb] =	wrdreg s11  }
0x19: {  	s8 =	simm.s32 $0x7;
	s0 =	sadd.s32 $0x2FDE00, s0;
	[dreg:$0xc] =	wrdreg s25  }
0x1a: {  	s11 =	sadd.s32 $0xA0, s21;
	s21 =	simm.s32 $0x100;
	s25 =	simm.s32 $0x2A00  }
0x1b: {  	[dreg:$0xa] =	wrdreg s0;
	s0 =	sadd.s32 s20, s10;
	s20 =	simm.s32 $0x9  }
0x1c: {  	v0 =	vimm.f32 $0.0e+00;
	s15 =	sadd.s32 s22, s0;
	s22 =	simm.s32 $0x80;
	s0 =	simm.s32 $0x4  }
.LBB2_1:
0x1d: {  	s10 =	sand.u32 $0xF, s3  }
0x1e: {  	p0 =	sne.s32 s10, s2  }
0x1f: {  	s18 =	simm.s32 $0x1;
	s10 =	sshll.u32 @!p0 s2, $0x6  }
0x20: {  	s14 =	sshrl.u32 @!p0 s1, $0x3;
	s16 =	simm.s32 @!p0 $0x9;
	s10 =	sor.u32 @!p0 $0x1C09, s10  }
0x21: {  	[spmem:s14], [sflag:s10] =	dma.local @!p0 [hbm:s6], $0x500  }
0x22: {  	s17 =	sand.u32 $0xF, s18;
	_ =	swait.ge @!p0 [sflag:s16], $0x500  }
0x23: {  	s14 =	simm.s32 $0x2;
	s10 =	sadd.s32 $0x2800, s1;
	[sflag:s16] =	ssyncset.done @!p0 $0x0  }
.LBB2_2:
0x24: {  	[sflag:s16] =	ssyncadd.s32 @!p0 $0xFFFFFB00  }
0x25: {  	p0 =	sne.s32 s17, s2;
	s17 =	smov.u32 s14;
	s14 =	sadd.s32 $0x1, s14  }
0x26: {  	p1 =	sne.s32 s14, $0x7D  }
.Ltmp0:
0x27: {  	s16 =	sshll.u32 @!p0 s2, $0x6;
	s18 =	sshrl.u32 @!p0 s10, $0x3;
	(pc) =	sbr.rel @p1 .LBB2_2-.Ltmp0, $4  }
0x28: {  	s13 =	sor.u32 @!p0 $0x1C09, s16;
	s16 =	simm.s32 @!p0 $0x9  }
0x29: {  	[spmem:s18], [sflag:s13] =	dma.local @!p0 [hbm:s6], $0x500  }
0x2a: {  	_ =	swait.ge @!p0 [sflag:s16], $0x500  }
0x2b: {  	s17 =	sand.u32 $0xF, s17;
	s10 =	sadd.s32 $0x2800, s10;
	[sflag:s16] =	ssyncset.done @!p0 $0x0  }
0x2c: {  	p1 =	sne.s32 s17, s2  }
0x2d: {  	[sflag:s16] =	ssyncadd.s32 @!p0 $0xFFFFFB00;
	s13 =	sshll.u32 @!p1 s2, $0x6  }
0x2e: {  	s10 =	sshrl.u32 @!p1 s10, $0x3;
	s14 =	simm.s32 @!p1 $0x9;
	s13 =	sor.u32 @!p1 $0x1C09, s13  }
0x2f: {  	[spmem:s10], [sflag:s13] =	dma.local @!p1 [hbm:s6], $0x500  }
0x30: {  	_ =	swait.ge @!p1 [sflag:s14], $0x500  }
0x31: {  	[sflag:s14] =	ssyncset.done @!p1 $0x0  }
0x32: {  	s10 =	simm.s32 $0x40;
	[sflag:s14] =	ssyncadd.s32 @!p1 $0xFFFFFB00;
	s14 =	simm.s32 $0x0  }
.LBB2_4:
0x33: {  	p0 =	sne.s32 s10, $0x9C00;
	[tilespmem:s14+$0x5200] =	vst v0;
	s13 =	smov.u32 s10;
	s10 =	sadd.s32 $0x40, s10  }
.Ltmp1:
0x34: {  	(pc) =	sbr.rel @p0 .LBB2_4-.Ltmp1, $2  }
0x35: {  	_ =	sdelay $0x2  }
0x36: {  	s14 =	sshra.s32 s13, $0x2  }
0x37: {  	[tilespmem:s14+$0x5200] =	vst v0  }
0x38: {  	[bflag:$0x0] =	sbarrier.arrive $0xFFFF  }
0x39: {  	s10 =	simm.s32 $0x0;
	s12 =	rddreg [dreg:$0x4]  }
0x3a: {  	[tilespmem:s10], [sflag:$0x9] =	stream.linear.gather [hbm4b:s12+s10], $0x50, $0x38;
	[tilespmem:$0x1B200] =	vst v63  }
0x3b: {  	_ =	swait.ge [sflag:s20], $0x50  }
0x3c: {  	[sflag:s20] =	ssyncset.done $0x0  }
0x3d: {  	s13 =	rddreg [dreg:$0x5];
	[sflag:s20] =	ssyncadd.s32 $0xFFFFFFB0  }
0x3e: {  	[tilespmem:s21], [sflag:$0x9] =	stream.linear.gather [hbm4b:s13+s10], $0x50, $0x38;
	[tilespmem:$0x1B200] =	vst v63  }
0x3f: {  	_ =	swait.ge [sflag:s20], $0x50  }
0x40: {  	[sflag:s20] =	ssyncset.done $0x0  }
0x41: {  	s14 =	rddreg [dreg:$0x6];
	[sflag:s20] =	ssyncadd.s32 $0xFFFFFFB0  }
0x42: {  	[tilespmem:s22], [sflag:$0x9] =	stream.linear.gather [hbm4b:s14+s10], $0x50, $0x38;
	[tilespmem:$0x1B200] =	vst v63  }
0x43: {  	_ =	swait.ge [sflag:s20], $0x50  }
0x44: {  	[sflag:s20] =	ssyncset.done $0x0  }
0x45: {  	s16 =	rddreg [dreg:$0x7];
	[sflag:s20] =	ssyncadd.s32 $0xFFFFFFB0  }
0x46: {  	[tilespmem:s23], [sflag:$0x9] =	stream.linear.gather [hbm4b:s16+s10], $0x50, $0x38;
	[tilespmem:$0x1B200] =	vst v63  }
0x47: {  	_ =	swait.ge [sflag:s20], $0x50  }
0x48: {  	[sflag:s20] =	ssyncset.done $0x0;
	s17 =	rddreg [dreg:$0x8]  }
0x49: {  	s18 =	rddreg [dreg:$0x9];
	[sflag:s20] =	ssyncadd.s32 $0xFFFFFFB0  }
0x4a: {  	[tilespmem:s24], [sflag:$0x1] =	stream.linear.gather [hbm4b:s17+s10], $0x2800, $0x38;
	[tilespmem:$0x1B200] =	vst v63  }
0x4b: {  	s16 =	rddreg [dreg:$0xc]  }
0x4c: {  	[tilespmem:s25], [sflag:$0x2] =	stream.linear.gather [hbm4b:s18+s10], $0x2800, $0x38;
	[tilespmem:$0x1B200] =	vst v63  }
0x4d: {  	s17 =	rddreg [dreg:$0xd];
	s18 =	smov.u32 s11  }
.LBB2_6:
0x4e: {  	_ =	swait.ge [sflag:s26], $0x2800  }
0x4f: {  	p0 =	seq.s32 s10, $0x0;
	[sflag:s26] =	ssyncset.done $0x0  }
0x50: {  	s13 =	simm.s32 @!p0 $0x5;
	[sflag:s26] =	ssyncadd.s32 $0xFFFFD800  }
0x51: {  	_ =	swait.ge @!p0 [sflag:s13], $0x50  }
0x52: {  	[sflag:s13] =	ssyncset.done @!p0 $0x0  }
0x53: {  	[sflag:s13] =	ssyncadd.s32 @!p0 $0xFFFFFFB0;
	s13 =	simm.s32 @!p0 $0x7  }
0x54: {  	_ =	swait.ge @!p0 [sflag:s13], $0x50  }
0x55: {  	[sflag:s13] =	ssyncset.done @!p0 $0x0  }
0x56: {  	[sflag:s13] =	ssyncadd.s32 @!p0 $0xFFFFFFB0  }
0x57: {  	[spmem:s1] =	stream.indirect.scatter.add.f32 [tilespmem:s24], [sflag:$0x3], $0x80, s3, s28, $0xb8;
	[tilespmem:$0x1B200] =	vst v63  }
0x58: {  	v1 =	vld [tilespmem:$0x0];
	_ =	sdelay $0x2  }
0x59: {  	v2 =	vld [tilespmem:$0x100];
	_ =	sdelay $0x4  }
0x5a: {  	[tilespmem:v1+s29+$0x0] =	vst.idx.add.f32.msk $0xffff, v2  }
0x5b: {  	v1 =	vld [tilespmem:$0x10];
	_ =	sdelay $0x2  }
0x5c: {  	v2 =	vld [tilespmem:$0x110];
	_ =	sdelay $0x4  }
0x5d: {  	[tilespmem:v1+s29+$0x0] =	vst.idx.add.f32.msk $0xffff, v2  }
0x5e: {  	v1 =	vld [tilespmem:$0x20];
	_ =	sdelay $0x2  }
0x5f: {  	v2 =	vld [tilespmem:$0x120];
	_ =	sdelay $0x4  }
0x60: {  	[tilespmem:v1+s29+$0x0] =	vst.idx.add.f32.msk $0xffff, v2  }
0x61: {  	v1 =	vld [tilespmem:$0x30];
	_ =	sdelay $0x2  }
0x62: {  	v2 =	vld [tilespmem:$0x130];
	_ =	sdelay $0x4  }
0x63: {  	[tilespmem:v1+s29+$0x0] =	vst.idx.add.f32.msk $0xffff, v2  }
0x64: {  	v1 =	vld [tilespmem:$0x40];
	_ =	sdelay $0x2  }
0x65: {  	v2 =	vld [tilespmem:$0x140];
	_ =	sdelay $0x4  }
0x66: {  	[tilespmem:v1+s29+$0x0] =	vst.idx.add.f32.msk $0xffff, v2  }
0x67: {  	_ =	swait.ge [sflag:s30], $0x2800  }
0x68: {  	s12 =	sshrl.u32 s18, $0x3;
	[sflag:s30] =	ssyncset.done $0x0  }
0x69: {  	s14 =	sadd.s32 s5, s12;
	[sflag:s30] =	ssyncadd.s32 $0xFFFFD800  }
0x6a: {  	[tilespmem:s3], [sflag:$0x5] =	stream.linear.gather [hbm4b:s14+s3], $0x50, $0x38;
	[tilespmem:$0x1B200] =	vst v63  }
0x6b: {  	s13 =	sadd.s32 s4, s12;
	s14 =	sadd.s32 s10, s15  }
0x6c: {  	[tilespmem:s21], [sflag:$0x7] =	stream.linear.gather [hbm4b:s13+s3], $0x50, $0x38;
	[tilespmem:$0x1B200] =	vst v63  }
0x6d: {  	s12 =	sadd.s32 $0xA00, s14  }
0x6e: {  	[tilespmem:s24], [sflag:$0x1] =	stream.linear.gather [hbm4b:s12+s3], $0x2800, $0x38;
	[tilespmem:$0x1B200] =	vst v63  }
0x6f: {  	_ =	swait.ge [sflag:s31], $0x2800  }
0x70: {  	[sflag:s31] =	ssyncset.done $0x0  }
0x71: {  	s13 =	simm.s32 @!p0 $0x6;
	[sflag:s31] =	ssyncadd.s32 $0xFFFFD800  }
0x72: {  	_ =	swait.ge @!p0 [sflag:s13], $0x50  }
0x73: {  	[sflag:s13] =	ssyncset.done @!p0 $0x0  }
0x74: {  	[sflag:s13] =	ssyncadd.s32 @!p0 $0xFFFFFFB0;
	s13 =	simm.s32 @!p0 $0x8  }
0x75: {  	_ =	swait.ge @!p0 [sflag:s13], $0x50  }
0x76: {  	[sflag:s13] =	ssyncset.done @!p0 $0x0  }
0x77: {  	[sflag:s13] =	ssyncadd.s32 @!p0 $0xFFFFFFB0  }
0x78: {  	[spmem:s1] =	stream.indirect.scatter.add.f32 [tilespmem:s25], [sflag:$0x4], $0x80, s22, s28, $0xb8;
	[tilespmem:$0x1B200] =	vst v63  }
0x79: {  	v1 =	vld [tilespmem:$0x80];
	_ =	sdelay $0x2  }
0x7a: {  	v2 =	vld [tilespmem:$0x180];
	_ =	sdelay $0x4  }
0x7b: {  	[tilespmem:v1+s29+$0x0] =	vst.idx.add.f32.msk $0xffff, v2  }
0x7c: {  	v1 =	vld [tilespmem:$0x90];
	_ =	sdelay $0x2  }
0x7d: {  	v2 =	vld [tilespmem:$0x190];
	_ =	sdelay $0x4  }
0x7e: {  	[tilespmem:v1+s29+$0x0] =	vst.idx.add.f32.msk $0xffff, v2  }
0x7f: {  	v1 =	vld [tilespmem:$0xA0];
	_ =	sdelay $0x2  }
0x80: {  	v2 =	vld [tilespmem:$0x1A0];
	_ =	sdelay $0x4  }
0x81: {  	[tilespmem:v1+s29+$0x0] =	vst.idx.add.f32.msk $0xffff, v2  }
0x82: {  	v1 =	vld [tilespmem:$0xB0];
	_ =	sdelay $0x2  }
0x83: {  	v2 =	vld [tilespmem:$0x1B0];
	_ =	sdelay $0x4  }
0x84: {  	[tilespmem:v1+s29+$0x0] =	vst.idx.add.f32.msk $0xffff, v2  }
0x85: {  	v1 =	vld [tilespmem:$0xC0];
	_ =	sdelay $0x2  }
0x86: {  	v2 =	vld [tilespmem:$0x1C0];
	_ =	sdelay $0x2  }
0x87: {  	p0 =	seq.s32 s10, $0x13600  }
.Ltmp2:
0x88: {  	_ = 	snop;
	(pc) =	sbr.rel @p0 .LBB2_8-.Ltmp2, $4  }
0x89: {  	[tilespmem:v1+s29+$0x0] =	vst.idx.add.f32.msk $0xffff, v2  }
0x8a: {  	_ =	swait.ge [sflag:s0], $0x2800  }
0x8b: {  	[sflag:s0] =	ssyncset.done $0x0  }
0x8c: {  	[sflag:s0] =	ssyncadd.s32 $0xFFFFD800  }
0x8d: {  	[tilespmem:s22], [sflag:$0x6] =	stream.linear.gather [hbm4b:s17+s3], $0x50, $0x38;
	[tilespmem:$0x1B200] =	vst v63  }
.Ltmp3:
0x8e: {  	_ = 	snop;
	(pc) =	sbr.rel .LBB2_6-.Ltmp3, $4  }
0x8f: {  	s13 =	sadd.s32 $0xF00, s14;
	s10 =	sadd.s32 $0xA00, s10  }
0x90: {  	[tilespmem:s23], [sflag:$0x8] =	stream.linear.gather [hbm4b:s16+s3], $0x50, $0x38;
	[tilespmem:$0x1B200] =	vst v63  }
0x91: {  	s17 =	sadd.s32 $0x14, s17;
	s18 =	sadd.s32 $0xA0, s18;
	s16 =	sadd.s32 $0x14, s16  }
0x92: {  	[tilespmem:s25], [sflag:$0x2] =	stream.linear.gather [hbm4b:s13+s3], $0x2800, $0x38;
	[tilespmem:$0x1B200] =	vst v63  }
.LBB2_8:
0x93: {  	_ =	swait.ge [sflag:s26], $0x2800  }
0x94: {  	[sflag:s26] =	ssyncset.done $0x0  }
0x95: {  	[sflag:s26] =	ssyncadd.s32 $0xFFFFD800  }
0x96: {  	_ =	swait.ge [sflag:s7], $0x50  }
0x97: {  	[sflag:s7] =	ssyncset.done $0x0  }
0x98: {  	[sflag:s7] =	ssyncadd.s32 $0xFFFFFFB0  }
0x99: {  	_ =	swait.ge [sflag:s8], $0x50  }
0x9a: {  	[sflag:s8] =	ssyncset.done $0x0  }
0x9b: {  	s10 =	simm.s32 $0x0;
	[sflag:s8] =	ssyncadd.s32 $0xFFFFFFB0  }
0x9c: {  	[spmem:s1] =	stream.indirect.scatter.add.f32 [tilespmem:s24], [sflag:$0x3], $0x80, s10, s28, $0xb8;
	[tilespmem:$0x1B200] =	vst v63  }
0x9d: {  	v1 =	vld [tilespmem:$0x0];
	_ =	sdelay $0x2  }
0x9e: {  	v2 =	vld [tilespmem:$0x100];
	_ =	sdelay $0x4  }
0x9f: {  	[tilespmem:v1+s29+$0x0] =	vst.idx.add.f32.msk $0xffff, v2  }
0xa0: {  	v1 =	vld [tilespmem:$0x10];
	_ =	sdelay $0x2  }
0xa1: {  	v2 =	vld [tilespmem:$0x110];
	_ =	sdelay $0x4  }
0xa2: {  	[tilespmem:v1+s29+$0x0] =	vst.idx.add.f32.msk $0xffff, v2  }
0xa3: {  	v1 =	vld [tilespmem:$0x20];
	_ =	sdelay $0x2  }
0xa4: {  	v2 =	vld [tilespmem:$0x120];
	_ =	sdelay $0x4  }
0xa5: {  	[tilespmem:v1+s29+$0x0] =	vst.idx.add.f32.msk $0xffff, v2  }
0xa6: {  	v1 =	vld [tilespmem:$0x30];
	_ =	sdelay $0x2  }
0xa7: {  	v2 =	vld [tilespmem:$0x130];
	_ =	sdelay $0x4  }
0xa8: {  	[tilespmem:v1+s29+$0x0] =	vst.idx.add.f32.msk $0xffff, v2  }
0xa9: {  	v1 =	vld [tilespmem:$0x40];
	_ =	sdelay $0x2  }
0xaa: {  	v2 =	vld [tilespmem:$0x140];
	_ =	sdelay $0x4  }
0xab: {  	[tilespmem:v1+s29+$0x0] =	vst.idx.add.f32.msk $0xffff, v2  }
0xac: {  	s10 =	sand.u32 $0xF, s10;
	_ =	swait.ge [sflag:s30], $0x2800  }
0xad: {  	s13 =	simm.s32 $0x1;
	p0 =	sne.s32 s10, s2;
	[sflag:s30] =	ssyncset.done $0x0  }
0xae: {  	s10 =	sshll.u32 @!p0 s2, $0x6;
	s14 =	sshrl.u32 @!p0 s1, $0x3;
	[sflag:s30] =	ssyncadd.s32 $0xFFFFD800  }
0xaf: {  	s17 =	simm.s32 @!p0 $0x9;
	s10 =	sor.u32 @!p0 $0x1C09, s10;
	[bflag:$0x0] =	sbarrier.arrive $0xFFFF  }
0xb0: {  	[hbm:s19], [sflag:s10] =	dma.local @!p0 [spmem:s14], $0x500  }
0xb1: {  	s16 =	sadd.s32 $0x2800, s1;
	s18 =	sand.u32 $0xF, s13;
	_ =	swait.ge @!p0 [sflag:s17], $0x500  }
0xb2: {  	s14 =	simm.s32 $0x2;
	s10 =	sadd.s32 $0x500, s19;
	[sflag:s17] =	ssyncset.done @!p0 $0x0  }
.LBB2_9:
0xb3: {  	s13 =	smov.u32 s14;
	s14 =	sadd.s32 $0x1, s14  }
0xb4: {  	[sflag:s17] =	ssyncadd.s32 @!p0 $0xFFFFFB00;
	p0 =	sne.s32 s18, s2;
	p1 =	sne.s32 s14, $0x7D  }
.Ltmp4:
0xb5: {  	s17 =	sshll.u32 @!p0 s2, $0x6;
	s18 =	sshrl.u32 @!p0 s16, $0x3;
	(pc) =	sbr.rel @p1 .LBB2_9-.Ltmp4, $4  }
0xb6: {  	s12 =	sor.u32 @!p0 $0x1C09, s17;
	s17 =	simm.s32 @!p0 $0x9  }
0xb7: {  	[hbm:s10], [sflag:s12] =	dma.local @!p0 [spmem:s18], $0x500  }
0xb8: {  	s10 =	sadd.s32 $0x500, s10;
	_ =	swait.ge @!p0 [sflag:s17], $0x500  }
0xb9: {  	s16 =	sadd.s32 $0x2800, s16;
	s18 =	sand.u32 $0xF, s13;
	[sflag:s17] =	ssyncset.done @!p0 $0x0  }
0xba: {  	p1 =	sne.s32 s18, s2  }
0xbb: {  	[sflag:s17] =	ssyncadd.s32 @!p0 $0xFFFFFB00;
	s12 =	sshll.u32 @!p1 s2, $0x6  }
0xbc: {  	s13 =	sshrl.u32 @!p1 s16, $0x3;
	s14 =	simm.s32 @!p1 $0x9;
	s12 =	sor.u32 @!p1 $0x1C09, s12  }
0xbd: {  	[hbm:s10], [sflag:s12] =	dma.local @!p1 [spmem:s13], $0x500  }
0xbe: {  	_ =	swait.ge @!p1 [sflag:s14], $0x500  }
0xbf: {  	[sflag:s14] =	ssyncset.done @!p1 $0x0  }
0xc0: {  	s17 =	simm.s32 $0x400;
	s16 =	rddreg [dreg:$0xa];
	[sflag:s14] =	ssyncadd.s32 @!p1 $0xFFFFFB00  }
0xc1: {  	[hbm4b:s16+s22] =	stream.strided.scatter [tilespmem:s29], [sflag:$0x9], $0x2780, s17, s22, $0x38;
	[tilespmem:$0x1B200] =	vst v63  }
0xc2: {  	_ =	swait.ge [sflag:s20], $0x2780  }
0xc3: {  	s9 =	sadd.s32 $0x1, s9;
	s18 =	rddreg [dreg:$0xb]  }
0xc4: {  	p0 =	sne.s32 s9, s18  }
.Ltmp5:
0xc5: {  	_ = 	snop;
	(pc) =	sbr.rel @p0 .LBB2_1-.Ltmp5, $3  }
0xc6: {  	_ =	sdelay $0x1  }
0xc7: {  	[sflag:s20] =	ssyncset.done $0x0  }
0xc8: {  	[sflag:s20] =	ssyncadd.s32 $0xFFFFD880  }
0xc9: {  	_ =	sfence.sel $0x180000  }
0xca: {  	[bflag:$0x0] =	sbarrier.arrive $0xFFFF  }
0xcb: {  	_ =	strace $0x90000053  }
0xcc: {  	[bflag:$0x2] =	sbarrier.arrive $0xFFFF  }
0xcd: {  	p0 =	sne.s32 s2, $0x0;
	s0 =	rddreg [dreg:$0x3]  }
0xce: {  	s0 =	sadd.s32 @!p0 $0x100000, s0  }
0xcf: {  	[sflag:s0] =	ssyncadd.tile.s32 @!p0 $0x1;
	_ =	shalt  }
.Lfunc_end2:
_tile_overlayer_lowered:
.L_overlay_start_2:
0xd0: {  	(tag) =	ssettag $0x2  }
0xd1: {  	s0 =	rddreg [dreg:$0x0];
	s2 =	stileid.u32  }
0xd2: {  	s1 =	rddreg [dreg:$0x1];
	p0 =	sne.s32 s2, $0x0  }
0xd3: {  	s3 =	rddreg [dreg:$0x2];
	[bflag:$0x3] =	sbarrier.arrive $0xFFFF;
	s2 =	simm.s32 @!p0 $0x1C09  }
0xd4: {  	[timem:s3], [sflag:s2] =	dma.local @!p0 [hbm:s0], s1  }
0xd5: {  	s0 =	simm.s32 @!p0 $0x9  }
0xd6: {  	_ =	swait.ge @!p0 [sflag:s0], s1  }
0xd7: {  	s1 =	ssub.s32 @!p0 $0x0, s1;
	[sflag:s0] =	ssyncset.done @!p0 $0x0  }
0xd8: {  	[sflag:s0] =	ssyncadd.s32 @!p0 s1  }
0xd9: {  	[bflag:$0x3] =	sbarrier.arrive $0xFFFF  }
0xda: {  	_ =	shalt  }

// kernel: kernel.24.cloned.1.call-start
scs
__scs_entry_jumppad:
0x0: {  	(pc) =	sbr.rel $0x88, $3  }
0x1: {  	(tag) =	ssettag $0x0;
	lr =	simm.s32 $0x1  }
0x2: {  	[smem:$0x3F95] =	sst lr;
	_ =	strace $0xD0000000  }
0x3: {  	_ = 	snop  }
0x4: {  	_ = 	snop  }
0x5: {  	_ = 	snop  }
0x6: {  	_ = 	snop  }
0x7: {  	_ = 	snop  }
__scs_overlays_trampoline_lowered:
0x8: {  	[smem:$0x3FA4] =	sst s0  }
0x9: {  	[smem:$0x3FA5] =	sst s1  }
0xa: {  	[smem:$0x3FA6] =	sst s2  }
0xb: {  	[smem:$0x3FA7] =	sst s3  }
0xc: {  	[smem:$0x3FA8] =	sst s4  }
0xd: {  	[smem:$0x3FA9] =	sst s5  }
0xe: {  	[smem:$0x3FAA] =	sst s6  }
0xf: {  	[smem:$0x3FAB] =	sst s7  }
0x10: {  	[smem:$0x3FAC] =	sst s8  }
0x11: {  	[smem:$0x3FAD] =	sst s9;
	s0 =	simm.s32 @!p0 $0x0  }
0x12: {  	s1 =	sld [smem:$0x3F93];
	s0 =	simm.s32 @p0 $0x1  }
0x13: {  	[smem:$0x3FAE] =	sst s0;
	s0 =	simm.s32 @!p1 $0x0  }
0x14: {  	s2 =	sld [smem:$0x3F92];
	s0 =	simm.s32 @p1 $0x1  }
0x15: {  	[smem:$0x3FAF] =	sst s0;
	s0 =	simm.s32 @!p2 $0x0  }
0x16: {  	s3 =	sld [smem:$0x3FDB];
	s0 =	simm.s32 @p2 $0x1  }
0x17: {  	s4 =	simm.s32 $0x1BF5;
	[smem:$0x3FB1] =	sst s0  }
0x18: {  	s0 =	sld [smem:$0x3F94];
	_ =	swait.ge [sflag:s4], $0x0  }
0x19: {  	s7 =	sld [smem:$0x3F95]  }
0x1a: {  	s8 =	sadd.s32 $0xFFFFE003, lr  }
0x1b: {  	s9 =	sadd.s32 $0xFFFFFEF7, lr;
	s5 =	simm.s32 $0xFFFFFFFF;
	p2 =	slt.u32 s8, $0xFFFFF086  }
0x1c: {  	p1 =	slt.u32 s9, $0xF7A;
	s5 =	simm.s32 @!p2 $0x0  }
0x1d: {  	s5 =	simm.s32 @p1 $0x1;
	p0 =	seq.s32 s7, s2  }
0x1e: {  	s7 =	smul.u32 @!p0 $0xF7A, s2;
	p2 =	seq.s32 @!p0 s5, $0x0  }
0x1f: {  	s9 =	smul.u32 $0xF7A, s1;
	s8 =	simm.s32 @!p0 $0x1BF5;
	p2 =	por !p2, p0  }
0x20: {  	[sflag:s8] =	ssyncset.s32 @!p0 $0xFFFFF086;
	s6 =	sadd.s32 @!p0 s3, s7;
	s7 =	simm.s32 @!p0 $0x108  }
0x21: {  	s3 =	sadd.s32 s3, s9;
	s6 =	sadd.s32 @!p0 $0x88, s6;
	s7 =	simm.s32 @p2 $0x1082  }
0x22: {  	[simem:s7], [sflag:s8] =	dma.local @!p0 [hbm:s6], $0xF7A  }
0x23: {  	s9 =	sor.u32 $0xD0000000, s2;
	s6 =	simm.s32 $0x108;
	_ =	swait.ge @!p0 [sflag:s8], $0x0  }
0x24: {  	s3 =	sadd.s32 $0x88, s3;
	s6 =	simm.s32 @!p1 $0x1082;
	[sflag:s4] =	ssyncset.s32 $0xFFFFF086  }
0x25: {  	[simem:s6], [sflag:s4] =	dma.local [hbm:s3], $0xF7A  }
0x26: {  	[smem:$0x3F95] =	sst s1;
	(tag) =	ssettag s2;
	_ =	strace s9  }
0x27: {  	s1 =	sld [smem:$0x3FA5]  }
0x28: {  	s2 =	sld [smem:$0x3FA6]  }
0x29: {  	s4 =	sld [smem:$0x3FA8]  }
0x2a: {  	p0 =	seq.s32 s5, $0x0;
	s5 =	sld [smem:$0x3FA9]  }
0x2b: {  	s6 =	sld [smem:$0x3FAA]  }
0x2c: {  	s7 =	sld [smem:$0x3FAB]  }
0x2d: {  	s3 =	simm.s32 $0x108;
	s8 =	sld [smem:$0x3FAC]  }
0x2e: {  	s3 =	simm.s32 @!p0 $0x1082;
	s9 =	sld [smem:$0x3FAD]  }
0x2f: {  	lr =	sadd.s32 s0, s3;
	s0 =	sld [smem:$0x3FA4]  }
0x30: {  	s3 =	sld [smem:$0x3FA7]  }
0x31: {  	[smem:$0x3FB0] =	sst s10  }
0x32: {  	s10 =	sld [smem:$0x3FAE];
	_ =	sdelay $0x3  }
0x33: {  	p0 =	seq.s32 s10, $0x1;
	s10 =	sld [smem:$0x3FB0];
	_ =	sdelay $0x3  }
0x34: {  	[smem:$0x3FB0] =	sst s10  }
0x35: {  	s10 =	sld [smem:$0x3FAF];
	_ =	sdelay $0x3  }
0x36: {  	p1 =	seq.s32 s10, $0x1;
	s10 =	sld [smem:$0x3FB0];
	_ =	sdelay $0x3  }
0x37: {  	[smem:$0x3FB0] =	sst s10  }
0x38: {  	s10 =	sld [smem:$0x3FB1]  }
0x39: {  	_ = 	snop;
	(pc) =	sbr.ind lr, $3  }
0x3a: {  	_ = 	snop  }
0x3b: {  	_ = 	snop  }
0x3c: {  	p2 =	seq.s32 s10, $0x1;
	s10 =	sld [smem:$0x3FB0]  }
0x3d: {  	_ =	shalt  }
0x3e: {  	_ =	shalt  }
0x3f: {  	_ =	shalt  }
0x40: {  	_ =	shalt  }
0x41: {  	_ =	shalt  }
0x42: {  	_ =	shalt  }
0x43: {  	_ =	shalt  }
0x44: {  	_ =	shalt  }
0x45: {  	_ =	shalt  }
0x46: {  	_ =	shalt  }
0x47: {  	_ =	shalt  }
0x48: {  	_ =	shalt  }
0x49: {  	_ =	shalt  }
0x4a: {  	_ =	shalt  }
0x4b: {  	_ =	shalt  }
0x4c: {  	_ =	shalt  }
0x4d: {  	_ =	shalt  }
0x4e: {  	_ =	shalt  }
0x4f: {  	_ =	shalt  }
0x50: {  	_ =	shalt  }
0x51: {  	_ =	shalt  }
0x52: {  	_ =	shalt  }
0x53: {  	_ =	shalt  }
0x54: {  	_ =	shalt  }
0x55: {  	_ =	shalt  }
0x56: {  	_ =	shalt  }
0x57: {  	_ =	shalt  }
0x58: {  	_ =	shalt  }
0x59: {  	_ =	shalt  }
0x5a: {  	_ =	shalt  }
0x5b: {  	_ =	shalt  }
0x5c: {  	_ =	shalt  }
0x5d: {  	_ =	shalt  }
0x5e: {  	_ =	shalt  }
0x5f: {  	_ =	shalt  }
0x60: {  	_ =	shalt  }
0x61: {  	_ =	shalt  }
0x62: {  	_ =	shalt  }
0x63: {  	_ =	shalt  }
0x64: {  	_ =	shalt  }
0x65: {  	_ =	shalt  }
0x66: {  	_ =	shalt  }
0x67: {  	_ =	shalt  }
0x68: {  	_ =	shalt  }
0x69: {  	_ =	shalt  }
0x6a: {  	_ =	shalt  }
0x6b: {  	_ =	shalt  }
0x6c: {  	_ =	shalt  }
0x6d: {  	_ =	shalt  }
0x6e: {  	_ =	shalt  }
0x6f: {  	_ =	shalt  }
0x70: {  	_ =	shalt  }
0x71: {  	_ =	shalt  }
0x72: {  	_ =	shalt  }
0x73: {  	_ =	shalt  }
0x74: {  	_ =	shalt  }
0x75: {  	_ =	shalt  }
0x76: {  	_ =	shalt  }
0x77: {  	_ =	shalt  }
0x78: {  	_ =	shalt  }
0x79: {  	_ =	shalt  }
0x7a: {  	_ =	shalt  }
0x7b: {  	_ =	shalt  }
0x7c: {  	_ =	shalt  }
0x7d: {  	_ =	shalt  }
0x7e: {  	_ =	shalt  }
0x7f: {  	_ =	shalt  }
0x80: {  	_ =	shalt  }
0x81: {  	_ =	shalt  }
0x82: {  	_ =	shalt  }
0x83: {  	_ =	shalt  }
0x84: {  	_ =	shalt  }
0x85: {  	_ =	shalt  }
0x86: {  	_ =	shalt  }
0x87: {  	_ =	shalt  }
.Lfunc_end0:
.L_simem_size_0:
called_computation.4_lowered:
.L_overlay_start_0:
0x88: {  	s2 =	sld [smem:$0x3FD9]  }
0x89: {  	s3 =	sld [smem:$0x3FFE];
	_ =	sdelay $0x1  }
0x8a: {  	s1 =	srdreg.scid  }
0x8b: {  	s0 =	sand.u32 $0x1, s1  }
0x8c: {  	s17 =	sshll.u32 s0, $0xA;
	s2 =	sadd.s32 s3, s2  }
0x8d: {  	s2 =	sadd.s32 s2, s17  }
0x8e: {  	[smem:$0x3FBC] =	sst s2  }
0x8f: {  	_ = 	snop  }
0x90: {  	(tm) =	ssettm $0x1  }
0x91: {  	s18 =	sld [smem:$0x3FFB];
	_ =	sdelay $0x3  }
0x92: {  	_ =	strace s18  }
0x93: {  	s2 =	sld [smem:$0x3FFC];
	_ =	sdelay $0x3  }
0x94: {  	_ =	strace s2  }
0x95: {  	s2 =	sld [smem:$0x3FFD];
	_ =	sdelay $0x3  }
0x96: {  	_ =	strace s2  }
0x97: {  	_ =	strace $0x8FFFFFFF  }
0x98: {  	s19 =	sld [smem:$0x3FDB];
	_ =	sdelay $0x1  }
0x99: {  	s20 =	simm.s32 $_scs_section_size  }
0x9a: {  	s4 =	simm.s32 $_size__tile_overlayer_lowered;
	s5 =	simm.s32 $_tile_overlayer_lowered  }
0x9b: {  	s6 =	simm.s32 $0x1BFF;
	s21 =	sshll.u32 s5, $0x1;
	s3 =	sadd.s32 s20, s19  }
0x9c: {  	s22 =	simm.s32 $0x0;
	s4 =	sshll.u32 s4, $0x1;
	s5 =	sadd.s32 s21, s3  }
0x9d: {  	[timem:s22], [sflag:s6] =	dma.local [hbm:s5], s4  }
0x9e: {  	_ =	swait.ge [sflag:s6], s4  }
0x9f: {  	s4 =	ssub.s32 $0x0, s4;
	[sflag:s6] =	ssyncset.done $0x0  }
0xa0: {  	[sflag:s6] =	ssyncadd.s32 s4;
	_ =	sdelay $0x1  }
0xa1: {  	s23 =	simm.s32 $0x1B8B  }
0xa2: {  	_ =	swait.ge [sflag:s23], $0x1  }
0xa3: {  	[sflag:s23] =	ssyncset.done $0x0  }
0xa4: {  	[sflag:s23] =	ssyncadd.s32 $0xFFFFFFFF  }
0xa5: {  	s4 =	sld [smem:$0x0]  }
0xa6: {  	s5 =	sand.u32 $0xFFFFFFFE, s1  }
0xa7: {  	p0 =	sne.s32 s1, s5  }
0xa8: {  	s5 =	sshll.u32 @p0 s5, $0xE  }
0xa9: {  	s5 =	sadd.s32 @p0 $0x11B8D, s5;
	s6 =	sshll.u32 @p0 s4, $0x11  }
0xaa: {  	s5 =	sor.u32 @p0 s6, s5  }
0xab: {  	[sflag:s5] =	ssyncadd.remote.s32 @p0 $0x1;
	_ =	sdelay $0x1  }
0xac: {  	s5 =	simm.s32 @p0 $0x1B8D  }
0xad: {  	_ =	swait.eq @p0 [sflag:s5], $0x1  }
0xae: {  	[sflag:s5] =	ssyncadd.s32 @p0 $0xFFFFFFFF  }
0xaf: {  	s6 =	sshll.u32 @!p0 s1, $0xE  }
0xb0: {  	s6 =	sor.u32 @!p0 $0x4000, s6;
	s5 =	simm.s32 @!p0 $0x1B8D  }
0xb1: {  	s4 =	sshll.u32 @!p0 s4, $0x11;
	s6 =	sadd.s32 @!p0 $0x11B8D, s6;
	_ =	swait.eq @!p0 [sflag:s5], $0x1  }
0xb2: {  	s4 =	sor.u32 @!p0 s4, s6;
	[sflag:s5] =	ssyncadd.s32 @!p0 $0xFFFFFFFF  }
0xb3: {  	s25 =	simm.s32 $0x1B8E;
	s24 =	sld [smem:$0x3FFE];
	[sflag:s4] =	ssyncadd.remote.s32 @!p0 $0x1  }
0xb4: {  	s26 =	simm.s32 $execute0_lowered;
	[smem:$0x3FD2] =	sst s25  }
0xb5: {  	s5 =	sshll.u32 s26, $0x1;
	_ =	strace $0x8000004F;
	[dreg:$0x1] =	wrdreg $0xFFFFFFFF  }
0xb6: {  	s28 =	simm.s32 $_size_execute0_lowered;
	s3 =	sadd.s32 s3, s5;
	[dreg:$0x0] =	wrdreg $0x0  }
0xb7: {  	s5 =	sshll.u32 s28, $0x1;
	[dreg:$0x2] =	wrdreg s3  }
0xb8: {  	[dreg:$0x3] =	wrdreg s5  }
0xb9: {  	[dreg:$0x4] =	wrdreg $0xC0  }
0xba: {  	_ =	task [dreg:s22], $0x5FFFF  }
0xbb: {  	[dreg:$0x1] =	wrdreg $0xFFFFFFFF  }
0xbc: {  	[dreg:$0x0] =	wrdreg $0x60  }
0xbd: {  	[dreg:$0x2] =	wrdreg s24  }
0xbe: {  	[dreg:$0x3] =	wrdreg $0x79800  }
0xbf: {  	[dreg:$0x4] =	wrdreg $0xA  }
0xc0: {  	_ =	task.clear_ibuf [dreg:s22], $0x5FFFF;
	_ =	strace $0x9000004F  }
0xc1: {  	s29 =	simm.s32 $0xA;
	_ =	strace $0x80000051  }
0xc2: {  	_ =	swait.ge [sflag:s29], $0x1  }
0xc3: {  	[sflag:s29] =	ssyncadd.s32 $0xFFFFFFFF  }
0xc4: {  	_ =	strace $0x90000051  }
0xc5: {  	_ =	sfence  }
0xc6: {  	s30 =	sld [smem:$0x0];
	_ =	sdelay $0x2  }
0xc7: {  	s31 =	sshll.u32 s1, $0xD;
	s1 =	sshrl.u32 s1, $0x2  }
0xc8: {  	s4 =	sand.u32 $0x4000, s31;
	s1 =	sadd.s32 s1, s30  }
0xc9: {  	s0 =	sor.u32 s4, s0;
	s1 =	sshll.u32 s1, $0x11  }
0xca: {  	s0 =	sor.u32 s1, s0  }
0xcb: {  	s0 =	sadd.s32 $0x8F2B, s0  }
0xcc: {  	[sflag:s0] =	ssyncadd.remote.s32 $0x1  }
0xcd: {  	_ =	sfence.sel $0xFFFF  }
0xce: {  	[dreg:$0x0] =	wrdreg $0xFFFFFFFF;
	(pc) =	sbr.abs _section_cstart, $3  }
0xcf: {  	[dreg:$0x1] =	wrdreg $0xFFFFFFFF  }
0xd0: {  	_ =	task.clear_ibuf [dreg:s22], $0x2FFFF;
	_ =	strace $0x9FFFFFFF  }
0xd1: {  	(tm) =	ssettm $0x7FFFFFFF  }
tec
execute0_lowered:
.L_overlay_start_1:
0x0: {  	(tag) =	ssettag $0x1  }
0x1: {  	s0 =	rddreg [dreg:$0x0]  }
0x2: {  	s1 =	rddreg [dreg:$0x1];
	s2 =	srdreg.scid  }
0x3: {  	s3 =	simm.s32 $0x0;
	s28 =	simm.s32 $0x50;
	s29 =	simm.s32 $0x5200  }
0x4: {  	s30 =	simm.s32 $0x3;
	s7 =	sand.u32 $0x1, s2;
	s2 =	stileid.u32  }
0x5: {  	s31 =	simm.s32 $0x2;
	[smem:$0x7FF] =	sst s3;
	s12 =	smul.u32 $0x27100, s7  }
0x6: {  	s9 =	sadd.s32 $0x9EE800, s0;
	s6 =	sadd.s32 $0x16C00, s0;
	s18 =	smul.u32 $0x12C00, s7  }
0x7: {  	s4 =	sshll.u32 s7, $0x4;
	_ =	strace $0x80000050;
	s20 =	smul.u32 $0x12C0, s2  }
0x8: {  	s11 =	sshll.u32 s2, $0x7;
	s25 =	ssub.s32 $0x2, s7;
	s7 =	smul.u32 $0x12C000, s7  }
0x9: {  	s23 =	smul.u32 $0x12C00, s2;
	s8 =	sor.u32 s2, s4;
	s4 =	sadd.s32 $0x1C400, s0  }
0xa: {  	s11 =	sand.u32 $0x380, s11;
	s13 =	sshrl.u32 s25, $0x1;
	s5 =	sshrl.u32 s8, $0x3  }
0xb: {  	s14 =	smul.u32 $0x12C0, s8;
	s16 =	sadd.s32 s12, s0;
	s26 =	ssub.s32 s25, s13  }
0xc: {  	s8 =	smul.u32 $0x12C00, s8;
	s22 =	sadd.s32 s20, s18;
	s7 =	sadd.s32 s7, s9  }
0xd: {  	s20 =	simm.s32 $0x9;
	s10 =	smul.u32 $0x13C00, s5;
	s5 =	sadd.s32 $0x21000, s0  }
0xe: {  	s12 =	sshrl.u32 s14, $0x3;
	s14 =	sadd.s32 $0x50, s14;
	s8 =	sadd.s32 s9, s8  }
0xf: {  	s10 =	sor.u32 s11, s10;
	s15 =	sadd.s32 s5, s12;
	[dreg:$0x7] =	wrdreg s8  }
0x10: {  	s17 =	sshrl.u32 s14, $0x3;
	s11 =	sadd.s32 s4, s12;
	[dreg:$0x3] =	wrdreg s15  }
0x11: {  	s21 =	sshll.u32 s14, $0x4;
	s10 =	sshrl.u32 s10, $0x3;
	[dreg:$0x4] =	wrdreg s11  }
0x12: {  	s19 =	sadd.s32 s5, s17;
	s13 =	sadd.s32 s4, s17;
	s8 =	sadd.s32 s9, s21  }
0x13: {  	s11 =	sadd.s32 $0xF0, s22;
	s15 =	sadd.s32 s23, s7;
	s21 =	simm.s32 $0x100  }
0x14: {  	s23 =	simm.s32 $0x180;
	s7 =	simm.s32 $0x8;
	[dreg:$0x5] =	wrdreg s19  }
0x15: {  	s9 =	simm.s32 $0x0;
	s0 =	sadd.s32 s10, s0;
	[dreg:$0x6] =	wrdreg s13  }
0x16: {  	[dreg:$0x8] =	wrdreg s8;
	s10 =	smax.u32 s26, $0x1;
	s24 =	sshrl.u32 s11, $0x3  }
0x17: {  	s11 =	sadd.s32 $0xA0, s22;
	s0 =	sadd.s32 $0x8400, s0;
	[dreg:$0xa] =	wrdreg s10  }
0x18: {  	s19 =	sadd.s32 $0x25C00, s16;
	s25 =	sadd.s32 s24, s4;
	[dreg:$0x9] =	wrdreg s0  }
0x19: {  	s22 =	simm.s32 $0x80;
	s26 =	sadd.s32 s24, s5;
	[dreg:$0xb] =	wrdreg s25  }
0x1a: {  	s8 =	simm.s32 $0x4;
	s24 =	simm.s32 $0x200;
	[dreg:$0xc] =	wrdreg s26  }
0x1b: {  	v0 =	vimm.f32 $0.0e+00;
	s25 =	simm.s32 $0x2A00;
	s26 =	simm.s32 $0x1;
	s0 =	simm.s32 $0x6  }
.LBB2_1:
0x1c: {  	s10 =	sand.u32 $0xF, s3  }
0x1d: {  	p0 =	sne.s32 s10, s2  }
0x1e: {  	s10 =	sshll.u32 @!p0 s2, $0x6  }
0x1f: {  	s14 =	sshrl.u32 @!p0 s1, $0x3;
	s17 =	simm.s32 @!p0 $0x9;
	s10 =	sor.u32 @!p0 $0x1C09, s10  }
0x20: {  	[spmem:s14], [sflag:s10] =	dma.local @!p0 [hbm:s6], $0x500  }
0x21: {  	s18 =	simm.s32 $0x1;
	s16 =	simm.s32 $0x2;
	_ =	swait.ge @!p0 [sflag:s17], $0x500  }
0x22: {  	s14 =	sand.u32 $0xF, s18;
	s10 =	sadd.s32 $0x2800, s1;
	[sflag:s17] =	ssyncset.done @!p0 $0x0  }
.LBB2_2:
0x23: {  	[sflag:s17] =	ssyncadd.s32 @!p0 $0xFFFFFB00  }
0x24: {  	p0 =	sne.s32 s14, s2;
	s14 =	smov.u32 s16;
	s16 =	sadd.s32 $0x1, s16  }
0x25: {  	p1 =	sne.s32 s16, $0x7D  }
.Ltmp0:
0x26: {  	s17 =	sshll.u32 @!p0 s2, $0x6;
	s18 =	sshrl.u32 @!p0 s10, $0x3;
	(pc) =	sbr.rel @p1 .LBB2_2-.Ltmp0, $4  }
0x27: {  	s13 =	sor.u32 @!p0 $0x1C09, s17;
	s17 =	simm.s32 @!p0 $0x9  }
0x28: {  	[spmem:s18], [sflag:s13] =	dma.local @!p0 [hbm:s6], $0x500  }
0x29: {  	_ =	swait.ge @!p0 [sflag:s17], $0x500  }
0x2a: {  	s14 =	sand.u32 $0xF, s14;
	s10 =	sadd.s32 $0x2800, s10;
	[sflag:s17] =	ssyncset.done @!p0 $0x0  }
0x2b: {  	p1 =	sne.s32 s14, s2  }
0x2c: {  	[sflag:s17] =	ssyncadd.s32 @!p0 $0xFFFFFB00;
	s13 =	sshll.u32 @!p1 s2, $0x6  }
0x2d: {  	s10 =	sshrl.u32 @!p1 s10, $0x3;
	s14 =	simm.s32 @!p1 $0x9;
	s13 =	sor.u32 @!p1 $0x1C09, s13  }
0x2e: {  	[spmem:s10], [sflag:s13] =	dma.local @!p1 [hbm:s6], $0x500  }
0x2f: {  	_ =	swait.ge @!p1 [sflag:s14], $0x500  }
0x30: {  	[sflag:s14] =	ssyncset.done @!p1 $0x0  }
0x31: {  	s10 =	simm.s32 $0x40;
	[sflag:s14] =	ssyncadd.s32 @!p1 $0xFFFFFB00;
	s14 =	simm.s32 $0x0  }
.LBB2_4:
0x32: {  	p0 =	sne.s32 s10, $0x9C00;
	[tilespmem:s14+$0x5200] =	vst v0;
	s13 =	smov.u32 s10;
	s10 =	sadd.s32 $0x40, s10  }
.Ltmp1:
0x33: {  	(pc) =	sbr.rel @p0 .LBB2_4-.Ltmp1, $2  }
0x34: {  	_ =	sdelay $0x2  }
0x35: {  	s14 =	sshra.s32 s13, $0x2  }
0x36: {  	[tilespmem:s14+$0x5200] =	vst v0  }
0x37: {  	[bflag:$0x0] =	sbarrier.arrive $0xFFFF  }
0x38: {  	s10 =	simm.s32 $0x0;
	s12 =	rddreg [dreg:$0x3]  }
0x39: {  	[tilespmem:s10], [sflag:$0x9] =	stream.linear.gather [hbm4b:s12+s10], $0x50, $0x38;
	[tilespmem:$0x1B200] =	vst v63  }
0x3a: {  	_ =	swait.ge [sflag:s20], $0x50  }
0x3b: {  	[sflag:s20] =	ssyncset.done $0x0  }
0x3c: {  	s13 =	rddreg [dreg:$0x4];
	[sflag:s20] =	ssyncadd.s32 $0xFFFFFFB0  }
0x3d: {  	[tilespmem:s21], [sflag:$0x9] =	stream.linear.gather [hbm4b:s13+s10], $0x50, $0x38;
	[tilespmem:$0x1B200] =	vst v63  }
0x3e: {  	_ =	swait.ge [sflag:s20], $0x50  }
0x3f: {  	[sflag:s20] =	ssyncset.done $0x0  }
0x40: {  	s14 =	rddreg [dreg:$0x5];
	[sflag:s20] =	ssyncadd.s32 $0xFFFFFFB0  }
0x41: {  	[tilespmem:s22], [sflag:$0x9] =	stream.linear.gather [hbm4b:s14+s10], $0x50, $0x38;
	[tilespmem:$0x1B200] =	vst v63  }
0x42: {  	_ =	swait.ge [sflag:s20], $0x50  }
0x43: {  	[sflag:s20] =	ssyncset.done $0x0  }
0x44: {  	s16 =	rddreg [dreg:$0x6];
	[sflag:s20] =	ssyncadd.s32 $0xFFFFFFB0  }
0x45: {  	[tilespmem:s23], [sflag:$0x9] =	stream.linear.gather [hbm4b:s16+s10], $0x50, $0x38;
	[tilespmem:$0x1B200] =	vst v63  }
0x46: {  	_ =	swait.ge [sflag:s20], $0x50  }
0x47: {  	[sflag:s20] =	ssyncset.done $0x0;
	s17 =	rddreg [dreg:$0x7]  }
0x48: {  	s18 =	rddreg [dreg:$0x8];
	[sflag:s20] =	ssyncadd.s32 $0xFFFFFFB0  }
0x49: {  	[tilespmem:s24], [sflag:$0x1] =	stream.linear.gather [hbm4b:s17+s10], $0x2800, $0x38;
	[tilespmem:$0x1B200] =	vst v63  }
0x4a: {  	s16 =	rddreg [dreg:$0xb]  }
0x4b: {  	[tilespmem:s25], [sflag:$0x2] =	stream.linear.gather [hbm4b:s18+s10], $0x2800, $0x38;
	[tilespmem:$0x1B200] =	vst v63  }
0x4c: {  	s17 =	rddreg [dreg:$0xc];
	s18 =	smov.u32 s11  }
.LBB2_6:
0x4d: {  	_ =	swait.ge [sflag:s26], $0x2800  }
0x4e: {  	p0 =	seq.s32 s10, $0x0;
	[sflag:s26] =	ssyncset.done $0x0  }
0x4f: {  	s13 =	simm.s32 @!p0 $0x5;
	[sflag:s26] =	ssyncadd.s32 $0xFFFFD800  }
0x50: {  	_ =	swait.ge @!p0 [sflag:s13], $0x50  }
0x51: {  	[sflag:s13] =	ssyncset.done @!p0 $0x0  }
0x52: {  	[sflag:s13] =	ssyncadd.s32 @!p0 $0xFFFFFFB0;
	s13 =	simm.s32 @!p0 $0x7  }
0x53: {  	_ =	swait.ge @!p0 [sflag:s13], $0x50  }
0x54: {  	[sflag:s13] =	ssyncset.done @!p0 $0x0  }
0x55: {  	[sflag:s13] =	ssyncadd.s32 @!p0 $0xFFFFFFB0  }
0x56: {  	[spmem:s1] =	stream.indirect.scatter.add.f32 [tilespmem:s24], [sflag:$0x3], $0x80, s3, s28, $0xb8;
	[tilespmem:$0x1B200] =	vst v63  }
0x57: {  	v1 =	vld [tilespmem:$0x0];
	_ =	sdelay $0x2  }
0x58: {  	v2 =	vld [tilespmem:$0x100];
	_ =	sdelay $0x4  }
0x59: {  	[tilespmem:v1+s29+$0x0] =	vst.idx.add.f32.msk $0xffff, v2  }
0x5a: {  	v1 =	vld [tilespmem:$0x10];
	_ =	sdelay $0x2  }
0x5b: {  	v2 =	vld [tilespmem:$0x110];
	_ =	sdelay $0x4  }
0x5c: {  	[tilespmem:v1+s29+$0x0] =	vst.idx.add.f32.msk $0xffff, v2  }
0x5d: {  	v1 =	vld [tilespmem:$0x20];
	_ =	sdelay $0x2  }
0x5e: {  	v2 =	vld [tilespmem:$0x120];
	_ =	sdelay $0x4  }
0x5f: {  	[tilespmem:v1+s29+$0x0] =	vst.idx.add.f32.msk $0xffff, v2  }
0x60: {  	v1 =	vld [tilespmem:$0x30];
	_ =	sdelay $0x2  }
0x61: {  	v2 =	vld [tilespmem:$0x130];
	_ =	sdelay $0x4  }
0x62: {  	[tilespmem:v1+s29+$0x0] =	vst.idx.add.f32.msk $0xffff, v2  }
0x63: {  	v1 =	vld [tilespmem:$0x40];
	_ =	sdelay $0x2  }
0x64: {  	v2 =	vld [tilespmem:$0x140];
	_ =	sdelay $0x2  }
0x65: {  	p1 =	sne.s32 s10, $0x12200  }
.Ltmp2:
0x66: {  	_ = 	snop;
	(pc) =	sbr.rel @p1 .LBB2_8-.Ltmp2, $4  }
0x67: {  	[tilespmem:v1+s29+$0x0] =	vst.idx.add.f32.msk $0xffff, v2  }
0x68: {  	_ =	swait.ge [sflag:s30], $0x2800  }
0x69: {  	[sflag:s30] =	ssyncset.done $0x0  }
0x6a: {  	[sflag:s30] =	ssyncadd.s32 $0xFFFFD800  }
.Ltmp3:
0x6b: {  	(pc) =	sbr.rel .LBB2_9-.Ltmp3, $4  }
0x6c: {  	_ = 	snop  }
0x6d: {  	_ =	swait.ge [sflag:s31], $0x2800  }
0x6e: {  	[sflag:s31] =	ssyncset.done $0x0  }
0x6f: {  	[sflag:s31] =	ssyncadd.s32 $0xFFFFD800  }
.LBB2_8:
0x70: {  	s13 =	sshrl.u32 s18, $0x3  }
0x71: {  	s14 =	sadd.s32 s5, s13  }
0x72: {  	[tilespmem:s3], [sflag:$0x5] =	stream.linear.gather [hbm4b:s14+s3], $0x50, $0x38;
	[tilespmem:$0x1B200] =	vst v63  }
0x73: {  	s13 =	sadd.s32 s4, s13;
	s14 =	sadd.s32 s10, s15  }
0x74: {  	[tilespmem:s21], [sflag:$0x7] =	stream.linear.gather [hbm4b:s13+s3], $0x50, $0x38;
	[tilespmem:$0x1B200] =	vst v63  }
.Ltmp4:
0x75: {  	s13 =	sadd.s32 $0xA00, s14;
	(pc) =	sbr.rel @p0 .LBB2_10-.Ltmp4, $4  }
0x76: {  	[tilespmem:s24], [sflag:$0x1] =	stream.linear.gather [hbm4b:s13+s3], $0x2800, $0x38;
	[tilespmem:$0x1B200] =	vst v63  }
0x77: {  	_ =	swait.ge [sflag:s31], $0x2800  }
0x78: {  	[sflag:s31] =	ssyncset.done $0x0  }
0x79: {  	[sflag:s31] =	ssyncadd.s32 $0xFFFFD800  }
.LBB2_9:
0x7a: {  	_ =	swait.ge [sflag:s0], $0x50  }
0x7b: {  	[sflag:s0] =	ssyncset.done $0x0  }
0x7c: {  	[sflag:s0] =	ssyncadd.s32 $0xFFFFFFB0  }
0x7d: {  	_ =	swait.ge [sflag:s7], $0x50  }
0x7e: {  	[sflag:s7] =	ssyncset.done $0x0  }
0x7f: {  	[sflag:s7] =	ssyncadd.s32 $0xFFFFFFB0  }
.LBB2_10:
0x80: {  	[spmem:s1] =	stream.indirect.scatter.add.f32 [tilespmem:s25], [sflag:$0x4], $0x80, s22, s28, $0xb8;
	[tilespmem:$0x1B200] =	vst v63  }
0x81: {  	v1 =	vld [tilespmem:$0x80];
	_ =	sdelay $0x2  }
0x82: {  	v2 =	vld [tilespmem:$0x180];
	_ =	sdelay $0x4  }
0x83: {  	[tilespmem:v1+s29+$0x0] =	vst.idx.add.f32.msk $0xffff, v2  }
0x84: {  	v1 =	vld [tilespmem:$0x90];
	_ =	sdelay $0x2  }
0x85: {  	v2 =	vld [tilespmem:$0x190];
	_ =	sdelay $0x4  }
0x86: {  	[tilespmem:v1+s29+$0x0] =	vst.idx.add.f32.msk $0xffff, v2  }
0x87: {  	v1 =	vld [tilespmem:$0xA0];
	_ =	sdelay $0x2  }
0x88: {  	v2 =	vld [tilespmem:$0x1A0];
	_ =	sdelay $0x4  }
0x89: {  	[tilespmem:v1+s29+$0x0] =	vst.idx.add.f32.msk $0xffff, v2  }
0x8a: {  	v1 =	vld [tilespmem:$0xB0];
	_ =	sdelay $0x2  }
0x8b: {  	v2 =	vld [tilespmem:$0x1B0];
	_ =	sdelay $0x4  }
0x8c: {  	[tilespmem:v1+s29+$0x0] =	vst.idx.add.f32.msk $0xffff, v2  }
0x8d: {  	v1 =	vld [tilespmem:$0xC0];
	_ =	sdelay $0x2  }
0x8e: {  	v2 =	vld [tilespmem:$0x1C0];
	_ =	sdelay $0x2  }
0x8f: {  	p0 =	seq.s32 s10, $0x12200  }
.Ltmp5:
0x90: {  	_ = 	snop;
	(pc) =	sbr.rel @p0 .LBB2_12-.Ltmp5, $4  }
0x91: {  	[tilespmem:v1+s29+$0x0] =	vst.idx.add.f32.msk $0xffff, v2  }
0x92: {  	_ =	swait.ge [sflag:s8], $0x2800  }
0x93: {  	[sflag:s8] =	ssyncset.done $0x0  }
0x94: {  	[sflag:s8] =	ssyncadd.s32 $0xFFFFD800  }
0x95: {  	[tilespmem:s22], [sflag:$0x6] =	stream.linear.gather [hbm4b:s17+s3], $0x50, $0x38;
	[tilespmem:$0x1B200] =	vst v63  }
.Ltmp6:
0x96: {  	_ = 	snop;
	(pc) =	sbr.rel .LBB2_6-.Ltmp6, $4  }
0x97: {  	s13 =	sadd.s32 s10, s15;
	s10 =	sadd.s32 $0xA00, s10;
	s17 =	sadd.s32 $0x14, s17  }
0x98: {  	[tilespmem:s23], [sflag:$0x8] =	stream.linear.gather [hbm4b:s16+s3], $0x50, $0x38;
	[tilespmem:$0x1B200] =	vst v63  }
0x99: {  	s18 =	sadd.s32 $0xA0, s18;
	s13 =	sadd.s32 $0xF00, s13;
	s16 =	sadd.s32 $0x14, s16  }
0x9a: {  	[tilespmem:s25], [sflag:$0x2] =	stream.linear.gather [hbm4b:s13+s3], $0x2800, $0x38;
	[tilespmem:$0x1B200] =	vst v63  }
.LBB2_12:
0x9b: {  	s10 =	simm.s32 $0x0  }
0x9c: {  	s10 =	sand.u32 $0xF, s10  }
0x9d: {  	p0 =	sne.s32 s10, s2  }
0x9e: {  	[bflag:$0x0] =	sbarrier.arrive $0xFFFF;
	s13 =	simm.s32 $0x1;
	s10 =	sshll.u32 @!p0 s2, $0x6  }
0x9f: {  	s14 =	sshrl.u32 @!p0 s1, $0x3;
	s18 =	simm.s32 @!p0 $0x9;
	s10 =	sor.u32 @!p0 $0x1C09, s10  }
0xa0: {  	[hbm:s19], [sflag:s10] =	dma.local @!p0 [spmem:s14], $0x500  }
0xa1: {  	s16 =	simm.s32 $0x2;
	s17 =	sadd.s32 $0x2800, s1;
	_ =	swait.ge @!p0 [sflag:s18], $0x500  }
0xa2: {  	s10 =	sadd.s32 $0x500, s19;
	s14 =	sand.u32 $0xF, s13;
	[sflag:s18] =	ssyncset.done @!p0 $0x0  }
.LBB2_13:
0xa3: {  	s13 =	smov.u32 s16;
	s16 =	sadd.s32 $0x1, s16  }
0xa4: {  	[sflag:s18] =	ssyncadd.s32 @!p0 $0xFFFFFB00;
	p0 =	sne.s32 s14, s2;
	p1 =	sne.s32 s16, $0x7D  }
.Ltmp7:
0xa5: {  	s14 =	sshll.u32 @!p0 s2, $0x6;
	s12 =	sshrl.u32 @!p0 s17, $0x3;
	(pc) =	sbr.rel @p1 .LBB2_13-.Ltmp7, $4  }
0xa6: {  	s18 =	simm.s32 @!p0 $0x9;
	s14 =	sor.u32 @!p0 $0x1C09, s14  }
0xa7: {  	[hbm:s10], [sflag:s14] =	dma.local @!p0 [spmem:s12], $0x500  }
0xa8: {  	s10 =	sadd.s32 $0x500, s10;
	_ =	swait.ge @!p0 [sflag:s18], $0x500  }
0xa9: {  	s17 =	sadd.s32 $0x2800, s17;
	s14 =	sand.u32 $0xF, s13;
	[sflag:s18] =	ssyncset.done @!p0 $0x0  }
0xaa: {  	p1 =	sne.s32 s14, s2  }
0xab: {  	[sflag:s18] =	ssyncadd.s32 @!p0 $0xFFFFFB00;
	s12 =	sshll.u32 @!p1 s2, $0x6  }
0xac: {  	s13 =	sshrl.u32 @!p1 s17, $0x3;
	s14 =	simm.s32 @!p1 $0x9;
	s12 =	sor.u32 @!p1 $0x1C09, s12  }
0xad: {  	[hbm:s10], [sflag:s12] =	dma.local @!p1 [spmem:s13], $0x500  }
0xae: {  	_ =	swait.ge @!p1 [sflag:s14], $0x500  }
0xaf: {  	[sflag:s14] =	ssyncset.done @!p1 $0x0  }
0xb0: {  	s17 =	simm.s32 $0x400;
	s16 =	rddreg [dreg:$0x9];
	[sflag:s14] =	ssyncadd.s32 @!p1 $0xFFFFFB00  }
0xb1: {  	[hbm4b:s16+s22] =	stream.strided.scatter [tilespmem:s29], [sflag:$0x9], $0x2780, s17, s22, $0x38;
	[tilespmem:$0x1B200] =	vst v63  }
0xb2: {  	_ =	swait.ge [sflag:s20], $0x2780  }
0xb3: {  	s9 =	sadd.s32 $0x1, s9;
	s18 =	rddreg [dreg:$0xa]  }
0xb4: {  	p0 =	sne.s32 s9, s18  }
.Ltmp8:
0xb5: {  	_ = 	snop;
	(pc) =	sbr.rel @p0 .LBB2_1-.Ltmp8, $3  }
0xb6: {  	_ =	sdelay $0x1  }
0xb7: {  	[sflag:s20] =	ssyncset.done $0x0  }
0xb8: {  	[sflag:s20] =	ssyncadd.s32 $0xFFFFD880  }
0xb9: {  	_ =	sfence.sel $0x180000  }
0xba: {  	[bflag:$0x0] =	sbarrier.arrive $0xFFFF  }
0xbb: {  	_ =	strace $0x90000050  }
0xbc: {  	[bflag:$0x2] =	sbarrier.arrive $0xFFFF  }
0xbd: {  	p0 =	sne.s32 s2, $0x0;
	s0 =	rddreg [dreg:$0x2]  }
0xbe: {  	s0 =	sadd.s32 @!p0 $0x100000, s0  }
0xbf: {  	[sflag:s0] =	ssyncadd.tile.s32 @!p0 $0x1;
	_ =	shalt  }
.Lfunc_end2:
_tile_overlayer_lowered:
.L_overlay_start_2:
0xc0: {  	(tag) =	ssettag $0x2  }
0xc1: {  	s0 =	rddreg [dreg:$0x0];
	s2 =	stileid.u32  }
0xc2: {  	s1 =	rddreg [dreg:$0x1];
	p0 =	sne.s32 s2, $0x0  }
0xc3: {  	s3 =	rddreg [dreg:$0x2];
	[bflag:$0x3] =	sbarrier.arrive $0xFFFF;
	s2 =	simm.s32 @!p0 $0x1C09  }
0xc4: {  	[timem:s3], [sflag:s2] =	dma.local @!p0 [hbm:s0], s1  }
0xc5: {  	s0 =	simm.s32 @!p0 $0x9  }
0xc6: {  	_ =	swait.ge @!p0 [sflag:s0], s1  }
0xc7: {  	s1 =	ssub.s32 @!p0 $0x0, s1;
	[sflag:s0] =	ssyncset.done @!p0 $0x0  }
0xc8: {  	[sflag:s0] =	ssyncadd.s32 @!p0 s1  }
0xc9: {  	[bflag:$0x3] =	sbarrier.arrive $0xFFFF  }
0xca: {  	_ =	shalt  }

</sc_bundles>
